<compile_context>
chip_gen: v7x
topology: tpu7x:2x2x1
jax: 0.10.2.dev20260603
libtpu: 0.0.44.dev20260713+nightly
codegen_flags: <defaults>
</compile_context>

<pallas_src>
import functools

import jax
import jax.numpy as jnp
from jax import lax
from jax.experimental import pallas as pl
from jax.experimental.pallas import tpu as pltpu
from jax.experimental.pallas import tpu_sc as plsc

NU = 25000
NI = 25000
NN = NU + NI
NE = 800000
EMB = 64
HALF = EMB // 2
Q = 16

N2 = 51200
E2 = 819200
EPW = E2 // 16
B = 128
NB = EPW // B
CB = 8
NCH = NB // CB
NBUF = 4
RW = N2 // 16
CW = N2 // 2 // 16
TR = NN // 16


def _sc_aggregate(xw, src, dst2, z16, z1):
  mesh = plsc.VectorSubcoreMesh(core_axis_name="c", subcore_axis_name="s")

  @functools.partial(
      pl.kernel,
      mesh=mesh,
      out_type=[
          jax.ShapeDtypeStruct((N2, 8 * Q), jnp.float32),
          jax.ShapeDtypeStruct((N2,), jnp.float32),
      ],
      scratch_types=[
          pltpu.VMEM((CB * B,), jnp.int32),
          pltpu.VMEM((CB * B,), jnp.int32),
          pltpu.VMEM((CB, B), jnp.int32),
          pltpu.VMEM((CB, B), jnp.int32),
          pltpu.VMEM((B, Q), jnp.float32),
          pltpu.VMEM((B, Q), jnp.float32),
          pltpu.VMEM((B, Q), jnp.float32),
          pltpu.VMEM((B, Q), jnp.float32),
          pltpu.VMEM((B,), jnp.float32),
          pltpu.VMEM_SHARED((N2, Q), jnp.float32),
          pltpu.VMEM_SHARED((N2, Q), jnp.float32),
          pltpu.VMEM_SHARED((N2,), jnp.float32),
          pltpu.SemaphoreType.DMA,
          pltpu.SemaphoreType.DMA,
          pltpu.SemaphoreType.DMA,
          pltpu.SemaphoreType.DMA,
          pltpu.SemaphoreType.DMA,
          pltpu.SemaphoreType.DMA,
          pltpu.SemaphoreType.DMA,
          pltpu.SemaphoreType.DMA,
          pltpu.SemaphoreType.DMA,
          pltpu.SemaphoreType.DMA,
          pltpu.SemaphoreType.DMA,
          pltpu.SemaphoreType.DMA,
          pltpu.SemaphoreType.DMA,
          pltpu.SemaphoreType.DMA,
      ],
      compiler_params=pltpu.CompilerParams(use_tc_tiling_on_sc=False),
  )
  def k(xw_hbm, src_hbm, dst2_hbm, z16_hbm, z1_hbm,
        agg_out, cnt_out, srcb0, srcb1, dstb0, dstb1, r0, r1, r2, r3,
        ones_v, tab_sh, acc_sh, cnt_sh,
        g0, g1, g2, g3, s0, s1, s2, s3, c0, c1, c2, c3, i0, i1):
    c = lax.axis_index("c")
    s = lax.axis_index("s")
    srcb = (srcb0, srcb1)
    dstb = (dstb0, dstb1)
    rows = (r0, r1, r2, r3)
    gsem = (g0, g1, g2, g3)
    ssem = (s0, s1, s2, s3)
    csem = (c0, c1, c2, c3)
    isem = (i0, i1)

    one16 = jnp.ones((16,), jnp.float32)
    for t in range(B // 16):
      ones_v[pl.ds(t * 16, 16)] = one16

    def ifire(kc, p):
      pltpu.async_copy(
          src_hbm.at[pl.ds(s * EPW + kc * CB * B, CB * B)], srcb[p], isem[p])
      pltpu.async_copy(
          dst2_hbm.at[pl.ds(s * NB + kc * CB, CB)], dstb[p], isem[p])

    def iwait(p):
      pltpu.make_async_copy(
          src_hbm.at[pl.ds(0, CB * B)], srcb[p], isem[p]).wait()
      pltpu.make_async_copy(
          dst2_hbm.at[pl.ds(0, CB)], dstb[p], isem[p]).wait()

    def run(qq, with_cnt):
      @pl.when(c == 0)
      def _():
        pltpu.sync_copy(xw_hbm.at[pl.ds(s * TR, TR), pl.ds(Q * qq, Q)],
                        tab_sh.at[pl.ds(s * TR, TR)])

      @pl.when(c == 1)
      def _():
        pltpu.sync_copy(xw_hbm.at[pl.ds(s * TR, TR), pl.ds(Q * (2 + qq), Q)],
                        tab_sh.at[pl.ds(s * TR, TR)])

      pltpu.sync_copy(z16_hbm.at[pl.ds(s * RW, RW)],
                      acc_sh.at[pl.ds(s * RW, RW)])
      if with_cnt:
        pltpu.sync_copy(z1_hbm.at[pl.ds(s * RW, RW)],
                        cnt_sh.at[pl.ds(s * RW, RW)])
      plsc.subcore_barrier()

      def gfire(src_c, la, b):
        pltpu.async_copy(
            tab_sh.at[src_c.at[pl.ds(la * B, B)]], rows[b], gsem[b])

      def gwait(b):
        pltpu.make_async_copy(
            tab_sh.at[srcb0.at[pl.ds(0, B)]], rows[b], gsem[b]).wait()

      def swait(b):
        pltpu.make_async_copy(
            rows[b], acc_sh.at[dstb0.at[0]], ssem[b]).wait()
        if with_cnt:
          pltpu.make_async_copy(
              ones_v, cnt_sh.at[dstb0.at[0]], csem[b]).wait()

      def chunk(kc, p):
        src_c, dst_c = srcb[p], dstb[p]
        src_n = srcb[1 - p]
        for la in range(CB):
          a = kc * CB + la
          b = la % NBUF
          b2 = (la + 2) % NBUF
          gwait(b)
          pltpu.async_copy(rows[b], acc_sh.at[dst_c.at[la]], ssem[b],
                           add=True)
          if with_cnt:
            pltpu.async_copy(ones_v, cnt_sh.at[dst_c.at[la]], csem[b],
                             add=True)

          @pl.when(a >= 2)
          def _():
            swait(b2)

          if la + 2 < CB:
            @pl.when(a + 2 < NB)
            def _():
              gfire(src_c, la + 2, b2)
          else:
            @pl.when(a + 2 < NB)
            def _():
              gfire(src_n, la + 2 - CB, b2)

          if la == 1:
            @pl.when((kc >= 1) & (kc + 1 < NCH))
            def _():
              ifire(kc + 1, 1 - p)
          if la == CB - 3:
            @pl.when(kc + 1 < NCH)
            def _():
              iwait(1 - p)

      ifire(0, 0)
      iwait(0)
      ifire(1, 1)
      gfire(srcb[0], 0, 0)
      gfire(srcb[0], 1, 1)

      def body(kp, carry):
        chunk(2 * kp, 0)
        chunk(2 * kp + 1, 1)
        return carry
      lax.fori_loop(0, NCH // 2, body, 0)

      swait((NB - 2) % NBUF)
      swait((NB - 1) % NBUF)
      plsc.subcore_barrier()

      @pl.when(c == 0)
      def _():
        pltpu.sync_copy(acc_sh.at[pl.ds(s * RW, RW)],
                        agg_out.at[pl.ds(s * RW, RW), pl.ds(Q * qq, Q)])

      @pl.when(c == 1)
      def _():
        pltpu.sync_copy(acc_sh.at[pl.ds(s * RW, RW)],
                        agg_out.at[pl.ds(s * RW, RW), pl.ds(Q * (2 + qq), Q)])

      if with_cnt:
        @pl.when(c == 0)
        def _():
          pltpu.sync_copy(cnt_sh.at[pl.ds(s * CW, CW)],
                          cnt_out.at[pl.ds(s * CW, CW)])

        @pl.when(c == 1)
        def _():
          pltpu.sync_copy(cnt_sh.at[pl.ds(N2 // 2 + s * CW, CW)],
                          cnt_out.at[pl.ds(N2 // 2 + s * CW, CW)])
      plsc.subcore_barrier()

    run(0, True)
    run(1, False)

  return k(xw, src, dst2, z16, z1)


def _tc_xwr_body(x_ref, wr_ref, bl_ref, out_ref):
  out_ref[...] = jnp.dot(
      x_ref[...], wr_ref[...], preferred_element_type=jnp.float32
  ) + bl_ref[...]


def _tc_xwr(x_half, W_r, b_l2):
  BLK = 1000
  return pl.pallas_call(
      _tc_xwr_body,
      grid=(25000 // BLK,),
      in_specs=[
          pl.BlockSpec((BLK, EMB), lambda i: (i, 0)),
          pl.BlockSpec((EMB, EMB), lambda i: (0, 0)),
          pl.BlockSpec((1, EMB), lambda i: (0, 0)),
      ],
      out_specs=pl.BlockSpec((BLK, EMB), lambda i: (i, 0)),
      out_shape=jax.ShapeDtypeStruct((25000, EMB), jnp.float32),
  )(x_half, W_r, b_l2)


def _tc_epilogue_body(xwr_ref, a_ref, cnt_ref, wl_ref, out_ref):
  r = jnp.maximum(cnt_ref[...], 1.0)
  a = a_ref[:, :EMB] / r
  out_ref[...] = jnp.dot(
      a, wl_ref[...], preferred_element_type=jnp.float32) + xwr_ref[...]


def _tc_epilogue(xwr, aggw, cnt2, W_l, row0):
  BLK = 1000
  nblk = 25000 // BLK
  r0 = row0 // BLK
  return pl.pallas_call(
      _tc_epilogue_body,
      grid=(nblk,),
      in_specs=[
          pl.BlockSpec((BLK, EMB), lambda i: (i, 0)),
          pl.BlockSpec((BLK, 2 * EMB), lambda i, r0=r0: (r0 + i, 0)),
          pl.BlockSpec((BLK, 1), lambda i, r0=r0: (r0 + i, 0)),
          pl.BlockSpec((EMB, EMB), lambda i: (0, 0)),
      ],
      out_specs=pl.BlockSpec((BLK, EMB), lambda i: (i, 0)),
      out_shape=jax.ShapeDtypeStruct((25000, EMB), jnp.float32),
  )(xwr, aggw, cnt2, W_l)


@jax.jit
def kernel(user_emb, item_emb, W_l, b_l, W_r, edge_index):
  xw = jnp.pad(jnp.concatenate([user_emb, item_emb], axis=0),
               ((0, 0), (0, EMB)))

  src = jnp.pad(edge_index[0], (0, E2 - NE))
  dst = jnp.pad(edge_index[1], (0, E2 - NE),
                constant_values=N2 - 1)
  dst2 = dst.reshape(E2 // B, B)

  z16 = jnp.zeros((N2, Q), jnp.float32)
  z1 = jnp.zeros((N2,), jnp.float32)

  aggw, cnt = _sc_aggregate(xw, src, dst2, z16, z1)
  cnt2 = cnt[:, None]
  b_l2 = b_l[None, :]

  xwr_u = _tc_xwr(user_emb, W_r, b_l2)
  xwr_i = _tc_xwr(item_emb, W_r, b_l2)
  out_u = _tc_epilogue(xwr_u, aggw, cnt2, W_l, 0)
  out_i = _tc_epilogue(xwr_i, aggw, cnt2, W_l, NU)
  return (out_u, out_i)

# --- scband reference (transcript-rebuilt; emitter-appended) ---
"""Pipeline reference for scband-gclmodel-77790447665862 (READ-ONLY COPY).

The authoritative reference and input builder live on the scoring server;
editing this copy changes nothing except your own understanding.
"""

import jax, jax.numpy as jnp
import numpy as np

NUM_USERS = 25000
NUM_ITEMS = 25000
EMB = 64
N = NUM_USERS + NUM_ITEMS
E = 800000


def _xavier_uniform(key, shape):
    fan_in, fan_out = shape[0], shape[1]
    bound = float(np.sqrt(6.0 / (fan_in + fan_out)))
    return jax.random.uniform(key, shape, dtype=jnp.float32, minval=-bound, maxval=bound)


def setup_inputs(seed: int = 0) -> dict:
    key = jax.random.key(seed)
    k1, k2, k3, k4, k5 = jax.random.split(key, 5)
    edge_index = jax.random.randint(k1, (2, E), 0, N, dtype=jnp.int32)
    user_emb = _xavier_uniform(k2, (NUM_USERS, EMB))
    item_emb = _xavier_uniform(k3, (NUM_ITEMS, EMB))
    # SAGEConv(emb, emb): lin_l applied to mean-aggregated neighbors (with bias),
    # lin_r applied to root/self features (no bias). Stored as [in, out].
    W_l = _xavier_uniform(k4, (EMB, EMB))
    b_l = jnp.zeros((EMB,), dtype=jnp.float32)
    W_r = _xavier_uniform(k5, (EMB, EMB))
    return {"user_emb": user_emb, "item_emb": item_emb, "W_l": W_l, "b_l": b_l, "W_r": W_r, "edge_index": edge_index}


def reference(user_emb, item_emb, W_l, b_l, W_r, edge_index):
    x = jnp.concatenate([user_emb, item_emb], axis=0)  # [N, EMB]
    src = edge_index[0]
    dst = edge_index[1]
    # SAGEConv with mean aggregation: message = x[src], aggregated at dst
    msgs = jnp.take(x, src, axis=0)  # gather [E, EMB]
    agg_sum = jax.ops.segment_sum(msgs, dst, num_segments=N)  # scatter-add
    cnt = jax.ops.segment_sum(jnp.ones((E,), dtype=x.dtype), dst, num_segments=N)
    agg_mean = agg_sum / jnp.clip(cnt, 1.0, None)[:, None]
    out = agg_mean @ W_l + b_l + x @ W_r
    return (out[:NUM_USERS], out[NUM_USERS:])

if __name__ == "__main__":
    import jax
    _d = setup_inputs()
    print(jax.jit(kernel)(*tuple(_d.values())))

</pallas_src>

<mosaic_0001>
#map = affine_map<(d0, d1) -> (0, 0)>
#map1 = affine_map<(d0, d1) -> (0)>
module attributes {stable_mosaic.version = 14 : i64} {
  func.func @k(%arg0: i32, %arg1: i32, %arg2: memref<50000x128xf32, #tpu.memory_space<hbm>>, %arg3: memref<819200xi32, #tpu.memory_space<hbm>>, %arg4: memref<6400x128xi32, #tpu.memory_space<hbm>>, %arg5: memref<51200x16xf32, #tpu.memory_space<hbm>>, %arg6: memref<51200xf32, #tpu.memory_space<hbm>>, %arg7: memref<51200x128xf32, #tpu.memory_space<hbm>>, %arg8: memref<51200xf32, #tpu.memory_space<hbm>>, %arg9: memref<1024xi32, #tpu.memory_space<vmem>>, %arg10: memref<1024xi32, #tpu.memory_space<vmem>>, %arg11: memref<8x128xi32, #tpu.memory_space<vmem>>, %arg12: memref<8x128xi32, #tpu.memory_space<vmem>>, %arg13: memref<128x16xf32, #tpu.memory_space<vmem>>, %arg14: memref<128x16xf32, #tpu.memory_space<vmem>>, %arg15: memref<128x16xf32, #tpu.memory_space<vmem>>, %arg16: memref<128x16xf32, #tpu.memory_space<vmem>>, %arg17: memref<128xf32, #tpu.memory_space<vmem>>, %arg18: memref<51200x16xf32, #tpu.memory_space<vmem_shared>>, %arg19: memref<51200x16xf32, #tpu.memory_space<vmem_shared>>, %arg20: memref<51200xf32, #tpu.memory_space<vmem_shared>>, %arg21: memref<!tpu.dma_semaphore, #tpu.memory_space<semaphore_mem>>, %arg22: memref<!tpu.dma_semaphore, #tpu.memory_space<semaphore_mem>>, %arg23: memref<!tpu.dma_semaphore, #tpu.memory_space<semaphore_mem>>, %arg24: memref<!tpu.dma_semaphore, #tpu.memory_space<semaphore_mem>>, %arg25: memref<!tpu.dma_semaphore, #tpu.memory_space<semaphore_mem>>, %arg26: memref<!tpu.dma_semaphore, #tpu.memory_space<semaphore_mem>>, %arg27: memref<!tpu.dma_semaphore, #tpu.memory_space<semaphore_mem>>, %arg28: memref<!tpu.dma_semaphore, #tpu.memory_space<semaphore_mem>>, %arg29: memref<!tpu.dma_semaphore, #tpu.memory_space<semaphore_mem>>, %arg30: memref<!tpu.dma_semaphore, #tpu.memory_space<semaphore_mem>>, %arg31: memref<!tpu.dma_semaphore, #tpu.memory_space<semaphore_mem>>, %arg32: memref<!tpu.dma_semaphore, #tpu.memory_space<semaphore_mem>>, %arg33: memref<!tpu.dma_semaphore, #tpu.memory_space<semaphore_mem>>, %arg34: memref<!tpu.dma_semaphore, #tpu.memory_space<semaphore_mem>>) attributes {dimension_semantics = [#tpu.dimension_semantics<core_parallel>, #tpu.dimension_semantics<subcore_parallel>], iteration_bounds = array<i64: 2, 16>, scalar_prefetch = 0 : i64, scratch_operands = 26 : i64, tpu.core_type = #tpu.core_type<sc_vector_subcore>, window_params = [{transform_indices = #map}, {transform_indices = #map1}, {transform_indices = #map}, {transform_indices = #map}, {transform_indices = #map1}, {transform_indices = #map}, {transform_indices = #map1}]} {
    %broadcast_in_dim3A = arith.constant 1.000000e+00 : f32
    %broadcast_in_dim3A_0 = vector.broadcast %broadcast_in_dim3A : f32 to vector<16xf32>
    %swap3A = arith.constant 0 : index
    %swap3A_1 = tpu.vector_load %arg17[%swap3A] {strides = array<i32>} : memref<128xf32, #tpu.memory_space<vmem>>, vector<16xf32>,
    %swap3A_2 = vector.shape_cast %swap3A_1 : vector<16xf32> to vector<16xf32>
    %swap3A_3 = vector.shape_cast %broadcast_in_dim3A_0 : vector<16xf32> to vector<16xf32>
    tpu.vector_store %arg17[%swap3A], %swap3A_3 {strides = array<i32>} : memref<128xf32, #tpu.memory_space<vmem>>, vector<16xf32>,
    %swap3A_4 = arith.constant 16 : index
    %swap3A_5 = tpu.vector_load %arg17[%swap3A_4] {strides = array<i32>} : memref<128xf32, #tpu.memory_space<vmem>>, vector<16xf32>,
    %swap3A_6 = vector.shape_cast %swap3A_5 : vector<16xf32> to vector<16xf32>
    %swap3A_7 = vector.shape_cast %broadcast_in_dim3A_0 : vector<16xf32> to vector<16xf32>
    tpu.vector_store %arg17[%swap3A_4], %swap3A_7 {strides = array<i32>} : memref<128xf32, #tpu.memory_space<vmem>>, vector<16xf32>,
    %swap3A_8 = arith.constant 32 : index
    %swap3A_9 = tpu.vector_load %arg17[%swap3A_8] {strides = array<i32>} : memref<128xf32, #tpu.memory_space<vmem>>, vector<16xf32>,
    %swap3A_10 = vector.shape_cast %swap3A_9 : vector<16xf32> to vector<16xf32>
    %swap3A_11 = vector.shape_cast %broadcast_in_dim3A_0 : vector<16xf32> to vector<16xf32>
    tpu.vector_store %arg17[%swap3A_8], %swap3A_11 {strides = array<i32>} : memref<128xf32, #tpu.memory_space<vmem>>, vector<16xf32>,
    %swap3A_12 = arith.constant 48 : index
    %swap3A_13 = tpu.vector_load %arg17[%swap3A_12] {strides = array<i32>} : memref<128xf32, #tpu.memory_space<vmem>>, vector<16xf32>,
    %swap3A_14 = vector.shape_cast %swap3A_13 : vector<16xf32> to vector<16xf32>
    %swap3A_15 = vector.shape_cast %broadcast_in_dim3A_0 : vector<16xf32> to vector<16xf32>
    tpu.vector_store %arg17[%swap3A_12], %swap3A_15 {strides = array<i32>} : memref<128xf32, #tpu.memory_space<vmem>>, vector<16xf32>,
    %swap3A_16 = arith.constant 64 : index
    %swap3A_17 = tpu.vector_load %arg17[%swap3A_16] {strides = array<i32>} : memref<128xf32, #tpu.memory_space<vmem>>, vector<16xf32>,
    %swap3A_18 = vector.shape_cast %swap3A_17 : vector<16xf32> to vector<16xf32>
    %swap3A_19 = vector.shape_cast %broadcast_in_dim3A_0 : vector<16xf32> to vector<16xf32>
    tpu.vector_store %arg17[%swap3A_16], %swap3A_19 {strides = array<i32>} : memref<128xf32, #tpu.memory_space<vmem>>, vector<16xf32>,
    %swap3A_20 = arith.constant 80 : index
    %swap3A_21 = tpu.vector_load %arg17[%swap3A_20] {strides = array<i32>} : memref<128xf32, #tpu.memory_space<vmem>>, vector<16xf32>,
    %swap3A_22 = vector.shape_cast %swap3A_21 : vector<16xf32> to vector<16xf32>
    %swap3A_23 = vector.shape_cast %broadcast_in_dim3A_0 : vector<16xf32> to vector<16xf32>
    tpu.vector_store %arg17[%swap3A_20], %swap3A_23 {strides = array<i32>} : memref<128xf32, #tpu.memory_space<vmem>>, vector<16xf32>,
    %swap3A_24 = arith.constant 96 : index
    %swap3A_25 = tpu.vector_load %arg17[%swap3A_24] {strides = array<i32>} : memref<128xf32, #tpu.memory_space<vmem>>, vector<16xf32>,
    %swap3A_26 = vector.shape_cast %swap3A_25 : vector<16xf32> to vector<16xf32>
    %swap3A_27 = vector.shape_cast %broadcast_in_dim3A_0 : vector<16xf32> to vector<16xf32>
    tpu.vector_store %arg17[%swap3A_24], %swap3A_27 {strides = array<i32>} : memref<128xf32, #tpu.memory_space<vmem>>, vector<16xf32>,
    %swap3A_28 = arith.constant 112 : index
    %swap3A_29 = tpu.vector_load %arg17[%swap3A_28] {strides = array<i32>} : memref<128xf32, #tpu.memory_space<vmem>>, vector<16xf32>,
    %swap3A_30 = vector.shape_cast %swap3A_29 : vector<16xf32> to vector<16xf32>
    %swap3A_31 = vector.shape_cast %broadcast_in_dim3A_0 : vector<16xf32> to vector<16xf32>
    tpu.vector_store %arg17[%swap3A_28], %swap3A_31 {strides = array<i32>} : memref<128xf32, #tpu.memory_space<vmem>>, vector<16xf32>,
    %eq3A = arith.constant 0 : i32
    %eq3A_32 = arith.cmpi eq, %arg0, %eq3A : i32
    %convert_element_type3A = arith.extui %eq3A_32 : i1 to i32
    %cond3A = arith.constant 0 : i32
    %cond3A_33 = arith.cmpi ne, %convert_element_type3A, %cond3A : i32
    scf.if %cond3A_33 {
      %mul3A_239 = arith.constant 3125 : i32
      %mul3A_240 = arith.muli %arg1, %mul3A_239 : i32
      %mul3A_241 = arith.constant 3125 : i32
      %mul3A_242 = arith.muli %arg1, %mul3A_241 : i32
      "tpu.region"() ({
        %run_scoped3A = tpu.sem_alloc : memref<!tpu.dma_semaphore, #tpu.memory_space<semaphore_mem>>
        %dma_start3A_243 = arith.constant 0 : i32
        %dma_start3A_244 = tpu.memref_slice %arg18[%mul3A_242, %dma_start3A_243] : memref<51200x16xf32, #tpu.memory_space<vmem_shared>> -> memref<3125x16xf32, #tpu.memory_space<vmem_shared>>
        %dma_start3A_245 = arith.constant 0 : i32
        %dma_start3A_246 = tpu.memref_slice %arg2[%mul3A_240, %dma_start3A_245] : memref<50000x128xf32, #tpu.memory_space<hbm>> -> memref<3125x16xf32, #tpu.memory_space<hbm>>
        tpu.enqueue_dma source(%dma_start3A_246 : memref<3125x16xf32, #tpu.memory_space<hbm>>) target(%dma_start3A_244 : memref<3125x16xf32, #tpu.memory_space<vmem_shared>>) target_semaphore(%run_scoped3A : memref<!tpu.dma_semaphore, #tpu.memory_space<semaphore_mem>>)
        %dma_wait3A_247 = arith.constant 0 : i32
        %dma_wait3A_248 = tpu.memref_slice %arg18[%mul3A_242, %dma_wait3A_247] : memref<51200x16xf32, #tpu.memory_space<vmem_shared>> -> memref<3125x16xf32, #tpu.memory_space<vmem_shared>>
        %dma_wait3A_249 = arith.constant 0 : i32
        %dma_wait3A_250 = tpu.memref_slice %arg2[%mul3A_240, %dma_wait3A_249] : memref<50000x128xf32, #tpu.memory_space<hbm>> -> memref<3125x16xf32, #tpu.memory_space<hbm>>
        tpu.wait_dma2 semaphore(%run_scoped3A : memref<!tpu.dma_semaphore, #tpu.memory_space<semaphore_mem>>) src(%dma_wait3A_250 : memref<3125x16xf32, #tpu.memory_space<hbm>>) dst(%dma_wait3A_248 : memref<3125x16xf32, #tpu.memory_space<vmem_shared>>)
        tpu.yield
      }) : () -> ()
    } else {
    }
    %eq3A_34 = arith.constant 1 : i32
    %eq3A_35 = arith.cmpi eq, %arg0, %eq3A_34 : i32
    %convert_element_type3A_36 = arith.extui %eq3A_35 : i1 to i32
    %cond3A_37 = arith.constant 0 : i32
    %cond3A_38 = arith.cmpi ne, %convert_element_type3A_36, %cond3A_37 : i32
    scf.if %cond3A_38 {
      %mul3A_239 = arith.constant 3125 : i32
      %mul3A_240 = arith.muli %arg1, %mul3A_239 : i32
      %mul3A_241 = arith.constant 3125 : i32
      %mul3A_242 = arith.muli %arg1, %mul3A_241 : i32
      "tpu.region"() ({
        %run_scoped3A = tpu.sem_alloc : memref<!tpu.dma_semaphore, #tpu.memory_space<semaphore_mem>>
        %dma_start3A_243 = arith.constant 0 : i32
        %dma_start3A_244 = tpu.memref_slice %arg18[%mul3A_242, %dma_start3A_243] : memref<51200x16xf32, #tpu.memory_space<vmem_shared>> -> memref<3125x16xf32, #tpu.memory_space<vmem_shared>>
        %dma_start3A_245 = arith.constant 32 : i32
        %dma_start3A_246 = tpu.memref_slice %arg2[%mul3A_240, %dma_start3A_245] : memref<50000x128xf32, #tpu.memory_space<hbm>> -> memref<3125x16xf32, #tpu.memory_space<hbm>>
        tpu.enqueue_dma source(%dma_start3A_246 : memref<3125x16xf32, #tpu.memory_space<hbm>>) target(%dma_start3A_244 : memref<3125x16xf32, #tpu.memory_space<vmem_shared>>) target_semaphore(%run_scoped3A : memref<!tpu.dma_semaphore, #tpu.memory_space<semaphore_mem>>)
        %dma_wait3A_247 = arith.constant 0 : i32
        %dma_wait3A_248 = tpu.memref_slice %arg18[%mul3A_242, %dma_wait3A_247] : memref<51200x16xf32, #tpu.memory_space<vmem_shared>> -> memref<3125x16xf32, #tpu.memory_space<vmem_shared>>
        %dma_wait3A_249 = arith.constant 32 : i32
        %dma_wait3A_250 = tpu.memref_slice %arg2[%mul3A_240, %dma_wait3A_249] : memref<50000x128xf32, #tpu.memory_space<hbm>> -> memref<3125x16xf32, #tpu.memory_space<hbm>>
        tpu.wait_dma2 semaphore(%run_scoped3A : memref<!tpu.dma_semaphore, #tpu.memory_space<semaphore_mem>>) src(%dma_wait3A_250 : memref<3125x16xf32, #tpu.memory_space<hbm>>) dst(%dma_wait3A_248 : memref<3125x16xf32, #tpu.memory_space<vmem_shared>>)
        tpu.yield
      }) : () -> ()
    } else {
    }
    %mul3A = arith.constant 3200 : i32
    %mul3A_39 = arith.muli %arg1, %mul3A : i32
    %mul3A_40 = arith.constant 3200 : i32
    %mul3A_41 = arith.muli %arg1, %mul3A_40 : i32
    "tpu.region"() ({
      %run_scoped3A = tpu.sem_alloc : memref<!tpu.dma_semaphore, #tpu.memory_space<semaphore_mem>>
      %dma_start3A_239 = arith.constant 0 : i32
      %dma_start3A_240 = tpu.memref_slice %arg19[%mul3A_41, %dma_start3A_239] : memref<51200x16xf32, #tpu.memory_space<vmem_shared>> -> memref<3200x16xf32, #tpu.memory_space<vmem_shared>>
      %dma_start3A_241 = arith.constant 0 : i32
      %dma_start3A_242 = tpu.memref_slice %arg5[%mul3A_39, %dma_start3A_241] : memref<51200x16xf32, #tpu.memory_space<hbm>> -> memref<3200x16xf32, #tpu.memory_space<hbm>>
      tpu.enqueue_dma source(%dma_start3A_242 : memref<3200x16xf32, #tpu.memory_space<hbm>>) target(%dma_start3A_240 : memref<3200x16xf32, #tpu.memory_space<vmem_shared>>) target_semaphore(%run_scoped3A : memref<!tpu.dma_semaphore, #tpu.memory_space<semaphore_mem>>)
      %dma_wait3A_243 = arith.constant 0 : i32
      %dma_wait3A_244 = tpu.memref_slice %arg19[%mul3A_41, %dma_wait3A_243] : memref<51200x16xf32, #tpu.memory_space<vmem_shared>> -> memref<3200x16xf32, #tpu.memory_space<vmem_shared>>
      %dma_wait3A_245 = arith.constant 0 : i32
      %dma_wait3A_246 = tpu.memref_slice %arg5[%mul3A_39, %dma_wait3A_245] : memref<51200x16xf32, #tpu.memory_space<hbm>> -> memref<3200x16xf32, #tpu.memory_space<hbm>>
      tpu.wait_dma2 semaphore(%run_scoped3A : memref<!tpu.dma_semaphore, #tpu.memory_space<semaphore_mem>>) src(%dma_wait3A_246 : memref<3200x16xf32, #tpu.memory_space<hbm>>) dst(%dma_wait3A_244 : memref<3200x16xf32, #tpu.memory_space<vmem_shared>>)
      tpu.yield
    }) : () -> ()
    %mul3A_42 = arith.constant 3200 : i32
    %mul3A_43 = arith.muli %arg1, %mul3A_42 : i32
    %mul3A_44 = arith.constant 3200 : i32
    %mul3A_45 = arith.muli %arg1, %mul3A_44 : i32
    "tpu.region"() ({
      %run_scoped3A = tpu.sem_alloc : memref<!tpu.dma_semaphore, #tpu.memory_space<semaphore_mem>>
      %dma_start3A_239 = tpu.memref_slice %arg20[%mul3A_45] : memref<51200xf32, #tpu.memory_space<vmem_shared>> -> memref<3200xf32, #tpu.memory_space<vmem_shared>>
      %dma_start3A_240 = tpu.memref_slice %arg6[%mul3A_43] : memref<51200xf32, #tpu.memory_space<hbm>> -> memref<3200xf32, #tpu.memory_space<hbm>>
      tpu.enqueue_dma source(%dma_start3A_240 : memref<3200xf32, #tpu.memory_space<hbm>>) target(%dma_start3A_239 : memref<3200xf32, #tpu.memory_space<vmem_shared>>) target_semaphore(%run_scoped3A : memref<!tpu.dma_semaphore, #tpu.memory_space<semaphore_mem>>)
      %dma_wait3A_241 = tpu.memref_slice %arg20[%mul3A_45] : memref<51200xf32, #tpu.memory_space<vmem_shared>> -> memref<3200xf32, #tpu.memory_space<vmem_shared>>
      %dma_wait3A_242 = tpu.memref_slice %arg6[%mul3A_43] : memref<51200xf32, #tpu.memory_space<hbm>> -> memref<3200xf32, #tpu.memory_space<hbm>>
      tpu.wait_dma2 semaphore(%run_scoped3A : memref<!tpu.dma_semaphore, #tpu.memory_space<semaphore_mem>>) src(%dma_wait3A_242 : memref<3200xf32, #tpu.memory_space<hbm>>) dst(%dma_wait3A_241 : memref<3200xf32, #tpu.memory_space<vmem_shared>>)
      tpu.yield
    }) : () -> ()
    %barrier3A = arith.constant 0 : index
    tpu.barrier barrier_id(%barrier3A)
    %mul3A_46 = arith.constant 51200 : i32
    %mul3A_47 = arith.muli %arg1, %mul3A_46 : i32
    %add3A = arith.constant 0 : i32
    %add3A_48 = arith.addi %mul3A_47, %add3A : i32
    %dma_start3A = tpu.memref_slice %arg3[%add3A_48] : memref<819200xi32, #tpu.memory_space<hbm>> -> memref<1024xi32, #tpu.memory_space<hbm>>
    %dma_start3A_49 = tpu.memref_slice %arg3[%add3A_48] : memref<819200xi32, #tpu.memory_space<hbm>> -> memref<1024xi32, #tpu.memory_space<hbm>>
    tpu.enqueue_dma source(%dma_start3A_49 : memref<1024xi32, #tpu.memory_space<hbm>>) target(%arg9 : memref<1024xi32, #tpu.memory_space<vmem>>) target_semaphore(%arg33 : memref<!tpu.dma_semaphore, #tpu.memory_space<semaphore_mem>>)
    %mul3A_50 = arith.constant 400 : i32
    %mul3A_51 = arith.muli %arg1, %mul3A_50 : i32
    %add3A_52 = arith.constant 0 : i32
    %add3A_53 = arith.addi %mul3A_51, %add3A_52 : i32
    %dma_start3A_54 = arith.constant 0 : i32
    %dma_start3A_55 = tpu.memref_slice %arg4[%add3A_53, %dma_start3A_54] : memref<6400x128xi32, #tpu.memory_space<hbm>> -> memref<8x128xi32, #tpu.memory_space<hbm>>
    %dma_start3A_56 = arith.constant 0 : i32
    %dma_start3A_57 = tpu.memref_slice %arg4[%add3A_53, %dma_start3A_56] : memref<6400x128xi32, #tpu.memory_space<hbm>> -> memref<8x128xi32, #tpu.memory_space<hbm>>
    tpu.enqueue_dma source(%dma_start3A_57 : memref<8x128xi32, #tpu.memory_space<hbm>>) target(%arg11 : memref<8x128xi32, #tpu.memory_space<vmem>>) target_semaphore(%arg33 : memref<!tpu.dma_semaphore, #tpu.memory_space<semaphore_mem>>)
    %dma_wait3A = arith.constant 0 : i32
    %dma_wait3A_58 = tpu.memref_slice %arg3[%dma_wait3A] : memref<819200xi32, #tpu.memory_space<hbm>> -> memref<1024xi32, #tpu.memory_space<hbm>>
    %dma_wait3A_59 = arith.constant 0 : i32
    %dma_wait3A_60 = tpu.memref_slice %arg3[%dma_wait3A_59] : memref<819200xi32, #tpu.memory_space<hbm>> -> memref<1024xi32, #tpu.memory_space<hbm>>
    tpu.wait_dma2 semaphore(%arg33 : memref<!tpu.dma_semaphore, #tpu.memory_space<semaphore_mem>>) src(%dma_wait3A_60 : memref<1024xi32, #tpu.memory_space<hbm>>) dst(%arg9 : memref<1024xi32, #tpu.memory_space<vmem>>)
    %dma_wait3A_61 = arith.constant 0 : i32
    %dma_wait3A_62 = arith.constant 0 : i32
    %dma_wait3A_63 = tpu.memref_slice %arg4[%dma_wait3A_61, %dma_wait3A_62] : memref<6400x128xi32, #tpu.memory_space<hbm>> -> memref<8x128xi32, #tpu.memory_space<hbm>>
    %dma_wait3A_64 = arith.constant 0 : i32
    %dma_wait3A_65 = arith.constant 0 : i32
    %dma_wait3A_66 = tpu.memref_slice %arg4[%dma_wait3A_64, %dma_wait3A_65] : memref<6400x128xi32, #tpu.memory_space<hbm>> -> memref<8x128xi32, #tpu.memory_space<hbm>>
    tpu.wait_dma2 semaphore(%arg33 : memref<!tpu.dma_semaphore, #tpu.memory_space<semaphore_mem>>) src(%dma_wait3A_66 : memref<8x128xi32, #tpu.memory_space<hbm>>) dst(%arg11 : memref<8x128xi32, #tpu.memory_space<vmem>>)
    %mul3A_67 = arith.constant 51200 : i32
    %mul3A_68 = arith.muli %arg1, %mul3A_67 : i32
    %add3A_69 = arith.constant 1024 : i32
    %add3A_70 = arith.addi %mul3A_68, %add3A_69 : i32
    %dma_start3A_71 = tpu.memref_slice %arg3[%add3A_70] : memref<819200xi32, #tpu.memory_space<hbm>> -> memref<1024xi32, #tpu.memory_space<hbm>>
    %dma_start3A_72 = tpu.memref_slice %arg3[%add3A_70] : memref<819200xi32, #tpu.memory_space<hbm>> -> memref<1024xi32, #tpu.memory_space<hbm>>
    tpu.enqueue_dma source(%dma_start3A_72 : memref<1024xi32, #tpu.memory_space<hbm>>) target(%arg10 : memref<1024xi32, #tpu.memory_space<vmem>>) target_semaphore(%arg34 : memref<!tpu.dma_semaphore, #tpu.memory_space<semaphore_mem>>)
    %mul3A_73 = arith.constant 400 : i32
    %mul3A_74 = arith.muli %arg1, %mul3A_73 : i32
    %add3A_75 = arith.constant 8 : i32
    %add3A_76 = arith.addi %mul3A_74, %add3A_75 : i32
    %dma_start3A_77 = arith.constant 0 : i32
    %dma_start3A_78 = tpu.memref_slice %arg4[%add3A_76, %dma_start3A_77] : memref<6400x128xi32, #tpu.memory_space<hbm>> -> memref<8x128xi32, #tpu.memory_space<hbm>>
    %dma_start3A_79 = arith.constant 0 : i32
    %dma_start3A_80 = tpu.memref_slice %arg4[%add3A_76, %dma_start3A_79] : memref<6400x128xi32, #tpu.memory_space<hbm>> -> memref<8x128xi32, #tpu.memory_space<hbm>>
    tpu.enqueue_dma source(%dma_start3A_80 : memref<8x128xi32, #tpu.memory_space<hbm>>) target(%arg12 : memref<8x128xi32, #tpu.memory_space<vmem>>) target_semaphore(%arg34 : memref<!tpu.dma_semaphore, #tpu.memory_space<semaphore_mem>>)
    %dma_start3A_81 = arith.constant 0 : i32
    %dma_start3A_82 = tpu.memref_slice %arg9[%dma_start3A_81] : memref<1024xi32, #tpu.memory_space<vmem>> -> memref<128xi32, #tpu.memory_space<vmem>>
    %dma_start3A_83 = arith.constant 0 : i32
    %dma_start3A_84 = arith.constant 0 : i32
    %dma_start3A_85 = tpu.memref_slice %arg18[%dma_start3A_83, %dma_start3A_84] : memref<51200x16xf32, #tpu.memory_space<vmem_shared>> -> memref<51200x16xf32, #tpu.memory_space<vmem_shared>>
    tpu.enqueue_indirect_dma source(%dma_start3A_85 : memref<51200x16xf32, #tpu.memory_space<vmem_shared>>) target(%arg13 : memref<128x16xf32, #tpu.memory_space<vmem>>) offsets(%dma_start3A_82 : memref<128xi32, #tpu.memory_space<vmem>>) semaphore(%arg21 : memref<!tpu.dma_semaphore, #tpu.memory_space<semaphore_mem>>)
    %dma_start3A_86 = arith.constant 128 : i32
    %dma_start3A_87 = tpu.memref_slice %arg9[%dma_start3A_86] : memref<1024xi32, #tpu.memory_space<vmem>> -> memref<128xi32, #tpu.memory_space<vmem>>
    %dma_start3A_88 = arith.constant 0 : i32
    %dma_start3A_89 = arith.constant 0 : i32
    %dma_start3A_90 = tpu.memref_slice %arg18[%dma_start3A_88, %dma_start3A_89] : memref<51200x16xf32, #tpu.memory_space<vmem_shared>> -> memref<51200x16xf32, #tpu.memory_space<vmem_shared>>
    tpu.enqueue_indirect_dma source(%dma_start3A_90 : memref<51200x16xf32, #tpu.memory_space<vmem_shared>>) target(%arg14 : memref<128x16xf32, #tpu.memory_space<vmem>>) offsets(%dma_start3A_87 : memref<128xi32, #tpu.memory_space<vmem>>) semaphore(%arg22 : memref<!tpu.dma_semaphore, #tpu.memory_space<semaphore_mem>>)
    %scan3A = arith.constant 0 : i32
    %scan3A_91 = arith.constant 0 : i32
    %scan3A_92 = arith.constant 25 : i32
    %scan3A_93 = arith.addi %scan3A_91, %scan3A_92 : i32
    %scan3A_94 = arith.constant 1 : i32
    scf.for %scan3A_239 = %scan3A_91 to %scan3A_93 step %scan3A_94  : i32 {
      %mul3A_240 = arith.constant 2 : i32
      %mul3A_241 = arith.muli %mul3A_240, %scan3A_239 : i32
      %mul3A_242 = arith.constant 8 : i32
      %mul3A_243 = arith.muli %mul3A_241, %mul3A_242 : i32
      %add3A_244 = arith.constant 0 : i32
      %add3A_245 = arith.addi %mul3A_243, %add3A_244 : i32
      %dma_wait3A_246 = arith.constant 0 : i32
      %dma_wait3A_247 = tpu.memref_slice %arg9[%dma_wait3A_246] : memref<1024xi32, #tpu.memory_space<vmem>> -> memref<128xi32, #tpu.memory_space<vmem>>
      %dma_wait3A_248 = arith.constant 0 : i32
      %dma_wait3A_249 = arith.constant 0 : i32
      %dma_wait3A_250 = tpu.memref_slice %arg18[%dma_wait3A_248, %dma_wait3A_249] : memref<51200x16xf32, #tpu.memory_space<vmem_shared>> -> memref<51200x16xf32, #tpu.memory_space<vmem_shared>>
      tpu.wait_indirect_dma semaphore(%arg21 : memref<!tpu.dma_semaphore, #tpu.memory_space<semaphore_mem>>) src(%dma_wait3A_250 : memref<51200x16xf32, #tpu.memory_space<vmem_shared>>) dst(%arg13 : memref<128x16xf32, #tpu.memory_space<vmem>>)
      %dma_start3A_251 = arith.constant 0 : i32
      %dma_start3A_252 = arith.constant 0 : i32
      %dma_start3A_253 = tpu.memref_slice %arg11[%dma_start3A_251, %dma_start3A_252] : memref<8x128xi32, #tpu.memory_space<vmem>> -> memref<1x128xi32, #tpu.memory_space<vmem>>
      %dma_start3A_254 = tpu.memref_squeeze %dma_start3A_253 : memref<1x128xi32, #tpu.memory_space<vmem>> -> memref<128xi32, #tpu.memory_space<vmem>>
      %dma_start3A_255 = arith.constant 0 : i32
      %dma_start3A_256 = arith.constant 0 : i32
      %dma_start3A_257 = tpu.memref_slice %arg19[%dma_start3A_255, %dma_start3A_256] : memref<51200x16xf32, #tpu.memory_space<vmem_shared>> -> memref<51200x16xf32, #tpu.memory_space<vmem_shared>>
      tpu.enqueue_indirect_dma source(%arg13 : memref<128x16xf32, #tpu.memory_space<vmem>>) target(%dma_start3A_257 : memref<51200x16xf32, #tpu.memory_space<vmem_shared>>) offsets(%dma_start3A_254 : memref<128xi32, #tpu.memory_space<vmem>>) semaphore(%arg25 : memref<!tpu.dma_semaphore, #tpu.memory_space<semaphore_mem>>) {add = true}
      %dma_start3A_258 = arith.constant 0 : i32
      %dma_start3A_259 = arith.constant 0 : i32
      %dma_start3A_260 = tpu.memref_slice %arg11[%dma_start3A_258, %dma_start3A_259] : memref<8x128xi32, #tpu.memory_space<vmem>> -> memref<1x128xi32, #tpu.memory_space<vmem>>
      %dma_start3A_261 = tpu.memref_squeeze %dma_start3A_260 : memref<1x128xi32, #tpu.memory_space<vmem>> -> memref<128xi32, #tpu.memory_space<vmem>>
      %dma_start3A_262 = arith.constant 0 : i32
      %dma_start3A_263 = tpu.memref_slice %arg20[%dma_start3A_262] : memref<51200xf32, #tpu.memory_space<vmem_shared>> -> memref<51200xf32, #tpu.memory_space<vmem_shared>>
      tpu.enqueue_indirect_dma source(%arg17 : memref<128xf32, #tpu.memory_space<vmem>>) target(%dma_start3A_263 : memref<51200xf32, #tpu.memory_space<vmem_shared>>) offsets(%dma_start3A_261 : memref<128xi32, #tpu.memory_space<vmem>>) semaphore(%arg29 : memref<!tpu.dma_semaphore, #tpu.memory_space<semaphore_mem>>) {add = true}
      %ge3A = arith.constant 2 : i32
      %ge3A_264 = arith.cmpi sge, %add3A_245, %ge3A : i32
      %convert_element_type3A_265 = arith.extui %ge3A_264 : i1 to i32
      %cond3A_266 = arith.constant 0 : i32
      %cond3A_267 = arith.cmpi ne, %convert_element_type3A_265, %cond3A_266 : i32
      scf.if %cond3A_267 {
        %dma_wait3A_821 = arith.constant 0 : i32
        %dma_wait3A_822 = arith.constant 0 : i32
        %dma_wait3A_823 = tpu.memref_slice %arg11[%dma_wait3A_821, %dma_wait3A_822] : memref<8x128xi32, #tpu.memory_space<vmem>> -> memref<1x128xi32, #tpu.memory_space<vmem>>
        %dma_wait3A_824 = tpu.memref_squeeze %dma_wait3A_823 : memref<1x128xi32, #tpu.memory_space<vmem>> -> memref<128xi32, #tpu.memory_space<vmem>>
        %dma_wait3A_825 = arith.constant 0 : i32
        %dma_wait3A_826 = arith.constant 0 : i32
        %dma_wait3A_827 = tpu.memref_slice %arg19[%dma_wait3A_825, %dma_wait3A_826] : memref<51200x16xf32, #tpu.memory_space<vmem_shared>> -> memref<51200x16xf32, #tpu.memory_space<vmem_shared>>
        tpu.wait_indirect_dma semaphore(%arg27 : memref<!tpu.dma_semaphore, #tpu.memory_space<semaphore_mem>>) src(%arg15 : memref<128x16xf32, #tpu.memory_space<vmem>>) dst(%dma_wait3A_827 : memref<51200x16xf32, #tpu.memory_space<vmem_shared>>)
        %dma_wait3A_828 = arith.constant 0 : i32
        %dma_wait3A_829 = arith.constant 0 : i32
        %dma_wait3A_830 = tpu.memref_slice %arg11[%dma_wait3A_828, %dma_wait3A_829] : memref<8x128xi32, #tpu.memory_space<vmem>> -> memref<1x128xi32, #tpu.memory_space<vmem>>
        %dma_wait3A_831 = tpu.memref_squeeze %dma_wait3A_830 : memref<1x128xi32, #tpu.memory_space<vmem>> -> memref<128xi32, #tpu.memory_space<vmem>>
        %dma_wait3A_832 = arith.constant 0 : i32
        %dma_wait3A_833 = tpu.memref_slice %arg20[%dma_wait3A_832] : memref<51200xf32, #tpu.memory_space<vmem_shared>> -> memref<51200xf32, #tpu.memory_space<vmem_shared>>
        tpu.wait_indirect_dma semaphore(%arg31 : memref<!tpu.dma_semaphore, #tpu.memory_space<semaphore_mem>>) src(%arg17 : memref<128xf32, #tpu.memory_space<vmem>>) dst(%dma_wait3A_833 : memref<51200xf32, #tpu.memory_space<vmem_shared>>)
      } else {
      }
      %add3A_268 = arith.constant 2 : i32
      %add3A_269 = arith.addi %add3A_245, %add3A_268 : i32
      %lt3A = arith.constant 400 : i32
      %lt3A_270 = arith.cmpi slt, %add3A_269, %lt3A : i32
      %convert_element_type3A_271 = arith.extui %lt3A_270 : i1 to i32
      %cond3A_272 = arith.constant 0 : i32
      %cond3A_273 = arith.cmpi ne, %convert_element_type3A_271, %cond3A_272 : i32
      scf.if %cond3A_273 {
        %dma_start3A_821 = arith.constant 256 : i32
        %dma_start3A_822 = tpu.memref_slice %arg9[%dma_start3A_821] : memref<1024xi32, #tpu.memory_space<vmem>> -> memref<128xi32, #tpu.memory_space<vmem>>
        %dma_start3A_823 = arith.constant 0 : i32
        %dma_start3A_824 = arith.constant 0 : i32
        %dma_start3A_825 = tpu.memref_slice %arg18[%dma_start3A_823, %dma_start3A_824] : memref<51200x16xf32, #tpu.memory_space<vmem_shared>> -> memref<51200x16xf32, #tpu.memory_space<vmem_shared>>
        tpu.enqueue_indirect_dma source(%dma_start3A_825 : memref<51200x16xf32, #tpu.memory_space<vmem_shared>>) target(%arg15 : memref<128x16xf32, #tpu.memory_space<vmem>>) offsets(%dma_start3A_822 : memref<128xi32, #tpu.memory_space<vmem>>) semaphore(%arg23 : memref<!tpu.dma_semaphore, #tpu.memory_space<semaphore_mem>>)
      } else {
      }
      %mul3A_274 = arith.constant 8 : i32
      %mul3A_275 = arith.muli %mul3A_241, %mul3A_274 : i32
      %add3A_276 = arith.constant 1 : i32
      %add3A_277 = arith.addi %mul3A_275, %add3A_276 : i32
      %dma_wait3A_278 = arith.constant 0 : i32
      %dma_wait3A_279 = tpu.memref_slice %arg9[%dma_wait3A_278] : memref<1024xi32, #tpu.memory_space<vmem>> -> memref<128xi32, #tpu.memory_space<vmem>>
      %dma_wait3A_280 = arith.constant 0 : i32
      %dma_wait3A_281 = arith.constant 0 : i32
      %dma_wait3A_282 = tpu.memref_slice %arg18[%dma_wait3A_280, %dma_wait3A_281] : memref<51200x16xf32, #tpu.memory_space<vmem_shared>> -> memref<51200x16xf32, #tpu.memory_space<vmem_shared>>
      tpu.wait_indirect_dma semaphore(%arg22 : memref<!tpu.dma_semaphore, #tpu.memory_space<semaphore_mem>>) src(%dma_wait3A_282 : memref<51200x16xf32, #tpu.memory_space<vmem_shared>>) dst(%arg14 : memref<128x16xf32, #tpu.memory_space<vmem>>)
      %dma_start3A_283 = arith.constant 1 : i32
      %dma_start3A_284 = arith.constant 0 : i32
      %dma_start3A_285 = tpu.memref_slice %arg11[%dma_start3A_283, %dma_start3A_284] : memref<8x128xi32, #tpu.memory_space<vmem>> -> memref<1x128xi32, #tpu.memory_space<vmem>>
      %dma_start3A_286 = tpu.memref_squeeze %dma_start3A_285 : memref<1x128xi32, #tpu.memory_space<vmem>> -> memref<128xi32, #tpu.memory_space<vmem>>
      %dma_start3A_287 = arith.constant 0 : i32
      %dma_start3A_288 = arith.constant 0 : i32
      %dma_start3A_289 = tpu.memref_slice %arg19[%dma_start3A_287, %dma_start3A_288] : memref<51200x16xf32, #tpu.memory_space<vmem_shared>> -> memref<51200x16xf32, #tpu.memory_space<vmem_shared>>
      tpu.enqueue_indirect_dma source(%arg14 : memref<128x16xf32, #tpu.memory_space<vmem>>) target(%dma_start3A_289 : memref<51200x16xf32, #tpu.memory_space<vmem_shared>>) offsets(%dma_start3A_286 : memref<128xi32, #tpu.memory_space<vmem>>) semaphore(%arg26 : memref<!tpu.dma_semaphore, #tpu.memory_space<semaphore_mem>>) {add = true}
      %dma_start3A_290 = arith.constant 1 : i32
      %dma_start3A_291 = arith.constant 0 : i32
      %dma_start3A_292 = tpu.memref_slice %arg11[%dma_start3A_290, %dma_start3A_291] : memref<8x128xi32, #tpu.memory_space<vmem>> -> memref<1x128xi32, #tpu.memory_space<vmem>>
      %dma_start3A_293 = tpu.memref_squeeze %dma_start3A_292 : memref<1x128xi32, #tpu.memory_space<vmem>> -> memref<128xi32, #tpu.memory_space<vmem>>
      %dma_start3A_294 = arith.constant 0 : i32
      %dma_start3A_295 = tpu.memref_slice %arg20[%dma_start3A_294] : memref<51200xf32, #tpu.memory_space<vmem_shared>> -> memref<51200xf32, #tpu.memory_space<vmem_shared>>
      tpu.enqueue_indirect_dma source(%arg17 : memref<128xf32, #tpu.memory_space<vmem>>) target(%dma_start3A_295 : memref<51200xf32, #tpu.memory_space<vmem_shared>>) offsets(%dma_start3A_293 : memref<128xi32, #tpu.memory_space<vmem>>) semaphore(%arg30 : memref<!tpu.dma_semaphore, #tpu.memory_space<semaphore_mem>>) {add = true}
      %ge3A_296 = arith.constant 2 : i32
      %ge3A_297 = arith.cmpi sge, %add3A_277, %ge3A_296 : i32
      %convert_element_type3A_298 = arith.extui %ge3A_297 : i1 to i32
      %cond3A_299 = arith.constant 0 : i32
      %cond3A_300 = arith.cmpi ne, %convert_element_type3A_298, %cond3A_299 : i32
      scf.if %cond3A_300 {
        %dma_wait3A_821 = arith.constant 0 : i32
        %dma_wait3A_822 = arith.constant 0 : i32
        %dma_wait3A_823 = tpu.memref_slice %arg11[%dma_wait3A_821, %dma_wait3A_822] : memref<8x128xi32, #tpu.memory_space<vmem>> -> memref<1x128xi32, #tpu.memory_space<vmem>>
        %dma_wait3A_824 = tpu.memref_squeeze %dma_wait3A_823 : memref<1x128xi32, #tpu.memory_space<vmem>> -> memref<128xi32, #tpu.memory_space<vmem>>
        %dma_wait3A_825 = arith.constant 0 : i32
        %dma_wait3A_826 = arith.constant 0 : i32
        %dma_wait3A_827 = tpu.memref_slice %arg19[%dma_wait3A_825, %dma_wait3A_826] : memref<51200x16xf32, #tpu.memory_space<vmem_shared>> -> memref<51200x16xf32, #tpu.memory_space<vmem_shared>>
        tpu.wait_indirect_dma semaphore(%arg28 : memref<!tpu.dma_semaphore, #tpu.memory_space<semaphore_mem>>) src(%arg16 : memref<128x16xf32, #tpu.memory_space<vmem>>) dst(%dma_wait3A_827 : memref<51200x16xf32, #tpu.memory_space<vmem_shared>>)
        %dma_wait3A_828 = arith.constant 0 : i32
        %dma_wait3A_829 = arith.constant 0 : i32
        %dma_wait3A_830 = tpu.memref_slice %arg11[%dma_wait3A_828, %dma_wait3A_829] : memref<8x128xi32, #tpu.memory_space<vmem>> -> memref<1x128xi32, #tpu.memory_space<vmem>>
        %dma_wait3A_831 = tpu.memref_squeeze %dma_wait3A_830 : memref<1x128xi32, #tpu.memory_space<vmem>> -> memref<128xi32, #tpu.memory_space<vmem>>
        %dma_wait3A_832 = arith.constant 0 : i32
        %dma_wait3A_833 = tpu.memref_slice %arg20[%dma_wait3A_832] : memref<51200xf32, #tpu.memory_space<vmem_shared>> -> memref<51200xf32, #tpu.memory_space<vmem_shared>>
        tpu.wait_indirect_dma semaphore(%arg32 : memref<!tpu.dma_semaphore, #tpu.memory_space<semaphore_mem>>) src(%arg17 : memref<128xf32, #tpu.memory_space<vmem>>) dst(%dma_wait3A_833 : memref<51200xf32, #tpu.memory_space<vmem_shared>>)
      } else {
      }
      %add3A_301 = arith.constant 2 : i32
      %add3A_302 = arith.addi %add3A_277, %add3A_301 : i32
      %lt3A_303 = arith.constant 400 : i32
      %lt3A_304 = arith.cmpi slt, %add3A_302, %lt3A_303 : i32
      %convert_element_type3A_305 = arith.extui %lt3A_304 : i1 to i32
      %cond3A_306 = arith.constant 0 : i32
      %cond3A_307 = arith.cmpi ne, %convert_element_type3A_305, %cond3A_306 : i32
      scf.if %cond3A_307 {
        %dma_start3A_821 = arith.constant 384 : i32
        %dma_start3A_822 = tpu.memref_slice %arg9[%dma_start3A_821] : memref<1024xi32, #tpu.memory_space<vmem>> -> memref<128xi32, #tpu.memory_space<vmem>>
        %dma_start3A_823 = arith.constant 0 : i32
        %dma_start3A_824 = arith.constant 0 : i32
        %dma_start3A_825 = tpu.memref_slice %arg18[%dma_start3A_823, %dma_start3A_824] : memref<51200x16xf32, #tpu.memory_space<vmem_shared>> -> memref<51200x16xf32, #tpu.memory_space<vmem_shared>>
        tpu.enqueue_indirect_dma source(%dma_start3A_825 : memref<51200x16xf32, #tpu.memory_space<vmem_shared>>) target(%arg16 : memref<128x16xf32, #tpu.memory_space<vmem>>) offsets(%dma_start3A_822 : memref<128xi32, #tpu.memory_space<vmem>>) semaphore(%arg24 : memref<!tpu.dma_semaphore, #tpu.memory_space<semaphore_mem>>)
      } else {
      }
      %ge3A_308 = arith.constant 1 : i32
      %ge3A_309 = arith.cmpi sge, %mul3A_241, %ge3A_308 : i32
      %add3A_310 = arith.constant 1 : i32
      %add3A_311 = arith.addi %mul3A_241, %add3A_310 : i32
      %lt3A_312 = arith.constant 50 : i32
      %lt3A_313 = arith.cmpi slt, %add3A_311, %lt3A_312 : i32
      %and3A = arith.andi %ge3A_309, %lt3A_313 : i1
      %convert_element_type3A_314 = arith.extui %and3A : i1 to i32
      %cond3A_315 = arith.constant 0 : i32
      %cond3A_316 = arith.cmpi ne, %convert_element_type3A_314, %cond3A_315 : i32
      scf.if %cond3A_316 {
        %add3A_821 = arith.constant 1 : i32
        %add3A_822 = arith.addi %mul3A_241, %add3A_821 : i32
        %mul3A_823 = arith.constant 51200 : i32
        %mul3A_824 = arith.muli %arg1, %mul3A_823 : i32
        %mul3A_825 = arith.constant 8 : i32
        %mul3A_826 = arith.muli %add3A_822, %mul3A_825 : i32
        %mul3A_827 = arith.constant 128 : i32
        %mul3A_828 = arith.muli %mul3A_826, %mul3A_827 : i32
        %add3A_829 = arith.addi %mul3A_824, %mul3A_828 : i32
        %dma_start3A_830 = tpu.memref_slice %arg3[%add3A_829] : memref<819200xi32, #tpu.memory_space<hbm>> -> memref<1024xi32, #tpu.memory_space<hbm>>
        %dma_start3A_831 = tpu.memref_slice %arg3[%add3A_829] : memref<819200xi32, #tpu.memory_space<hbm>> -> memref<1024xi32, #tpu.memory_space<hbm>>
        tpu.enqueue_dma source(%dma_start3A_831 : memref<1024xi32, #tpu.memory_space<hbm>>) target(%arg10 : memref<1024xi32, #tpu.memory_space<vmem>>) target_semaphore(%arg34 : memref<!tpu.dma_semaphore, #tpu.memory_space<semaphore_mem>>)
        %mul3A_832 = arith.constant 400 : i32
        %mul3A_833 = arith.muli %arg1, %mul3A_832 : i32
        %mul3A_834 = arith.constant 8 : i32
        %mul3A_835 = arith.muli %add3A_822, %mul3A_834 : i32
        %add3A_836 = arith.addi %mul3A_833, %mul3A_835 : i32
        %dma_start3A_837 = arith.constant 0 : i32
        %dma_start3A_838 = tpu.memref_slice %arg4[%add3A_836, %dma_start3A_837] : memref<6400x128xi32, #tpu.memory_space<hbm>> -> memref<8x128xi32, #tpu.memory_space<hbm>>
        %dma_start3A_839 = arith.constant 0 : i32
        %dma_start3A_840 = tpu.memref_slice %arg4[%add3A_836, %dma_start3A_839] : memref<6400x128xi32, #tpu.memory_space<hbm>> -> memref<8x128xi32, #tpu.memory_space<hbm>>
        tpu.enqueue_dma source(%dma_start3A_840 : memref<8x128xi32, #tpu.memory_space<hbm>>) target(%arg12 : memref<8x128xi32, #tpu.memory_space<vmem>>) target_semaphore(%arg34 : memref<!tpu.dma_semaphore, #tpu.memory_space<semaphore_mem>>)
      } else {
      }
      %mul3A_317 = arith.constant 8 : i32
      %mul3A_318 = arith.muli %mul3A_241, %mul3A_317 : i32
      %add3A_319 = arith.constant 2 : i32
      %add3A_320 = arith.addi %mul3A_318, %add3A_319 : i32
      %dma_wait3A_321 = arith.constant 0 : i32
      %dma_wait3A_322 = tpu.memref_slice %arg9[%dma_wait3A_321] : memref<1024xi32, #tpu.memory_space<vmem>> -> memref<128xi32, #tpu.memory_space<vmem>>
      %dma_wait3A_323 = arith.constant 0 : i32
      %dma_wait3A_324 = arith.constant 0 : i32
      %dma_wait3A_325 = tpu.memref_slice %arg18[%dma_wait3A_323, %dma_wait3A_324] : memref<51200x16xf32, #tpu.memory_space<vmem_shared>> -> memref<51200x16xf32, #tpu.memory_space<vmem_shared>>
      tpu.wait_indirect_dma semaphore(%arg23 : memref<!tpu.dma_semaphore, #tpu.memory_space<semaphore_mem>>) src(%dma_wait3A_325 : memref<51200x16xf32, #tpu.memory_space<vmem_shared>>) dst(%arg15 : memref<128x16xf32, #tpu.memory_space<vmem>>)
      %dma_start3A_326 = arith.constant 2 : i32
      %dma_start3A_327 = arith.constant 0 : i32
      %dma_start3A_328 = tpu.memref_slice %arg11[%dma_start3A_326, %dma_start3A_327] : memref<8x128xi32, #tpu.memory_space<vmem>> -> memref<1x128xi32, #tpu.memory_space<vmem>>
      %dma_start3A_329 = tpu.memref_squeeze %dma_start3A_328 : memref<1x128xi32, #tpu.memory_space<vmem>> -> memref<128xi32, #tpu.memory_space<vmem>>
      %dma_start3A_330 = arith.constant 0 : i32
      %dma_start3A_331 = arith.constant 0 : i32
      %dma_start3A_332 = tpu.memref_slice %arg19[%dma_start3A_330, %dma_start3A_331] : memref<51200x16xf32, #tpu.memory_space<vmem_shared>> -> memref<51200x16xf32, #tpu.memory_space<vmem_shared>>
      tpu.enqueue_indirect_dma source(%arg15 : memref<128x16xf32, #tpu.memory_space<vmem>>) target(%dma_start3A_332 : memref<51200x16xf32, #tpu.memory_space<vmem_shared>>) offsets(%dma_start3A_329 : memref<128xi32, #tpu.memory_space<vmem>>) semaphore(%arg27 : memref<!tpu.dma_semaphore, #tpu.memory_space<semaphore_mem>>) {add = true}
      %dma_start3A_333 = arith.constant 2 : i32
      %dma_start3A_334 = arith.constant 0 : i32
      %dma_start3A_335 = tpu.memref_slice %arg11[%dma_start3A_333, %dma_start3A_334] : memref<8x128xi32, #tpu.memory_space<vmem>> -> memref<1x128xi32, #tpu.memory_space<vmem>>
      %dma_start3A_336 = tpu.memref_squeeze %dma_start3A_335 : memref<1x128xi32, #tpu.memory_space<vmem>> -> memref<128xi32, #tpu.memory_space<vmem>>
      %dma_start3A_337 = arith.constant 0 : i32
      %dma_start3A_338 = tpu.memref_slice %arg20[%dma_start3A_337] : memref<51200xf32, #tpu.memory_space<vmem_shared>> -> memref<51200xf32, #tpu.memory_space<vmem_shared>>
      tpu.enqueue_indirect_dma source(%arg17 : memref<128xf32, #tpu.memory_space<vmem>>) target(%dma_start3A_338 : memref<51200xf32, #tpu.memory_space<vmem_shared>>) offsets(%dma_start3A_336 : memref<128xi32, #tpu.memory_space<vmem>>) semaphore(%arg31 : memref<!tpu.dma_semaphore, #tpu.memory_space<semaphore_mem>>) {add = true}
      %ge3A_339 = arith.constant 2 : i32
      %ge3A_340 = arith.cmpi sge, %add3A_320, %ge3A_339 : i32
      %convert_element_type3A_341 = arith.extui %ge3A_340 : i1 to i32
      %cond3A_342 = arith.constant 0 : i32
      %cond3A_343 = arith.cmpi ne, %convert_element_type3A_341, %cond3A_342 : i32
      scf.if %cond3A_343 {
        %dma_wait3A_821 = arith.constant 0 : i32
        %dma_wait3A_822 = arith.constant 0 : i32
        %dma_wait3A_823 = tpu.memref_slice %arg11[%dma_wait3A_821, %dma_wait3A_822] : memref<8x128xi32, #tpu.memory_space<vmem>> -> memref<1x128xi32, #tpu.memory_space<vmem>>
        %dma_wait3A_824 = tpu.memref_squeeze %dma_wait3A_823 : memref<1x128xi32, #tpu.memory_space<vmem>> -> memref<128xi32, #tpu.memory_space<vmem>>
        %dma_wait3A_825 = arith.constant 0 : i32
        %dma_wait3A_826 = arith.constant 0 : i32
        %dma_wait3A_827 = tpu.memref_slice %arg19[%dma_wait3A_825, %dma_wait3A_826] : memref<51200x16xf32, #tpu.memory_space<vmem_shared>> -> memref<51200x16xf32, #tpu.memory_space<vmem_shared>>
        tpu.wait_indirect_dma semaphore(%arg25 : memref<!tpu.dma_semaphore, #tpu.memory_space<semaphore_mem>>) src(%arg13 : memref<128x16xf32, #tpu.memory_space<vmem>>) dst(%dma_wait3A_827 : memref<51200x16xf32, #tpu.memory_space<vmem_shared>>)
        %dma_wait3A_828 = arith.constant 0 : i32
        %dma_wait3A_829 = arith.constant 0 : i32
        %dma_wait3A_830 = tpu.memref_slice %arg11[%dma_wait3A_828, %dma_wait3A_829] : memref<8x128xi32, #tpu.memory_space<vmem>> -> memref<1x128xi32, #tpu.memory_space<vmem>>
        %dma_wait3A_831 = tpu.memref_squeeze %dma_wait3A_830 : memref<1x128xi32, #tpu.memory_space<vmem>> -> memref<128xi32, #tpu.memory_space<vmem>>
        %dma_wait3A_832 = arith.constant 0 : i32
        %dma_wait3A_833 = tpu.memref_slice %arg20[%dma_wait3A_832] : memref<51200xf32, #tpu.memory_space<vmem_shared>> -> memref<51200xf32, #tpu.memory_space<vmem_shared>>
        tpu.wait_indirect_dma semaphore(%arg29 : memref<!tpu.dma_semaphore, #tpu.memory_space<semaphore_mem>>) src(%arg17 : memref<128xf32, #tpu.memory_space<vmem>>) dst(%dma_wait3A_833 : memref<51200xf32, #tpu.memory_space<vmem_shared>>)
      } else {
      }
      %add3A_344 = arith.constant 2 : i32
      %add3A_345 = arith.addi %add3A_320, %add3A_344 : i32
      %lt3A_346 = arith.constant 400 : i32
      %lt3A_347 = arith.cmpi slt, %add3A_345, %lt3A_346 : i32
      %convert_element_type3A_348 = arith.extui %lt3A_347 : i1 to i32
      %cond3A_349 = arith.constant 0 : i32
      %cond3A_350 = arith.cmpi ne, %convert_element_type3A_348, %cond3A_349 : i32
      scf.if %cond3A_350 {
        %dma_start3A_821 = arith.constant 512 : i32
        %dma_start3A_822 = tpu.memref_slice %arg9[%dma_start3A_821] : memref<1024xi32, #tpu.memory_space<vmem>> -> memref<128xi32, #tpu.memory_space<vmem>>
        %dma_start3A_823 = arith.constant 0 : i32
        %dma_start3A_824 = arith.constant 0 : i32
        %dma_start3A_825 = tpu.memref_slice %arg18[%dma_start3A_823, %dma_start3A_824] : memref<51200x16xf32, #tpu.memory_space<vmem_shared>> -> memref<51200x16xf32, #tpu.memory_space<vmem_shared>>
        tpu.enqueue_indirect_dma source(%dma_start3A_825 : memref<51200x16xf32, #tpu.memory_space<vmem_shared>>) target(%arg13 : memref<128x16xf32, #tpu.memory_space<vmem>>) offsets(%dma_start3A_822 : memref<128xi32, #tpu.memory_space<vmem>>) semaphore(%arg21 : memref<!tpu.dma_semaphore, #tpu.memory_space<semaphore_mem>>)
      } else {
      }
      %mul3A_351 = arith.constant 8 : i32
      %mul3A_352 = arith.muli %mul3A_241, %mul3A_351 : i32
      %add3A_353 = arith.constant 3 : i32
      %add3A_354 = arith.addi %mul3A_352, %add3A_353 : i32
      %dma_wait3A_355 = arith.constant 0 : i32
      %dma_wait3A_356 = tpu.memref_slice %arg9[%dma_wait3A_355] : memref<1024xi32, #tpu.memory_space<vmem>> -> memref<128xi32, #tpu.memory_space<vmem>>
      %dma_wait3A_357 = arith.constant 0 : i32
      %dma_wait3A_358 = arith.constant 0 : i32
      %dma_wait3A_359 = tpu.memref_slice %arg18[%dma_wait3A_357, %dma_wait3A_358] : memref<51200x16xf32, #tpu.memory_space<vmem_shared>> -> memref<51200x16xf32, #tpu.memory_space<vmem_shared>>
      tpu.wait_indirect_dma semaphore(%arg24 : memref<!tpu.dma_semaphore, #tpu.memory_space<semaphore_mem>>) src(%dma_wait3A_359 : memref<51200x16xf32, #tpu.memory_space<vmem_shared>>) dst(%arg16 : memref<128x16xf32, #tpu.memory_space<vmem>>)
      %dma_start3A_360 = arith.constant 3 : i32
      %dma_start3A_361 = arith.constant 0 : i32
      %dma_start3A_362 = tpu.memref_slice %arg11[%dma_start3A_360, %dma_start3A_361] : memref<8x128xi32, #tpu.memory_space<vmem>> -> memref<1x128xi32, #tpu.memory_space<vmem>>
      %dma_start3A_363 = tpu.memref_squeeze %dma_start3A_362 : memref<1x128xi32, #tpu.memory_space<vmem>> -> memref<128xi32, #tpu.memory_space<vmem>>
      %dma_start3A_364 = arith.constant 0 : i32
      %dma_start3A_365 = arith.constant 0 : i32
      %dma_start3A_366 = tpu.memref_slice %arg19[%dma_start3A_364, %dma_start3A_365] : memref<51200x16xf32, #tpu.memory_space<vmem_shared>> -> memref<51200x16xf32, #tpu.memory_space<vmem_shared>>
      tpu.enqueue_indirect_dma source(%arg16 : memref<128x16xf32, #tpu.memory_space<vmem>>) target(%dma_start3A_366 : memref<51200x16xf32, #tpu.memory_space<vmem_shared>>) offsets(%dma_start3A_363 : memref<128xi32, #tpu.memory_space<vmem>>) semaphore(%arg28 : memref<!tpu.dma_semaphore, #tpu.memory_space<semaphore_mem>>) {add = true}
      %dma_start3A_367 = arith.constant 3 : i32
      %dma_start3A_368 = arith.constant 0 : i32
      %dma_start3A_369 = tpu.memref_slice %arg11[%dma_start3A_367, %dma_start3A_368] : memref<8x128xi32, #tpu.memory_space<vmem>> -> memref<1x128xi32, #tpu.memory_space<vmem>>
      %dma_start3A_370 = tpu.memref_squeeze %dma_start3A_369 : memref<1x128xi32, #tpu.memory_space<vmem>> -> memref<128xi32, #tpu.memory_space<vmem>>
      %dma_start3A_371 = arith.constant 0 : i32
      %dma_start3A_372 = tpu.memref_slice %arg20[%dma_start3A_371] : memref<51200xf32, #tpu.memory_space<vmem_shared>> -> memref<51200xf32, #tpu.memory_space<vmem_shared>>
      tpu.enqueue_indirect_dma source(%arg17 : memref<128xf32, #tpu.memory_space<vmem>>) target(%dma_start3A_372 : memref<51200xf32, #tpu.memory_space<vmem_shared>>) offsets(%dma_start3A_370 : memref<128xi32, #tpu.memory_space<vmem>>) semaphore(%arg32 : memref<!tpu.dma_semaphore, #tpu.memory_space<semaphore_mem>>) {add = true}
      %ge3A_373 = arith.constant 2 : i32
      %ge3A_374 = arith.cmpi sge, %add3A_354, %ge3A_373 : i32
      %convert_element_type3A_375 = arith.extui %ge3A_374 : i1 to i32
      %cond3A_376 = arith.constant 0 : i32
      %cond3A_377 = arith.cmpi ne, %convert_element_type3A_375, %cond3A_376 : i32
      scf.if %cond3A_377 {
        %dma_wait3A_821 = arith.constant 0 : i32
        %dma_wait3A_822 = arith.constant 0 : i32
        %dma_wait3A_823 = tpu.memref_slice %arg11[%dma_wait3A_821, %dma_wait3A_822] : memref<8x128xi32, #tpu.memory_space<vmem>> -> memref<1x128xi32, #tpu.memory_space<vmem>>
        %dma_wait3A_824 = tpu.memref_squeeze %dma_wait3A_823 : memref<1x128xi32, #tpu.memory_space<vmem>> -> memref<128xi32, #tpu.memory_space<vmem>>
        %dma_wait3A_825 = arith.constant 0 : i32
        %dma_wait3A_826 = arith.constant 0 : i32
        %dma_wait3A_827 = tpu.memref_slice %arg19[%dma_wait3A_825, %dma_wait3A_826] : memref<51200x16xf32, #tpu.memory_space<vmem_shared>> -> memref<51200x16xf32, #tpu.memory_space<vmem_shared>>
        tpu.wait_indirect_dma semaphore(%arg26 : memref<!tpu.dma_semaphore, #tpu.memory_space<semaphore_mem>>) src(%arg14 : memref<128x16xf32, #tpu.memory_space<vmem>>) dst(%dma_wait3A_827 : memref<51200x16xf32, #tpu.memory_space<vmem_shared>>)
        %dma_wait3A_828 = arith.constant 0 : i32
        %dma_wait3A_829 = arith.constant 0 : i32
        %dma_wait3A_830 = tpu.memref_slice %arg11[%dma_wait3A_828, %dma_wait3A_829] : memref<8x128xi32, #tpu.memory_space<vmem>> -> memref<1x128xi32, #tpu.memory_space<vmem>>
        %dma_wait3A_831 = tpu.memref_squeeze %dma_wait3A_830 : memref<1x128xi32, #tpu.memory_space<vmem>> -> memref<128xi32, #tpu.memory_space<vmem>>
        %dma_wait3A_832 = arith.constant 0 : i32
        %dma_wait3A_833 = tpu.memref_slice %arg20[%dma_wait3A_832] : memref<51200xf32, #tpu.memory_space<vmem_shared>> -> memref<51200xf32, #tpu.memory_space<vmem_shared>>
        tpu.wait_indirect_dma semaphore(%arg30 : memref<!tpu.dma_semaphore, #tpu.memory_space<semaphore_mem>>) src(%arg17 : memref<128xf32, #tpu.memory_space<vmem>>) dst(%dma_wait3A_833 : memref<51200xf32, #tpu.memory_space<vmem_shared>>)
      } else {
      }
      %add3A_378 = arith.constant 2 : i32
      %add3A_379 = arith.addi %add3A_354, %add3A_378 : i32
      %lt3A_380 = arith.constant 400 : i32
      %lt3A_381 = arith.cmpi slt, %add3A_379, %lt3A_380 : i32
      %convert_element_type3A_382 = arith.extui %lt3A_381 : i1 to i32
      %cond3A_383 = arith.constant 0 : i32
      %cond3A_384 = arith.cmpi ne, %convert_element_type3A_382, %cond3A_383 : i32
      scf.if %cond3A_384 {
        %dma_start3A_821 = arith.constant 640 : i32
        %dma_start3A_822 = tpu.memref_slice %arg9[%dma_start3A_821] : memref<1024xi32, #tpu.memory_space<vmem>> -> memref<128xi32, #tpu.memory_space<vmem>>
        %dma_start3A_823 = arith.constant 0 : i32
        %dma_start3A_824 = arith.constant 0 : i32
        %dma_start3A_825 = tpu.memref_slice %arg18[%dma_start3A_823, %dma_start3A_824] : memref<51200x16xf32, #tpu.memory_space<vmem_shared>> -> memref<51200x16xf32, #tpu.memory_space<vmem_shared>>
        tpu.enqueue_indirect_dma source(%dma_start3A_825 : memref<51200x16xf32, #tpu.memory_space<vmem_shared>>) target(%arg14 : memref<128x16xf32, #tpu.memory_space<vmem>>) offsets(%dma_start3A_822 : memref<128xi32, #tpu.memory_space<vmem>>) semaphore(%arg22 : memref<!tpu.dma_semaphore, #tpu.memory_space<semaphore_mem>>)
      } else {
      }
      %mul3A_385 = arith.constant 8 : i32
      %mul3A_386 = arith.muli %mul3A_241, %mul3A_385 : i32
      %add3A_387 = arith.constant 4 : i32
      %add3A_388 = arith.addi %mul3A_386, %add3A_387 : i32
      %dma_wait3A_389 = arith.constant 0 : i32
      %dma_wait3A_390 = tpu.memref_slice %arg9[%dma_wait3A_389] : memref<1024xi32, #tpu.memory_space<vmem>> -> memref<128xi32, #tpu.memory_space<vmem>>
      %dma_wait3A_391 = arith.constant 0 : i32
      %dma_wait3A_392 = arith.constant 0 : i32
      %dma_wait3A_393 = tpu.memref_slice %arg18[%dma_wait3A_391, %dma_wait3A_392] : memref<51200x16xf32, #tpu.memory_space<vmem_shared>> -> memref<51200x16xf32, #tpu.memory_space<vmem_shared>>
      tpu.wait_indirect_dma semaphore(%arg21 : memref<!tpu.dma_semaphore, #tpu.memory_space<semaphore_mem>>) src(%dma_wait3A_393 : memref<51200x16xf32, #tpu.memory_space<vmem_shared>>) dst(%arg13 : memref<128x16xf32, #tpu.memory_space<vmem>>)
      %dma_start3A_394 = arith.constant 4 : i32
      %dma_start3A_395 = arith.constant 0 : i32
      %dma_start3A_396 = tpu.memref_slice %arg11[%dma_start3A_394, %dma_start3A_395] : memref<8x128xi32, #tpu.memory_space<vmem>> -> memref<1x128xi32, #tpu.memory_space<vmem>>
      %dma_start3A_397 = tpu.memref_squeeze %dma_start3A_396 : memref<1x128xi32, #tpu.memory_space<vmem>> -> memref<128xi32, #tpu.memory_space<vmem>>
      %dma_start3A_398 = arith.constant 0 : i32
      %dma_start3A_399 = arith.constant 0 : i32
      %dma_start3A_400 = tpu.memref_slice %arg19[%dma_start3A_398, %dma_start3A_399] : memref<51200x16xf32, #tpu.memory_space<vmem_shared>> -> memref<51200x16xf32, #tpu.memory_space<vmem_shared>>
      tpu.enqueue_indirect_dma source(%arg13 : memref<128x16xf32, #tpu.memory_space<vmem>>) target(%dma_start3A_400 : memref<51200x16xf32, #tpu.memory_space<vmem_shared>>) offsets(%dma_start3A_397 : memref<128xi32, #tpu.memory_space<vmem>>) semaphore(%arg25 : memref<!tpu.dma_semaphore, #tpu.memory_space<semaphore_mem>>) {add = true}
      %dma_start3A_401 = arith.constant 4 : i32
      %dma_start3A_402 = arith.constant 0 : i32
      %dma_start3A_403 = tpu.memref_slice %arg11[%dma_start3A_401, %dma_start3A_402] : memref<8x128xi32, #tpu.memory_space<vmem>> -> memref<1x128xi32, #tpu.memory_space<vmem>>
      %dma_start3A_404 = tpu.memref_squeeze %dma_start3A_403 : memref<1x128xi32, #tpu.memory_space<vmem>> -> memref<128xi32, #tpu.memory_space<vmem>>
      %dma_start3A_405 = arith.constant 0 : i32
      %dma_start3A_406 = tpu.memref_slice %arg20[%dma_start3A_405] : memref<51200xf32, #tpu.memory_space<vmem_shared>> -> memref<51200xf32, #tpu.memory_space<vmem_shared>>
      tpu.enqueue_indirect_dma source(%arg17 : memref<128xf32, #tpu.memory_space<vmem>>) target(%dma_start3A_406 : memref<51200xf32, #tpu.memory_space<vmem_shared>>) offsets(%dma_start3A_404 : memref<128xi32, #tpu.memory_space<vmem>>) semaphore(%arg29 : memref<!tpu.dma_semaphore, #tpu.memory_space<semaphore_mem>>) {add = true}
      %ge3A_407 = arith.constant 2 : i32
      %ge3A_408 = arith.cmpi sge, %add3A_388, %ge3A_407 : i32
      %convert_element_type3A_409 = arith.extui %ge3A_408 : i1 to i32
      %cond3A_410 = arith.constant 0 : i32
      %cond3A_411 = arith.cmpi ne, %convert_element_type3A_409, %cond3A_410 : i32
      scf.if %cond3A_411 {
        %dma_wait3A_821 = arith.constant 0 : i32
        %dma_wait3A_822 = arith.constant 0 : i32
        %dma_wait3A_823 = tpu.memref_slice %arg11[%dma_wait3A_821, %dma_wait3A_822] : memref<8x128xi32, #tpu.memory_space<vmem>> -> memref<1x128xi32, #tpu.memory_space<vmem>>
        %dma_wait3A_824 = tpu.memref_squeeze %dma_wait3A_823 : memref<1x128xi32, #tpu.memory_space<vmem>> -> memref<128xi32, #tpu.memory_space<vmem>>
        %dma_wait3A_825 = arith.constant 0 : i32
        %dma_wait3A_826 = arith.constant 0 : i32
        %dma_wait3A_827 = tpu.memref_slice %arg19[%dma_wait3A_825, %dma_wait3A_826] : memref<51200x16xf32, #tpu.memory_space<vmem_shared>> -> memref<51200x16xf32, #tpu.memory_space<vmem_shared>>
        tpu.wait_indirect_dma semaphore(%arg27 : memref<!tpu.dma_semaphore, #tpu.memory_space<semaphore_mem>>) src(%arg15 : memref<128x16xf32, #tpu.memory_space<vmem>>) dst(%dma_wait3A_827 : memref<51200x16xf32, #tpu.memory_space<vmem_shared>>)
        %dma_wait3A_828 = arith.constant 0 : i32
        %dma_wait3A_829 = arith.constant 0 : i32
        %dma_wait3A_830 = tpu.memref_slice %arg11[%dma_wait3A_828, %dma_wait3A_829] : memref<8x128xi32, #tpu.memory_space<vmem>> -> memref<1x128xi32, #tpu.memory_space<vmem>>
        %dma_wait3A_831 = tpu.memref_squeeze %dma_wait3A_830 : memref<1x128xi32, #tpu.memory_space<vmem>> -> memref<128xi32, #tpu.memory_space<vmem>>
        %dma_wait3A_832 = arith.constant 0 : i32
        %dma_wait3A_833 = tpu.memref_slice %arg20[%dma_wait3A_832] : memref<51200xf32, #tpu.memory_space<vmem_shared>> -> memref<51200xf32, #tpu.memory_space<vmem_shared>>
        tpu.wait_indirect_dma semaphore(%arg31 : memref<!tpu.dma_semaphore, #tpu.memory_space<semaphore_mem>>) src(%arg17 : memref<128xf32, #tpu.memory_space<vmem>>) dst(%dma_wait3A_833 : memref<51200xf32, #tpu.memory_space<vmem_shared>>)
      } else {
      }
      %add3A_412 = arith.constant 2 : i32
      %add3A_413 = arith.addi %add3A_388, %add3A_412 : i32
      %lt3A_414 = arith.constant 400 : i32
      %lt3A_415 = arith.cmpi slt, %add3A_413, %lt3A_414 : i32
      %convert_element_type3A_416 = arith.extui %lt3A_415 : i1 to i32
      %cond3A_417 = arith.constant 0 : i32
      %cond3A_418 = arith.cmpi ne, %convert_element_type3A_416, %cond3A_417 : i32
      scf.if %cond3A_418 {
        %dma_start3A_821 = arith.constant 768 : i32
        %dma_start3A_822 = tpu.memref_slice %arg9[%dma_start3A_821] : memref<1024xi32, #tpu.memory_space<vmem>> -> memref<128xi32, #tpu.memory_space<vmem>>
        %dma_start3A_823 = arith.constant 0 : i32
        %dma_start3A_824 = arith.constant 0 : i32
        %dma_start3A_825 = tpu.memref_slice %arg18[%dma_start3A_823, %dma_start3A_824] : memref<51200x16xf32, #tpu.memory_space<vmem_shared>> -> memref<51200x16xf32, #tpu.memory_space<vmem_shared>>
        tpu.enqueue_indirect_dma source(%dma_start3A_825 : memref<51200x16xf32, #tpu.memory_space<vmem_shared>>) target(%arg15 : memref<128x16xf32, #tpu.memory_space<vmem>>) offsets(%dma_start3A_822 : memref<128xi32, #tpu.memory_space<vmem>>) semaphore(%arg23 : memref<!tpu.dma_semaphore, #tpu.memory_space<semaphore_mem>>)
      } else {
      }
      %mul3A_419 = arith.constant 8 : i32
      %mul3A_420 = arith.muli %mul3A_241, %mul3A_419 : i32
      %add3A_421 = arith.constant 5 : i32
      %add3A_422 = arith.addi %mul3A_420, %add3A_421 : i32
      %dma_wait3A_423 = arith.constant 0 : i32
      %dma_wait3A_424 = tpu.memref_slice %arg9[%dma_wait3A_423] : memref<1024xi32, #tpu.memory_space<vmem>> -> memref<128xi32, #tpu.memory_space<vmem>>
      %dma_wait3A_425 = arith.constant 0 : i32
      %dma_wait3A_426 = arith.constant 0 : i32
      %dma_wait3A_427 = tpu.memref_slice %arg18[%dma_wait3A_425, %dma_wait3A_426] : memref<51200x16xf32, #tpu.memory_space<vmem_shared>> -> memref<51200x16xf32, #tpu.memory_space<vmem_shared>>
      tpu.wait_indirect_dma semaphore(%arg22 : memref<!tpu.dma_semaphore, #tpu.memory_space<semaphore_mem>>) src(%dma_wait3A_427 : memref<51200x16xf32, #tpu.memory_space<vmem_shared>>) dst(%arg14 : memref<128x16xf32, #tpu.memory_space<vmem>>)
      %dma_start3A_428 = arith.constant 5 : i32
      %dma_start3A_429 = arith.constant 0 : i32
      %dma_start3A_430 = tpu.memref_slice %arg11[%dma_start3A_428, %dma_start3A_429] : memref<8x128xi32, #tpu.memory_space<vmem>> -> memref<1x128xi32, #tpu.memory_space<vmem>>
      %dma_start3A_431 = tpu.memref_squeeze %dma_start3A_430 : memref<1x128xi32, #tpu.memory_space<vmem>> -> memref<128xi32, #tpu.memory_space<vmem>>
      %dma_start3A_432 = arith.constant 0 : i32
      %dma_start3A_433 = arith.constant 0 : i32
      %dma_start3A_434 = tpu.memref_slice %arg19[%dma_start3A_432, %dma_start3A_433] : memref<51200x16xf32, #tpu.memory_space<vmem_shared>> -> memref<51200x16xf32, #tpu.memory_space<vmem_shared>>
      tpu.enqueue_indirect_dma source(%arg14 : memref<128x16xf32, #tpu.memory_space<vmem>>) target(%dma_start3A_434 : memref<51200x16xf32, #tpu.memory_space<vmem_shared>>) offsets(%dma_start3A_431 : memref<128xi32, #tpu.memory_space<vmem>>) semaphore(%arg26 : memref<!tpu.dma_semaphore, #tpu.memory_space<semaphore_mem>>) {add = true}
      %dma_start3A_435 = arith.constant 5 : i32
      %dma_start3A_436 = arith.constant 0 : i32
      %dma_start3A_437 = tpu.memref_slice %arg11[%dma_start3A_435, %dma_start3A_436] : memref<8x128xi32, #tpu.memory_space<vmem>> -> memref<1x128xi32, #tpu.memory_space<vmem>>
      %dma_start3A_438 = tpu.memref_squeeze %dma_start3A_437 : memref<1x128xi32, #tpu.memory_space<vmem>> -> memref<128xi32, #tpu.memory_space<vmem>>
      %dma_start3A_439 = arith.constant 0 : i32
      %dma_start3A_440 = tpu.memref_slice %arg20[%dma_start3A_439] : memref<51200xf32, #tpu.memory_space<vmem_shared>> -> memref<51200xf32, #tpu.memory_space<vmem_shared>>
      tpu.enqueue_indirect_dma source(%arg17 : memref<128xf32, #tpu.memory_space<vmem>>) target(%dma_start3A_440 : memref<51200xf32, #tpu.memory_space<vmem_shared>>) offsets(%dma_start3A_438 : memref<128xi32, #tpu.memory_space<vmem>>) semaphore(%arg30 : memref<!tpu.dma_semaphore, #tpu.memory_space<semaphore_mem>>) {add = true}
      %ge3A_441 = arith.constant 2 : i32
      %ge3A_442 = arith.cmpi sge, %add3A_422, %ge3A_441 : i32
      %convert_element_type3A_443 = arith.extui %ge3A_442 : i1 to i32
      %cond3A_444 = arith.constant 0 : i32
      %cond3A_445 = arith.cmpi ne, %convert_element_type3A_443, %cond3A_444 : i32
      scf.if %cond3A_445 {
        %dma_wait3A_821 = arith.constant 0 : i32
        %dma_wait3A_822 = arith.constant 0 : i32
        %dma_wait3A_823 = tpu.memref_slice %arg11[%dma_wait3A_821, %dma_wait3A_822] : memref<8x128xi32, #tpu.memory_space<vmem>> -> memref<1x128xi32, #tpu.memory_space<vmem>>
        %dma_wait3A_824 = tpu.memref_squeeze %dma_wait3A_823 : memref<1x128xi32, #tpu.memory_space<vmem>> -> memref<128xi32, #tpu.memory_space<vmem>>
        %dma_wait3A_825 = arith.constant 0 : i32
        %dma_wait3A_826 = arith.constant 0 : i32
        %dma_wait3A_827 = tpu.memref_slice %arg19[%dma_wait3A_825, %dma_wait3A_826] : memref<51200x16xf32, #tpu.memory_space<vmem_shared>> -> memref<51200x16xf32, #tpu.memory_space<vmem_shared>>
        tpu.wait_indirect_dma semaphore(%arg28 : memref<!tpu.dma_semaphore, #tpu.memory_space<semaphore_mem>>) src(%arg16 : memref<128x16xf32, #tpu.memory_space<vmem>>) dst(%dma_wait3A_827 : memref<51200x16xf32, #tpu.memory_space<vmem_shared>>)
        %dma_wait3A_828 = arith.constant 0 : i32
        %dma_wait3A_829 = arith.constant 0 : i32
        %dma_wait3A_830 = tpu.memref_slice %arg11[%dma_wait3A_828, %dma_wait3A_829] : memref<8x128xi32, #tpu.memory_space<vmem>> -> memref<1x128xi32, #tpu.memory_space<vmem>>
        %dma_wait3A_831 = tpu.memref_squeeze %dma_wait3A_830 : memref<1x128xi32, #tpu.memory_space<vmem>> -> memref<128xi32, #tpu.memory_space<vmem>>
        %dma_wait3A_832 = arith.constant 0 : i32
        %dma_wait3A_833 = tpu.memref_slice %arg20[%dma_wait3A_832] : memref<51200xf32, #tpu.memory_space<vmem_shared>> -> memref<51200xf32, #tpu.memory_space<vmem_shared>>
        tpu.wait_indirect_dma semaphore(%arg32 : memref<!tpu.dma_semaphore, #tpu.memory_space<semaphore_mem>>) src(%arg17 : memref<128xf32, #tpu.memory_space<vmem>>) dst(%dma_wait3A_833 : memref<51200xf32, #tpu.memory_space<vmem_shared>>)
      } else {
      }
      %add3A_446 = arith.constant 2 : i32
      %add3A_447 = arith.addi %add3A_422, %add3A_446 : i32
      %lt3A_448 = arith.constant 400 : i32
      %lt3A_449 = arith.cmpi slt, %add3A_447, %lt3A_448 : i32
      %convert_element_type3A_450 = arith.extui %lt3A_449 : i1 to i32
      %cond3A_451 = arith.constant 0 : i32
      %cond3A_452 = arith.cmpi ne, %convert_element_type3A_450, %cond3A_451 : i32
      scf.if %cond3A_452 {
        %dma_start3A_821 = arith.constant 896 : i32
        %dma_start3A_822 = tpu.memref_slice %arg9[%dma_start3A_821] : memref<1024xi32, #tpu.memory_space<vmem>> -> memref<128xi32, #tpu.memory_space<vmem>>
        %dma_start3A_823 = arith.constant 0 : i32
        %dma_start3A_824 = arith.constant 0 : i32
        %dma_start3A_825 = tpu.memref_slice %arg18[%dma_start3A_823, %dma_start3A_824] : memref<51200x16xf32, #tpu.memory_space<vmem_shared>> -> memref<51200x16xf32, #tpu.memory_space<vmem_shared>>
        tpu.enqueue_indirect_dma source(%dma_start3A_825 : memref<51200x16xf32, #tpu.memory_space<vmem_shared>>) target(%arg16 : memref<128x16xf32, #tpu.memory_space<vmem>>) offsets(%dma_start3A_822 : memref<128xi32, #tpu.memory_space<vmem>>) semaphore(%arg24 : memref<!tpu.dma_semaphore, #tpu.memory_space<semaphore_mem>>)
      } else {
      }
      %add3A_453 = arith.constant 1 : i32
      %add3A_454 = arith.addi %mul3A_241, %add3A_453 : i32
      %lt3A_455 = arith.constant 50 : i32
      %lt3A_456 = arith.cmpi slt, %add3A_454, %lt3A_455 : i32
      %convert_element_type3A_457 = arith.extui %lt3A_456 : i1 to i32
      %cond3A_458 = arith.constant 0 : i32
      %cond3A_459 = arith.cmpi ne, %convert_element_type3A_457, %cond3A_458 : i32
      scf.if %cond3A_459 {
        %dma_wait3A_821 = arith.constant 0 : i32
        %dma_wait3A_822 = tpu.memref_slice %arg3[%dma_wait3A_821] : memref<819200xi32, #tpu.memory_space<hbm>> -> memref<1024xi32, #tpu.memory_space<hbm>>
        %dma_wait3A_823 = arith.constant 0 : i32
        %dma_wait3A_824 = tpu.memref_slice %arg3[%dma_wait3A_823] : memref<819200xi32, #tpu.memory_space<hbm>> -> memref<1024xi32, #tpu.memory_space<hbm>>
        tpu.wait_dma2 semaphore(%arg34 : memref<!tpu.dma_semaphore, #tpu.memory_space<semaphore_mem>>) src(%dma_wait3A_824 : memref<1024xi32, #tpu.memory_space<hbm>>) dst(%arg10 : memref<1024xi32, #tpu.memory_space<vmem>>)
        %dma_wait3A_825 = arith.constant 0 : i32
        %dma_wait3A_826 = arith.constant 0 : i32
        %dma_wait3A_827 = tpu.memref_slice %arg4[%dma_wait3A_825, %dma_wait3A_826] : memref<6400x128xi32, #tpu.memory_space<hbm>> -> memref<8x128xi32, #tpu.memory_space<hbm>>
        %dma_wait3A_828 = arith.constant 0 : i32
        %dma_wait3A_829 = arith.constant 0 : i32
        %dma_wait3A_830 = tpu.memref_slice %arg4[%dma_wait3A_828, %dma_wait3A_829] : memref<6400x128xi32, #tpu.memory_space<hbm>> -> memref<8x128xi32, #tpu.memory_space<hbm>>
        tpu.wait_dma2 semaphore(%arg34 : memref<!tpu.dma_semaphore, #tpu.memory_space<semaphore_mem>>) src(%dma_wait3A_830 : memref<8x128xi32, #tpu.memory_space<hbm>>) dst(%arg12 : memref<8x128xi32, #tpu.memory_space<vmem>>)
      } else {
      }
      %mul3A_460 = arith.constant 8 : i32
      %mul3A_461 = arith.muli %mul3A_241, %mul3A_460 : i32
      %add3A_462 = arith.constant 6 : i32
      %add3A_463 = arith.addi %mul3A_461, %add3A_462 : i32
      %dma_wait3A_464 = arith.constant 0 : i32
      %dma_wait3A_465 = tpu.memref_slice %arg9[%dma_wait3A_464] : memref<1024xi32, #tpu.memory_space<vmem>> -> memref<128xi32, #tpu.memory_space<vmem>>
      %dma_wait3A_466 = arith.constant 0 : i32
      %dma_wait3A_467 = arith.constant 0 : i32
      %dma_wait3A_468 = tpu.memref_slice %arg18[%dma_wait3A_466, %dma_wait3A_467] : memref<51200x16xf32, #tpu.memory_space<vmem_shared>> -> memref<51200x16xf32, #tpu.memory_space<vmem_shared>>
      tpu.wait_indirect_dma semaphore(%arg23 : memref<!tpu.dma_semaphore, #tpu.memory_space<semaphore_mem>>) src(%dma_wait3A_468 : memref<51200x16xf32, #tpu.memory_space<vmem_shared>>) dst(%arg15 : memref<128x16xf32, #tpu.memory_space<vmem>>)
      %dma_start3A_469 = arith.constant 6 : i32
      %dma_start3A_470 = arith.constant 0 : i32
      %dma_start3A_471 = tpu.memref_slice %arg11[%dma_start3A_469, %dma_start3A_470] : memref<8x128xi32, #tpu.memory_space<vmem>> -> memref<1x128xi32, #tpu.memory_space<vmem>>
      %dma_start3A_472 = tpu.memref_squeeze %dma_start3A_471 : memref<1x128xi32, #tpu.memory_space<vmem>> -> memref<128xi32, #tpu.memory_space<vmem>>
      %dma_start3A_473 = arith.constant 0 : i32
      %dma_start3A_474 = arith.constant 0 : i32
      %dma_start3A_475 = tpu.memref_slice %arg19[%dma_start3A_473, %dma_start3A_474] : memref<51200x16xf32, #tpu.memory_space<vmem_shared>> -> memref<51200x16xf32, #tpu.memory_space<vmem_shared>>
      tpu.enqueue_indirect_dma source(%arg15 : memref<128x16xf32, #tpu.memory_space<vmem>>) target(%dma_start3A_475 : memref<51200x16xf32, #tpu.memory_space<vmem_shared>>) offsets(%dma_start3A_472 : memref<128xi32, #tpu.memory_space<vmem>>) semaphore(%arg27 : memref<!tpu.dma_semaphore, #tpu.memory_space<semaphore_mem>>) {add = true}
      %dma_start3A_476 = arith.constant 6 : i32
      %dma_start3A_477 = arith.constant 0 : i32
      %dma_start3A_478 = tpu.memref_slice %arg11[%dma_start3A_476, %dma_start3A_477] : memref<8x128xi32, #tpu.memory_space<vmem>> -> memref<1x128xi32, #tpu.memory_space<vmem>>
      %dma_start3A_479 = tpu.memref_squeeze %dma_start3A_478 : memref<1x128xi32, #tpu.memory_space<vmem>> -> memref<128xi32, #tpu.memory_space<vmem>>
      %dma_start3A_480 = arith.constant 0 : i32
      %dma_start3A_481 = tpu.memref_slice %arg20[%dma_start3A_480] : memref<51200xf32, #tpu.memory_space<vmem_shared>> -> memref<51200xf32, #tpu.memory_space<vmem_shared>>
      tpu.enqueue_indirect_dma source(%arg17 : memref<128xf32, #tpu.memory_space<vmem>>) target(%dma_start3A_481 : memref<51200xf32, #tpu.memory_space<vmem_shared>>) offsets(%dma_start3A_479 : memref<128xi32, #tpu.memory_space<vmem>>) semaphore(%arg31 : memref<!tpu.dma_semaphore, #tpu.memory_space<semaphore_mem>>) {add = true}
      %ge3A_482 = arith.constant 2 : i32
      %ge3A_483 = arith.cmpi sge, %add3A_463, %ge3A_482 : i32
      %convert_element_type3A_484 = arith.extui %ge3A_483 : i1 to i32
      %cond3A_485 = arith.constant 0 : i32
      %cond3A_486 = arith.cmpi ne, %convert_element_type3A_484, %cond3A_485 : i32
      scf.if %cond3A_486 {
        %dma_wait3A_821 = arith.constant 0 : i32
        %dma_wait3A_822 = arith.constant 0 : i32
        %dma_wait3A_823 = tpu.memref_slice %arg11[%dma_wait3A_821, %dma_wait3A_822] : memref<8x128xi32, #tpu.memory_space<vmem>> -> memref<1x128xi32, #tpu.memory_space<vmem>>
        %dma_wait3A_824 = tpu.memref_squeeze %dma_wait3A_823 : memref<1x128xi32, #tpu.memory_space<vmem>> -> memref<128xi32, #tpu.memory_space<vmem>>
        %dma_wait3A_825 = arith.constant 0 : i32
        %dma_wait3A_826 = arith.constant 0 : i32
        %dma_wait3A_827 = tpu.memref_slice %arg19[%dma_wait3A_825, %dma_wait3A_826] : memref<51200x16xf32, #tpu.memory_space<vmem_shared>> -> memref<51200x16xf32, #tpu.memory_space<vmem_shared>>
        tpu.wait_indirect_dma semaphore(%arg25 : memref<!tpu.dma_semaphore, #tpu.memory_space<semaphore_mem>>) src(%arg13 : memref<128x16xf32, #tpu.memory_space<vmem>>) dst(%dma_wait3A_827 : memref<51200x16xf32, #tpu.memory_space<vmem_shared>>)
        %dma_wait3A_828 = arith.constant 0 : i32
        %dma_wait3A_829 = arith.constant 0 : i32
        %dma_wait3A_830 = tpu.memref_slice %arg11[%dma_wait3A_828, %dma_wait3A_829] : memref<8x128xi32, #tpu.memory_space<vmem>> -> memref<1x128xi32, #tpu.memory_space<vmem>>
        %dma_wait3A_831 = tpu.memref_squeeze %dma_wait3A_830 : memref<1x128xi32, #tpu.memory_space<vmem>> -> memref<128xi32, #tpu.memory_space<vmem>>
        %dma_wait3A_832 = arith.constant 0 : i32
        %dma_wait3A_833 = tpu.memref_slice %arg20[%dma_wait3A_832] : memref<51200xf32, #tpu.memory_space<vmem_shared>> -> memref<51200xf32, #tpu.memory_space<vmem_shared>>
        tpu.wait_indirect_dma semaphore(%arg29 : memref<!tpu.dma_semaphore, #tpu.memory_space<semaphore_mem>>) src(%arg17 : memref<128xf32, #tpu.memory_space<vmem>>) dst(%dma_wait3A_833 : memref<51200xf32, #tpu.memory_space<vmem_shared>>)
      } else {
      }
      %add3A_487 = arith.constant 2 : i32
      %add3A_488 = arith.addi %add3A_463, %add3A_487 : i32
      %lt3A_489 = arith.constant 400 : i32
      %lt3A_490 = arith.cmpi slt, %add3A_488, %lt3A_489 : i32
      %convert_element_type3A_491 = arith.extui %lt3A_490 : i1 to i32
      %cond3A_492 = arith.constant 0 : i32
      %cond3A_493 = arith.cmpi ne, %convert_element_type3A_491, %cond3A_492 : i32
      scf.if %cond3A_493 {
        %dma_start3A_821 = arith.constant 0 : i32
        %dma_start3A_822 = tpu.memref_slice %arg10[%dma_start3A_821] : memref<1024xi32, #tpu.memory_space<vmem>> -> memref<128xi32, #tpu.memory_space<vmem>>
        %dma_start3A_823 = arith.constant 0 : i32
        %dma_start3A_824 = arith.constant 0 : i32
        %dma_start3A_825 = tpu.memref_slice %arg18[%dma_start3A_823, %dma_start3A_824] : memref<51200x16xf32, #tpu.memory_space<vmem_shared>> -> memref<51200x16xf32, #tpu.memory_space<vmem_shared>>
        tpu.enqueue_indirect_dma source(%dma_start3A_825 : memref<51200x16xf32, #tpu.memory_space<vmem_shared>>) target(%arg13 : memref<128x16xf32, #tpu.memory_space<vmem>>) offsets(%dma_start3A_822 : memref<128xi32, #tpu.memory_space<vmem>>) semaphore(%arg21 : memref<!tpu.dma_semaphore, #tpu.memory_space<semaphore_mem>>)
      } else {
      }
      %mul3A_494 = arith.constant 8 : i32
      %mul3A_495 = arith.muli %mul3A_241, %mul3A_494 : i32
      %add3A_496 = arith.constant 7 : i32
      %add3A_497 = arith.addi %mul3A_495, %add3A_496 : i32
      %dma_wait3A_498 = arith.constant 0 : i32
      %dma_wait3A_499 = tpu.memref_slice %arg9[%dma_wait3A_498] : memref<1024xi32, #tpu.memory_space<vmem>> -> memref<128xi32, #tpu.memory_space<vmem>>
      %dma_wait3A_500 = arith.constant 0 : i32
      %dma_wait3A_501 = arith.constant 0 : i32
      %dma_wait3A_502 = tpu.memref_slice %arg18[%dma_wait3A_500, %dma_wait3A_501] : memref<51200x16xf32, #tpu.memory_space<vmem_shared>> -> memref<51200x16xf32, #tpu.memory_space<vmem_shared>>
      tpu.wait_indirect_dma semaphore(%arg24 : memref<!tpu.dma_semaphore, #tpu.memory_space<semaphore_mem>>) src(%dma_wait3A_502 : memref<51200x16xf32, #tpu.memory_space<vmem_shared>>) dst(%arg16 : memref<128x16xf32, #tpu.memory_space<vmem>>)
      %dma_start3A_503 = arith.constant 7 : i32
      %dma_start3A_504 = arith.constant 0 : i32
      %dma_start3A_505 = tpu.memref_slice %arg11[%dma_start3A_503, %dma_start3A_504] : memref<8x128xi32, #tpu.memory_space<vmem>> -> memref<1x128xi32, #tpu.memory_space<vmem>>
      %dma_start3A_506 = tpu.memref_squeeze %dma_start3A_505 : memref<1x128xi32, #tpu.memory_space<vmem>> -> memref<128xi32, #tpu.memory_space<vmem>>
      %dma_start3A_507 = arith.constant 0 : i32
      %dma_start3A_508 = arith.constant 0 : i32
      %dma_start3A_509 = tpu.memref_slice %arg19[%dma_start3A_507, %dma_start3A_508] : memref<51200x16xf32, #tpu.memory_space<vmem_shared>> -> memref<51200x16xf32, #tpu.memory_space<vmem_shared>>
      tpu.enqueue_indirect_dma source(%arg16 : memref<128x16xf32, #tpu.memory_space<vmem>>) target(%dma_start3A_509 : memref<51200x16xf32, #tpu.memory_space<vmem_shared>>) offsets(%dma_start3A_506 : memref<128xi32, #tpu.memory_space<vmem>>) semaphore(%arg28 : memref<!tpu.dma_semaphore, #tpu.memory_space<semaphore_mem>>) {add = true}
      %dma_start3A_510 = arith.constant 7 : i32
      %dma_start3A_511 = arith.constant 0 : i32
      %dma_start3A_512 = tpu.memref_slice %arg11[%dma_start3A_510, %dma_start3A_511] : memref<8x128xi32, #tpu.memory_space<vmem>> -> memref<1x128xi32, #tpu.memory_space<vmem>>
      %dma_start3A_513 = tpu.memref_squeeze %dma_start3A_512 : memref<1x128xi32, #tpu.memory_space<vmem>> -> memref<128xi32, #tpu.memory_space<vmem>>
      %dma_start3A_514 = arith.constant 0 : i32
      %dma_start3A_515 = tpu.memref_slice %arg20[%dma_start3A_514] : memref<51200xf32, #tpu.memory_space<vmem_shared>> -> memref<51200xf32, #tpu.memory_space<vmem_shared>>
      tpu.enqueue_indirect_dma source(%arg17 : memref<128xf32, #tpu.memory_space<vmem>>) target(%dma_start3A_515 : memref<51200xf32, #tpu.memory_space<vmem_shared>>) offsets(%dma_start3A_513 : memref<128xi32, #tpu.memory_space<vmem>>) semaphore(%arg32 : memref<!tpu.dma_semaphore, #tpu.memory_space<semaphore_mem>>) {add = true}
      %ge3A_516 = arith.constant 2 : i32
      %ge3A_517 = arith.cmpi sge, %add3A_497, %ge3A_516 : i32
      %convert_element_type3A_518 = arith.extui %ge3A_517 : i1 to i32
      %cond3A_519 = arith.constant 0 : i32
      %cond3A_520 = arith.cmpi ne, %convert_element_type3A_518, %cond3A_519 : i32
      scf.if %cond3A_520 {
        %dma_wait3A_821 = arith.constant 0 : i32
        %dma_wait3A_822 = arith.constant 0 : i32
        %dma_wait3A_823 = tpu.memref_slice %arg11[%dma_wait3A_821, %dma_wait3A_822] : memref<8x128xi32, #tpu.memory_space<vmem>> -> memref<1x128xi32, #tpu.memory_space<vmem>>
        %dma_wait3A_824 = tpu.memref_squeeze %dma_wait3A_823 : memref<1x128xi32, #tpu.memory_space<vmem>> -> memref<128xi32, #tpu.memory_space<vmem>>
        %dma_wait3A_825 = arith.constant 0 : i32
        %dma_wait3A_826 = arith.constant 0 : i32
        %dma_wait3A_827 = tpu.memref_slice %arg19[%dma_wait3A_825, %dma_wait3A_826] : memref<51200x16xf32, #tpu.memory_space<vmem_shared>> -> memref<51200x16xf32, #tpu.memory_space<vmem_shared>>
        tpu.wait_indirect_dma semaphore(%arg26 : memref<!tpu.dma_semaphore, #tpu.memory_space<semaphore_mem>>) src(%arg14 : memref<128x16xf32, #tpu.memory_space<vmem>>) dst(%dma_wait3A_827 : memref<51200x16xf32, #tpu.memory_space<vmem_shared>>)
        %dma_wait3A_828 = arith.constant 0 : i32
        %dma_wait3A_829 = arith.constant 0 : i32
        %dma_wait3A_830 = tpu.memref_slice %arg11[%dma_wait3A_828, %dma_wait3A_829] : memref<8x128xi32, #tpu.memory_space<vmem>> -> memref<1x128xi32, #tpu.memory_space<vmem>>
        %dma_wait3A_831 = tpu.memref_squeeze %dma_wait3A_830 : memref<1x128xi32, #tpu.memory_space<vmem>> -> memref<128xi32, #tpu.memory_space<vmem>>
        %dma_wait3A_832 = arith.constant 0 : i32
        %dma_wait3A_833 = tpu.memref_slice %arg20[%dma_wait3A_832] : memref<51200xf32, #tpu.memory_space<vmem_shared>> -> memref<51200xf32, #tpu.memory_space<vmem_shared>>
        tpu.wait_indirect_dma semaphore(%arg30 : memref<!tpu.dma_semaphore, #tpu.memory_space<semaphore_mem>>) src(%arg17 : memref<128xf32, #tpu.memory_space<vmem>>) dst(%dma_wait3A_833 : memref<51200xf32, #tpu.memory_space<vmem_shared>>)
      } else {
      }
      %add3A_521 = arith.constant 2 : i32
      %add3A_522 = arith.addi %add3A_497, %add3A_521 : i32
      %lt3A_523 = arith.constant 400 : i32
      %lt3A_524 = arith.cmpi slt, %add3A_522, %lt3A_523 : i32
      %convert_element_type3A_525 = arith.extui %lt3A_524 : i1 to i32
      %cond3A_526 = arith.constant 0 : i32
      %cond3A_527 = arith.cmpi ne, %convert_element_type3A_525, %cond3A_526 : i32
      scf.if %cond3A_527 {
        %dma_start3A_821 = arith.constant 128 : i32
        %dma_start3A_822 = tpu.memref_slice %arg10[%dma_start3A_821] : memref<1024xi32, #tpu.memory_space<vmem>> -> memref<128xi32, #tpu.memory_space<vmem>>
        %dma_start3A_823 = arith.constant 0 : i32
        %dma_start3A_824 = arith.constant 0 : i32
        %dma_start3A_825 = tpu.memref_slice %arg18[%dma_start3A_823, %dma_start3A_824] : memref<51200x16xf32, #tpu.memory_space<vmem_shared>> -> memref<51200x16xf32, #tpu.memory_space<vmem_shared>>
        tpu.enqueue_indirect_dma source(%dma_start3A_825 : memref<51200x16xf32, #tpu.memory_space<vmem_shared>>) target(%arg14 : memref<128x16xf32, #tpu.memory_space<vmem>>) offsets(%dma_start3A_822 : memref<128xi32, #tpu.memory_space<vmem>>) semaphore(%arg22 : memref<!tpu.dma_semaphore, #tpu.memory_space<semaphore_mem>>)
      } else {
      }
      %mul3A_528 = arith.constant 2 : i32
      %mul3A_529 = arith.muli %mul3A_528, %scan3A_239 : i32
      %add3A_530 = arith.constant 1 : i32
      %add3A_531 = arith.addi %mul3A_529, %add3A_530 : i32
      %mul3A_532 = arith.constant 8 : i32
      %mul3A_533 = arith.muli %add3A_531, %mul3A_532 : i32
      %add3A_534 = arith.constant 0 : i32
      %add3A_535 = arith.addi %mul3A_533, %add3A_534 : i32
      %dma_wait3A_536 = arith.constant 0 : i32
      %dma_wait3A_537 = tpu.memref_slice %arg9[%dma_wait3A_536] : memref<1024xi32, #tpu.memory_space<vmem>> -> memref<128xi32, #tpu.memory_space<vmem>>
      %dma_wait3A_538 = arith.constant 0 : i32
      %dma_wait3A_539 = arith.constant 0 : i32
      %dma_wait3A_540 = tpu.memref_slice %arg18[%dma_wait3A_538, %dma_wait3A_539] : memref<51200x16xf32, #tpu.memory_space<vmem_shared>> -> memref<51200x16xf32, #tpu.memory_space<vmem_shared>>
      tpu.wait_indirect_dma semaphore(%arg21 : memref<!tpu.dma_semaphore, #tpu.memory_space<semaphore_mem>>) src(%dma_wait3A_540 : memref<51200x16xf32, #tpu.memory_space<vmem_shared>>) dst(%arg13 : memref<128x16xf32, #tpu.memory_space<vmem>>)
      %dma_start3A_541 = arith.constant 0 : i32
      %dma_start3A_542 = arith.constant 0 : i32
      %dma_start3A_543 = tpu.memref_slice %arg12[%dma_start3A_541, %dma_start3A_542] : memref<8x128xi32, #tpu.memory_space<vmem>> -> memref<1x128xi32, #tpu.memory_space<vmem>>
      %dma_start3A_544 = tpu.memref_squeeze %dma_start3A_543 : memref<1x128xi32, #tpu.memory_space<vmem>> -> memref<128xi32, #tpu.memory_space<vmem>>
      %dma_start3A_545 = arith.constant 0 : i32
      %dma_start3A_546 = arith.constant 0 : i32
      %dma_start3A_547 = tpu.memref_slice %arg19[%dma_start3A_545, %dma_start3A_546] : memref<51200x16xf32, #tpu.memory_space<vmem_shared>> -> memref<51200x16xf32, #tpu.memory_space<vmem_shared>>
      tpu.enqueue_indirect_dma source(%arg13 : memref<128x16xf32, #tpu.memory_space<vmem>>) target(%dma_start3A_547 : memref<51200x16xf32, #tpu.memory_space<vmem_shared>>) offsets(%dma_start3A_544 : memref<128xi32, #tpu.memory_space<vmem>>) semaphore(%arg25 : memref<!tpu.dma_semaphore, #tpu.memory_space<semaphore_mem>>) {add = true}
      %dma_start3A_548 = arith.constant 0 : i32
      %dma_start3A_549 = arith.constant 0 : i32
      %dma_start3A_550 = tpu.memref_slice %arg12[%dma_start3A_548, %dma_start3A_549] : memref<8x128xi32, #tpu.memory_space<vmem>> -> memref<1x128xi32, #tpu.memory_space<vmem>>
      %dma_start3A_551 = tpu.memref_squeeze %dma_start3A_550 : memref<1x128xi32, #tpu.memory_space<vmem>> -> memref<128xi32, #tpu.memory_space<vmem>>
      %dma_start3A_552 = arith.constant 0 : i32
      %dma_start3A_553 = tpu.memref_slice %arg20[%dma_start3A_552] : memref<51200xf32, #tpu.memory_space<vmem_shared>> -> memref<51200xf32, #tpu.memory_space<vmem_shared>>
      tpu.enqueue_indirect_dma source(%arg17 : memref<128xf32, #tpu.memory_space<vmem>>) target(%dma_start3A_553 : memref<51200xf32, #tpu.memory_space<vmem_shared>>) offsets(%dma_start3A_551 : memref<128xi32, #tpu.memory_space<vmem>>) semaphore(%arg29 : memref<!tpu.dma_semaphore, #tpu.memory_space<semaphore_mem>>) {add = true}
      %ge3A_554 = arith.constant 2 : i32
      %ge3A_555 = arith.cmpi sge, %add3A_535, %ge3A_554 : i32
      %convert_element_type3A_556 = arith.extui %ge3A_555 : i1 to i32
      %cond3A_557 = arith.constant 0 : i32
      %cond3A_558 = arith.cmpi ne, %convert_element_type3A_556, %cond3A_557 : i32
      scf.if %cond3A_558 {
        %dma_wait3A_821 = arith.constant 0 : i32
        %dma_wait3A_822 = arith.constant 0 : i32
        %dma_wait3A_823 = tpu.memref_slice %arg11[%dma_wait3A_821, %dma_wait3A_822] : memref<8x128xi32, #tpu.memory_space<vmem>> -> memref<1x128xi32, #tpu.memory_space<vmem>>
        %dma_wait3A_824 = tpu.memref_squeeze %dma_wait3A_823 : memref<1x128xi32, #tpu.memory_space<vmem>> -> memref<128xi32, #tpu.memory_space<vmem>>
        %dma_wait3A_825 = arith.constant 0 : i32
        %dma_wait3A_826 = arith.constant 0 : i32
        %dma_wait3A_827 = tpu.memref_slice %arg19[%dma_wait3A_825, %dma_wait3A_826] : memref<51200x16xf32, #tpu.memory_space<vmem_shared>> -> memref<51200x16xf32, #tpu.memory_space<vmem_shared>>
        tpu.wait_indirect_dma semaphore(%arg27 : memref<!tpu.dma_semaphore, #tpu.memory_space<semaphore_mem>>) src(%arg15 : memref<128x16xf32, #tpu.memory_space<vmem>>) dst(%dma_wait3A_827 : memref<51200x16xf32, #tpu.memory_space<vmem_shared>>)
        %dma_wait3A_828 = arith.constant 0 : i32
        %dma_wait3A_829 = arith.constant 0 : i32
        %dma_wait3A_830 = tpu.memref_slice %arg11[%dma_wait3A_828, %dma_wait3A_829] : memref<8x128xi32, #tpu.memory_space<vmem>> -> memref<1x128xi32, #tpu.memory_space<vmem>>
        %dma_wait3A_831 = tpu.memref_squeeze %dma_wait3A_830 : memref<1x128xi32, #tpu.memory_space<vmem>> -> memref<128xi32, #tpu.memory_space<vmem>>
        %dma_wait3A_832 = arith.constant 0 : i32
        %dma_wait3A_833 = tpu.memref_slice %arg20[%dma_wait3A_832] : memref<51200xf32, #tpu.memory_space<vmem_shared>> -> memref<51200xf32, #tpu.memory_space<vmem_shared>>
        tpu.wait_indirect_dma semaphore(%arg31 : memref<!tpu.dma_semaphore, #tpu.memory_space<semaphore_mem>>) src(%arg17 : memref<128xf32, #tpu.memory_space<vmem>>) dst(%dma_wait3A_833 : memref<51200xf32, #tpu.memory_space<vmem_shared>>)
      } else {
      }
      %add3A_559 = arith.constant 2 : i32
      %add3A_560 = arith.addi %add3A_535, %add3A_559 : i32
      %lt3A_561 = arith.constant 400 : i32
      %lt3A_562 = arith.cmpi slt, %add3A_560, %lt3A_561 : i32
      %convert_element_type3A_563 = arith.extui %lt3A_562 : i1 to i32
      %cond3A_564 = arith.constant 0 : i32
      %cond3A_565 = arith.cmpi ne, %convert_element_type3A_563, %cond3A_564 : i32
      scf.if %cond3A_565 {
        %dma_start3A_821 = arith.constant 256 : i32
        %dma_start3A_822 = tpu.memref_slice %arg10[%dma_start3A_821] : memref<1024xi32, #tpu.memory_space<vmem>> -> memref<128xi32, #tpu.memory_space<vmem>>
        %dma_start3A_823 = arith.constant 0 : i32
        %dma_start3A_824 = arith.constant 0 : i32
        %dma_start3A_825 = tpu.memref_slice %arg18[%dma_start3A_823, %dma_start3A_824] : memref<51200x16xf32, #tpu.memory_space<vmem_shared>> -> memref<51200x16xf32, #tpu.memory_space<vmem_shared>>
        tpu.enqueue_indirect_dma source(%dma_start3A_825 : memref<51200x16xf32, #tpu.memory_space<vmem_shared>>) target(%arg15 : memref<128x16xf32, #tpu.memory_space<vmem>>) offsets(%dma_start3A_822 : memref<128xi32, #tpu.memory_space<vmem>>) semaphore(%arg23 : memref<!tpu.dma_semaphore, #tpu.memory_space<semaphore_mem>>)
      } else {
      }
      %mul3A_566 = arith.constant 8 : i32
      %mul3A_567 = arith.muli %add3A_531, %mul3A_566 : i32
      %add3A_568 = arith.constant 1 : i32
      %add3A_569 = arith.addi %mul3A_567, %add3A_568 : i32
      %dma_wait3A_570 = arith.constant 0 : i32
      %dma_wait3A_571 = tpu.memref_slice %arg9[%dma_wait3A_570] : memref<1024xi32, #tpu.memory_space<vmem>> -> memref<128xi32, #tpu.memory_space<vmem>>
      %dma_wait3A_572 = arith.constant 0 : i32
      %dma_wait3A_573 = arith.constant 0 : i32
      %dma_wait3A_574 = tpu.memref_slice %arg18[%dma_wait3A_572, %dma_wait3A_573] : memref<51200x16xf32, #tpu.memory_space<vmem_shared>> -> memref<51200x16xf32, #tpu.memory_space<vmem_shared>>
      tpu.wait_indirect_dma semaphore(%arg22 : memref<!tpu.dma_semaphore, #tpu.memory_space<semaphore_mem>>) src(%dma_wait3A_574 : memref<51200x16xf32, #tpu.memory_space<vmem_shared>>) dst(%arg14 : memref<128x16xf32, #tpu.memory_space<vmem>>)
      %dma_start3A_575 = arith.constant 1 : i32
      %dma_start3A_576 = arith.constant 0 : i32
      %dma_start3A_577 = tpu.memref_slice %arg12[%dma_start3A_575, %dma_start3A_576] : memref<8x128xi32, #tpu.memory_space<vmem>> -> memref<1x128xi32, #tpu.memory_space<vmem>>
      %dma_start3A_578 = tpu.memref_squeeze %dma_start3A_577 : memref<1x128xi32, #tpu.memory_space<vmem>> -> memref<128xi32, #tpu.memory_space<vmem>>
      %dma_start3A_579 = arith.constant 0 : i32
      %dma_start3A_580 = arith.constant 0 : i32
      %dma_start3A_581 = tpu.memref_slice %arg19[%dma_start3A_579, %dma_start3A_580] : memref<51200x16xf32, #tpu.memory_space<vmem_shared>> -> memref<51200x16xf32, #tpu.memory_space<vmem_shared>>
      tpu.enqueue_indirect_dma source(%arg14 : memref<128x16xf32, #tpu.memory_space<vmem>>) target(%dma_start3A_581 : memref<51200x16xf32, #tpu.memory_space<vmem_shared>>) offsets(%dma_start3A_578 : memref<128xi32, #tpu.memory_space<vmem>>) semaphore(%arg26 : memref<!tpu.dma_semaphore, #tpu.memory_space<semaphore_mem>>) {add = true}
      %dma_start3A_582 = arith.constant 1 : i32
      %dma_start3A_583 = arith.constant 0 : i32
      %dma_start3A_584 = tpu.memref_slice %arg12[%dma_start3A_582, %dma_start3A_583] : memref<8x128xi32, #tpu.memory_space<vmem>> -> memref<1x128xi32, #tpu.memory_space<vmem>>
      %dma_start3A_585 = tpu.memref_squeeze %dma_start3A_584 : memref<1x128xi32, #tpu.memory_space<vmem>> -> memref<128xi32, #tpu.memory_space<vmem>>
      %dma_start3A_586 = arith.constant 0 : i32
      %dma_start3A_587 = tpu.memref_slice %arg20[%dma_start3A_586] : memref<51200xf32, #tpu.memory_space<vmem_shared>> -> memref<51200xf32, #tpu.memory_space<vmem_shared>>
      tpu.enqueue_indirect_dma source(%arg17 : memref<128xf32, #tpu.memory_space<vmem>>) target(%dma_start3A_587 : memref<51200xf32, #tpu.memory_space<vmem_shared>>) offsets(%dma_start3A_585 : memref<128xi32, #tpu.memory_space<vmem>>) semaphore(%arg30 : memref<!tpu.dma_semaphore, #tpu.memory_space<semaphore_mem>>) {add = true}
      %ge3A_588 = arith.constant 2 : i32
      %ge3A_589 = arith.cmpi sge, %add3A_569, %ge3A_588 : i32
      %convert_element_type3A_590 = arith.extui %ge3A_589 : i1 to i32
      %cond3A_591 = arith.constant 0 : i32
      %cond3A_592 = arith.cmpi ne, %convert_element_type3A_590, %cond3A_591 : i32
      scf.if %cond3A_592 {
        %dma_wait3A_821 = arith.constant 0 : i32
        %dma_wait3A_822 = arith.constant 0 : i32
        %dma_wait3A_823 = tpu.memref_slice %arg11[%dma_wait3A_821, %dma_wait3A_822] : memref<8x128xi32, #tpu.memory_space<vmem>> -> memref<1x128xi32, #tpu.memory_space<vmem>>
        %dma_wait3A_824 = tpu.memref_squeeze %dma_wait3A_823 : memref<1x128xi32, #tpu.memory_space<vmem>> -> memref<128xi32, #tpu.memory_space<vmem>>
        %dma_wait3A_825 = arith.constant 0 : i32
        %dma_wait3A_826 = arith.constant 0 : i32
        %dma_wait3A_827 = tpu.memref_slice %arg19[%dma_wait3A_825, %dma_wait3A_826] : memref<51200x16xf32, #tpu.memory_space<vmem_shared>> -> memref<51200x16xf32, #tpu.memory_space<vmem_shared>>
        tpu.wait_indirect_dma semaphore(%arg28 : memref<!tpu.dma_semaphore, #tpu.memory_space<semaphore_mem>>) src(%arg16 : memref<128x16xf32, #tpu.memory_space<vmem>>) dst(%dma_wait3A_827 : memref<51200x16xf32, #tpu.memory_space<vmem_shared>>)
        %dma_wait3A_828 = arith.constant 0 : i32
        %dma_wait3A_829 = arith.constant 0 : i32
        %dma_wait3A_830 = tpu.memref_slice %arg11[%dma_wait3A_828, %dma_wait3A_829] : memref<8x128xi32, #tpu.memory_space<vmem>> -> memref<1x128xi32, #tpu.memory_space<vmem>>
        %dma_wait3A_831 = tpu.memref_squeeze %dma_wait3A_830 : memref<1x128xi32, #tpu.memory_space<vmem>> -> memref<128xi32, #tpu.memory_space<vmem>>
        %dma_wait3A_832 = arith.constant 0 : i32
        %dma_wait3A_833 = tpu.memref_slice %arg20[%dma_wait3A_832] : memref<51200xf32, #tpu.memory_space<vmem_shared>> -> memref<51200xf32, #tpu.memory_space<vmem_shared>>
        tpu.wait_indirect_dma semaphore(%arg32 : memref<!tpu.dma_semaphore, #tpu.memory_space<semaphore_mem>>) src(%arg17 : memref<128xf32, #tpu.memory_space<vmem>>) dst(%dma_wait3A_833 : memref<51200xf32, #tpu.memory_space<vmem_shared>>)
      } else {
      }
      %add3A_593 = arith.constant 2 : i32
      %add3A_594 = arith.addi %add3A_569, %add3A_593 : i32
      %lt3A_595 = arith.constant 400 : i32
      %lt3A_596 = arith.cmpi slt, %add3A_594, %lt3A_595 : i32
      %convert_element_type3A_597 = arith.extui %lt3A_596 : i1 to i32
      %cond3A_598 = arith.constant 0 : i32
      %cond3A_599 = arith.cmpi ne, %convert_element_type3A_597, %cond3A_598 : i32
      scf.if %cond3A_599 {
        %dma_start3A_821 = arith.constant 384 : i32
        %dma_start3A_822 = tpu.memref_slice %arg10[%dma_start3A_821] : memref<1024xi32, #tpu.memory_space<vmem>> -> memref<128xi32, #tpu.memory_space<vmem>>
        %dma_start3A_823 = arith.constant 0 : i32
        %dma_start3A_824 = arith.constant 0 : i32
        %dma_start3A_825 = tpu.memref_slice %arg18[%dma_start3A_823, %dma_start3A_824] : memref<51200x16xf32, #tpu.memory_space<vmem_shared>> -> memref<51200x16xf32, #tpu.memory_space<vmem_shared>>
        tpu.enqueue_indirect_dma source(%dma_start3A_825 : memref<51200x16xf32, #tpu.memory_space<vmem_shared>>) target(%arg16 : memref<128x16xf32, #tpu.memory_space<vmem>>) offsets(%dma_start3A_822 : memref<128xi32, #tpu.memory_space<vmem>>) semaphore(%arg24 : memref<!tpu.dma_semaphore, #tpu.memory_space<semaphore_mem>>)
      } else {
      }
      %ge3A_600 = arith.constant 1 : i32
      %ge3A_601 = arith.cmpi sge, %add3A_531, %ge3A_600 : i32
      %add3A_602 = arith.constant 1 : i32
      %add3A_603 = arith.addi %add3A_531, %add3A_602 : i32
      %lt3A_604 = arith.constant 50 : i32
      %lt3A_605 = arith.cmpi slt, %add3A_603, %lt3A_604 : i32
      %and3A_606 = arith.andi %ge3A_601, %lt3A_605 : i1
      %convert_element_type3A_607 = arith.extui %and3A_606 : i1 to i32
      %cond3A_608 = arith.constant 0 : i32
      %cond3A_609 = arith.cmpi ne, %convert_element_type3A_607, %cond3A_608 : i32
      scf.if %cond3A_609 {
        %add3A_821 = arith.constant 1 : i32
        %add3A_822 = arith.addi %add3A_531, %add3A_821 : i32
        %mul3A_823 = arith.constant 51200 : i32
        %mul3A_824 = arith.muli %arg1, %mul3A_823 : i32
        %mul3A_825 = arith.constant 8 : i32
        %mul3A_826 = arith.muli %add3A_822, %mul3A_825 : i32
        %mul3A_827 = arith.constant 128 : i32
        %mul3A_828 = arith.muli %mul3A_826, %mul3A_827 : i32
        %add3A_829 = arith.addi %mul3A_824, %mul3A_828 : i32
        %dma_start3A_830 = tpu.memref_slice %arg3[%add3A_829] : memref<819200xi32, #tpu.memory_space<hbm>> -> memref<1024xi32, #tpu.memory_space<hbm>>
        %dma_start3A_831 = tpu.memref_slice %arg3[%add3A_829] : memref<819200xi32, #tpu.memory_space<hbm>> -> memref<1024xi32, #tpu.memory_space<hbm>>
        tpu.enqueue_dma source(%dma_start3A_831 : memref<1024xi32, #tpu.memory_space<hbm>>) target(%arg9 : memref<1024xi32, #tpu.memory_space<vmem>>) target_semaphore(%arg33 : memref<!tpu.dma_semaphore, #tpu.memory_space<semaphore_mem>>)
        %mul3A_832 = arith.constant 400 : i32
        %mul3A_833 = arith.muli %arg1, %mul3A_832 : i32
        %mul3A_834 = arith.constant 8 : i32
        %mul3A_835 = arith.muli %add3A_822, %mul3A_834 : i32
        %add3A_836 = arith.addi %mul3A_833, %mul3A_835 : i32
        %dma_start3A_837 = arith.constant 0 : i32
        %dma_start3A_838 = tpu.memref_slice %arg4[%add3A_836, %dma_start3A_837] : memref<6400x128xi32, #tpu.memory_space<hbm>> -> memref<8x128xi32, #tpu.memory_space<hbm>>
        %dma_start3A_839 = arith.constant 0 : i32
        %dma_start3A_840 = tpu.memref_slice %arg4[%add3A_836, %dma_start3A_839] : memref<6400x128xi32, #tpu.memory_space<hbm>> -> memref<8x128xi32, #tpu.memory_space<hbm>>
        tpu.enqueue_dma source(%dma_start3A_840 : memref<8x128xi32, #tpu.memory_space<hbm>>) target(%arg11 : memref<8x128xi32, #tpu.memory_space<vmem>>) target_semaphore(%arg33 : memref<!tpu.dma_semaphore, #tpu.memory_space<semaphore_mem>>)
      } else {
      }
      %mul3A_610 = arith.constant 8 : i32
      %mul3A_611 = arith.muli %add3A_531, %mul3A_610 : i32
      %add3A_612 = arith.constant 2 : i32
      %add3A_613 = arith.addi %mul3A_611, %add3A_612 : i32
      %dma_wait3A_614 = arith.constant 0 : i32
      %dma_wait3A_615 = tpu.memref_slice %arg9[%dma_wait3A_614] : memref<1024xi32, #tpu.memory_space<vmem>> -> memref<128xi32, #tpu.memory_space<vmem>>
      %dma_wait3A_616 = arith.constant 0 : i32
      %dma_wait3A_617 = arith.constant 0 : i32
      %dma_wait3A_618 = tpu.memref_slice %arg18[%dma_wait3A_616, %dma_wait3A_617] : memref<51200x16xf32, #tpu.memory_space<vmem_shared>> -> memref<51200x16xf32, #tpu.memory_space<vmem_shared>>
      tpu.wait_indirect_dma semaphore(%arg23 : memref<!tpu.dma_semaphore, #tpu.memory_space<semaphore_mem>>) src(%dma_wait3A_618 : memref<51200x16xf32, #tpu.memory_space<vmem_shared>>) dst(%arg15 : memref<128x16xf32, #tpu.memory_space<vmem>>)
      %dma_start3A_619 = arith.constant 2 : i32
      %dma_start3A_620 = arith.constant 0 : i32
      %dma_start3A_621 = tpu.memref_slice %arg12[%dma_start3A_619, %dma_start3A_620] : memref<8x128xi32, #tpu.memory_space<vmem>> -> memref<1x128xi32, #tpu.memory_space<vmem>>
      %dma_start3A_622 = tpu.memref_squeeze %dma_start3A_621 : memref<1x128xi32, #tpu.memory_space<vmem>> -> memref<128xi32, #tpu.memory_space<vmem>>
      %dma_start3A_623 = arith.constant 0 : i32
      %dma_start3A_624 = arith.constant 0 : i32
      %dma_start3A_625 = tpu.memref_slice %arg19[%dma_start3A_623, %dma_start3A_624] : memref<51200x16xf32, #tpu.memory_space<vmem_shared>> -> memref<51200x16xf32, #tpu.memory_space<vmem_shared>>
      tpu.enqueue_indirect_dma source(%arg15 : memref<128x16xf32, #tpu.memory_space<vmem>>) target(%dma_start3A_625 : memref<51200x16xf32, #tpu.memory_space<vmem_shared>>) offsets(%dma_start3A_622 : memref<128xi32, #tpu.memory_space<vmem>>) semaphore(%arg27 : memref<!tpu.dma_semaphore, #tpu.memory_space<semaphore_mem>>) {add = true}
      %dma_start3A_626 = arith.constant 2 : i32
      %dma_start3A_627 = arith.constant 0 : i32
      %dma_start3A_628 = tpu.memref_slice %arg12[%dma_start3A_626, %dma_start3A_627] : memref<8x128xi32, #tpu.memory_space<vmem>> -> memref<1x128xi32, #tpu.memory_space<vmem>>
      %dma_start3A_629 = tpu.memref_squeeze %dma_start3A_628 : memref<1x128xi32, #tpu.memory_space<vmem>> -> memref<128xi32, #tpu.memory_space<vmem>>
      %dma_start3A_630 = arith.constant 0 : i32
      %dma_start3A_631 = tpu.memref_slice %arg20[%dma_start3A_630] : memref<51200xf32, #tpu.memory_space<vmem_shared>> -> memref<51200xf32, #tpu.memory_space<vmem_shared>>
      tpu.enqueue_indirect_dma source(%arg17 : memref<128xf32, #tpu.memory_space<vmem>>) target(%dma_start3A_631 : memref<51200xf32, #tpu.memory_space<vmem_shared>>) offsets(%dma_start3A_629 : memref<128xi32, #tpu.memory_space<vmem>>) semaphore(%arg31 : memref<!tpu.dma_semaphore, #tpu.memory_space<semaphore_mem>>) {add = true}
      %ge3A_632 = arith.constant 2 : i32
      %ge3A_633 = arith.cmpi sge, %add3A_613, %ge3A_632 : i32
      %convert_element_type3A_634 = arith.extui %ge3A_633 : i1 to i32
      %cond3A_635 = arith.constant 0 : i32
      %cond3A_636 = arith.cmpi ne, %convert_element_type3A_634, %cond3A_635 : i32
      scf.if %cond3A_636 {
        %dma_wait3A_821 = arith.constant 0 : i32
        %dma_wait3A_822 = arith.constant 0 : i32
        %dma_wait3A_823 = tpu.memref_slice %arg11[%dma_wait3A_821, %dma_wait3A_822] : memref<8x128xi32, #tpu.memory_space<vmem>> -> memref<1x128xi32, #tpu.memory_space<vmem>>
        %dma_wait3A_824 = tpu.memref_squeeze %dma_wait3A_823 : memref<1x128xi32, #tpu.memory_space<vmem>> -> memref<128xi32, #tpu.memory_space<vmem>>
        %dma_wait3A_825 = arith.constant 0 : i32
        %dma_wait3A_826 = arith.constant 0 : i32
        %dma_wait3A_827 = tpu.memref_slice %arg19[%dma_wait3A_825, %dma_wait3A_826] : memref<51200x16xf32, #tpu.memory_space<vmem_shared>> -> memref<51200x16xf32, #tpu.memory_space<vmem_shared>>
        tpu.wait_indirect_dma semaphore(%arg25 : memref<!tpu.dma_semaphore, #tpu.memory_space<semaphore_mem>>) src(%arg13 : memref<128x16xf32, #tpu.memory_space<vmem>>) dst(%dma_wait3A_827 : memref<51200x16xf32, #tpu.memory_space<vmem_shared>>)
        %dma_wait3A_828 = arith.constant 0 : i32
        %dma_wait3A_829 = arith.constant 0 : i32
        %dma_wait3A_830 = tpu.memref_slice %arg11[%dma_wait3A_828, %dma_wait3A_829] : memref<8x128xi32, #tpu.memory_space<vmem>> -> memref<1x128xi32, #tpu.memory_space<vmem>>
        %dma_wait3A_831 = tpu.memref_squeeze %dma_wait3A_830 : memref<1x128xi32, #tpu.memory_space<vmem>> -> memref<128xi32, #tpu.memory_space<vmem>>
        %dma_wait3A_832 = arith.constant 0 : i32
        %dma_wait3A_833 = tpu.memref_slice %arg20[%dma_wait3A_832] : memref<51200xf32, #tpu.memory_space<vmem_shared>> -> memref<51200xf32, #tpu.memory_space<vmem_shared>>
        tpu.wait_indirect_dma semaphore(%arg29 : memref<!tpu.dma_semaphore, #tpu.memory_space<semaphore_mem>>) src(%arg17 : memref<128xf32, #tpu.memory_space<vmem>>) dst(%dma_wait3A_833 : memref<51200xf32, #tpu.memory_space<vmem_shared>>)
      } else {
      }
      %add3A_637 = arith.constant 2 : i32
      %add3A_638 = arith.addi %add3A_613, %add3A_637 : i32
      %lt3A_639 = arith.constant 400 : i32
      %lt3A_640 = arith.cmpi slt, %add3A_638, %lt3A_639 : i32
      %convert_element_type3A_641 = arith.extui %lt3A_640 : i1 to i32
      %cond3A_642 = arith.constant 0 : i32
      %cond3A_643 = arith.cmpi ne, %convert_element_type3A_641, %cond3A_642 : i32
      scf.if %cond3A_643 {
        %dma_start3A_821 = arith.constant 512 : i32
        %dma_start3A_822 = tpu.memref_slice %arg10[%dma_start3A_821] : memref<1024xi32, #tpu.memory_space<vmem>> -> memref<128xi32, #tpu.memory_space<vmem>>
        %dma_start3A_823 = arith.constant 0 : i32
        %dma_start3A_824 = arith.constant 0 : i32
        %dma_start3A_825 = tpu.memref_slice %arg18[%dma_start3A_823, %dma_start3A_824] : memref<51200x16xf32, #tpu.memory_space<vmem_shared>> -> memref<51200x16xf32, #tpu.memory_space<vmem_shared>>
        tpu.enqueue_indirect_dma source(%dma_start3A_825 : memref<51200x16xf32, #tpu.memory_space<vmem_shared>>) target(%arg13 : memref<128x16xf32, #tpu.memory_space<vmem>>) offsets(%dma_start3A_822 : memref<128xi32, #tpu.memory_space<vmem>>) semaphore(%arg21 : memref<!tpu.dma_semaphore, #tpu.memory_space<semaphore_mem>>)
      } else {
      }
      %mul3A_644 = arith.constant 8 : i32
      %mul3A_645 = arith.muli %add3A_531, %mul3A_644 : i32
      %add3A_646 = arith.constant 3 : i32
      %add3A_647 = arith.addi %mul3A_645, %add3A_646 : i32
      %dma_wait3A_648 = arith.constant 0 : i32
      %dma_wait3A_649 = tpu.memref_slice %arg9[%dma_wait3A_648] : memref<1024xi32, #tpu.memory_space<vmem>> -> memref<128xi32, #tpu.memory_space<vmem>>
      %dma_wait3A_650 = arith.constant 0 : i32
      %dma_wait3A_651 = arith.constant 0 : i32
      %dma_wait3A_652 = tpu.memref_slice %arg18[%dma_wait3A_650, %dma_wait3A_651] : memref<51200x16xf32, #tpu.memory_space<vmem_shared>> -> memref<51200x16xf32, #tpu.memory_space<vmem_shared>>
      tpu.wait_indirect_dma semaphore(%arg24 : memref<!tpu.dma_semaphore, #tpu.memory_space<semaphore_mem>>) src(%dma_wait3A_652 : memref<51200x16xf32, #tpu.memory_space<vmem_shared>>) dst(%arg16 : memref<128x16xf32, #tpu.memory_space<vmem>>)
      %dma_start3A_653 = arith.constant 3 : i32
      %dma_start3A_654 = arith.constant 0 : i32
      %dma_start3A_655 = tpu.memref_slice %arg12[%dma_start3A_653, %dma_start3A_654] : memref<8x128xi32, #tpu.memory_space<vmem>> -> memref<1x128xi32, #tpu.memory_space<vmem>>
      %dma_start3A_656 = tpu.memref_squeeze %dma_start3A_655 : memref<1x128xi32, #tpu.memory_space<vmem>> -> memref<128xi32, #tpu.memory_space<vmem>>
      %dma_start3A_657 = arith.constant 0 : i32
      %dma_start3A_658 = arith.constant 0 : i32
      %dma_start3A_659 = tpu.memref_slice %arg19[%dma_start3A_657, %dma_start3A_658] : memref<51200x16xf32, #tpu.memory_space<vmem_shared>> -> memref<51200x16xf32, #tpu.memory_space<vmem_shared>>
      tpu.enqueue_indirect_dma source(%arg16 : memref<128x16xf32, #tpu.memory_space<vmem>>) target(%dma_start3A_659 : memref<51200x16xf32, #tpu.memory_space<vmem_shared>>) offsets(%dma_start3A_656 : memref<128xi32, #tpu.memory_space<vmem>>) semaphore(%arg28 : memref<!tpu.dma_semaphore, #tpu.memory_space<semaphore_mem>>) {add = true}
      %dma_start3A_660 = arith.constant 3 : i32
      %dma_start3A_661 = arith.constant 0 : i32
      %dma_start3A_662 = tpu.memref_slice %arg12[%dma_start3A_660, %dma_start3A_661] : memref<8x128xi32, #tpu.memory_space<vmem>> -> memref<1x128xi32, #tpu.memory_space<vmem>>
      %dma_start3A_663 = tpu.memref_squeeze %dma_start3A_662 : memref<1x128xi32, #tpu.memory_space<vmem>> -> memref<128xi32, #tpu.memory_space<vmem>>
      %dma_start3A_664 = arith.constant 0 : i32
      %dma_start3A_665 = tpu.memref_slice %arg20[%dma_start3A_664] : memref<51200xf32, #tpu.memory_space<vmem_shared>> -> memref<51200xf32, #tpu.memory_space<vmem_shared>>
      tpu.enqueue_indirect_dma source(%arg17 : memref<128xf32, #tpu.memory_space<vmem>>) target(%dma_start3A_665 : memref<51200xf32, #tpu.memory_space<vmem_shared>>) offsets(%dma_start3A_663 : memref<128xi32, #tpu.memory_space<vmem>>) semaphore(%arg32 : memref<!tpu.dma_semaphore, #tpu.memory_space<semaphore_mem>>) {add = true}
      %ge3A_666 = arith.constant 2 : i32
      %ge3A_667 = arith.cmpi sge, %add3A_647, %ge3A_666 : i32
      %convert_element_type3A_668 = arith.extui %ge3A_667 : i1 to i32
      %cond3A_669 = arith.constant 0 : i32
      %cond3A_670 = arith.cmpi ne, %convert_element_type3A_668, %cond3A_669 : i32
      scf.if %cond3A_670 {
        %dma_wait3A_821 = arith.constant 0 : i32
        %dma_wait3A_822 = arith.constant 0 : i32
        %dma_wait3A_823 = tpu.memref_slice %arg11[%dma_wait3A_821, %dma_wait3A_822] : memref<8x128xi32, #tpu.memory_space<vmem>> -> memref<1x128xi32, #tpu.memory_space<vmem>>
        %dma_wait3A_824 = tpu.memref_squeeze %dma_wait3A_823 : memref<1x128xi32, #tpu.memory_space<vmem>> -> memref<128xi32, #tpu.memory_space<vmem>>
        %dma_wait3A_825 = arith.constant 0 : i32
        %dma_wait3A_826 = arith.constant 0 : i32
        %dma_wait3A_827 = tpu.memref_slice %arg19[%dma_wait3A_825, %dma_wait3A_826] : memref<51200x16xf32, #tpu.memory_space<vmem_shared>> -> memref<51200x16xf32, #tpu.memory_space<vmem_shared>>
        tpu.wait_indirect_dma semaphore(%arg26 : memref<!tpu.dma_semaphore, #tpu.memory_space<semaphore_mem>>) src(%arg14 : memref<128x16xf32, #tpu.memory_space<vmem>>) dst(%dma_wait3A_827 : memref<51200x16xf32, #tpu.memory_space<vmem_shared>>)
        %dma_wait3A_828 = arith.constant 0 : i32
        %dma_wait3A_829 = arith.constant 0 : i32
        %dma_wait3A_830 = tpu.memref_slice %arg11[%dma_wait3A_828, %dma_wait3A_829] : memref<8x128xi32, #tpu.memory_space<vmem>> -> memref<1x128xi32, #tpu.memory_space<vmem>>
        %dma_wait3A_831 = tpu.memref_squeeze %dma_wait3A_830 : memref<1x128xi32, #tpu.memory_space<vmem>> -> memref<128xi32, #tpu.memory_space<vmem>>
        %dma_wait3A_832 = arith.constant 0 : i32
        %dma_wait3A_833 = tpu.memref_slice %arg20[%dma_wait3A_832] : memref<51200xf32, #tpu.memory_space<vmem_shared>> -> memref<51200xf32, #tpu.memory_space<vmem_shared>>
        tpu.wait_indirect_dma semaphore(%arg30 : memref<!tpu.dma_semaphore, #tpu.memory_space<semaphore_mem>>) src(%arg17 : memref<128xf32, #tpu.memory_space<vmem>>) dst(%dma_wait3A_833 : memref<51200xf32, #tpu.memory_space<vmem_shared>>)
      } else {
      }
      %add3A_671 = arith.constant 2 : i32
      %add3A_672 = arith.addi %add3A_647, %add3A_671 : i32
      %lt3A_673 = arith.constant 400 : i32
      %lt3A_674 = arith.cmpi slt, %add3A_672, %lt3A_673 : i32
      %convert_element_type3A_675 = arith.extui %lt3A_674 : i1 to i32
      %cond3A_676 = arith.constant 0 : i32
      %cond3A_677 = arith.cmpi ne, %convert_element_type3A_675, %cond3A_676 : i32
      scf.if %cond3A_677 {
        %dma_start3A_821 = arith.constant 640 : i32
        %dma_start3A_822 = tpu.memref_slice %arg10[%dma_start3A_821] : memref<1024xi32, #tpu.memory_space<vmem>> -> memref<128xi32, #tpu.memory_space<vmem>>
        %dma_start3A_823 = arith.constant 0 : i32
        %dma_start3A_824 = arith.constant 0 : i32
        %dma_start3A_825 = tpu.memref_slice %arg18[%dma_start3A_823, %dma_start3A_824] : memref<51200x16xf32, #tpu.memory_space<vmem_shared>> -> memref<51200x16xf32, #tpu.memory_space<vmem_shared>>
        tpu.enqueue_indirect_dma source(%dma_start3A_825 : memref<51200x16xf32, #tpu.memory_space<vmem_shared>>) target(%arg14 : memref<128x16xf32, #tpu.memory_space<vmem>>) offsets(%dma_start3A_822 : memref<128xi32, #tpu.memory_space<vmem>>) semaphore(%arg22 : memref<!tpu.dma_semaphore, #tpu.memory_space<semaphore_mem>>)
      } else {
      }
      %mul3A_678 = arith.constant 8 : i32
      %mul3A_679 = arith.muli %add3A_531, %mul3A_678 : i32
      %add3A_680 = arith.constant 4 : i32
      %add3A_681 = arith.addi %mul3A_679, %add3A_680 : i32
      %dma_wait3A_682 = arith.constant 0 : i32
      %dma_wait3A_683 = tpu.memref_slice %arg9[%dma_wait3A_682] : memref<1024xi32, #tpu.memory_space<vmem>> -> memref<128xi32, #tpu.memory_space<vmem>>
      %dma_wait3A_684 = arith.constant 0 : i32
      %dma_wait3A_685 = arith.constant 0 : i32
      %dma_wait3A_686 = tpu.memref_slice %arg18[%dma_wait3A_684, %dma_wait3A_685] : memref<51200x16xf32, #tpu.memory_space<vmem_shared>> -> memref<51200x16xf32, #tpu.memory_space<vmem_shared>>
      tpu.wait_indirect_dma semaphore(%arg21 : memref<!tpu.dma_semaphore, #tpu.memory_space<semaphore_mem>>) src(%dma_wait3A_686 : memref<51200x16xf32, #tpu.memory_space<vmem_shared>>) dst(%arg13 : memref<128x16xf32, #tpu.memory_space<vmem>>)
      %dma_start3A_687 = arith.constant 4 : i32
      %dma_start3A_688 = arith.constant 0 : i32
      %dma_start3A_689 = tpu.memref_slice %arg12[%dma_start3A_687, %dma_start3A_688] : memref<8x128xi32, #tpu.memory_space<vmem>> -> memref<1x128xi32, #tpu.memory_space<vmem>>
      %dma_start3A_690 = tpu.memref_squeeze %dma_start3A_689 : memref<1x128xi32, #tpu.memory_space<vmem>> -> memref<128xi32, #tpu.memory_space<vmem>>
      %dma_start3A_691 = arith.constant 0 : i32
      %dma_start3A_692 = arith.constant 0 : i32
      %dma_start3A_693 = tpu.memref_slice %arg19[%dma_start3A_691, %dma_start3A_692] : memref<51200x16xf32, #tpu.memory_space<vmem_shared>> -> memref<51200x16xf32, #tpu.memory_space<vmem_shared>>
      tpu.enqueue_indirect_dma source(%arg13 : memref<128x16xf32, #tpu.memory_space<vmem>>) target(%dma_start3A_693 : memref<51200x16xf32, #tpu.memory_space<vmem_shared>>) offsets(%dma_start3A_690 : memref<128xi32, #tpu.memory_space<vmem>>) semaphore(%arg25 : memref<!tpu.dma_semaphore, #tpu.memory_space<semaphore_mem>>) {add = true}
      %dma_start3A_694 = arith.constant 4 : i32
      %dma_start3A_695 = arith.constant 0 : i32
      %dma_start3A_696 = tpu.memref_slice %arg12[%dma_start3A_694, %dma_start3A_695] : memref<8x128xi32, #tpu.memory_space<vmem>> -> memref<1x128xi32, #tpu.memory_space<vmem>>
      %dma_start3A_697 = tpu.memref_squeeze %dma_start3A_696 : memref<1x128xi32, #tpu.memory_space<vmem>> -> memref<128xi32, #tpu.memory_space<vmem>>
      %dma_start3A_698 = arith.constant 0 : i32
      %dma_start3A_699 = tpu.memref_slice %arg20[%dma_start3A_698] : memref<51200xf32, #tpu.memory_space<vmem_shared>> -> memref<51200xf32, #tpu.memory_space<vmem_shared>>
      tpu.enqueue_indirect_dma source(%arg17 : memref<128xf32, #tpu.memory_space<vmem>>) target(%dma_start3A_699 : memref<51200xf32, #tpu.memory_space<vmem_shared>>) offsets(%dma_start3A_697 : memref<128xi32, #tpu.memory_space<vmem>>) semaphore(%arg29 : memref<!tpu.dma_semaphore, #tpu.memory_space<semaphore_mem>>) {add = true}
      %ge3A_700 = arith.constant 2 : i32
      %ge3A_701 = arith.cmpi sge, %add3A_681, %ge3A_700 : i32
      %convert_element_type3A_702 = arith.extui %ge3A_701 : i1 to i32
      %cond3A_703 = arith.constant 0 : i32
      %cond3A_704 = arith.cmpi ne, %convert_element_type3A_702, %cond3A_703 : i32
      scf.if %cond3A_704 {
        %dma_wait3A_821 = arith.constant 0 : i32
        %dma_wait3A_822 = arith.constant 0 : i32
        %dma_wait3A_823 = tpu.memref_slice %arg11[%dma_wait3A_821, %dma_wait3A_822] : memref<8x128xi32, #tpu.memory_space<vmem>> -> memref<1x128xi32, #tpu.memory_space<vmem>>
        %dma_wait3A_824 = tpu.memref_squeeze %dma_wait3A_823 : memref<1x128xi32, #tpu.memory_space<vmem>> -> memref<128xi32, #tpu.memory_space<vmem>>
        %dma_wait3A_825 = arith.constant 0 : i32
        %dma_wait3A_826 = arith.constant 0 : i32
        %dma_wait3A_827 = tpu.memref_slice %arg19[%dma_wait3A_825, %dma_wait3A_826] : memref<51200x16xf32, #tpu.memory_space<vmem_shared>> -> memref<51200x16xf32, #tpu.memory_space<vmem_shared>>
        tpu.wait_indirect_dma semaphore(%arg27 : memref<!tpu.dma_semaphore, #tpu.memory_space<semaphore_mem>>) src(%arg15 : memref<128x16xf32, #tpu.memory_space<vmem>>) dst(%dma_wait3A_827 : memref<51200x16xf32, #tpu.memory_space<vmem_shared>>)
        %dma_wait3A_828 = arith.constant 0 : i32
        %dma_wait3A_829 = arith.constant 0 : i32
        %dma_wait3A_830 = tpu.memref_slice %arg11[%dma_wait3A_828, %dma_wait3A_829] : memref<8x128xi32, #tpu.memory_space<vmem>> -> memref<1x128xi32, #tpu.memory_space<vmem>>
        %dma_wait3A_831 = tpu.memref_squeeze %dma_wait3A_830 : memref<1x128xi32, #tpu.memory_space<vmem>> -> memref<128xi32, #tpu.memory_space<vmem>>
        %dma_wait3A_832 = arith.constant 0 : i32
        %dma_wait3A_833 = tpu.memref_slice %arg20[%dma_wait3A_832] : memref<51200xf32, #tpu.memory_space<vmem_shared>> -> memref<51200xf32, #tpu.memory_space<vmem_shared>>
        tpu.wait_indirect_dma semaphore(%arg31 : memref<!tpu.dma_semaphore, #tpu.memory_space<semaphore_mem>>) src(%arg17 : memref<128xf32, #tpu.memory_space<vmem>>) dst(%dma_wait3A_833 : memref<51200xf32, #tpu.memory_space<vmem_shared>>)
      } else {
      }
      %add3A_705 = arith.constant 2 : i32
      %add3A_706 = arith.addi %add3A_681, %add3A_705 : i32
      %lt3A_707 = arith.constant 400 : i32
      %lt3A_708 = arith.cmpi slt, %add3A_706, %lt3A_707 : i32
      %convert_element_type3A_709 = arith.extui %lt3A_708 : i1 to i32
      %cond3A_710 = arith.constant 0 : i32
      %cond3A_711 = arith.cmpi ne, %convert_element_type3A_709, %cond3A_710 : i32
      scf.if %cond3A_711 {
        %dma_start3A_821 = arith.constant 768 : i32
        %dma_start3A_822 = tpu.memref_slice %arg10[%dma_start3A_821] : memref<1024xi32, #tpu.memory_space<vmem>> -> memref<128xi32, #tpu.memory_space<vmem>>
        %dma_start3A_823 = arith.constant 0 : i32
        %dma_start3A_824 = arith.constant 0 : i32
        %dma_start3A_825 = tpu.memref_slice %arg18[%dma_start3A_823, %dma_start3A_824] : memref<51200x16xf32, #tpu.memory_space<vmem_shared>> -> memref<51200x16xf32, #tpu.memory_space<vmem_shared>>
        tpu.enqueue_indirect_dma source(%dma_start3A_825 : memref<51200x16xf32, #tpu.memory_space<vmem_shared>>) target(%arg15 : memref<128x16xf32, #tpu.memory_space<vmem>>) offsets(%dma_start3A_822 : memref<128xi32, #tpu.memory_space<vmem>>) semaphore(%arg23 : memref<!tpu.dma_semaphore, #tpu.memory_space<semaphore_mem>>)
      } else {
      }
      %mul3A_712 = arith.constant 8 : i32
      %mul3A_713 = arith.muli %add3A_531, %mul3A_712 : i32
      %add3A_714 = arith.constant 5 : i32
      %add3A_715 = arith.addi %mul3A_713, %add3A_714 : i32
      %dma_wait3A_716 = arith.constant 0 : i32
      %dma_wait3A_717 = tpu.memref_slice %arg9[%dma_wait3A_716] : memref<1024xi32, #tpu.memory_space<vmem>> -> memref<128xi32, #tpu.memory_space<vmem>>
      %dma_wait3A_718 = arith.constant 0 : i32
      %dma_wait3A_719 = arith.constant 0 : i32
      %dma_wait3A_720 = tpu.memref_slice %arg18[%dma_wait3A_718, %dma_wait3A_719] : memref<51200x16xf32, #tpu.memory_space<vmem_shared>> -> memref<51200x16xf32, #tpu.memory_space<vmem_shared>>
      tpu.wait_indirect_dma semaphore(%arg22 : memref<!tpu.dma_semaphore, #tpu.memory_space<semaphore_mem>>) src(%dma_wait3A_720 : memref<51200x16xf32, #tpu.memory_space<vmem_shared>>) dst(%arg14 : memref<128x16xf32, #tpu.memory_space<vmem>>)
      %dma_start3A_721 = arith.constant 5 : i32
      %dma_start3A_722 = arith.constant 0 : i32
      %dma_start3A_723 = tpu.memref_slice %arg12[%dma_start3A_721, %dma_start3A_722] : memref<8x128xi32, #tpu.memory_space<vmem>> -> memref<1x128xi32, #tpu.memory_space<vmem>>
      %dma_start3A_724 = tpu.memref_squeeze %dma_start3A_723 : memref<1x128xi32, #tpu.memory_space<vmem>> -> memref<128xi32, #tpu.memory_space<vmem>>
      %dma_start3A_725 = arith.constant 0 : i32
      %dma_start3A_726 = arith.constant 0 : i32
      %dma_start3A_727 = tpu.memref_slice %arg19[%dma_start3A_725, %dma_start3A_726] : memref<51200x16xf32, #tpu.memory_space<vmem_shared>> -> memref<51200x16xf32, #tpu.memory_space<vmem_shared>>
      tpu.enqueue_indirect_dma source(%arg14 : memref<128x16xf32, #tpu.memory_space<vmem>>) target(%dma_start3A_727 : memref<51200x16xf32, #tpu.memory_space<vmem_shared>>) offsets(%dma_start3A_724 : memref<128xi32, #tpu.memory_space<vmem>>) semaphore(%arg26 : memref<!tpu.dma_semaphore, #tpu.memory_space<semaphore_mem>>) {add = true}
      %dma_start3A_728 = arith.constant 5 : i32
      %dma_start3A_729 = arith.constant 0 : i32
      %dma_start3A_730 = tpu.memref_slice %arg12[%dma_start3A_728, %dma_start3A_729] : memref<8x128xi32, #tpu.memory_space<vmem>> -> memref<1x128xi32, #tpu.memory_space<vmem>>
      %dma_start3A_731 = tpu.memref_squeeze %dma_start3A_730 : memref<1x128xi32, #tpu.memory_space<vmem>> -> memref<128xi32, #tpu.memory_space<vmem>>
      %dma_start3A_732 = arith.constant 0 : i32
      %dma_start3A_733 = tpu.memref_slice %arg20[%dma_start3A_732] : memref<51200xf32, #tpu.memory_space<vmem_shared>> -> memref<51200xf32, #tpu.memory_space<vmem_shared>>
      tpu.enqueue_indirect_dma source(%arg17 : memref<128xf32, #tpu.memory_space<vmem>>) target(%dma_start3A_733 : memref<51200xf32, #tpu.memory_space<vmem_shared>>) offsets(%dma_start3A_731 : memref<128xi32, #tpu.memory_space<vmem>>) semaphore(%arg30 : memref<!tpu.dma_semaphore, #tpu.memory_space<semaphore_mem>>) {add = true}
      %ge3A_734 = arith.constant 2 : i32
      %ge3A_735 = arith.cmpi sge, %add3A_715, %ge3A_734 : i32
      %convert_element_type3A_736 = arith.extui %ge3A_735 : i1 to i32
      %cond3A_737 = arith.constant 0 : i32
      %cond3A_738 = arith.cmpi ne, %convert_element_type3A_736, %cond3A_737 : i32
      scf.if %cond3A_738 {
        %dma_wait3A_821 = arith.constant 0 : i32
        %dma_wait3A_822 = arith.constant 0 : i32
        %dma_wait3A_823 = tpu.memref_slice %arg11[%dma_wait3A_821, %dma_wait3A_822] : memref<8x128xi32, #tpu.memory_space<vmem>> -> memref<1x128xi32, #tpu.memory_space<vmem>>
        %dma_wait3A_824 = tpu.memref_squeeze %dma_wait3A_823 : memref<1x128xi32, #tpu.memory_space<vmem>> -> memref<128xi32, #tpu.memory_space<vmem>>
        %dma_wait3A_825 = arith.constant 0 : i32
        %dma_wait3A_826 = arith.constant 0 : i32
        %dma_wait3A_827 = tpu.memref_slice %arg19[%dma_wait3A_825, %dma_wait3A_826] : memref<51200x16xf32, #tpu.memory_space<vmem_shared>> -> memref<51200x16xf32, #tpu.memory_space<vmem_shared>>
        tpu.wait_indirect_dma semaphore(%arg28 : memref<!tpu.dma_semaphore, #tpu.memory_space<semaphore_mem>>) src(%arg16 : memref<128x16xf32, #tpu.memory_space<vmem>>) dst(%dma_wait3A_827 : memref<51200x16xf32, #tpu.memory_space<vmem_shared>>)
        %dma_wait3A_828 = arith.constant 0 : i32
        %dma_wait3A_829 = arith.constant 0 : i32
        %dma_wait3A_830 = tpu.memref_slice %arg11[%dma_wait3A_828, %dma_wait3A_829] : memref<8x128xi32, #tpu.memory_space<vmem>> -> memref<1x128xi32, #tpu.memory_space<vmem>>
        %dma_wait3A_831 = tpu.memref_squeeze %dma_wait3A_830 : memref<1x128xi32, #tpu.memory_space<vmem>> -> memref<128xi32, #tpu.memory_space<vmem>>
        %dma_wait3A_832 = arith.constant 0 : i32
        %dma_wait3A_833 = tpu.memref_slice %arg20[%dma_wait3A_832] : memref<51200xf32, #tpu.memory_space<vmem_shared>> -> memref<51200xf32, #tpu.memory_space<vmem_shared>>
        tpu.wait_indirect_dma semaphore(%arg32 : memref<!tpu.dma_semaphore, #tpu.memory_space<semaphore_mem>>) src(%arg17 : memref<128xf32, #tpu.memory_space<vmem>>) dst(%dma_wait3A_833 : memref<51200xf32, #tpu.memory_space<vmem_shared>>)
      } else {
      }
      %add3A_739 = arith.constant 2 : i32
      %add3A_740 = arith.addi %add3A_715, %add3A_739 : i32
      %lt3A_741 = arith.constant 400 : i32
      %lt3A_742 = arith.cmpi slt, %add3A_740, %lt3A_741 : i32
      %convert_element_type3A_743 = arith.extui %lt3A_742 : i1 to i32
      %cond3A_744 = arith.constant 0 : i32
      %cond3A_745 = arith.cmpi ne, %convert_element_type3A_743, %cond3A_744 : i32
      scf.if %cond3A_745 {
        %dma_start3A_821 = arith.constant 896 : i32
        %dma_start3A_822 = tpu.memref_slice %arg10[%dma_start3A_821] : memref<1024xi32, #tpu.memory_space<vmem>> -> memref<128xi32, #tpu.memory_space<vmem>>
        %dma_start3A_823 = arith.constant 0 : i32
        %dma_start3A_824 = arith.constant 0 : i32
        %dma_start3A_825 = tpu.memref_slice %arg18[%dma_start3A_823, %dma_start3A_824] : memref<51200x16xf32, #tpu.memory_space<vmem_shared>> -> memref<51200x16xf32, #tpu.memory_space<vmem_shared>>
        tpu.enqueue_indirect_dma source(%dma_start3A_825 : memref<51200x16xf32, #tpu.memory_space<vmem_shared>>) target(%arg16 : memref<128x16xf32, #tpu.memory_space<vmem>>) offsets(%dma_start3A_822 : memref<128xi32, #tpu.memory_space<vmem>>) semaphore(%arg24 : memref<!tpu.dma_semaphore, #tpu.memory_space<semaphore_mem>>)
      } else {
      }
      %add3A_746 = arith.constant 1 : i32
      %add3A_747 = arith.addi %add3A_531, %add3A_746 : i32
      %lt3A_748 = arith.constant 50 : i32
      %lt3A_749 = arith.cmpi slt, %add3A_747, %lt3A_748 : i32
      %convert_element_type3A_750 = arith.extui %lt3A_749 : i1 to i32
      %cond3A_751 = arith.constant 0 : i32
      %cond3A_752 = arith.cmpi ne, %convert_element_type3A_750, %cond3A_751 : i32
      scf.if %cond3A_752 {
        %dma_wait3A_821 = arith.constant 0 : i32
        %dma_wait3A_822 = tpu.memref_slice %arg3[%dma_wait3A_821] : memref<819200xi32, #tpu.memory_space<hbm>> -> memref<1024xi32, #tpu.memory_space<hbm>>
        %dma_wait3A_823 = arith.constant 0 : i32
        %dma_wait3A_824 = tpu.memref_slice %arg3[%dma_wait3A_823] : memref<819200xi32, #tpu.memory_space<hbm>> -> memref<1024xi32, #tpu.memory_space<hbm>>
        tpu.wait_dma2 semaphore(%arg33 : memref<!tpu.dma_semaphore, #tpu.memory_space<semaphore_mem>>) src(%dma_wait3A_824 : memref<1024xi32, #tpu.memory_space<hbm>>) dst(%arg9 : memref<1024xi32, #tpu.memory_space<vmem>>)
        %dma_wait3A_825 = arith.constant 0 : i32
        %dma_wait3A_826 = arith.constant 0 : i32
        %dma_wait3A_827 = tpu.memref_slice %arg4[%dma_wait3A_825, %dma_wait3A_826] : memref<6400x128xi32, #tpu.memory_space<hbm>> -> memref<8x128xi32, #tpu.memory_space<hbm>>
        %dma_wait3A_828 = arith.constant 0 : i32
        %dma_wait3A_829 = arith.constant 0 : i32
        %dma_wait3A_830 = tpu.memref_slice %arg4[%dma_wait3A_828, %dma_wait3A_829] : memref<6400x128xi32, #tpu.memory_space<hbm>> -> memref<8x128xi32, #tpu.memory_space<hbm>>
        tpu.wait_dma2 semaphore(%arg33 : memref<!tpu.dma_semaphore, #tpu.memory_space<semaphore_mem>>) src(%dma_wait3A_830 : memref<8x128xi32, #tpu.memory_space<hbm>>) dst(%arg11 : memref<8x128xi32, #tpu.memory_space<vmem>>)
      } else {
      }
      %mul3A_753 = arith.constant 8 : i32
      %mul3A_754 = arith.muli %add3A_531, %mul3A_753 : i32
      %add3A_755 = arith.constant 6 : i32
      %add3A_756 = arith.addi %mul3A_754, %add3A_755 : i32
      %dma_wait3A_757 = arith.constant 0 : i32
      %dma_wait3A_758 = tpu.memref_slice %arg9[%dma_wait3A_757] : memref<1024xi32, #tpu.memory_space<vmem>> -> memref<128xi32, #tpu.memory_space<vmem>>
      %dma_wait3A_759 = arith.constant 0 : i32
      %dma_wait3A_760 = arith.constant 0 : i32
      %dma_wait3A_761 = tpu.memref_slice %arg18[%dma_wait3A_759, %dma_wait3A_760] : memref<51200x16xf32, #tpu.memory_space<vmem_shared>> -> memref<51200x16xf32, #tpu.memory_space<vmem_shared>>
      tpu.wait_indirect_dma semaphore(%arg23 : memref<!tpu.dma_semaphore, #tpu.memory_space<semaphore_mem>>) src(%dma_wait3A_761 : memref<51200x16xf32, #tpu.memory_space<vmem_shared>>) dst(%arg15 : memref<128x16xf32, #tpu.memory_space<vmem>>)
      %dma_start3A_762 = arith.constant 6 : i32
      %dma_start3A_763 = arith.constant 0 : i32
      %dma_start3A_764 = tpu.memref_slice %arg12[%dma_start3A_762, %dma_start3A_763] : memref<8x128xi32, #tpu.memory_space<vmem>> -> memref<1x128xi32, #tpu.memory_space<vmem>>
      %dma_start3A_765 = tpu.memref_squeeze %dma_start3A_764 : memref<1x128xi32, #tpu.memory_space<vmem>> -> memref<128xi32, #tpu.memory_space<vmem>>
      %dma_start3A_766 = arith.constant 0 : i32
      %dma_start3A_767 = arith.constant 0 : i32
      %dma_start3A_768 = tpu.memref_slice %arg19[%dma_start3A_766, %dma_start3A_767] : memref<51200x16xf32, #tpu.memory_space<vmem_shared>> -> memref<51200x16xf32, #tpu.memory_space<vmem_shared>>
      tpu.enqueue_indirect_dma source(%arg15 : memref<128x16xf32, #tpu.memory_space<vmem>>) target(%dma_start3A_768 : memref<51200x16xf32, #tpu.memory_space<vmem_shared>>) offsets(%dma_start3A_765 : memref<128xi32, #tpu.memory_space<vmem>>) semaphore(%arg27 : memref<!tpu.dma_semaphore, #tpu.memory_space<semaphore_mem>>) {add = true}
      %dma_start3A_769 = arith.constant 6 : i32
      %dma_start3A_770 = arith.constant 0 : i32
      %dma_start3A_771 = tpu.memref_slice %arg12[%dma_start3A_769, %dma_start3A_770] : memref<8x128xi32, #tpu.memory_space<vmem>> -> memref<1x128xi32, #tpu.memory_space<vmem>>
      %dma_start3A_772 = tpu.memref_squeeze %dma_start3A_771 : memref<1x128xi32, #tpu.memory_space<vmem>> -> memref<128xi32, #tpu.memory_space<vmem>>
      %dma_start3A_773 = arith.constant 0 : i32
      %dma_start3A_774 = tpu.memref_slice %arg20[%dma_start3A_773] : memref<51200xf32, #tpu.memory_space<vmem_shared>> -> memref<51200xf32, #tpu.memory_space<vmem_shared>>
      tpu.enqueue_indirect_dma source(%arg17 : memref<128xf32, #tpu.memory_space<vmem>>) target(%dma_start3A_774 : memref<51200xf32, #tpu.memory_space<vmem_shared>>) offsets(%dma_start3A_772 : memref<128xi32, #tpu.memory_space<vmem>>) semaphore(%arg31 : memref<!tpu.dma_semaphore, #tpu.memory_space<semaphore_mem>>) {add = true}
      %ge3A_775 = arith.constant 2 : i32
      %ge3A_776 = arith.cmpi sge, %add3A_756, %ge3A_775 : i32
      %convert_element_type3A_777 = arith.extui %ge3A_776 : i1 to i32
      %cond3A_778 = arith.constant 0 : i32
      %cond3A_779 = arith.cmpi ne, %convert_element_type3A_777, %cond3A_778 : i32
      scf.if %cond3A_779 {
        %dma_wait3A_821 = arith.constant 0 : i32
        %dma_wait3A_822 = arith.constant 0 : i32
        %dma_wait3A_823 = tpu.memref_slice %arg11[%dma_wait3A_821, %dma_wait3A_822] : memref<8x128xi32, #tpu.memory_space<vmem>> -> memref<1x128xi32, #tpu.memory_space<vmem>>
        %dma_wait3A_824 = tpu.memref_squeeze %dma_wait3A_823 : memref<1x128xi32, #tpu.memory_space<vmem>> -> memref<128xi32, #tpu.memory_space<vmem>>
        %dma_wait3A_825 = arith.constant 0 : i32
        %dma_wait3A_826 = arith.constant 0 : i32
        %dma_wait3A_827 = tpu.memref_slice %arg19[%dma_wait3A_825, %dma_wait3A_826] : memref<51200x16xf32, #tpu.memory_space<vmem_shared>> -> memref<51200x16xf32, #tpu.memory_space<vmem_shared>>
        tpu.wait_indirect_dma semaphore(%arg25 : memref<!tpu.dma_semaphore, #tpu.memory_space<semaphore_mem>>) src(%arg13 : memref<128x16xf32, #tpu.memory_space<vmem>>) dst(%dma_wait3A_827 : memref<51200x16xf32, #tpu.memory_space<vmem_shared>>)
        %dma_wait3A_828 = arith.constant 0 : i32
        %dma_wait3A_829 = arith.constant 0 : i32
        %dma_wait3A_830 = tpu.memref_slice %arg11[%dma_wait3A_828, %dma_wait3A_829] : memref<8x128xi32, #tpu.memory_space<vmem>> -> memref<1x128xi32, #tpu.memory_space<vmem>>
        %dma_wait3A_831 = tpu.memref_squeeze %dma_wait3A_830 : memref<1x128xi32, #tpu.memory_space<vmem>> -> memref<128xi32, #tpu.memory_space<vmem>>
        %dma_wait3A_832 = arith.constant 0 : i32
        %dma_wait3A_833 = tpu.memref_slice %arg20[%dma_wait3A_832] : memref<51200xf32, #tpu.memory_space<vmem_shared>> -> memref<51200xf32, #tpu.memory_space<vmem_shared>>
        tpu.wait_indirect_dma semaphore(%arg29 : memref<!tpu.dma_semaphore, #tpu.memory_space<semaphore_mem>>) src(%arg17 : memref<128xf32, #tpu.memory_space<vmem>>) dst(%dma_wait3A_833 : memref<51200xf32, #tpu.memory_space<vmem_shared>>)
      } else {
      }
      %add3A_780 = arith.constant 2 : i32
      %add3A_781 = arith.addi %add3A_756, %add3A_780 : i32
      %lt3A_782 = arith.constant 400 : i32
      %lt3A_783 = arith.cmpi slt, %add3A_781, %lt3A_782 : i32
      %convert_element_type3A_784 = arith.extui %lt3A_783 : i1 to i32
      %cond3A_785 = arith.constant 0 : i32
      %cond3A_786 = arith.cmpi ne, %convert_element_type3A_784, %cond3A_785 : i32
      scf.if %cond3A_786 {
        %dma_start3A_821 = arith.constant 0 : i32
        %dma_start3A_822 = tpu.memref_slice %arg9[%dma_start3A_821] : memref<1024xi32, #tpu.memory_space<vmem>> -> memref<128xi32, #tpu.memory_space<vmem>>
        %dma_start3A_823 = arith.constant 0 : i32
        %dma_start3A_824 = arith.constant 0 : i32
        %dma_start3A_825 = tpu.memref_slice %arg18[%dma_start3A_823, %dma_start3A_824] : memref<51200x16xf32, #tpu.memory_space<vmem_shared>> -> memref<51200x16xf32, #tpu.memory_space<vmem_shared>>
        tpu.enqueue_indirect_dma source(%dma_start3A_825 : memref<51200x16xf32, #tpu.memory_space<vmem_shared>>) target(%arg13 : memref<128x16xf32, #tpu.memory_space<vmem>>) offsets(%dma_start3A_822 : memref<128xi32, #tpu.memory_space<vmem>>) semaphore(%arg21 : memref<!tpu.dma_semaphore, #tpu.memory_space<semaphore_mem>>)
      } else {
      }
      %mul3A_787 = arith.constant 8 : i32
      %mul3A_788 = arith.muli %add3A_531, %mul3A_787 : i32
      %add3A_789 = arith.constant 7 : i32
      %add3A_790 = arith.addi %mul3A_788, %add3A_789 : i32
      %dma_wait3A_791 = arith.constant 0 : i32
      %dma_wait3A_792 = tpu.memref_slice %arg9[%dma_wait3A_791] : memref<1024xi32, #tpu.memory_space<vmem>> -> memref<128xi32, #tpu.memory_space<vmem>>
      %dma_wait3A_793 = arith.constant 0 : i32
      %dma_wait3A_794 = arith.constant 0 : i32
      %dma_wait3A_795 = tpu.memref_slice %arg18[%dma_wait3A_793, %dma_wait3A_794] : memref<51200x16xf32, #tpu.memory_space<vmem_shared>> -> memref<51200x16xf32, #tpu.memory_space<vmem_shared>>
      tpu.wait_indirect_dma semaphore(%arg24 : memref<!tpu.dma_semaphore, #tpu.memory_space<semaphore_mem>>) src(%dma_wait3A_795 : memref<51200x16xf32, #tpu.memory_space<vmem_shared>>) dst(%arg16 : memref<128x16xf32, #tpu.memory_space<vmem>>)
      %dma_start3A_796 = arith.constant 7 : i32
      %dma_start3A_797 = arith.constant 0 : i32
      %dma_start3A_798 = tpu.memref_slice %arg12[%dma_start3A_796, %dma_start3A_797] : memref<8x128xi32, #tpu.memory_space<vmem>> -> memref<1x128xi32, #tpu.memory_space<vmem>>
      %dma_start3A_799 = tpu.memref_squeeze %dma_start3A_798 : memref<1x128xi32, #tpu.memory_space<vmem>> -> memref<128xi32, #tpu.memory_space<vmem>>
      %dma_start3A_800 = arith.constant 0 : i32
      %dma_start3A_801 = arith.constant 0 : i32
      %dma_start3A_802 = tpu.memref_slice %arg19[%dma_start3A_800, %dma_start3A_801] : memref<51200x16xf32, #tpu.memory_space<vmem_shared>> -> memref<51200x16xf32, #tpu.memory_space<vmem_shared>>
      tpu.enqueue_indirect_dma source(%arg16 : memref<128x16xf32, #tpu.memory_space<vmem>>) target(%dma_start3A_802 : memref<51200x16xf32, #tpu.memory_space<vmem_shared>>) offsets(%dma_start3A_799 : memref<128xi32, #tpu.memory_space<vmem>>) semaphore(%arg28 : memref<!tpu.dma_semaphore, #tpu.memory_space<semaphore_mem>>) {add = true}
      %dma_start3A_803 = arith.constant 7 : i32
      %dma_start3A_804 = arith.constant 0 : i32
      %dma_start3A_805 = tpu.memref_slice %arg12[%dma_start3A_803, %dma_start3A_804] : memref<8x128xi32, #tpu.memory_space<vmem>> -> memref<1x128xi32, #tpu.memory_space<vmem>>
      %dma_start3A_806 = tpu.memref_squeeze %dma_start3A_805 : memref<1x128xi32, #tpu.memory_space<vmem>> -> memref<128xi32, #tpu.memory_space<vmem>>
      %dma_start3A_807 = arith.constant 0 : i32
      %dma_start3A_808 = tpu.memref_slice %arg20[%dma_start3A_807] : memref<51200xf32, #tpu.memory_space<vmem_shared>> -> memref<51200xf32, #tpu.memory_space<vmem_shared>>
      tpu.enqueue_indirect_dma source(%arg17 : memref<128xf32, #tpu.memory_space<vmem>>) target(%dma_start3A_808 : memref<51200xf32, #tpu.memory_space<vmem_shared>>) offsets(%dma_start3A_806 : memref<128xi32, #tpu.memory_space<vmem>>) semaphore(%arg32 : memref<!tpu.dma_semaphore, #tpu.memory_space<semaphore_mem>>) {add = true}
      %ge3A_809 = arith.constant 2 : i32
      %ge3A_810 = arith.cmpi sge, %add3A_790, %ge3A_809 : i32
      %convert_element_type3A_811 = arith.extui %ge3A_810 : i1 to i32
      %cond3A_812 = arith.constant 0 : i32
      %cond3A_813 = arith.cmpi ne, %convert_element_type3A_811, %cond3A_812 : i32
      scf.if %cond3A_813 {
        %dma_wait3A_821 = arith.constant 0 : i32
        %dma_wait3A_822 = arith.constant 0 : i32
        %dma_wait3A_823 = tpu.memref_slice %arg11[%dma_wait3A_821, %dma_wait3A_822] : memref<8x128xi32, #tpu.memory_space<vmem>> -> memref<1x128xi32, #tpu.memory_space<vmem>>
        %dma_wait3A_824 = tpu.memref_squeeze %dma_wait3A_823 : memref<1x128xi32, #tpu.memory_space<vmem>> -> memref<128xi32, #tpu.memory_space<vmem>>
        %dma_wait3A_825 = arith.constant 0 : i32
        %dma_wait3A_826 = arith.constant 0 : i32
        %dma_wait3A_827 = tpu.memref_slice %arg19[%dma_wait3A_825, %dma_wait3A_826] : memref<51200x16xf32, #tpu.memory_space<vmem_shared>> -> memref<51200x16xf32, #tpu.memory_space<vmem_shared>>
        tpu.wait_indirect_dma semaphore(%arg26 : memref<!tpu.dma_semaphore, #tpu.memory_space<semaphore_mem>>) src(%arg14 : memref<128x16xf32, #tpu.memory_space<vmem>>) dst(%dma_wait3A_827 : memref<51200x16xf32, #tpu.memory_space<vmem_shared>>)
        %dma_wait3A_828 = arith.constant 0 : i32
        %dma_wait3A_829 = arith.constant 0 : i32
        %dma_wait3A_830 = tpu.memref_slice %arg11[%dma_wait3A_828, %dma_wait3A_829] : memref<8x128xi32, #tpu.memory_space<vmem>> -> memref<1x128xi32, #tpu.memory_space<vmem>>
        %dma_wait3A_831 = tpu.memref_squeeze %dma_wait3A_830 : memref<1x128xi32, #tpu.memory_space<vmem>> -> memref<128xi32, #tpu.memory_space<vmem>>
        %dma_wait3A_832 = arith.constant 0 : i32
        %dma_wait3A_833 = tpu.memref_slice %arg20[%dma_wait3A_832] : memref<51200xf32, #tpu.memory_space<vmem_shared>> -> memref<51200xf32, #tpu.memory_space<vmem_shared>>
        tpu.wait_indirect_dma semaphore(%arg30 : memref<!tpu.dma_semaphore, #tpu.memory_space<semaphore_mem>>) src(%arg17 : memref<128xf32, #tpu.memory_space<vmem>>) dst(%dma_wait3A_833 : memref<51200xf32, #tpu.memory_space<vmem_shared>>)
      } else {
      }
      %add3A_814 = arith.constant 2 : i32
      %add3A_815 = arith.addi %add3A_790, %add3A_814 : i32
      %lt3A_816 = arith.constant 400 : i32
      %lt3A_817 = arith.cmpi slt, %add3A_815, %lt3A_816 : i32
      %convert_element_type3A_818 = arith.extui %lt3A_817 : i1 to i32
      %cond3A_819 = arith.constant 0 : i32
      %cond3A_820 = arith.cmpi ne, %convert_element_type3A_818, %cond3A_819 : i32
      scf.if %cond3A_820 {
        %dma_start3A_821 = arith.constant 128 : i32
        %dma_start3A_822 = tpu.memref_slice %arg9[%dma_start3A_821] : memref<1024xi32, #tpu.memory_space<vmem>> -> memref<128xi32, #tpu.memory_space<vmem>>
        %dma_start3A_823 = arith.constant 0 : i32
        %dma_start3A_824 = arith.constant 0 : i32
        %dma_start3A_825 = tpu.memref_slice %arg18[%dma_start3A_823, %dma_start3A_824] : memref<51200x16xf32, #tpu.memory_space<vmem_shared>> -> memref<51200x16xf32, #tpu.memory_space<vmem_shared>>
        tpu.enqueue_indirect_dma source(%dma_start3A_825 : memref<51200x16xf32, #tpu.memory_space<vmem_shared>>) target(%arg14 : memref<128x16xf32, #tpu.memory_space<vmem>>) offsets(%dma_start3A_822 : memref<128xi32, #tpu.memory_space<vmem>>) semaphore(%arg22 : memref<!tpu.dma_semaphore, #tpu.memory_space<semaphore_mem>>)
      } else {
      }
    }
    %scan3A_95 = arith.constant 25 : i32
    %dma_wait3A_96 = arith.constant 0 : i32
    %dma_wait3A_97 = arith.constant 0 : i32
    %dma_wait3A_98 = tpu.memref_slice %arg11[%dma_wait3A_96, %dma_wait3A_97] : memref<8x128xi32, #tpu.memory_space<vmem>> -> memref<1x128xi32, #tpu.memory_space<vmem>>
    %dma_wait3A_99 = tpu.memref_squeeze %dma_wait3A_98 : memref<1x128xi32, #tpu.memory_space<vmem>> -> memref<128xi32, #tpu.memory_space<vmem>>
    %dma_wait3A_100 = arith.constant 0 : i32
    %dma_wait3A_101 = arith.constant 0 : i32
    %dma_wait3A_102 = tpu.memref_slice %arg19[%dma_wait3A_100, %dma_wait3A_101] : memref<51200x16xf32, #tpu.memory_space<vmem_shared>> -> memref<51200x16xf32, #tpu.memory_space<vmem_shared>>
    tpu.wait_indirect_dma semaphore(%arg27 : memref<!tpu.dma_semaphore, #tpu.memory_space<semaphore_mem>>) src(%arg15 : memref<128x16xf32, #tpu.memory_space<vmem>>) dst(%dma_wait3A_102 : memref<51200x16xf32, #tpu.memory_space<vmem_shared>>)
    %dma_wait3A_103 = arith.constant 0 : i32
    %dma_wait3A_104 = arith.constant 0 : i32
    %dma_wait3A_105 = tpu.memref_slice %arg11[%dma_wait3A_103, %dma_wait3A_104] : memref<8x128xi32, #tpu.memory_space<vmem>> -> memref<1x128xi32, #tpu.memory_space<vmem>>
    %dma_wait3A_106 = tpu.memref_squeeze %dma_wait3A_105 : memref<1x128xi32, #tpu.memory_space<vmem>> -> memref<128xi32, #tpu.memory_space<vmem>>
    %dma_wait3A_107 = arith.constant 0 : i32
    %dma_wait3A_108 = tpu.memref_slice %arg20[%dma_wait3A_107] : memref<51200xf32, #tpu.memory_space<vmem_shared>> -> memref<51200xf32, #tpu.memory_space<vmem_shared>>
    tpu.wait_indirect_dma semaphore(%arg31 : memref<!tpu.dma_semaphore, #tpu.memory_space<semaphore_mem>>) src(%arg17 : memref<128xf32, #tpu.memory_space<vmem>>) dst(%dma_wait3A_108 : memref<51200xf32, #tpu.memory_space<vmem_shared>>)
    %dma_wait3A_109 = arith.constant 0 : i32
    %dma_wait3A_110 = arith.constant 0 : i32
    %dma_wait3A_111 = tpu.memref_slice %arg11[%dma_wait3A_109, %dma_wait3A_110] : memref<8x128xi32, #tpu.memory_space<vmem>> -> memref<1x128xi32, #tpu.memory_space<vmem>>
    %dma_wait3A_112 = tpu.memref_squeeze %dma_wait3A_111 : memref<1x128xi32, #tpu.memory_space<vmem>> -> memref<128xi32, #tpu.memory_space<vmem>>
    %dma_wait3A_113 = arith.constant 0 : i32
    %dma_wait3A_114 = arith.constant 0 : i32
    %dma_wait3A_115 = tpu.memref_slice %arg19[%dma_wait3A_113, %dma_wait3A_114] : memref<51200x16xf32, #tpu.memory_space<vmem_shared>> -> memref<51200x16xf32, #tpu.memory_space<vmem_shared>>
    tpu.wait_indirect_dma semaphore(%arg28 : memref<!tpu.dma_semaphore, #tpu.memory_space<semaphore_mem>>) src(%arg16 : memref<128x16xf32, #tpu.memory_space<vmem>>) dst(%dma_wait3A_115 : memref<51200x16xf32, #tpu.memory_space<vmem_shared>>)
    %dma_wait3A_116 = arith.constant 0 : i32
    %dma_wait3A_117 = arith.constant 0 : i32
    %dma_wait3A_118 = tpu.memref_slice %arg11[%dma_wait3A_116, %dma_wait3A_117] : memref<8x128xi32, #tpu.memory_space<vmem>> -> memref<1x128xi32, #tpu.memory_space<vmem>>
    %dma_wait3A_119 = tpu.memref_squeeze %dma_wait3A_118 : memref<1x128xi32, #tpu.memory_space<vmem>> -> memref<128xi32, #tpu.memory_space<vmem>>
    %dma_wait3A_120 = arith.constant 0 : i32
    %dma_wait3A_121 = tpu.memref_slice %arg20[%dma_wait3A_120] : memref<51200xf32, #tpu.memory_space<vmem_shared>> -> memref<51200xf32, #tpu.memory_space<vmem_shared>>
    tpu.wait_indirect_dma semaphore(%arg32 : memref<!tpu.dma_semaphore, #tpu.memory_space<semaphore_mem>>) src(%arg17 : memref<128xf32, #tpu.memory_space<vmem>>) dst(%dma_wait3A_121 : memref<51200xf32, #tpu.memory_space<vmem_shared>>)
    %barrier3A_122 = arith.constant 0 : index
    tpu.barrier barrier_id(%barrier3A_122)
    %eq3A_123 = arith.constant 0 : i32
    %eq3A_124 = arith.cmpi eq, %arg0, %eq3A_123 : i32
    %convert_element_type3A_125 = arith.extui %eq3A_124 : i1 to i32
    %cond3A_126 = arith.constant 0 : i32
    %cond3A_127 = arith.cmpi ne, %convert_element_type3A_125, %cond3A_126 : i32
    scf.if %cond3A_127 {
      %mul3A_239 = arith.constant 3200 : i32
      %mul3A_240 = arith.muli %arg1, %mul3A_239 : i32
      %mul3A_241 = arith.constant 3200 : i32
      %mul3A_242 = arith.muli %arg1, %mul3A_241 : i32
      "tpu.region"() ({
        %run_scoped3A = tpu.sem_alloc : memref<!tpu.dma_semaphore, #tpu.memory_space<semaphore_mem>>
        %dma_start3A_243 = arith.constant 0 : i32
        %dma_start3A_244 = tpu.memref_slice %arg7[%mul3A_242, %dma_start3A_243] : memref<51200x128xf32, #tpu.memory_space<hbm>> -> memref<3200x16xf32, #tpu.memory_space<hbm>>
        %dma_start3A_245 = arith.constant 0 : i32
        %dma_start3A_246 = tpu.memref_slice %arg19[%mul3A_240, %dma_start3A_245] : memref<51200x16xf32, #tpu.memory_space<vmem_shared>> -> memref<3200x16xf32, #tpu.memory_space<vmem_shared>>
        tpu.enqueue_dma source(%dma_start3A_246 : memref<3200x16xf32, #tpu.memory_space<vmem_shared>>) target(%dma_start3A_244 : memref<3200x16xf32, #tpu.memory_space<hbm>>) target_semaphore(%run_scoped3A : memref<!tpu.dma_semaphore, #tpu.memory_space<semaphore_mem>>)
        %dma_wait3A_247 = arith.constant 0 : i32
        %dma_wait3A_248 = tpu.memref_slice %arg7[%mul3A_242, %dma_wait3A_247] : memref<51200x128xf32, #tpu.memory_space<hbm>> -> memref<3200x16xf32, #tpu.memory_space<hbm>>
        %dma_wait3A_249 = arith.constant 0 : i32
        %dma_wait3A_250 = tpu.memref_slice %arg19[%mul3A_240, %dma_wait3A_249] : memref<51200x16xf32, #tpu.memory_space<vmem_shared>> -> memref<3200x16xf32, #tpu.memory_space<vmem_shared>>
        tpu.wait_dma2 semaphore(%run_scoped3A : memref<!tpu.dma_semaphore, #tpu.memory_space<semaphore_mem>>) src(%dma_wait3A_250 : memref<3200x16xf32, #tpu.memory_space<vmem_shared>>) dst(%dma_wait3A_248 : memref<3200x16xf32, #tpu.memory_space<hbm>>)
        tpu.yield
      }) : () -> ()
    } else {
    }
    %eq3A_128 = arith.constant 1 : i32
    %eq3A_129 = arith.cmpi eq, %arg0, %eq3A_128 : i32
    %convert_element_type3A_130 = arith.extui %eq3A_129 : i1 to i32
    %cond3A_131 = arith.constant 0 : i32
    %cond3A_132 = arith.cmpi ne, %convert_element_type3A_130, %cond3A_131 : i32
    scf.if %cond3A_132 {
      %mul3A_239 = arith.constant 3200 : i32
      %mul3A_240 = arith.muli %arg1, %mul3A_239 : i32
      %mul3A_241 = arith.constant 3200 : i32
      %mul3A_242 = arith.muli %arg1, %mul3A_241 : i32
      "tpu.region"() ({
        %run_scoped3A = tpu.sem_alloc : memref<!tpu.dma_semaphore, #tpu.memory_space<semaphore_mem>>
        %dma_start3A_243 = arith.constant 32 : i32
        %dma_start3A_244 = tpu.memref_slice %arg7[%mul3A_242, %dma_start3A_243] : memref<51200x128xf32, #tpu.memory_space<hbm>> -> memref<3200x16xf32, #tpu.memory_space<hbm>>
        %dma_start3A_245 = arith.constant 0 : i32
        %dma_start3A_246 = tpu.memref_slice %arg19[%mul3A_240, %dma_start3A_245] : memref<51200x16xf32, #tpu.memory_space<vmem_shared>> -> memref<3200x16xf32, #tpu.memory_space<vmem_shared>>
        tpu.enqueue_dma source(%dma_start3A_246 : memref<3200x16xf32, #tpu.memory_space<vmem_shared>>) target(%dma_start3A_244 : memref<3200x16xf32, #tpu.memory_space<hbm>>) target_semaphore(%run_scoped3A : memref<!tpu.dma_semaphore, #tpu.memory_space<semaphore_mem>>)
        %dma_wait3A_247 = arith.constant 32 : i32
        %dma_wait3A_248 = tpu.memref_slice %arg7[%mul3A_242, %dma_wait3A_247] : memref<51200x128xf32, #tpu.memory_space<hbm>> -> memref<3200x16xf32, #tpu.memory_space<hbm>>
        %dma_wait3A_249 = arith.constant 0 : i32
        %dma_wait3A_250 = tpu.memref_slice %arg19[%mul3A_240, %dma_wait3A_249] : memref<51200x16xf32, #tpu.memory_space<vmem_shared>> -> memref<3200x16xf32, #tpu.memory_space<vmem_shared>>
        tpu.wait_dma2 semaphore(%run_scoped3A : memref<!tpu.dma_semaphore, #tpu.memory_space<semaphore_mem>>) src(%dma_wait3A_250 : memref<3200x16xf32, #tpu.memory_space<vmem_shared>>) dst(%dma_wait3A_248 : memref<3200x16xf32, #tpu.memory_space<hbm>>)
        tpu.yield
      }) : () -> ()
    } else {
    }
    %eq3A_133 = arith.constant 0 : i32
    %eq3A_134 = arith.cmpi eq, %arg0, %eq3A_133 : i32
    %convert_element_type3A_135 = arith.extui %eq3A_134 : i1 to i32
    %cond3A_136 = arith.constant 0 : i32
    %cond3A_137 = arith.cmpi ne, %convert_element_type3A_135, %cond3A_136 : i32
    scf.if %cond3A_137 {
      %mul3A_239 = arith.constant 1600 : i32
      %mul3A_240 = arith.muli %arg1, %mul3A_239 : i32
      %mul3A_241 = arith.constant 1600 : i32
      %mul3A_242 = arith.muli %arg1, %mul3A_241 : i32
      "tpu.region"() ({
        %run_scoped3A = tpu.sem_alloc : memref<!tpu.dma_semaphore, #tpu.memory_space<semaphore_mem>>
        %dma_start3A_243 = tpu.memref_slice %arg8[%mul3A_242] : memref<51200xf32, #tpu.memory_space<hbm>> -> memref<1600xf32, #tpu.memory_space<hbm>>
        %dma_start3A_244 = tpu.memref_slice %arg20[%mul3A_240] : memref<51200xf32, #tpu.memory_space<vmem_shared>> -> memref<1600xf32, #tpu.memory_space<vmem_shared>>
        tpu.enqueue_dma source(%dma_start3A_244 : memref<1600xf32, #tpu.memory_space<vmem_shared>>) target(%dma_start3A_243 : memref<1600xf32, #tpu.memory_space<hbm>>) target_semaphore(%run_scoped3A : memref<!tpu.dma_semaphore, #tpu.memory_space<semaphore_mem>>)
        %dma_wait3A_245 = tpu.memref_slice %arg8[%mul3A_242] : memref<51200xf32, #tpu.memory_space<hbm>> -> memref<1600xf32, #tpu.memory_space<hbm>>
        %dma_wait3A_246 = tpu.memref_slice %arg20[%mul3A_240] : memref<51200xf32, #tpu.memory_space<vmem_shared>> -> memref<1600xf32, #tpu.memory_space<vmem_shared>>
        tpu.wait_dma2 semaphore(%run_scoped3A : memref<!tpu.dma_semaphore, #tpu.memory_space<semaphore_mem>>) src(%dma_wait3A_246 : memref<1600xf32, #tpu.memory_space<vmem_shared>>) dst(%dma_wait3A_245 : memref<1600xf32, #tpu.memory_space<hbm>>)
        tpu.yield
      }) : () -> ()
    } else {
    }
    %eq3A_138 = arith.constant 1 : i32
    %eq3A_139 = arith.cmpi eq, %arg0, %eq3A_138 : i32
    %convert_element_type3A_140 = arith.extui %eq3A_139 : i1 to i32
    %cond3A_141 = arith.constant 0 : i32
    %cond3A_142 = arith.cmpi ne, %convert_element_type3A_140, %cond3A_141 : i32
    scf.if %cond3A_142 {
      %mul3A_239 = arith.constant 1600 : i32
      %mul3A_240 = arith.muli %arg1, %mul3A_239 : i32
      %add3A_241 = arith.constant 25600 : i32
      %add3A_242 = arith.addi %add3A_241, %mul3A_240 : i32
      %mul3A_243 = arith.constant 1600 : i32
      %mul3A_244 = arith.muli %arg1, %mul3A_243 : i32
      %add3A_245 = arith.constant 25600 : i32
      %add3A_246 = arith.addi %add3A_245, %mul3A_244 : i32
      "tpu.region"() ({
        %run_scoped3A = tpu.sem_alloc : memref<!tpu.dma_semaphore, #tpu.memory_space<semaphore_mem>>
        %dma_start3A_247 = tpu.memref_slice %arg8[%add3A_246] : memref<51200xf32, #tpu.memory_space<hbm>> -> memref<1600xf32, #tpu.memory_space<hbm>>
        %dma_start3A_248 = tpu.memref_slice %arg20[%add3A_242] : memref<51200xf32, #tpu.memory_space<vmem_shared>> -> memref<1600xf32, #tpu.memory_space<vmem_shared>>
        tpu.enqueue_dma source(%dma_start3A_248 : memref<1600xf32, #tpu.memory_space<vmem_shared>>) target(%dma_start3A_247 : memref<1600xf32, #tpu.memory_space<hbm>>) target_semaphore(%run_scoped3A : memref<!tpu.dma_semaphore, #tpu.memory_space<semaphore_mem>>)
        %dma_wait3A_249 = tpu.memref_slice %arg8[%add3A_246] : memref<51200xf32, #tpu.memory_space<hbm>> -> memref<1600xf32, #tpu.memory_space<hbm>>
        %dma_wait3A_250 = tpu.memref_slice %arg20[%add3A_242] : memref<51200xf32, #tpu.memory_space<vmem_shared>> -> memref<1600xf32, #tpu.memory_space<vmem_shared>>
        tpu.wait_dma2 semaphore(%run_scoped3A : memref<!tpu.dma_semaphore, #tpu.memory_space<semaphore_mem>>) src(%dma_wait3A_250 : memref<1600xf32, #tpu.memory_space<vmem_shared>>) dst(%dma_wait3A_249 : memref<1600xf32, #tpu.memory_space<hbm>>)
        tpu.yield
      }) : () -> ()
    } else {
    }
    %barrier3A_143 = arith.constant 0 : index
    tpu.barrier barrier_id(%barrier3A_143)
    %eq3A_144 = arith.constant 0 : i32
    %eq3A_145 = arith.cmpi eq, %arg0, %eq3A_144 : i32
    %convert_element_type3A_146 = arith.extui %eq3A_145 : i1 to i32
    %cond3A_147 = arith.constant 0 : i32
    %cond3A_148 = arith.cmpi ne, %convert_element_type3A_146, %cond3A_147 : i32
    scf.if %cond3A_148 {
      %mul3A_239 = arith.constant 3125 : i32
      %mul3A_240 = arith.muli %arg1, %mul3A_239 : i32
      %mul3A_241 = arith.constant 3125 : i32
      %mul3A_242 = arith.muli %arg1, %mul3A_241 : i32
      "tpu.region"() ({
        %run_scoped3A = tpu.sem_alloc : memref<!tpu.dma_semaphore, #tpu.memory_space<semaphore_mem>>
        %dma_start3A_243 = arith.constant 0 : i32
        %dma_start3A_244 = tpu.memref_slice %arg18[%mul3A_242, %dma_start3A_243] : memref<51200x16xf32, #tpu.memory_space<vmem_shared>> -> memref<3125x16xf32, #tpu.memory_space<vmem_shared>>
        %dma_start3A_245 = arith.constant 16 : i32
        %dma_start3A_246 = tpu.memref_slice %arg2[%mul3A_240, %dma_start3A_245] : memref<50000x128xf32, #tpu.memory_space<hbm>> -> memref<3125x16xf32, #tpu.memory_space<hbm>>
        tpu.enqueue_dma source(%dma_start3A_246 : memref<3125x16xf32, #tpu.memory_space<hbm>>) target(%dma_start3A_244 : memref<3125x16xf32, #tpu.memory_space<vmem_shared>>) target_semaphore(%run_scoped3A : memref<!tpu.dma_semaphore, #tpu.memory_space<semaphore_mem>>)
        %dma_wait3A_247 = arith.constant 0 : i32
        %dma_wait3A_248 = tpu.memref_slice %arg18[%mul3A_242, %dma_wait3A_247] : memref<51200x16xf32, #tpu.memory_space<vmem_shared>> -> memref<3125x16xf32, #tpu.memory_space<vmem_shared>>
        %dma_wait3A_249 = arith.constant 16 : i32
        %dma_wait3A_250 = tpu.memref_slice %arg2[%mul3A_240, %dma_wait3A_249] : memref<50000x128xf32, #tpu.memory_space<hbm>> -> memref<3125x16xf32, #tpu.memory_space<hbm>>
        tpu.wait_dma2 semaphore(%run_scoped3A : memref<!tpu.dma_semaphore, #tpu.memory_space<semaphore_mem>>) src(%dma_wait3A_250 : memref<3125x16xf32, #tpu.memory_space<hbm>>) dst(%dma_wait3A_248 : memref<3125x16xf32, #tpu.memory_space<vmem_shared>>)
        tpu.yield
      }) : () -> ()
    } else {
    }
    %eq3A_149 = arith.constant 1 : i32
    %eq3A_150 = arith.cmpi eq, %arg0, %eq3A_149 : i32
    %convert_element_type3A_151 = arith.extui %eq3A_150 : i1 to i32
    %cond3A_152 = arith.constant 0 : i32
    %cond3A_153 = arith.cmpi ne, %convert_element_type3A_151, %cond3A_152 : i32
    scf.if %cond3A_153 {
      %mul3A_239 = arith.constant 3125 : i32
      %mul3A_240 = arith.muli %arg1, %mul3A_239 : i32
      %mul3A_241 = arith.constant 3125 : i32
      %mul3A_242 = arith.muli %arg1, %mul3A_241 : i32
      "tpu.region"() ({
        %run_scoped3A = tpu.sem_alloc : memref<!tpu.dma_semaphore, #tpu.memory_space<semaphore_mem>>
        %dma_start3A_243 = arith.constant 0 : i32
        %dma_start3A_244 = tpu.memref_slice %arg18[%mul3A_242, %dma_start3A_243] : memref<51200x16xf32, #tpu.memory_space<vmem_shared>> -> memref<3125x16xf32, #tpu.memory_space<vmem_shared>>
        %dma_start3A_245 = arith.constant 48 : i32
        %dma_start3A_246 = tpu.memref_slice %arg2[%mul3A_240, %dma_start3A_245] : memref<50000x128xf32, #tpu.memory_space<hbm>> -> memref<3125x16xf32, #tpu.memory_space<hbm>>
        tpu.enqueue_dma source(%dma_start3A_246 : memref<3125x16xf32, #tpu.memory_space<hbm>>) target(%dma_start3A_244 : memref<3125x16xf32, #tpu.memory_space<vmem_shared>>) target_semaphore(%run_scoped3A : memref<!tpu.dma_semaphore, #tpu.memory_space<semaphore_mem>>)
        %dma_wait3A_247 = arith.constant 0 : i32
        %dma_wait3A_248 = tpu.memref_slice %arg18[%mul3A_242, %dma_wait3A_247] : memref<51200x16xf32, #tpu.memory_space<vmem_shared>> -> memref<3125x16xf32, #tpu.memory_space<vmem_shared>>
        %dma_wait3A_249 = arith.constant 48 : i32
        %dma_wait3A_250 = tpu.memref_slice %arg2[%mul3A_240, %dma_wait3A_249] : memref<50000x128xf32, #tpu.memory_space<hbm>> -> memref<3125x16xf32, #tpu.memory_space<hbm>>
        tpu.wait_dma2 semaphore(%run_scoped3A : memref<!tpu.dma_semaphore, #tpu.memory_space<semaphore_mem>>) src(%dma_wait3A_250 : memref<3125x16xf32, #tpu.memory_space<hbm>>) dst(%dma_wait3A_248 : memref<3125x16xf32, #tpu.memory_space<vmem_shared>>)
        tpu.yield
      }) : () -> ()
    } else {
    }
    %mul3A_154 = arith.constant 3200 : i32
    %mul3A_155 = arith.muli %arg1, %mul3A_154 : i32
    %mul3A_156 = arith.constant 3200 : i32
    %mul3A_157 = arith.muli %arg1, %mul3A_156 : i32
    "tpu.region"() ({
      %run_scoped3A = tpu.sem_alloc : memref<!tpu.dma_semaphore, #tpu.memory_space<semaphore_mem>>
      %dma_start3A_239 = arith.constant 0 : i32
      %dma_start3A_240 = tpu.memref_slice %arg19[%mul3A_157, %dma_start3A_239] : memref<51200x16xf32, #tpu.memory_space<vmem_shared>> -> memref<3200x16xf32, #tpu.memory_space<vmem_shared>>
      %dma_start3A_241 = arith.constant 0 : i32
      %dma_start3A_242 = tpu.memref_slice %arg5[%mul3A_155, %dma_start3A_241] : memref<51200x16xf32, #tpu.memory_space<hbm>> -> memref<3200x16xf32, #tpu.memory_space<hbm>>
      tpu.enqueue_dma source(%dma_start3A_242 : memref<3200x16xf32, #tpu.memory_space<hbm>>) target(%dma_start3A_240 : memref<3200x16xf32, #tpu.memory_space<vmem_shared>>) target_semaphore(%run_scoped3A : memref<!tpu.dma_semaphore, #tpu.memory_space<semaphore_mem>>)
      %dma_wait3A_243 = arith.constant 0 : i32
      %dma_wait3A_244 = tpu.memref_slice %arg19[%mul3A_157, %dma_wait3A_243] : memref<51200x16xf32, #tpu.memory_space<vmem_shared>> -> memref<3200x16xf32, #tpu.memory_space<vmem_shared>>
      %dma_wait3A_245 = arith.constant 0 : i32
      %dma_wait3A_246 = tpu.memref_slice %arg5[%mul3A_155, %dma_wait3A_245] : memref<51200x16xf32, #tpu.memory_space<hbm>> -> memref<3200x16xf32, #tpu.memory_space<hbm>>
      tpu.wait_dma2 semaphore(%run_scoped3A : memref<!tpu.dma_semaphore, #tpu.memory_space<semaphore_mem>>) src(%dma_wait3A_246 : memref<3200x16xf32, #tpu.memory_space<hbm>>) dst(%dma_wait3A_244 : memref<3200x16xf32, #tpu.memory_space<vmem_shared>>)
      tpu.yield
    }) : () -> ()
    %barrier3A_158 = arith.constant 0 : index
    tpu.barrier barrier_id(%barrier3A_158)
    %mul3A_159 = arith.constant 51200 : i32
    %mul3A_160 = arith.muli %arg1, %mul3A_159 : i32
    %add3A_161 = arith.constant 0 : i32
    %add3A_162 = arith.addi %mul3A_160, %add3A_161 : i32
    %dma_start3A_163 = tpu.memref_slice %arg3[%add3A_162] : memref<819200xi32, #tpu.memory_space<hbm>> -> memref<1024xi32, #tpu.memory_space<hbm>>
    %dma_start3A_164 = tpu.memref_slice %arg3[%add3A_162] : memref<819200xi32, #tpu.memory_space<hbm>> -> memref<1024xi32, #tpu.memory_space<hbm>>
    tpu.enqueue_dma source(%dma_start3A_164 : memref<1024xi32, #tpu.memory_space<hbm>>) target(%arg9 : memref<1024xi32, #tpu.memory_space<vmem>>) target_semaphore(%arg33 : memref<!tpu.dma_semaphore, #tpu.memory_space<semaphore_mem>>)
    %mul3A_165 = arith.constant 400 : i32
    %mul3A_166 = arith.muli %arg1, %mul3A_165 : i32
    %add3A_167 = arith.constant 0 : i32
    %add3A_168 = arith.addi %mul3A_166, %add3A_167 : i32
    %dma_start3A_169 = arith.constant 0 : i32
    %dma_start3A_170 = tpu.memref_slice %arg4[%add3A_168, %dma_start3A_169] : memref<6400x128xi32, #tpu.memory_space<hbm>> -> memref<8x128xi32, #tpu.memory_space<hbm>>
    %dma_start3A_171 = arith.constant 0 : i32
    %dma_start3A_172 = tpu.memref_slice %arg4[%add3A_168, %dma_start3A_171] : memref<6400x128xi32, #tpu.memory_space<hbm>> -> memref<8x128xi32, #tpu.memory_space<hbm>>
    tpu.enqueue_dma source(%dma_start3A_172 : memref<8x128xi32, #tpu.memory_space<hbm>>) target(%arg11 : memref<8x128xi32, #tpu.memory_space<vmem>>) target_semaphore(%arg33 : memref<!tpu.dma_semaphore, #tpu.memory_space<semaphore_mem>>)
    %dma_wait3A_173 = arith.constant 0 : i32
    %dma_wait3A_174 = tpu.memref_slice %arg3[%dma_wait3A_173] : memref<819200xi32, #tpu.memory_space<hbm>> -> memref<1024xi32, #tpu.memory_space<hbm>>
    %dma_wait3A_175 = arith.constant 0 : i32
    %dma_wait3A_176 = tpu.memref_slice %arg3[%dma_wait3A_175] : memref<819200xi32, #tpu.memory_space<hbm>> -> memref<1024xi32, #tpu.memory_space<hbm>>
    tpu.wait_dma2 semaphore(%arg33 : memref<!tpu.dma_semaphore, #tpu.memory_space<semaphore_mem>>) src(%dma_wait3A_176 : memref<1024xi32, #tpu.memory_space<hbm>>) dst(%arg9 : memref<1024xi32, #tpu.memory_space<vmem>>)
    %dma_wait3A_177 = arith.constant 0 : i32
    %dma_wait3A_178 = arith.constant 0 : i32
    %dma_wait3A_179 = tpu.memref_slice %arg4[%dma_wait3A_177, %dma_wait3A_178] : memref<6400x128xi32, #tpu.memory_space<hbm>> -> memref<8x128xi32, #tpu.memory_space<hbm>>
    %dma_wait3A_180 = arith.constant 0 : i32
    %dma_wait3A_181 = arith.constant 0 : i32
    %dma_wait3A_182 = tpu.memref_slice %arg4[%dma_wait3A_180, %dma_wait3A_181] : memref<6400x128xi32, #tpu.memory_space<hbm>> -> memref<8x128xi32, #tpu.memory_space<hbm>>
    tpu.wait_dma2 semaphore(%arg33 : memref<!tpu.dma_semaphore, #tpu.memory_space<semaphore_mem>>) src(%dma_wait3A_182 : memref<8x128xi32, #tpu.memory_space<hbm>>) dst(%arg11 : memref<8x128xi32, #tpu.memory_space<vmem>>)
    %mul3A_183 = arith.constant 51200 : i32
    %mul3A_184 = arith.muli %arg1, %mul3A_183 : i32
    %add3A_185 = arith.constant 1024 : i32
    %add3A_186 = arith.addi %mul3A_184, %add3A_185 : i32
    %dma_start3A_187 = tpu.memref_slice %arg3[%add3A_186] : memref<819200xi32, #tpu.memory_space<hbm>> -> memref<1024xi32, #tpu.memory_space<hbm>>
    %dma_start3A_188 = tpu.memref_slice %arg3[%add3A_186] : memref<819200xi32, #tpu.memory_space<hbm>> -> memref<1024xi32, #tpu.memory_space<hbm>>
    tpu.enqueue_dma source(%dma_start3A_188 : memref<1024xi32, #tpu.memory_space<hbm>>) target(%arg10 : memref<1024xi32, #tpu.memory_space<vmem>>) target_semaphore(%arg34 : memref<!tpu.dma_semaphore, #tpu.memory_space<semaphore_mem>>)
    %mul3A_189 = arith.constant 400 : i32
    %mul3A_190 = arith.muli %arg1, %mul3A_189 : i32
    %add3A_191 = arith.constant 8 : i32
    %add3A_192 = arith.addi %mul3A_190, %add3A_191 : i32
    %dma_start3A_193 = arith.constant 0 : i32
    %dma_start3A_194 = tpu.memref_slice %arg4[%add3A_192, %dma_start3A_193] : memref<6400x128xi32, #tpu.memory_space<hbm>> -> memref<8x128xi32, #tpu.memory_space<hbm>>
    %dma_start3A_195 = arith.constant 0 : i32
    %dma_start3A_196 = tpu.memref_slice %arg4[%add3A_192, %dma_start3A_195] : memref<6400x128xi32, #tpu.memory_space<hbm>> -> memref<8x128xi32, #tpu.memory_space<hbm>>
    tpu.enqueue_dma source(%dma_start3A_196 : memref<8x128xi32, #tpu.memory_space<hbm>>) target(%arg12 : memref<8x128xi32, #tpu.memory_space<vmem>>) target_semaphore(%arg34 : memref<!tpu.dma_semaphore, #tpu.memory_space<semaphore_mem>>)
    %dma_start3A_197 = arith.constant 0 : i32
    %dma_start3A_198 = tpu.memref_slice %arg9[%dma_start3A_197] : memref<1024xi32, #tpu.memory_space<vmem>> -> memref<128xi32, #tpu.memory_space<vmem>>
    %dma_start3A_199 = arith.constant 0 : i32
    %dma_start3A_200 = arith.constant 0 : i32
    %dma_start3A_201 = tpu.memref_slice %arg18[%dma_start3A_199, %dma_start3A_200] : memref<51200x16xf32, #tpu.memory_space<vmem_shared>> -> memref<51200x16xf32, #tpu.memory_space<vmem_shared>>
    tpu.enqueue_indirect_dma source(%dma_start3A_201 : memref<51200x16xf32, #tpu.memory_space<vmem_shared>>) target(%arg13 : memref<128x16xf32, #tpu.memory_space<vmem>>) offsets(%dma_start3A_198 : memref<128xi32, #tpu.memory_space<vmem>>) semaphore(%arg21 : memref<!tpu.dma_semaphore, #tpu.memory_space<semaphore_mem>>)
    %dma_start3A_202 = arith.constant 128 : i32
    %dma_start3A_203 = tpu.memref_slice %arg9[%dma_start3A_202] : memref<1024xi32, #tpu.memory_space<vmem>> -> memref<128xi32, #tpu.memory_space<vmem>>
    %dma_start3A_204 = arith.constant 0 : i32
    %dma_start3A_205 = arith.constant 0 : i32
    %dma_start3A_206 = tpu.memref_slice %arg18[%dma_start3A_204, %dma_start3A_205] : memref<51200x16xf32, #tpu.memory_space<vmem_shared>> -> memref<51200x16xf32, #tpu.memory_space<vmem_shared>>
    tpu.enqueue_indirect_dma source(%dma_start3A_206 : memref<51200x16xf32, #tpu.memory_space<vmem_shared>>) target(%arg14 : memref<128x16xf32, #tpu.memory_space<vmem>>) offsets(%dma_start3A_203 : memref<128xi32, #tpu.memory_space<vmem>>) semaphore(%arg22 : memref<!tpu.dma_semaphore, #tpu.memory_space<semaphore_mem>>)
    %scan3A_207 = arith.constant 0 : i32
    %scan3A_208 = arith.constant 0 : i32
    %scan3A_209 = arith.constant 25 : i32
    %scan3A_210 = arith.addi %scan3A_208, %scan3A_209 : i32
    %scan3A_211 = arith.constant 1 : i32
    scf.for %scan3A_239 = %scan3A_208 to %scan3A_210 step %scan3A_211  : i32 {
      %mul3A_240 = arith.constant 2 : i32
      %mul3A_241 = arith.muli %mul3A_240, %scan3A_239 : i32
      %mul3A_242 = arith.constant 8 : i32
      %mul3A_243 = arith.muli %mul3A_241, %mul3A_242 : i32
      %add3A_244 = arith.constant 0 : i32
      %add3A_245 = arith.addi %mul3A_243, %add3A_244 : i32
      %dma_wait3A_246 = arith.constant 0 : i32
      %dma_wait3A_247 = tpu.memref_slice %arg9[%dma_wait3A_246] : memref<1024xi32, #tpu.memory_space<vmem>> -> memref<128xi32, #tpu.memory_space<vmem>>
      %dma_wait3A_248 = arith.constant 0 : i32
      %dma_wait3A_249 = arith.constant 0 : i32
      %dma_wait3A_250 = tpu.memref_slice %arg18[%dma_wait3A_248, %dma_wait3A_249] : memref<51200x16xf32, #tpu.memory_space<vmem_shared>> -> memref<51200x16xf32, #tpu.memory_space<vmem_shared>>
      tpu.wait_indirect_dma semaphore(%arg21 : memref<!tpu.dma_semaphore, #tpu.memory_space<semaphore_mem>>) src(%dma_wait3A_250 : memref<51200x16xf32, #tpu.memory_space<vmem_shared>>) dst(%arg13 : memref<128x16xf32, #tpu.memory_space<vmem>>)
      %dma_start3A_251 = arith.constant 0 : i32
      %dma_start3A_252 = arith.constant 0 : i32
      %dma_start3A_253 = tpu.memref_slice %arg11[%dma_start3A_251, %dma_start3A_252] : memref<8x128xi32, #tpu.memory_space<vmem>> -> memref<1x128xi32, #tpu.memory_space<vmem>>
      %dma_start3A_254 = tpu.memref_squeeze %dma_start3A_253 : memref<1x128xi32, #tpu.memory_space<vmem>> -> memref<128xi32, #tpu.memory_space<vmem>>
      %dma_start3A_255 = arith.constant 0 : i32
      %dma_start3A_256 = arith.constant 0 : i32
      %dma_start3A_257 = tpu.memref_slice %arg19[%dma_start3A_255, %dma_start3A_256] : memref<51200x16xf32, #tpu.memory_space<vmem_shared>> -> memref<51200x16xf32, #tpu.memory_space<vmem_shared>>
      tpu.enqueue_indirect_dma source(%arg13 : memref<128x16xf32, #tpu.memory_space<vmem>>) target(%dma_start3A_257 : memref<51200x16xf32, #tpu.memory_space<vmem_shared>>) offsets(%dma_start3A_254 : memref<128xi32, #tpu.memory_space<vmem>>) semaphore(%arg25 : memref<!tpu.dma_semaphore, #tpu.memory_space<semaphore_mem>>) {add = true}
      %ge3A = arith.constant 2 : i32
      %ge3A_258 = arith.cmpi sge, %add3A_245, %ge3A : i32
      %convert_element_type3A_259 = arith.extui %ge3A_258 : i1 to i32
      %cond3A_260 = arith.constant 0 : i32
      %cond3A_261 = arith.cmpi ne, %convert_element_type3A_259, %cond3A_260 : i32
      scf.if %cond3A_261 {
        %dma_wait3A_725 = arith.constant 0 : i32
        %dma_wait3A_726 = arith.constant 0 : i32
        %dma_wait3A_727 = tpu.memref_slice %arg11[%dma_wait3A_725, %dma_wait3A_726] : memref<8x128xi32, #tpu.memory_space<vmem>> -> memref<1x128xi32, #tpu.memory_space<vmem>>
        %dma_wait3A_728 = tpu.memref_squeeze %dma_wait3A_727 : memref<1x128xi32, #tpu.memory_space<vmem>> -> memref<128xi32, #tpu.memory_space<vmem>>
        %dma_wait3A_729 = arith.constant 0 : i32
        %dma_wait3A_730 = arith.constant 0 : i32
        %dma_wait3A_731 = tpu.memref_slice %arg19[%dma_wait3A_729, %dma_wait3A_730] : memref<51200x16xf32, #tpu.memory_space<vmem_shared>> -> memref<51200x16xf32, #tpu.memory_space<vmem_shared>>
        tpu.wait_indirect_dma semaphore(%arg27 : memref<!tpu.dma_semaphore, #tpu.memory_space<semaphore_mem>>) src(%arg15 : memref<128x16xf32, #tpu.memory_space<vmem>>) dst(%dma_wait3A_731 : memref<51200x16xf32, #tpu.memory_space<vmem_shared>>)
      } else {
      }
      %add3A_262 = arith.constant 2 : i32
      %add3A_263 = arith.addi %add3A_245, %add3A_262 : i32
      %lt3A = arith.constant 400 : i32
      %lt3A_264 = arith.cmpi slt, %add3A_263, %lt3A : i32
      %convert_element_type3A_265 = arith.extui %lt3A_264 : i1 to i32
      %cond3A_266 = arith.constant 0 : i32
      %cond3A_267 = arith.cmpi ne, %convert_element_type3A_265, %cond3A_266 : i32
      scf.if %cond3A_267 {
        %dma_start3A_725 = arith.constant 256 : i32
        %dma_start3A_726 = tpu.memref_slice %arg9[%dma_start3A_725] : memref<1024xi32, #tpu.memory_space<vmem>> -> memref<128xi32, #tpu.memory_space<vmem>>
        %dma_start3A_727 = arith.constant 0 : i32
        %dma_start3A_728 = arith.constant 0 : i32
        %dma_start3A_729 = tpu.memref_slice %arg18[%dma_start3A_727, %dma_start3A_728] : memref<51200x16xf32, #tpu.memory_space<vmem_shared>> -> memref<51200x16xf32, #tpu.memory_space<vmem_shared>>
        tpu.enqueue_indirect_dma source(%dma_start3A_729 : memref<51200x16xf32, #tpu.memory_space<vmem_shared>>) target(%arg15 : memref<128x16xf32, #tpu.memory_space<vmem>>) offsets(%dma_start3A_726 : memref<128xi32, #tpu.memory_space<vmem>>) semaphore(%arg23 : memref<!tpu.dma_semaphore, #tpu.memory_space<semaphore_mem>>)
      } else {
      }
      %mul3A_268 = arith.constant 8 : i32
      %mul3A_269 = arith.muli %mul3A_241, %mul3A_268 : i32
      %add3A_270 = arith.constant 1 : i32
      %add3A_271 = arith.addi %mul3A_269, %add3A_270 : i32
      %dma_wait3A_272 = arith.constant 0 : i32
      %dma_wait3A_273 = tpu.memref_slice %arg9[%dma_wait3A_272] : memref<1024xi32, #tpu.memory_space<vmem>> -> memref<128xi32, #tpu.memory_space<vmem>>
      %dma_wait3A_274 = arith.constant 0 : i32
      %dma_wait3A_275 = arith.constant 0 : i32
      %dma_wait3A_276 = tpu.memref_slice %arg18[%dma_wait3A_274, %dma_wait3A_275] : memref<51200x16xf32, #tpu.memory_space<vmem_shared>> -> memref<51200x16xf32, #tpu.memory_space<vmem_shared>>
      tpu.wait_indirect_dma semaphore(%arg22 : memref<!tpu.dma_semaphore, #tpu.memory_space<semaphore_mem>>) src(%dma_wait3A_276 : memref<51200x16xf32, #tpu.memory_space<vmem_shared>>) dst(%arg14 : memref<128x16xf32, #tpu.memory_space<vmem>>)
      %dma_start3A_277 = arith.constant 1 : i32
      %dma_start3A_278 = arith.constant 0 : i32
      %dma_start3A_279 = tpu.memref_slice %arg11[%dma_start3A_277, %dma_start3A_278] : memref<8x128xi32, #tpu.memory_space<vmem>> -> memref<1x128xi32, #tpu.memory_space<vmem>>
      %dma_start3A_280 = tpu.memref_squeeze %dma_start3A_279 : memref<1x128xi32, #tpu.memory_space<vmem>> -> memref<128xi32, #tpu.memory_space<vmem>>
      %dma_start3A_281 = arith.constant 0 : i32
      %dma_start3A_282 = arith.constant 0 : i32
      %dma_start3A_283 = tpu.memref_slice %arg19[%dma_start3A_281, %dma_start3A_282] : memref<51200x16xf32, #tpu.memory_space<vmem_shared>> -> memref<51200x16xf32, #tpu.memory_space<vmem_shared>>
      tpu.enqueue_indirect_dma source(%arg14 : memref<128x16xf32, #tpu.memory_space<vmem>>) target(%dma_start3A_283 : memref<51200x16xf32, #tpu.memory_space<vmem_shared>>) offsets(%dma_start3A_280 : memref<128xi32, #tpu.memory_space<vmem>>) semaphore(%arg26 : memref<!tpu.dma_semaphore, #tpu.memory_space<semaphore_mem>>) {add = true}
      %ge3A_284 = arith.constant 2 : i32
      %ge3A_285 = arith.cmpi sge, %add3A_271, %ge3A_284 : i32
      %convert_element_type3A_286 = arith.extui %ge3A_285 : i1 to i32
      %cond3A_287 = arith.constant 0 : i32
      %cond3A_288 = arith.cmpi ne, %convert_element_type3A_286, %cond3A_287 : i32
      scf.if %cond3A_288 {
        %dma_wait3A_725 = arith.constant 0 : i32
        %dma_wait3A_726 = arith.constant 0 : i32
        %dma_wait3A_727 = tpu.memref_slice %arg11[%dma_wait3A_725, %dma_wait3A_726] : memref<8x128xi32, #tpu.memory_space<vmem>> -> memref<1x128xi32, #tpu.memory_space<vmem>>
        %dma_wait3A_728 = tpu.memref_squeeze %dma_wait3A_727 : memref<1x128xi32, #tpu.memory_space<vmem>> -> memref<128xi32, #tpu.memory_space<vmem>>
        %dma_wait3A_729 = arith.constant 0 : i32
        %dma_wait3A_730 = arith.constant 0 : i32
        %dma_wait3A_731 = tpu.memref_slice %arg19[%dma_wait3A_729, %dma_wait3A_730] : memref<51200x16xf32, #tpu.memory_space<vmem_shared>> -> memref<51200x16xf32, #tpu.memory_space<vmem_shared>>
        tpu.wait_indirect_dma semaphore(%arg28 : memref<!tpu.dma_semaphore, #tpu.memory_space<semaphore_mem>>) src(%arg16 : memref<128x16xf32, #tpu.memory_space<vmem>>) dst(%dma_wait3A_731 : memref<51200x16xf32, #tpu.memory_space<vmem_shared>>)
      } else {
      }
      %add3A_289 = arith.constant 2 : i32
      %add3A_290 = arith.addi %add3A_271, %add3A_289 : i32
      %lt3A_291 = arith.constant 400 : i32
      %lt3A_292 = arith.cmpi slt, %add3A_290, %lt3A_291 : i32
      %convert_element_type3A_293 = arith.extui %lt3A_292 : i1 to i32
      %cond3A_294 = arith.constant 0 : i32
      %cond3A_295 = arith.cmpi ne, %convert_element_type3A_293, %cond3A_294 : i32
      scf.if %cond3A_295 {
        %dma_start3A_725 = arith.constant 384 : i32
        %dma_start3A_726 = tpu.memref_slice %arg9[%dma_start3A_725] : memref<1024xi32, #tpu.memory_space<vmem>> -> memref<128xi32, #tpu.memory_space<vmem>>
        %dma_start3A_727 = arith.constant 0 : i32
        %dma_start3A_728 = arith.constant 0 : i32
        %dma_start3A_729 = tpu.memref_slice %arg18[%dma_start3A_727, %dma_start3A_728] : memref<51200x16xf32, #tpu.memory_space<vmem_shared>> -> memref<51200x16xf32, #tpu.memory_space<vmem_shared>>
        tpu.enqueue_indirect_dma source(%dma_start3A_729 : memref<51200x16xf32, #tpu.memory_space<vmem_shared>>) target(%arg16 : memref<128x16xf32, #tpu.memory_space<vmem>>) offsets(%dma_start3A_726 : memref<128xi32, #tpu.memory_space<vmem>>) semaphore(%arg24 : memref<!tpu.dma_semaphore, #tpu.memory_space<semaphore_mem>>)
      } else {
      }
      %ge3A_296 = arith.constant 1 : i32
      %ge3A_297 = arith.cmpi sge, %mul3A_241, %ge3A_296 : i32
      %add3A_298 = arith.constant 1 : i32
      %add3A_299 = arith.addi %mul3A_241, %add3A_298 : i32
      %lt3A_300 = arith.constant 50 : i32
      %lt3A_301 = arith.cmpi slt, %add3A_299, %lt3A_300 : i32
      %and3A = arith.andi %ge3A_297, %lt3A_301 : i1
      %convert_element_type3A_302 = arith.extui %and3A : i1 to i32
      %cond3A_303 = arith.constant 0 : i32
      %cond3A_304 = arith.cmpi ne, %convert_element_type3A_302, %cond3A_303 : i32
      scf.if %cond3A_304 {
        %add3A_725 = arith.constant 1 : i32
        %add3A_726 = arith.addi %mul3A_241, %add3A_725 : i32
        %mul3A_727 = arith.constant 51200 : i32
        %mul3A_728 = arith.muli %arg1, %mul3A_727 : i32
        %mul3A_729 = arith.constant 8 : i32
        %mul3A_730 = arith.muli %add3A_726, %mul3A_729 : i32
        %mul3A_731 = arith.constant 128 : i32
        %mul3A_732 = arith.muli %mul3A_730, %mul3A_731 : i32
        %add3A_733 = arith.addi %mul3A_728, %mul3A_732 : i32
        %dma_start3A_734 = tpu.memref_slice %arg3[%add3A_733] : memref<819200xi32, #tpu.memory_space<hbm>> -> memref<1024xi32, #tpu.memory_space<hbm>>
        %dma_start3A_735 = tpu.memref_slice %arg3[%add3A_733] : memref<819200xi32, #tpu.memory_space<hbm>> -> memref<1024xi32, #tpu.memory_space<hbm>>
        tpu.enqueue_dma source(%dma_start3A_735 : memref<1024xi32, #tpu.memory_space<hbm>>) target(%arg10 : memref<1024xi32, #tpu.memory_space<vmem>>) target_semaphore(%arg34 : memref<!tpu.dma_semaphore, #tpu.memory_space<semaphore_mem>>)
        %mul3A_736 = arith.constant 400 : i32
        %mul3A_737 = arith.muli %arg1, %mul3A_736 : i32
        %mul3A_738 = arith.constant 8 : i32
        %mul3A_739 = arith.muli %add3A_726, %mul3A_738 : i32
        %add3A_740 = arith.addi %mul3A_737, %mul3A_739 : i32
        %dma_start3A_741 = arith.constant 0 : i32
        %dma_start3A_742 = tpu.memref_slice %arg4[%add3A_740, %dma_start3A_741] : memref<6400x128xi32, #tpu.memory_space<hbm>> -> memref<8x128xi32, #tpu.memory_space<hbm>>
        %dma_start3A_743 = arith.constant 0 : i32
        %dma_start3A_744 = tpu.memref_slice %arg4[%add3A_740, %dma_start3A_743] : memref<6400x128xi32, #tpu.memory_space<hbm>> -> memref<8x128xi32, #tpu.memory_space<hbm>>
        tpu.enqueue_dma source(%dma_start3A_744 : memref<8x128xi32, #tpu.memory_space<hbm>>) target(%arg12 : memref<8x128xi32, #tpu.memory_space<vmem>>) target_semaphore(%arg34 : memref<!tpu.dma_semaphore, #tpu.memory_space<semaphore_mem>>)
      } else {
      }
      %mul3A_305 = arith.constant 8 : i32
      %mul3A_306 = arith.muli %mul3A_241, %mul3A_305 : i32
      %add3A_307 = arith.constant 2 : i32
      %add3A_308 = arith.addi %mul3A_306, %add3A_307 : i32
      %dma_wait3A_309 = arith.constant 0 : i32
      %dma_wait3A_310 = tpu.memref_slice %arg9[%dma_wait3A_309] : memref<1024xi32, #tpu.memory_space<vmem>> -> memref<128xi32, #tpu.memory_space<vmem>>
      %dma_wait3A_311 = arith.constant 0 : i32
      %dma_wait3A_312 = arith.constant 0 : i32
      %dma_wait3A_313 = tpu.memref_slice %arg18[%dma_wait3A_311, %dma_wait3A_312] : memref<51200x16xf32, #tpu.memory_space<vmem_shared>> -> memref<51200x16xf32, #tpu.memory_space<vmem_shared>>
      tpu.wait_indirect_dma semaphore(%arg23 : memref<!tpu.dma_semaphore, #tpu.memory_space<semaphore_mem>>) src(%dma_wait3A_313 : memref<51200x16xf32, #tpu.memory_space<vmem_shared>>) dst(%arg15 : memref<128x16xf32, #tpu.memory_space<vmem>>)
      %dma_start3A_314 = arith.constant 2 : i32
      %dma_start3A_315 = arith.constant 0 : i32
      %dma_start3A_316 = tpu.memref_slice %arg11[%dma_start3A_314, %dma_start3A_315] : memref<8x128xi32, #tpu.memory_space<vmem>> -> memref<1x128xi32, #tpu.memory_space<vmem>>
      %dma_start3A_317 = tpu.memref_squeeze %dma_start3A_316 : memref<1x128xi32, #tpu.memory_space<vmem>> -> memref<128xi32, #tpu.memory_space<vmem>>
      %dma_start3A_318 = arith.constant 0 : i32
      %dma_start3A_319 = arith.constant 0 : i32
      %dma_start3A_320 = tpu.memref_slice %arg19[%dma_start3A_318, %dma_start3A_319] : memref<51200x16xf32, #tpu.memory_space<vmem_shared>> -> memref<51200x16xf32, #tpu.memory_space<vmem_shared>>
      tpu.enqueue_indirect_dma source(%arg15 : memref<128x16xf32, #tpu.memory_space<vmem>>) target(%dma_start3A_320 : memref<51200x16xf32, #tpu.memory_space<vmem_shared>>) offsets(%dma_start3A_317 : memref<128xi32, #tpu.memory_space<vmem>>) semaphore(%arg27 : memref<!tpu.dma_semaphore, #tpu.memory_space<semaphore_mem>>) {add = true}
      %ge3A_321 = arith.constant 2 : i32
      %ge3A_322 = arith.cmpi sge, %add3A_308, %ge3A_321 : i32
      %convert_element_type3A_323 = arith.extui %ge3A_322 : i1 to i32
      %cond3A_324 = arith.constant 0 : i32
      %cond3A_325 = arith.cmpi ne, %convert_element_type3A_323, %cond3A_324 : i32
      scf.if %cond3A_325 {
        %dma_wait3A_725 = arith.constant 0 : i32
        %dma_wait3A_726 = arith.constant 0 : i32
        %dma_wait3A_727 = tpu.memref_slice %arg11[%dma_wait3A_725, %dma_wait3A_726] : memref<8x128xi32, #tpu.memory_space<vmem>> -> memref<1x128xi32, #tpu.memory_space<vmem>>
        %dma_wait3A_728 = tpu.memref_squeeze %dma_wait3A_727 : memref<1x128xi32, #tpu.memory_space<vmem>> -> memref<128xi32, #tpu.memory_space<vmem>>
        %dma_wait3A_729 = arith.constant 0 : i32
        %dma_wait3A_730 = arith.constant 0 : i32
        %dma_wait3A_731 = tpu.memref_slice %arg19[%dma_wait3A_729, %dma_wait3A_730] : memref<51200x16xf32, #tpu.memory_space<vmem_shared>> -> memref<51200x16xf32, #tpu.memory_space<vmem_shared>>
        tpu.wait_indirect_dma semaphore(%arg25 : memref<!tpu.dma_semaphore, #tpu.memory_space<semaphore_mem>>) src(%arg13 : memref<128x16xf32, #tpu.memory_space<vmem>>) dst(%dma_wait3A_731 : memref<51200x16xf32, #tpu.memory_space<vmem_shared>>)
      } else {
      }
      %add3A_326 = arith.constant 2 : i32
      %add3A_327 = arith.addi %add3A_308, %add3A_326 : i32
      %lt3A_328 = arith.constant 400 : i32
      %lt3A_329 = arith.cmpi slt, %add3A_327, %lt3A_328 : i32
      %convert_element_type3A_330 = arith.extui %lt3A_329 : i1 to i32
      %cond3A_331 = arith.constant 0 : i32
      %cond3A_332 = arith.cmpi ne, %convert_element_type3A_330, %cond3A_331 : i32
      scf.if %cond3A_332 {
        %dma_start3A_725 = arith.constant 512 : i32
        %dma_start3A_726 = tpu.memref_slice %arg9[%dma_start3A_725] : memref<1024xi32, #tpu.memory_space<vmem>> -> memref<128xi32, #tpu.memory_space<vmem>>
        %dma_start3A_727 = arith.constant 0 : i32
        %dma_start3A_728 = arith.constant 0 : i32
        %dma_start3A_729 = tpu.memref_slice %arg18[%dma_start3A_727, %dma_start3A_728] : memref<51200x16xf32, #tpu.memory_space<vmem_shared>> -> memref<51200x16xf32, #tpu.memory_space<vmem_shared>>
        tpu.enqueue_indirect_dma source(%dma_start3A_729 : memref<51200x16xf32, #tpu.memory_space<vmem_shared>>) target(%arg13 : memref<128x16xf32, #tpu.memory_space<vmem>>) offsets(%dma_start3A_726 : memref<128xi32, #tpu.memory_space<vmem>>) semaphore(%arg21 : memref<!tpu.dma_semaphore, #tpu.memory_space<semaphore_mem>>)
      } else {
      }
      %mul3A_333 = arith.constant 8 : i32
      %mul3A_334 = arith.muli %mul3A_241, %mul3A_333 : i32
      %add3A_335 = arith.constant 3 : i32
      %add3A_336 = arith.addi %mul3A_334, %add3A_335 : i32
      %dma_wait3A_337 = arith.constant 0 : i32
      %dma_wait3A_338 = tpu.memref_slice %arg9[%dma_wait3A_337] : memref<1024xi32, #tpu.memory_space<vmem>> -> memref<128xi32, #tpu.memory_space<vmem>>
      %dma_wait3A_339 = arith.constant 0 : i32
      %dma_wait3A_340 = arith.constant 0 : i32
      %dma_wait3A_341 = tpu.memref_slice %arg18[%dma_wait3A_339, %dma_wait3A_340] : memref<51200x16xf32, #tpu.memory_space<vmem_shared>> -> memref<51200x16xf32, #tpu.memory_space<vmem_shared>>
      tpu.wait_indirect_dma semaphore(%arg24 : memref<!tpu.dma_semaphore, #tpu.memory_space<semaphore_mem>>) src(%dma_wait3A_341 : memref<51200x16xf32, #tpu.memory_space<vmem_shared>>) dst(%arg16 : memref<128x16xf32, #tpu.memory_space<vmem>>)
      %dma_start3A_342 = arith.constant 3 : i32
      %dma_start3A_343 = arith.constant 0 : i32
      %dma_start3A_344 = tpu.memref_slice %arg11[%dma_start3A_342, %dma_start3A_343] : memref<8x128xi32, #tpu.memory_space<vmem>> -> memref<1x128xi32, #tpu.memory_space<vmem>>
      %dma_start3A_345 = tpu.memref_squeeze %dma_start3A_344 : memref<1x128xi32, #tpu.memory_space<vmem>> -> memref<128xi32, #tpu.memory_space<vmem>>
      %dma_start3A_346 = arith.constant 0 : i32
      %dma_start3A_347 = arith.constant 0 : i32
      %dma_start3A_348 = tpu.memref_slice %arg19[%dma_start3A_346, %dma_start3A_347] : memref<51200x16xf32, #tpu.memory_space<vmem_shared>> -> memref<51200x16xf32, #tpu.memory_space<vmem_shared>>
      tpu.enqueue_indirect_dma source(%arg16 : memref<128x16xf32, #tpu.memory_space<vmem>>) target(%dma_start3A_348 : memref<51200x16xf32, #tpu.memory_space<vmem_shared>>) offsets(%dma_start3A_345 : memref<128xi32, #tpu.memory_space<vmem>>) semaphore(%arg28 : memref<!tpu.dma_semaphore, #tpu.memory_space<semaphore_mem>>) {add = true}
      %ge3A_349 = arith.constant 2 : i32
      %ge3A_350 = arith.cmpi sge, %add3A_336, %ge3A_349 : i32
      %convert_element_type3A_351 = arith.extui %ge3A_350 : i1 to i32
      %cond3A_352 = arith.constant 0 : i32
      %cond3A_353 = arith.cmpi ne, %convert_element_type3A_351, %cond3A_352 : i32
      scf.if %cond3A_353 {
        %dma_wait3A_725 = arith.constant 0 : i32
        %dma_wait3A_726 = arith.constant 0 : i32
        %dma_wait3A_727 = tpu.memref_slice %arg11[%dma_wait3A_725, %dma_wait3A_726] : memref<8x128xi32, #tpu.memory_space<vmem>> -> memref<1x128xi32, #tpu.memory_space<vmem>>
        %dma_wait3A_728 = tpu.memref_squeeze %dma_wait3A_727 : memref<1x128xi32, #tpu.memory_space<vmem>> -> memref<128xi32, #tpu.memory_space<vmem>>
        %dma_wait3A_729 = arith.constant 0 : i32
        %dma_wait3A_730 = arith.constant 0 : i32
        %dma_wait3A_731 = tpu.memref_slice %arg19[%dma_wait3A_729, %dma_wait3A_730] : memref<51200x16xf32, #tpu.memory_space<vmem_shared>> -> memref<51200x16xf32, #tpu.memory_space<vmem_shared>>
        tpu.wait_indirect_dma semaphore(%arg26 : memref<!tpu.dma_semaphore, #tpu.memory_space<semaphore_mem>>) src(%arg14 : memref<128x16xf32, #tpu.memory_space<vmem>>) dst(%dma_wait3A_731 : memref<51200x16xf32, #tpu.memory_space<vmem_shared>>)
      } else {
      }
      %add3A_354 = arith.constant 2 : i32
      %add3A_355 = arith.addi %add3A_336, %add3A_354 : i32
      %lt3A_356 = arith.constant 400 : i32
      %lt3A_357 = arith.cmpi slt, %add3A_355, %lt3A_356 : i32
      %convert_element_type3A_358 = arith.extui %lt3A_357 : i1 to i32
      %cond3A_359 = arith.constant 0 : i32
      %cond3A_360 = arith.cmpi ne, %convert_element_type3A_358, %cond3A_359 : i32
      scf.if %cond3A_360 {
        %dma_start3A_725 = arith.constant 640 : i32
        %dma_start3A_726 = tpu.memref_slice %arg9[%dma_start3A_725] : memref<1024xi32, #tpu.memory_space<vmem>> -> memref<128xi32, #tpu.memory_space<vmem>>
        %dma_start3A_727 = arith.constant 0 : i32
        %dma_start3A_728 = arith.constant 0 : i32
        %dma_start3A_729 = tpu.memref_slice %arg18[%dma_start3A_727, %dma_start3A_728] : memref<51200x16xf32, #tpu.memory_space<vmem_shared>> -> memref<51200x16xf32, #tpu.memory_space<vmem_shared>>
        tpu.enqueue_indirect_dma source(%dma_start3A_729 : memref<51200x16xf32, #tpu.memory_space<vmem_shared>>) target(%arg14 : memref<128x16xf32, #tpu.memory_space<vmem>>) offsets(%dma_start3A_726 : memref<128xi32, #tpu.memory_space<vmem>>) semaphore(%arg22 : memref<!tpu.dma_semaphore, #tpu.memory_space<semaphore_mem>>)
      } else {
      }
      %mul3A_361 = arith.constant 8 : i32
      %mul3A_362 = arith.muli %mul3A_241, %mul3A_361 : i32
      %add3A_363 = arith.constant 4 : i32
      %add3A_364 = arith.addi %mul3A_362, %add3A_363 : i32
      %dma_wait3A_365 = arith.constant 0 : i32
      %dma_wait3A_366 = tpu.memref_slice %arg9[%dma_wait3A_365] : memref<1024xi32, #tpu.memory_space<vmem>> -> memref<128xi32, #tpu.memory_space<vmem>>
      %dma_wait3A_367 = arith.constant 0 : i32
      %dma_wait3A_368 = arith.constant 0 : i32
      %dma_wait3A_369 = tpu.memref_slice %arg18[%dma_wait3A_367, %dma_wait3A_368] : memref<51200x16xf32, #tpu.memory_space<vmem_shared>> -> memref<51200x16xf32, #tpu.memory_space<vmem_shared>>
      tpu.wait_indirect_dma semaphore(%arg21 : memref<!tpu.dma_semaphore, #tpu.memory_space<semaphore_mem>>) src(%dma_wait3A_369 : memref<51200x16xf32, #tpu.memory_space<vmem_shared>>) dst(%arg13 : memref<128x16xf32, #tpu.memory_space<vmem>>)
      %dma_start3A_370 = arith.constant 4 : i32
      %dma_start3A_371 = arith.constant 0 : i32
      %dma_start3A_372 = tpu.memref_slice %arg11[%dma_start3A_370, %dma_start3A_371] : memref<8x128xi32, #tpu.memory_space<vmem>> -> memref<1x128xi32, #tpu.memory_space<vmem>>
      %dma_start3A_373 = tpu.memref_squeeze %dma_start3A_372 : memref<1x128xi32, #tpu.memory_space<vmem>> -> memref<128xi32, #tpu.memory_space<vmem>>
      %dma_start3A_374 = arith.constant 0 : i32
      %dma_start3A_375 = arith.constant 0 : i32
      %dma_start3A_376 = tpu.memref_slice %arg19[%dma_start3A_374, %dma_start3A_375] : memref<51200x16xf32, #tpu.memory_space<vmem_shared>> -> memref<51200x16xf32, #tpu.memory_space<vmem_shared>>
      tpu.enqueue_indirect_dma source(%arg13 : memref<128x16xf32, #tpu.memory_space<vmem>>) target(%dma_start3A_376 : memref<51200x16xf32, #tpu.memory_space<vmem_shared>>) offsets(%dma_start3A_373 : memref<128xi32, #tpu.memory_space<vmem>>) semaphore(%arg25 : memref<!tpu.dma_semaphore, #tpu.memory_space<semaphore_mem>>) {add = true}
      %ge3A_377 = arith.constant 2 : i32
      %ge3A_378 = arith.cmpi sge, %add3A_364, %ge3A_377 : i32
      %convert_element_type3A_379 = arith.extui %ge3A_378 : i1 to i32
      %cond3A_380 = arith.constant 0 : i32
      %cond3A_381 = arith.cmpi ne, %convert_element_type3A_379, %cond3A_380 : i32
      scf.if %cond3A_381 {
        %dma_wait3A_725 = arith.constant 0 : i32
        %dma_wait3A_726 = arith.constant 0 : i32
        %dma_wait3A_727 = tpu.memref_slice %arg11[%dma_wait3A_725, %dma_wait3A_726] : memref<8x128xi32, #tpu.memory_space<vmem>> -> memref<1x128xi32, #tpu.memory_space<vmem>>
        %dma_wait3A_728 = tpu.memref_squeeze %dma_wait3A_727 : memref<1x128xi32, #tpu.memory_space<vmem>> -> memref<128xi32, #tpu.memory_space<vmem>>
        %dma_wait3A_729 = arith.constant 0 : i32
        %dma_wait3A_730 = arith.constant 0 : i32
        %dma_wait3A_731 = tpu.memref_slice %arg19[%dma_wait3A_729, %dma_wait3A_730] : memref<51200x16xf32, #tpu.memory_space<vmem_shared>> -> memref<51200x16xf32, #tpu.memory_space<vmem_shared>>
        tpu.wait_indirect_dma semaphore(%arg27 : memref<!tpu.dma_semaphore, #tpu.memory_space<semaphore_mem>>) src(%arg15 : memref<128x16xf32, #tpu.memory_space<vmem>>) dst(%dma_wait3A_731 : memref<51200x16xf32, #tpu.memory_space<vmem_shared>>)
      } else {
      }
      %add3A_382 = arith.constant 2 : i32
      %add3A_383 = arith.addi %add3A_364, %add3A_382 : i32
      %lt3A_384 = arith.constant 400 : i32
      %lt3A_385 = arith.cmpi slt, %add3A_383, %lt3A_384 : i32
      %convert_element_type3A_386 = arith.extui %lt3A_385 : i1 to i32
      %cond3A_387 = arith.constant 0 : i32
      %cond3A_388 = arith.cmpi ne, %convert_element_type3A_386, %cond3A_387 : i32
      scf.if %cond3A_388 {
        %dma_start3A_725 = arith.constant 768 : i32
        %dma_start3A_726 = tpu.memref_slice %arg9[%dma_start3A_725] : memref<1024xi32, #tpu.memory_space<vmem>> -> memref<128xi32, #tpu.memory_space<vmem>>
        %dma_start3A_727 = arith.constant 0 : i32
        %dma_start3A_728 = arith.constant 0 : i32
        %dma_start3A_729 = tpu.memref_slice %arg18[%dma_start3A_727, %dma_start3A_728] : memref<51200x16xf32, #tpu.memory_space<vmem_shared>> -> memref<51200x16xf32, #tpu.memory_space<vmem_shared>>
        tpu.enqueue_indirect_dma source(%dma_start3A_729 : memref<51200x16xf32, #tpu.memory_space<vmem_shared>>) target(%arg15 : memref<128x16xf32, #tpu.memory_space<vmem>>) offsets(%dma_start3A_726 : memref<128xi32, #tpu.memory_space<vmem>>) semaphore(%arg23 : memref<!tpu.dma_semaphore, #tpu.memory_space<semaphore_mem>>)
      } else {
      }
      %mul3A_389 = arith.constant 8 : i32
      %mul3A_390 = arith.muli %mul3A_241, %mul3A_389 : i32
      %add3A_391 = arith.constant 5 : i32
      %add3A_392 = arith.addi %mul3A_390, %add3A_391 : i32
      %dma_wait3A_393 = arith.constant 0 : i32
      %dma_wait3A_394 = tpu.memref_slice %arg9[%dma_wait3A_393] : memref<1024xi32, #tpu.memory_space<vmem>> -> memref<128xi32, #tpu.memory_space<vmem>>
      %dma_wait3A_395 = arith.constant 0 : i32
      %dma_wait3A_396 = arith.constant 0 : i32
      %dma_wait3A_397 = tpu.memref_slice %arg18[%dma_wait3A_395, %dma_wait3A_396] : memref<51200x16xf32, #tpu.memory_space<vmem_shared>> -> memref<51200x16xf32, #tpu.memory_space<vmem_shared>>
      tpu.wait_indirect_dma semaphore(%arg22 : memref<!tpu.dma_semaphore, #tpu.memory_space<semaphore_mem>>) src(%dma_wait3A_397 : memref<51200x16xf32, #tpu.memory_space<vmem_shared>>) dst(%arg14 : memref<128x16xf32, #tpu.memory_space<vmem>>)
      %dma_start3A_398 = arith.constant 5 : i32
      %dma_start3A_399 = arith.constant 0 : i32
      %dma_start3A_400 = tpu.memref_slice %arg11[%dma_start3A_398, %dma_start3A_399] : memref<8x128xi32, #tpu.memory_space<vmem>> -> memref<1x128xi32, #tpu.memory_space<vmem>>
      %dma_start3A_401 = tpu.memref_squeeze %dma_start3A_400 : memref<1x128xi32, #tpu.memory_space<vmem>> -> memref<128xi32, #tpu.memory_space<vmem>>
      %dma_start3A_402 = arith.constant 0 : i32
      %dma_start3A_403 = arith.constant 0 : i32
      %dma_start3A_404 = tpu.memref_slice %arg19[%dma_start3A_402, %dma_start3A_403] : memref<51200x16xf32, #tpu.memory_space<vmem_shared>> -> memref<51200x16xf32, #tpu.memory_space<vmem_shared>>
      tpu.enqueue_indirect_dma source(%arg14 : memref<128x16xf32, #tpu.memory_space<vmem>>) target(%dma_start3A_404 : memref<51200x16xf32, #tpu.memory_space<vmem_shared>>) offsets(%dma_start3A_401 : memref<128xi32, #tpu.memory_space<vmem>>) semaphore(%arg26 : memref<!tpu.dma_semaphore, #tpu.memory_space<semaphore_mem>>) {add = true}
      %ge3A_405 = arith.constant 2 : i32
      %ge3A_406 = arith.cmpi sge, %add3A_392, %ge3A_405 : i32
      %convert_element_type3A_407 = arith.extui %ge3A_406 : i1 to i32
      %cond3A_408 = arith.constant 0 : i32
      %cond3A_409 = arith.cmpi ne, %convert_element_type3A_407, %cond3A_408 : i32
      scf.if %cond3A_409 {
        %dma_wait3A_725 = arith.constant 0 : i32
        %dma_wait3A_726 = arith.constant 0 : i32
        %dma_wait3A_727 = tpu.memref_slice %arg11[%dma_wait3A_725, %dma_wait3A_726] : memref<8x128xi32, #tpu.memory_space<vmem>> -> memref<1x128xi32, #tpu.memory_space<vmem>>
        %dma_wait3A_728 = tpu.memref_squeeze %dma_wait3A_727 : memref<1x128xi32, #tpu.memory_space<vmem>> -> memref<128xi32, #tpu.memory_space<vmem>>
        %dma_wait3A_729 = arith.constant 0 : i32
        %dma_wait3A_730 = arith.constant 0 : i32
        %dma_wait3A_731 = tpu.memref_slice %arg19[%dma_wait3A_729, %dma_wait3A_730] : memref<51200x16xf32, #tpu.memory_space<vmem_shared>> -> memref<51200x16xf32, #tpu.memory_space<vmem_shared>>
        tpu.wait_indirect_dma semaphore(%arg28 : memref<!tpu.dma_semaphore, #tpu.memory_space<semaphore_mem>>) src(%arg16 : memref<128x16xf32, #tpu.memory_space<vmem>>) dst(%dma_wait3A_731 : memref<51200x16xf32, #tpu.memory_space<vmem_shared>>)
      } else {
      }
      %add3A_410 = arith.constant 2 : i32
      %add3A_411 = arith.addi %add3A_392, %add3A_410 : i32
      %lt3A_412 = arith.constant 400 : i32
      %lt3A_413 = arith.cmpi slt, %add3A_411, %lt3A_412 : i32
      %convert_element_type3A_414 = arith.extui %lt3A_413 : i1 to i32
      %cond3A_415 = arith.constant 0 : i32
      %cond3A_416 = arith.cmpi ne, %convert_element_type3A_414, %cond3A_415 : i32
      scf.if %cond3A_416 {
        %dma_start3A_725 = arith.constant 896 : i32
        %dma_start3A_726 = tpu.memref_slice %arg9[%dma_start3A_725] : memref<1024xi32, #tpu.memory_space<vmem>> -> memref<128xi32, #tpu.memory_space<vmem>>
        %dma_start3A_727 = arith.constant 0 : i32
        %dma_start3A_728 = arith.constant 0 : i32
        %dma_start3A_729 = tpu.memref_slice %arg18[%dma_start3A_727, %dma_start3A_728] : memref<51200x16xf32, #tpu.memory_space<vmem_shared>> -> memref<51200x16xf32, #tpu.memory_space<vmem_shared>>
        tpu.enqueue_indirect_dma source(%dma_start3A_729 : memref<51200x16xf32, #tpu.memory_space<vmem_shared>>) target(%arg16 : memref<128x16xf32, #tpu.memory_space<vmem>>) offsets(%dma_start3A_726 : memref<128xi32, #tpu.memory_space<vmem>>) semaphore(%arg24 : memref<!tpu.dma_semaphore, #tpu.memory_space<semaphore_mem>>)
      } else {
      }
      %add3A_417 = arith.constant 1 : i32
      %add3A_418 = arith.addi %mul3A_241, %add3A_417 : i32
      %lt3A_419 = arith.constant 50 : i32
      %lt3A_420 = arith.cmpi slt, %add3A_418, %lt3A_419 : i32
      %convert_element_type3A_421 = arith.extui %lt3A_420 : i1 to i32
      %cond3A_422 = arith.constant 0 : i32
      %cond3A_423 = arith.cmpi ne, %convert_element_type3A_421, %cond3A_422 : i32
      scf.if %cond3A_423 {
        %dma_wait3A_725 = arith.constant 0 : i32
        %dma_wait3A_726 = tpu.memref_slice %arg3[%dma_wait3A_725] : memref<819200xi32, #tpu.memory_space<hbm>> -> memref<1024xi32, #tpu.memory_space<hbm>>
        %dma_wait3A_727 = arith.constant 0 : i32
        %dma_wait3A_728 = tpu.memref_slice %arg3[%dma_wait3A_727] : memref<819200xi32, #tpu.memory_space<hbm>> -> memref<1024xi32, #tpu.memory_space<hbm>>
        tpu.wait_dma2 semaphore(%arg34 : memref<!tpu.dma_semaphore, #tpu.memory_space<semaphore_mem>>) src(%dma_wait3A_728 : memref<1024xi32, #tpu.memory_space<hbm>>) dst(%arg10 : memref<1024xi32, #tpu.memory_space<vmem>>)
        %dma_wait3A_729 = arith.constant 0 : i32
        %dma_wait3A_730 = arith.constant 0 : i32
        %dma_wait3A_731 = tpu.memref_slice %arg4[%dma_wait3A_729, %dma_wait3A_730] : memref<6400x128xi32, #tpu.memory_space<hbm>> -> memref<8x128xi32, #tpu.memory_space<hbm>>
        %dma_wait3A_732 = arith.constant 0 : i32
        %dma_wait3A_733 = arith.constant 0 : i32
        %dma_wait3A_734 = tpu.memref_slice %arg4[%dma_wait3A_732, %dma_wait3A_733] : memref<6400x128xi32, #tpu.memory_space<hbm>> -> memref<8x128xi32, #tpu.memory_space<hbm>>
        tpu.wait_dma2 semaphore(%arg34 : memref<!tpu.dma_semaphore, #tpu.memory_space<semaphore_mem>>) src(%dma_wait3A_734 : memref<8x128xi32, #tpu.memory_space<hbm>>) dst(%arg12 : memref<8x128xi32, #tpu.memory_space<vmem>>)
      } else {
      }
      %mul3A_424 = arith.constant 8 : i32
      %mul3A_425 = arith.muli %mul3A_241, %mul3A_424 : i32
      %add3A_426 = arith.constant 6 : i32
      %add3A_427 = arith.addi %mul3A_425, %add3A_426 : i32
      %dma_wait3A_428 = arith.constant 0 : i32
      %dma_wait3A_429 = tpu.memref_slice %arg9[%dma_wait3A_428] : memref<1024xi32, #tpu.memory_space<vmem>> -> memref<128xi32, #tpu.memory_space<vmem>>
      %dma_wait3A_430 = arith.constant 0 : i32
      %dma_wait3A_431 = arith.constant 0 : i32
      %dma_wait3A_432 = tpu.memref_slice %arg18[%dma_wait3A_430, %dma_wait3A_431] : memref<51200x16xf32, #tpu.memory_space<vmem_shared>> -> memref<51200x16xf32, #tpu.memory_space<vmem_shared>>
      tpu.wait_indirect_dma semaphore(%arg23 : memref<!tpu.dma_semaphore, #tpu.memory_space<semaphore_mem>>) src(%dma_wait3A_432 : memref<51200x16xf32, #tpu.memory_space<vmem_shared>>) dst(%arg15 : memref<128x16xf32, #tpu.memory_space<vmem>>)
      %dma_start3A_433 = arith.constant 6 : i32
      %dma_start3A_434 = arith.constant 0 : i32
      %dma_start3A_435 = tpu.memref_slice %arg11[%dma_start3A_433, %dma_start3A_434] : memref<8x128xi32, #tpu.memory_space<vmem>> -> memref<1x128xi32, #tpu.memory_space<vmem>>
      %dma_start3A_436 = tpu.memref_squeeze %dma_start3A_435 : memref<1x128xi32, #tpu.memory_space<vmem>> -> memref<128xi32, #tpu.memory_space<vmem>>
      %dma_start3A_437 = arith.constant 0 : i32
      %dma_start3A_438 = arith.constant 0 : i32
      %dma_start3A_439 = tpu.memref_slice %arg19[%dma_start3A_437, %dma_start3A_438] : memref<51200x16xf32, #tpu.memory_space<vmem_shared>> -> memref<51200x16xf32, #tpu.memory_space<vmem_shared>>
      tpu.enqueue_indirect_dma source(%arg15 : memref<128x16xf32, #tpu.memory_space<vmem>>) target(%dma_start3A_439 : memref<51200x16xf32, #tpu.memory_space<vmem_shared>>) offsets(%dma_start3A_436 : memref<128xi32, #tpu.memory_space<vmem>>) semaphore(%arg27 : memref<!tpu.dma_semaphore, #tpu.memory_space<semaphore_mem>>) {add = true}
      %ge3A_440 = arith.constant 2 : i32
      %ge3A_441 = arith.cmpi sge, %add3A_427, %ge3A_440 : i32
      %convert_element_type3A_442 = arith.extui %ge3A_441 : i1 to i32
      %cond3A_443 = arith.constant 0 : i32
      %cond3A_444 = arith.cmpi ne, %convert_element_type3A_442, %cond3A_443 : i32
      scf.if %cond3A_444 {
        %dma_wait3A_725 = arith.constant 0 : i32
        %dma_wait3A_726 = arith.constant 0 : i32
        %dma_wait3A_727 = tpu.memref_slice %arg11[%dma_wait3A_725, %dma_wait3A_726] : memref<8x128xi32, #tpu.memory_space<vmem>> -> memref<1x128xi32, #tpu.memory_space<vmem>>
        %dma_wait3A_728 = tpu.memref_squeeze %dma_wait3A_727 : memref<1x128xi32, #tpu.memory_space<vmem>> -> memref<128xi32, #tpu.memory_space<vmem>>
        %dma_wait3A_729 = arith.constant 0 : i32
        %dma_wait3A_730 = arith.constant 0 : i32
        %dma_wait3A_731 = tpu.memref_slice %arg19[%dma_wait3A_729, %dma_wait3A_730] : memref<51200x16xf32, #tpu.memory_space<vmem_shared>> -> memref<51200x16xf32, #tpu.memory_space<vmem_shared>>
        tpu.wait_indirect_dma semaphore(%arg25 : memref<!tpu.dma_semaphore, #tpu.memory_space<semaphore_mem>>) src(%arg13 : memref<128x16xf32, #tpu.memory_space<vmem>>) dst(%dma_wait3A_731 : memref<51200x16xf32, #tpu.memory_space<vmem_shared>>)
      } else {
      }
      %add3A_445 = arith.constant 2 : i32
      %add3A_446 = arith.addi %add3A_427, %add3A_445 : i32
      %lt3A_447 = arith.constant 400 : i32
      %lt3A_448 = arith.cmpi slt, %add3A_446, %lt3A_447 : i32
      %convert_element_type3A_449 = arith.extui %lt3A_448 : i1 to i32
      %cond3A_450 = arith.constant 0 : i32
      %cond3A_451 = arith.cmpi ne, %convert_element_type3A_449, %cond3A_450 : i32
      scf.if %cond3A_451 {
        %dma_start3A_725 = arith.constant 0 : i32
        %dma_start3A_726 = tpu.memref_slice %arg10[%dma_start3A_725] : memref<1024xi32, #tpu.memory_space<vmem>> -> memref<128xi32, #tpu.memory_space<vmem>>
        %dma_start3A_727 = arith.constant 0 : i32
        %dma_start3A_728 = arith.constant 0 : i32
        %dma_start3A_729 = tpu.memref_slice %arg18[%dma_start3A_727, %dma_start3A_728] : memref<51200x16xf32, #tpu.memory_space<vmem_shared>> -> memref<51200x16xf32, #tpu.memory_space<vmem_shared>>
        tpu.enqueue_indirect_dma source(%dma_start3A_729 : memref<51200x16xf32, #tpu.memory_space<vmem_shared>>) target(%arg13 : memref<128x16xf32, #tpu.memory_space<vmem>>) offsets(%dma_start3A_726 : memref<128xi32, #tpu.memory_space<vmem>>) semaphore(%arg21 : memref<!tpu.dma_semaphore, #tpu.memory_space<semaphore_mem>>)
      } else {
      }
      %mul3A_452 = arith.constant 8 : i32
      %mul3A_453 = arith.muli %mul3A_241, %mul3A_452 : i32
      %add3A_454 = arith.constant 7 : i32
      %add3A_455 = arith.addi %mul3A_453, %add3A_454 : i32
      %dma_wait3A_456 = arith.constant 0 : i32
      %dma_wait3A_457 = tpu.memref_slice %arg9[%dma_wait3A_456] : memref<1024xi32, #tpu.memory_space<vmem>> -> memref<128xi32, #tpu.memory_space<vmem>>
      %dma_wait3A_458 = arith.constant 0 : i32
      %dma_wait3A_459 = arith.constant 0 : i32
      %dma_wait3A_460 = tpu.memref_slice %arg18[%dma_wait3A_458, %dma_wait3A_459] : memref<51200x16xf32, #tpu.memory_space<vmem_shared>> -> memref<51200x16xf32, #tpu.memory_space<vmem_shared>>
      tpu.wait_indirect_dma semaphore(%arg24 : memref<!tpu.dma_semaphore, #tpu.memory_space<semaphore_mem>>) src(%dma_wait3A_460 : memref<51200x16xf32, #tpu.memory_space<vmem_shared>>) dst(%arg16 : memref<128x16xf32, #tpu.memory_space<vmem>>)
      %dma_start3A_461 = arith.constant 7 : i32
      %dma_start3A_462 = arith.constant 0 : i32
      %dma_start3A_463 = tpu.memref_slice %arg11[%dma_start3A_461, %dma_start3A_462] : memref<8x128xi32, #tpu.memory_space<vmem>> -> memref<1x128xi32, #tpu.memory_space<vmem>>
      %dma_start3A_464 = tpu.memref_squeeze %dma_start3A_463 : memref<1x128xi32, #tpu.memory_space<vmem>> -> memref<128xi32, #tpu.memory_space<vmem>>
      %dma_start3A_465 = arith.constant 0 : i32
      %dma_start3A_466 = arith.constant 0 : i32
      %dma_start3A_467 = tpu.memref_slice %arg19[%dma_start3A_465, %dma_start3A_466] : memref<51200x16xf32, #tpu.memory_space<vmem_shared>> -> memref<51200x16xf32, #tpu.memory_space<vmem_shared>>
      tpu.enqueue_indirect_dma source(%arg16 : memref<128x16xf32, #tpu.memory_space<vmem>>) target(%dma_start3A_467 : memref<51200x16xf32, #tpu.memory_space<vmem_shared>>) offsets(%dma_start3A_464 : memref<128xi32, #tpu.memory_space<vmem>>) semaphore(%arg28 : memref<!tpu.dma_semaphore, #tpu.memory_space<semaphore_mem>>) {add = true}
      %ge3A_468 = arith.constant 2 : i32
      %ge3A_469 = arith.cmpi sge, %add3A_455, %ge3A_468 : i32
      %convert_element_type3A_470 = arith.extui %ge3A_469 : i1 to i32
      %cond3A_471 = arith.constant 0 : i32
      %cond3A_472 = arith.cmpi ne, %convert_element_type3A_470, %cond3A_471 : i32
      scf.if %cond3A_472 {
        %dma_wait3A_725 = arith.constant 0 : i32
        %dma_wait3A_726 = arith.constant 0 : i32
        %dma_wait3A_727 = tpu.memref_slice %arg11[%dma_wait3A_725, %dma_wait3A_726] : memref<8x128xi32, #tpu.memory_space<vmem>> -> memref<1x128xi32, #tpu.memory_space<vmem>>
        %dma_wait3A_728 = tpu.memref_squeeze %dma_wait3A_727 : memref<1x128xi32, #tpu.memory_space<vmem>> -> memref<128xi32, #tpu.memory_space<vmem>>
        %dma_wait3A_729 = arith.constant 0 : i32
        %dma_wait3A_730 = arith.constant 0 : i32
        %dma_wait3A_731 = tpu.memref_slice %arg19[%dma_wait3A_729, %dma_wait3A_730] : memref<51200x16xf32, #tpu.memory_space<vmem_shared>> -> memref<51200x16xf32, #tpu.memory_space<vmem_shared>>
        tpu.wait_indirect_dma semaphore(%arg26 : memref<!tpu.dma_semaphore, #tpu.memory_space<semaphore_mem>>) src(%arg14 : memref<128x16xf32, #tpu.memory_space<vmem>>) dst(%dma_wait3A_731 : memref<51200x16xf32, #tpu.memory_space<vmem_shared>>)
      } else {
      }
      %add3A_473 = arith.constant 2 : i32
      %add3A_474 = arith.addi %add3A_455, %add3A_473 : i32
      %lt3A_475 = arith.constant 400 : i32
      %lt3A_476 = arith.cmpi slt, %add3A_474, %lt3A_475 : i32
      %convert_element_type3A_477 = arith.extui %lt3A_476 : i1 to i32
      %cond3A_478 = arith.constant 0 : i32
      %cond3A_479 = arith.cmpi ne, %convert_element_type3A_477, %cond3A_478 : i32
      scf.if %cond3A_479 {
        %dma_start3A_725 = arith.constant 128 : i32
        %dma_start3A_726 = tpu.memref_slice %arg10[%dma_start3A_725] : memref<1024xi32, #tpu.memory_space<vmem>> -> memref<128xi32, #tpu.memory_space<vmem>>
        %dma_start3A_727 = arith.constant 0 : i32
        %dma_start3A_728 = arith.constant 0 : i32
        %dma_start3A_729 = tpu.memref_slice %arg18[%dma_start3A_727, %dma_start3A_728] : memref<51200x16xf32, #tpu.memory_space<vmem_shared>> -> memref<51200x16xf32, #tpu.memory_space<vmem_shared>>
        tpu.enqueue_indirect_dma source(%dma_start3A_729 : memref<51200x16xf32, #tpu.memory_space<vmem_shared>>) target(%arg14 : memref<128x16xf32, #tpu.memory_space<vmem>>) offsets(%dma_start3A_726 : memref<128xi32, #tpu.memory_space<vmem>>) semaphore(%arg22 : memref<!tpu.dma_semaphore, #tpu.memory_space<semaphore_mem>>)
      } else {
      }
      %mul3A_480 = arith.constant 2 : i32
      %mul3A_481 = arith.muli %mul3A_480, %scan3A_239 : i32
      %add3A_482 = arith.constant 1 : i32
      %add3A_483 = arith.addi %mul3A_481, %add3A_482 : i32
      %mul3A_484 = arith.constant 8 : i32
      %mul3A_485 = arith.muli %add3A_483, %mul3A_484 : i32
      %add3A_486 = arith.constant 0 : i32
      %add3A_487 = arith.addi %mul3A_485, %add3A_486 : i32
      %dma_wait3A_488 = arith.constant 0 : i32
      %dma_wait3A_489 = tpu.memref_slice %arg9[%dma_wait3A_488] : memref<1024xi32, #tpu.memory_space<vmem>> -> memref<128xi32, #tpu.memory_space<vmem>>
      %dma_wait3A_490 = arith.constant 0 : i32
      %dma_wait3A_491 = arith.constant 0 : i32
      %dma_wait3A_492 = tpu.memref_slice %arg18[%dma_wait3A_490, %dma_wait3A_491] : memref<51200x16xf32, #tpu.memory_space<vmem_shared>> -> memref<51200x16xf32, #tpu.memory_space<vmem_shared>>
      tpu.wait_indirect_dma semaphore(%arg21 : memref<!tpu.dma_semaphore, #tpu.memory_space<semaphore_mem>>) src(%dma_wait3A_492 : memref<51200x16xf32, #tpu.memory_space<vmem_shared>>) dst(%arg13 : memref<128x16xf32, #tpu.memory_space<vmem>>)
      %dma_start3A_493 = arith.constant 0 : i32
      %dma_start3A_494 = arith.constant 0 : i32
      %dma_start3A_495 = tpu.memref_slice %arg12[%dma_start3A_493, %dma_start3A_494] : memref<8x128xi32, #tpu.memory_space<vmem>> -> memref<1x128xi32, #tpu.memory_space<vmem>>
      %dma_start3A_496 = tpu.memref_squeeze %dma_start3A_495 : memref<1x128xi32, #tpu.memory_space<vmem>> -> memref<128xi32, #tpu.memory_space<vmem>>
      %dma_start3A_497 = arith.constant 0 : i32
      %dma_start3A_498 = arith.constant 0 : i32
      %dma_start3A_499 = tpu.memref_slice %arg19[%dma_start3A_497, %dma_start3A_498] : memref<51200x16xf32, #tpu.memory_space<vmem_shared>> -> memref<51200x16xf32, #tpu.memory_space<vmem_shared>>
      tpu.enqueue_indirect_dma source(%arg13 : memref<128x16xf32, #tpu.memory_space<vmem>>) target(%dma_start3A_499 : memref<51200x16xf32, #tpu.memory_space<vmem_shared>>) offsets(%dma_start3A_496 : memref<128xi32, #tpu.memory_space<vmem>>) semaphore(%arg25 : memref<!tpu.dma_semaphore, #tpu.memory_space<semaphore_mem>>) {add = true}
      %ge3A_500 = arith.constant 2 : i32
      %ge3A_501 = arith.cmpi sge, %add3A_487, %ge3A_500 : i32
      %convert_element_type3A_502 = arith.extui %ge3A_501 : i1 to i32
      %cond3A_503 = arith.constant 0 : i32
      %cond3A_504 = arith.cmpi ne, %convert_element_type3A_502, %cond3A_503 : i32
      scf.if %cond3A_504 {
        %dma_wait3A_725 = arith.constant 0 : i32
        %dma_wait3A_726 = arith.constant 0 : i32
        %dma_wait3A_727 = tpu.memref_slice %arg11[%dma_wait3A_725, %dma_wait3A_726] : memref<8x128xi32, #tpu.memory_space<vmem>> -> memref<1x128xi32, #tpu.memory_space<vmem>>
        %dma_wait3A_728 = tpu.memref_squeeze %dma_wait3A_727 : memref<1x128xi32, #tpu.memory_space<vmem>> -> memref<128xi32, #tpu.memory_space<vmem>>
        %dma_wait3A_729 = arith.constant 0 : i32
        %dma_wait3A_730 = arith.constant 0 : i32
        %dma_wait3A_731 = tpu.memref_slice %arg19[%dma_wait3A_729, %dma_wait3A_730] : memref<51200x16xf32, #tpu.memory_space<vmem_shared>> -> memref<51200x16xf32, #tpu.memory_space<vmem_shared>>
        tpu.wait_indirect_dma semaphore(%arg27 : memref<!tpu.dma_semaphore, #tpu.memory_space<semaphore_mem>>) src(%arg15 : memref<128x16xf32, #tpu.memory_space<vmem>>) dst(%dma_wait3A_731 : memref<51200x16xf32, #tpu.memory_space<vmem_shared>>)
      } else {
      }
      %add3A_505 = arith.constant 2 : i32
      %add3A_506 = arith.addi %add3A_487, %add3A_505 : i32
      %lt3A_507 = arith.constant 400 : i32
      %lt3A_508 = arith.cmpi slt, %add3A_506, %lt3A_507 : i32
      %convert_element_type3A_509 = arith.extui %lt3A_508 : i1 to i32
      %cond3A_510 = arith.constant 0 : i32
      %cond3A_511 = arith.cmpi ne, %convert_element_type3A_509, %cond3A_510 : i32
      scf.if %cond3A_511 {
        %dma_start3A_725 = arith.constant 256 : i32
        %dma_start3A_726 = tpu.memref_slice %arg10[%dma_start3A_725] : memref<1024xi32, #tpu.memory_space<vmem>> -> memref<128xi32, #tpu.memory_space<vmem>>
        %dma_start3A_727 = arith.constant 0 : i32
        %dma_start3A_728 = arith.constant 0 : i32
        %dma_start3A_729 = tpu.memref_slice %arg18[%dma_start3A_727, %dma_start3A_728] : memref<51200x16xf32, #tpu.memory_space<vmem_shared>> -> memref<51200x16xf32, #tpu.memory_space<vmem_shared>>
        tpu.enqueue_indirect_dma source(%dma_start3A_729 : memref<51200x16xf32, #tpu.memory_space<vmem_shared>>) target(%arg15 : memref<128x16xf32, #tpu.memory_space<vmem>>) offsets(%dma_start3A_726 : memref<128xi32, #tpu.memory_space<vmem>>) semaphore(%arg23 : memref<!tpu.dma_semaphore, #tpu.memory_space<semaphore_mem>>)
      } else {
      }
      %mul3A_512 = arith.constant 8 : i32
      %mul3A_513 = arith.muli %add3A_483, %mul3A_512 : i32
      %add3A_514 = arith.constant 1 : i32
      %add3A_515 = arith.addi %mul3A_513, %add3A_514 : i32
      %dma_wait3A_516 = arith.constant 0 : i32
      %dma_wait3A_517 = tpu.memref_slice %arg9[%dma_wait3A_516] : memref<1024xi32, #tpu.memory_space<vmem>> -> memref<128xi32, #tpu.memory_space<vmem>>
      %dma_wait3A_518 = arith.constant 0 : i32
      %dma_wait3A_519 = arith.constant 0 : i32
      %dma_wait3A_520 = tpu.memref_slice %arg18[%dma_wait3A_518, %dma_wait3A_519] : memref<51200x16xf32, #tpu.memory_space<vmem_shared>> -> memref<51200x16xf32, #tpu.memory_space<vmem_shared>>
      tpu.wait_indirect_dma semaphore(%arg22 : memref<!tpu.dma_semaphore, #tpu.memory_space<semaphore_mem>>) src(%dma_wait3A_520 : memref<51200x16xf32, #tpu.memory_space<vmem_shared>>) dst(%arg14 : memref<128x16xf32, #tpu.memory_space<vmem>>)
      %dma_start3A_521 = arith.constant 1 : i32
      %dma_start3A_522 = arith.constant 0 : i32
      %dma_start3A_523 = tpu.memref_slice %arg12[%dma_start3A_521, %dma_start3A_522] : memref<8x128xi32, #tpu.memory_space<vmem>> -> memref<1x128xi32, #tpu.memory_space<vmem>>
      %dma_start3A_524 = tpu.memref_squeeze %dma_start3A_523 : memref<1x128xi32, #tpu.memory_space<vmem>> -> memref<128xi32, #tpu.memory_space<vmem>>
      %dma_start3A_525 = arith.constant 0 : i32
      %dma_start3A_526 = arith.constant 0 : i32
      %dma_start3A_527 = tpu.memref_slice %arg19[%dma_start3A_525, %dma_start3A_526] : memref<51200x16xf32, #tpu.memory_space<vmem_shared>> -> memref<51200x16xf32, #tpu.memory_space<vmem_shared>>
      tpu.enqueue_indirect_dma source(%arg14 : memref<128x16xf32, #tpu.memory_space<vmem>>) target(%dma_start3A_527 : memref<51200x16xf32, #tpu.memory_space<vmem_shared>>) offsets(%dma_start3A_524 : memref<128xi32, #tpu.memory_space<vmem>>) semaphore(%arg26 : memref<!tpu.dma_semaphore, #tpu.memory_space<semaphore_mem>>) {add = true}
      %ge3A_528 = arith.constant 2 : i32
      %ge3A_529 = arith.cmpi sge, %add3A_515, %ge3A_528 : i32
      %convert_element_type3A_530 = arith.extui %ge3A_529 : i1 to i32
      %cond3A_531 = arith.constant 0 : i32
      %cond3A_532 = arith.cmpi ne, %convert_element_type3A_530, %cond3A_531 : i32
      scf.if %cond3A_532 {
        %dma_wait3A_725 = arith.constant 0 : i32
        %dma_wait3A_726 = arith.constant 0 : i32
        %dma_wait3A_727 = tpu.memref_slice %arg11[%dma_wait3A_725, %dma_wait3A_726] : memref<8x128xi32, #tpu.memory_space<vmem>> -> memref<1x128xi32, #tpu.memory_space<vmem>>
        %dma_wait3A_728 = tpu.memref_squeeze %dma_wait3A_727 : memref<1x128xi32, #tpu.memory_space<vmem>> -> memref<128xi32, #tpu.memory_space<vmem>>
        %dma_wait3A_729 = arith.constant 0 : i32
        %dma_wait3A_730 = arith.constant 0 : i32
        %dma_wait3A_731 = tpu.memref_slice %arg19[%dma_wait3A_729, %dma_wait3A_730] : memref<51200x16xf32, #tpu.memory_space<vmem_shared>> -> memref<51200x16xf32, #tpu.memory_space<vmem_shared>>
        tpu.wait_indirect_dma semaphore(%arg28 : memref<!tpu.dma_semaphore, #tpu.memory_space<semaphore_mem>>) src(%arg16 : memref<128x16xf32, #tpu.memory_space<vmem>>) dst(%dma_wait3A_731 : memref<51200x16xf32, #tpu.memory_space<vmem_shared>>)
      } else {
      }
      %add3A_533 = arith.constant 2 : i32
      %add3A_534 = arith.addi %add3A_515, %add3A_533 : i32
      %lt3A_535 = arith.constant 400 : i32
      %lt3A_536 = arith.cmpi slt, %add3A_534, %lt3A_535 : i32
      %convert_element_type3A_537 = arith.extui %lt3A_536 : i1 to i32
      %cond3A_538 = arith.constant 0 : i32
      %cond3A_539 = arith.cmpi ne, %convert_element_type3A_537, %cond3A_538 : i32
      scf.if %cond3A_539 {
        %dma_start3A_725 = arith.constant 384 : i32
        %dma_start3A_726 = tpu.memref_slice %arg10[%dma_start3A_725] : memref<1024xi32, #tpu.memory_space<vmem>> -> memref<128xi32, #tpu.memory_space<vmem>>
        %dma_start3A_727 = arith.constant 0 : i32
        %dma_start3A_728 = arith.constant 0 : i32
        %dma_start3A_729 = tpu.memref_slice %arg18[%dma_start3A_727, %dma_start3A_728] : memref<51200x16xf32, #tpu.memory_space<vmem_shared>> -> memref<51200x16xf32, #tpu.memory_space<vmem_shared>>
        tpu.enqueue_indirect_dma source(%dma_start3A_729 : memref<51200x16xf32, #tpu.memory_space<vmem_shared>>) target(%arg16 : memref<128x16xf32, #tpu.memory_space<vmem>>) offsets(%dma_start3A_726 : memref<128xi32, #tpu.memory_space<vmem>>) semaphore(%arg24 : memref<!tpu.dma_semaphore, #tpu.memory_space<semaphore_mem>>)
      } else {
      }
      %ge3A_540 = arith.constant 1 : i32
      %ge3A_541 = arith.cmpi sge, %add3A_483, %ge3A_540 : i32
      %add3A_542 = arith.constant 1 : i32
      %add3A_543 = arith.addi %add3A_483, %add3A_542 : i32
      %lt3A_544 = arith.constant 50 : i32
      %lt3A_545 = arith.cmpi slt, %add3A_543, %lt3A_544 : i32
      %and3A_546 = arith.andi %ge3A_541, %lt3A_545 : i1
      %convert_element_type3A_547 = arith.extui %and3A_546 : i1 to i32
      %cond3A_548 = arith.constant 0 : i32
      %cond3A_549 = arith.cmpi ne, %convert_element_type3A_547, %cond3A_548 : i32
      scf.if %cond3A_549 {
        %add3A_725 = arith.constant 1 : i32
        %add3A_726 = arith.addi %add3A_483, %add3A_725 : i32
        %mul3A_727 = arith.constant 51200 : i32
        %mul3A_728 = arith.muli %arg1, %mul3A_727 : i32
        %mul3A_729 = arith.constant 8 : i32
        %mul3A_730 = arith.muli %add3A_726, %mul3A_729 : i32
        %mul3A_731 = arith.constant 128 : i32
        %mul3A_732 = arith.muli %mul3A_730, %mul3A_731 : i32
        %add3A_733 = arith.addi %mul3A_728, %mul3A_732 : i32
        %dma_start3A_734 = tpu.memref_slice %arg3[%add3A_733] : memref<819200xi32, #tpu.memory_space<hbm>> -> memref<1024xi32, #tpu.memory_space<hbm>>
        %dma_start3A_735 = tpu.memref_slice %arg3[%add3A_733] : memref<819200xi32, #tpu.memory_space<hbm>> -> memref<1024xi32, #tpu.memory_space<hbm>>
        tpu.enqueue_dma source(%dma_start3A_735 : memref<1024xi32, #tpu.memory_space<hbm>>) target(%arg9 : memref<1024xi32, #tpu.memory_space<vmem>>) target_semaphore(%arg33 : memref<!tpu.dma_semaphore, #tpu.memory_space<semaphore_mem>>)
        %mul3A_736 = arith.constant 400 : i32
        %mul3A_737 = arith.muli %arg1, %mul3A_736 : i32
        %mul3A_738 = arith.constant 8 : i32
        %mul3A_739 = arith.muli %add3A_726, %mul3A_738 : i32
        %add3A_740 = arith.addi %mul3A_737, %mul3A_739 : i32
        %dma_start3A_741 = arith.constant 0 : i32
        %dma_start3A_742 = tpu.memref_slice %arg4[%add3A_740, %dma_start3A_741] : memref<6400x128xi32, #tpu.memory_space<hbm>> -> memref<8x128xi32, #tpu.memory_space<hbm>>
        %dma_start3A_743 = arith.constant 0 : i32
        %dma_start3A_744 = tpu.memref_slice %arg4[%add3A_740, %dma_start3A_743] : memref<6400x128xi32, #tpu.memory_space<hbm>> -> memref<8x128xi32, #tpu.memory_space<hbm>>
        tpu.enqueue_dma source(%dma_start3A_744 : memref<8x128xi32, #tpu.memory_space<hbm>>) target(%arg11 : memref<8x128xi32, #tpu.memory_space<vmem>>) target_semaphore(%arg33 : memref<!tpu.dma_semaphore, #tpu.memory_space<semaphore_mem>>)
      } else {
      }
      %mul3A_550 = arith.constant 8 : i32
      %mul3A_551 = arith.muli %add3A_483, %mul3A_550 : i32
      %add3A_552 = arith.constant 2 : i32
      %add3A_553 = arith.addi %mul3A_551, %add3A_552 : i32
      %dma_wait3A_554 = arith.constant 0 : i32
      %dma_wait3A_555 = tpu.memref_slice %arg9[%dma_wait3A_554] : memref<1024xi32, #tpu.memory_space<vmem>> -> memref<128xi32, #tpu.memory_space<vmem>>
      %dma_wait3A_556 = arith.constant 0 : i32
      %dma_wait3A_557 = arith.constant 0 : i32
      %dma_wait3A_558 = tpu.memref_slice %arg18[%dma_wait3A_556, %dma_wait3A_557] : memref<51200x16xf32, #tpu.memory_space<vmem_shared>> -> memref<51200x16xf32, #tpu.memory_space<vmem_shared>>
      tpu.wait_indirect_dma semaphore(%arg23 : memref<!tpu.dma_semaphore, #tpu.memory_space<semaphore_mem>>) src(%dma_wait3A_558 : memref<51200x16xf32, #tpu.memory_space<vmem_shared>>) dst(%arg15 : memref<128x16xf32, #tpu.memory_space<vmem>>)
      %dma_start3A_559 = arith.constant 2 : i32
      %dma_start3A_560 = arith.constant 0 : i32
      %dma_start3A_561 = tpu.memref_slice %arg12[%dma_start3A_559, %dma_start3A_560] : memref<8x128xi32, #tpu.memory_space<vmem>> -> memref<1x128xi32, #tpu.memory_space<vmem>>
      %dma_start3A_562 = tpu.memref_squeeze %dma_start3A_561 : memref<1x128xi32, #tpu.memory_space<vmem>> -> memref<128xi32, #tpu.memory_space<vmem>>
      %dma_start3A_563 = arith.constant 0 : i32
      %dma_start3A_564 = arith.constant 0 : i32
      %dma_start3A_565 = tpu.memref_slice %arg19[%dma_start3A_563, %dma_start3A_564] : memref<51200x16xf32, #tpu.memory_space<vmem_shared>> -> memref<51200x16xf32, #tpu.memory_space<vmem_shared>>
      tpu.enqueue_indirect_dma source(%arg15 : memref<128x16xf32, #tpu.memory_space<vmem>>) target(%dma_start3A_565 : memref<51200x16xf32, #tpu.memory_space<vmem_shared>>) offsets(%dma_start3A_562 : memref<128xi32, #tpu.memory_space<vmem>>) semaphore(%arg27 : memref<!tpu.dma_semaphore, #tpu.memory_space<semaphore_mem>>) {add = true}
      %ge3A_566 = arith.constant 2 : i32
      %ge3A_567 = arith.cmpi sge, %add3A_553, %ge3A_566 : i32
      %convert_element_type3A_568 = arith.extui %ge3A_567 : i1 to i32
      %cond3A_569 = arith.constant 0 : i32
      %cond3A_570 = arith.cmpi ne, %convert_element_type3A_568, %cond3A_569 : i32
      scf.if %cond3A_570 {
        %dma_wait3A_725 = arith.constant 0 : i32
        %dma_wait3A_726 = arith.constant 0 : i32
        %dma_wait3A_727 = tpu.memref_slice %arg11[%dma_wait3A_725, %dma_wait3A_726] : memref<8x128xi32, #tpu.memory_space<vmem>> -> memref<1x128xi32, #tpu.memory_space<vmem>>
        %dma_wait3A_728 = tpu.memref_squeeze %dma_wait3A_727 : memref<1x128xi32, #tpu.memory_space<vmem>> -> memref<128xi32, #tpu.memory_space<vmem>>
        %dma_wait3A_729 = arith.constant 0 : i32
        %dma_wait3A_730 = arith.constant 0 : i32
        %dma_wait3A_731 = tpu.memref_slice %arg19[%dma_wait3A_729, %dma_wait3A_730] : memref<51200x16xf32, #tpu.memory_space<vmem_shared>> -> memref<51200x16xf32, #tpu.memory_space<vmem_shared>>
        tpu.wait_indirect_dma semaphore(%arg25 : memref<!tpu.dma_semaphore, #tpu.memory_space<semaphore_mem>>) src(%arg13 : memref<128x16xf32, #tpu.memory_space<vmem>>) dst(%dma_wait3A_731 : memref<51200x16xf32, #tpu.memory_space<vmem_shared>>)
      } else {
      }
      %add3A_571 = arith.constant 2 : i32
      %add3A_572 = arith.addi %add3A_553, %add3A_571 : i32
      %lt3A_573 = arith.constant 400 : i32
      %lt3A_574 = arith.cmpi slt, %add3A_572, %lt3A_573 : i32
      %convert_element_type3A_575 = arith.extui %lt3A_574 : i1 to i32
      %cond3A_576 = arith.constant 0 : i32
      %cond3A_577 = arith.cmpi ne, %convert_element_type3A_575, %cond3A_576 : i32
      scf.if %cond3A_577 {
        %dma_start3A_725 = arith.constant 512 : i32
        %dma_start3A_726 = tpu.memref_slice %arg10[%dma_start3A_725] : memref<1024xi32, #tpu.memory_space<vmem>> -> memref<128xi32, #tpu.memory_space<vmem>>
        %dma_start3A_727 = arith.constant 0 : i32
        %dma_start3A_728 = arith.constant 0 : i32
        %dma_start3A_729 = tpu.memref_slice %arg18[%dma_start3A_727, %dma_start3A_728] : memref<51200x16xf32, #tpu.memory_space<vmem_shared>> -> memref<51200x16xf32, #tpu.memory_space<vmem_shared>>
        tpu.enqueue_indirect_dma source(%dma_start3A_729 : memref<51200x16xf32, #tpu.memory_space<vmem_shared>>) target(%arg13 : memref<128x16xf32, #tpu.memory_space<vmem>>) offsets(%dma_start3A_726 : memref<128xi32, #tpu.memory_space<vmem>>) semaphore(%arg21 : memref<!tpu.dma_semaphore, #tpu.memory_space<semaphore_mem>>)
      } else {
      }
      %mul3A_578 = arith.constant 8 : i32
      %mul3A_579 = arith.muli %add3A_483, %mul3A_578 : i32
      %add3A_580 = arith.constant 3 : i32
      %add3A_581 = arith.addi %mul3A_579, %add3A_580 : i32
      %dma_wait3A_582 = arith.constant 0 : i32
      %dma_wait3A_583 = tpu.memref_slice %arg9[%dma_wait3A_582] : memref<1024xi32, #tpu.memory_space<vmem>> -> memref<128xi32, #tpu.memory_space<vmem>>
      %dma_wait3A_584 = arith.constant 0 : i32
      %dma_wait3A_585 = arith.constant 0 : i32
      %dma_wait3A_586 = tpu.memref_slice %arg18[%dma_wait3A_584, %dma_wait3A_585] : memref<51200x16xf32, #tpu.memory_space<vmem_shared>> -> memref<51200x16xf32, #tpu.memory_space<vmem_shared>>
      tpu.wait_indirect_dma semaphore(%arg24 : memref<!tpu.dma_semaphore, #tpu.memory_space<semaphore_mem>>) src(%dma_wait3A_586 : memref<51200x16xf32, #tpu.memory_space<vmem_shared>>) dst(%arg16 : memref<128x16xf32, #tpu.memory_space<vmem>>)
      %dma_start3A_587 = arith.constant 3 : i32
      %dma_start3A_588 = arith.constant 0 : i32
      %dma_start3A_589 = tpu.memref_slice %arg12[%dma_start3A_587, %dma_start3A_588] : memref<8x128xi32, #tpu.memory_space<vmem>> -> memref<1x128xi32, #tpu.memory_space<vmem>>
      %dma_start3A_590 = tpu.memref_squeeze %dma_start3A_589 : memref<1x128xi32, #tpu.memory_space<vmem>> -> memref<128xi32, #tpu.memory_space<vmem>>
      %dma_start3A_591 = arith.constant 0 : i32
      %dma_start3A_592 = arith.constant 0 : i32
      %dma_start3A_593 = tpu.memref_slice %arg19[%dma_start3A_591, %dma_start3A_592] : memref<51200x16xf32, #tpu.memory_space<vmem_shared>> -> memref<51200x16xf32, #tpu.memory_space<vmem_shared>>
      tpu.enqueue_indirect_dma source(%arg16 : memref<128x16xf32, #tpu.memory_space<vmem>>) target(%dma_start3A_593 : memref<51200x16xf32, #tpu.memory_space<vmem_shared>>) offsets(%dma_start3A_590 : memref<128xi32, #tpu.memory_space<vmem>>) semaphore(%arg28 : memref<!tpu.dma_semaphore, #tpu.memory_space<semaphore_mem>>) {add = true}
      %ge3A_594 = arith.constant 2 : i32
      %ge3A_595 = arith.cmpi sge, %add3A_581, %ge3A_594 : i32
      %convert_element_type3A_596 = arith.extui %ge3A_595 : i1 to i32
      %cond3A_597 = arith.constant 0 : i32
      %cond3A_598 = arith.cmpi ne, %convert_element_type3A_596, %cond3A_597 : i32
      scf.if %cond3A_598 {
        %dma_wait3A_725 = arith.constant 0 : i32
        %dma_wait3A_726 = arith.constant 0 : i32
        %dma_wait3A_727 = tpu.memref_slice %arg11[%dma_wait3A_725, %dma_wait3A_726] : memref<8x128xi32, #tpu.memory_space<vmem>> -> memref<1x128xi32, #tpu.memory_space<vmem>>
        %dma_wait3A_728 = tpu.memref_squeeze %dma_wait3A_727 : memref<1x128xi32, #tpu.memory_space<vmem>> -> memref<128xi32, #tpu.memory_space<vmem>>
        %dma_wait3A_729 = arith.constant 0 : i32
        %dma_wait3A_730 = arith.constant 0 : i32
        %dma_wait3A_731 = tpu.memref_slice %arg19[%dma_wait3A_729, %dma_wait3A_730] : memref<51200x16xf32, #tpu.memory_space<vmem_shared>> -> memref<51200x16xf32, #tpu.memory_space<vmem_shared>>
        tpu.wait_indirect_dma semaphore(%arg26 : memref<!tpu.dma_semaphore, #tpu.memory_space<semaphore_mem>>) src(%arg14 : memref<128x16xf32, #tpu.memory_space<vmem>>) dst(%dma_wait3A_731 : memref<51200x16xf32, #tpu.memory_space<vmem_shared>>)
      } else {
      }
      %add3A_599 = arith.constant 2 : i32
      %add3A_600 = arith.addi %add3A_581, %add3A_599 : i32
      %lt3A_601 = arith.constant 400 : i32
      %lt3A_602 = arith.cmpi slt, %add3A_600, %lt3A_601 : i32
      %convert_element_type3A_603 = arith.extui %lt3A_602 : i1 to i32
      %cond3A_604 = arith.constant 0 : i32
      %cond3A_605 = arith.cmpi ne, %convert_element_type3A_603, %cond3A_604 : i32
      scf.if %cond3A_605 {
        %dma_start3A_725 = arith.constant 640 : i32
        %dma_start3A_726 = tpu.memref_slice %arg10[%dma_start3A_725] : memref<1024xi32, #tpu.memory_space<vmem>> -> memref<128xi32, #tpu.memory_space<vmem>>
        %dma_start3A_727 = arith.constant 0 : i32
        %dma_start3A_728 = arith.constant 0 : i32
        %dma_start3A_729 = tpu.memref_slice %arg18[%dma_start3A_727, %dma_start3A_728] : memref<51200x16xf32, #tpu.memory_space<vmem_shared>> -> memref<51200x16xf32, #tpu.memory_space<vmem_shared>>
        tpu.enqueue_indirect_dma source(%dma_start3A_729 : memref<51200x16xf32, #tpu.memory_space<vmem_shared>>) target(%arg14 : memref<128x16xf32, #tpu.memory_space<vmem>>) offsets(%dma_start3A_726 : memref<128xi32, #tpu.memory_space<vmem>>) semaphore(%arg22 : memref<!tpu.dma_semaphore, #tpu.memory_space<semaphore_mem>>)
      } else {
      }
      %mul3A_606 = arith.constant 8 : i32
      %mul3A_607 = arith.muli %add3A_483, %mul3A_606 : i32
      %add3A_608 = arith.constant 4 : i32
      %add3A_609 = arith.addi %mul3A_607, %add3A_608 : i32
      %dma_wait3A_610 = arith.constant 0 : i32
      %dma_wait3A_611 = tpu.memref_slice %arg9[%dma_wait3A_610] : memref<1024xi32, #tpu.memory_space<vmem>> -> memref<128xi32, #tpu.memory_space<vmem>>
      %dma_wait3A_612 = arith.constant 0 : i32
      %dma_wait3A_613 = arith.constant 0 : i32
      %dma_wait3A_614 = tpu.memref_slice %arg18[%dma_wait3A_612, %dma_wait3A_613] : memref<51200x16xf32, #tpu.memory_space<vmem_shared>> -> memref<51200x16xf32, #tpu.memory_space<vmem_shared>>
      tpu.wait_indirect_dma semaphore(%arg21 : memref<!tpu.dma_semaphore, #tpu.memory_space<semaphore_mem>>) src(%dma_wait3A_614 : memref<51200x16xf32, #tpu.memory_space<vmem_shared>>) dst(%arg13 : memref<128x16xf32, #tpu.memory_space<vmem>>)
      %dma_start3A_615 = arith.constant 4 : i32
      %dma_start3A_616 = arith.constant 0 : i32
      %dma_start3A_617 = tpu.memref_slice %arg12[%dma_start3A_615, %dma_start3A_616] : memref<8x128xi32, #tpu.memory_space<vmem>> -> memref<1x128xi32, #tpu.memory_space<vmem>>
      %dma_start3A_618 = tpu.memref_squeeze %dma_start3A_617 : memref<1x128xi32, #tpu.memory_space<vmem>> -> memref<128xi32, #tpu.memory_space<vmem>>
      %dma_start3A_619 = arith.constant 0 : i32
      %dma_start3A_620 = arith.constant 0 : i32
      %dma_start3A_621 = tpu.memref_slice %arg19[%dma_start3A_619, %dma_start3A_620] : memref<51200x16xf32, #tpu.memory_space<vmem_shared>> -> memref<51200x16xf32, #tpu.memory_space<vmem_shared>>
      tpu.enqueue_indirect_dma source(%arg13 : memref<128x16xf32, #tpu.memory_space<vmem>>) target(%dma_start3A_621 : memref<51200x16xf32, #tpu.memory_space<vmem_shared>>) offsets(%dma_start3A_618 : memref<128xi32, #tpu.memory_space<vmem>>) semaphore(%arg25 : memref<!tpu.dma_semaphore, #tpu.memory_space<semaphore_mem>>) {add = true}
      %ge3A_622 = arith.constant 2 : i32
      %ge3A_623 = arith.cmpi sge, %add3A_609, %ge3A_622 : i32
      %convert_element_type3A_624 = arith.extui %ge3A_623 : i1 to i32
      %cond3A_625 = arith.constant 0 : i32
      %cond3A_626 = arith.cmpi ne, %convert_element_type3A_624, %cond3A_625 : i32
      scf.if %cond3A_626 {
        %dma_wait3A_725 = arith.constant 0 : i32
        %dma_wait3A_726 = arith.constant 0 : i32
        %dma_wait3A_727 = tpu.memref_slice %arg11[%dma_wait3A_725, %dma_wait3A_726] : memref<8x128xi32, #tpu.memory_space<vmem>> -> memref<1x128xi32, #tpu.memory_space<vmem>>
        %dma_wait3A_728 = tpu.memref_squeeze %dma_wait3A_727 : memref<1x128xi32, #tpu.memory_space<vmem>> -> memref<128xi32, #tpu.memory_space<vmem>>
        %dma_wait3A_729 = arith.constant 0 : i32
        %dma_wait3A_730 = arith.constant 0 : i32
        %dma_wait3A_731 = tpu.memref_slice %arg19[%dma_wait3A_729, %dma_wait3A_730] : memref<51200x16xf32, #tpu.memory_space<vmem_shared>> -> memref<51200x16xf32, #tpu.memory_space<vmem_shared>>
        tpu.wait_indirect_dma semaphore(%arg27 : memref<!tpu.dma_semaphore, #tpu.memory_space<semaphore_mem>>) src(%arg15 : memref<128x16xf32, #tpu.memory_space<vmem>>) dst(%dma_wait3A_731 : memref<51200x16xf32, #tpu.memory_space<vmem_shared>>)
      } else {
      }
      %add3A_627 = arith.constant 2 : i32
      %add3A_628 = arith.addi %add3A_609, %add3A_627 : i32
      %lt3A_629 = arith.constant 400 : i32
      %lt3A_630 = arith.cmpi slt, %add3A_628, %lt3A_629 : i32
      %convert_element_type3A_631 = arith.extui %lt3A_630 : i1 to i32
      %cond3A_632 = arith.constant 0 : i32
      %cond3A_633 = arith.cmpi ne, %convert_element_type3A_631, %cond3A_632 : i32
      scf.if %cond3A_633 {
        %dma_start3A_725 = arith.constant 768 : i32
        %dma_start3A_726 = tpu.memref_slice %arg10[%dma_start3A_725] : memref<1024xi32, #tpu.memory_space<vmem>> -> memref<128xi32, #tpu.memory_space<vmem>>
        %dma_start3A_727 = arith.constant 0 : i32
        %dma_start3A_728 = arith.constant 0 : i32
        %dma_start3A_729 = tpu.memref_slice %arg18[%dma_start3A_727, %dma_start3A_728] : memref<51200x16xf32, #tpu.memory_space<vmem_shared>> -> memref<51200x16xf32, #tpu.memory_space<vmem_shared>>
        tpu.enqueue_indirect_dma source(%dma_start3A_729 : memref<51200x16xf32, #tpu.memory_space<vmem_shared>>) target(%arg15 : memref<128x16xf32, #tpu.memory_space<vmem>>) offsets(%dma_start3A_726 : memref<128xi32, #tpu.memory_space<vmem>>) semaphore(%arg23 : memref<!tpu.dma_semaphore, #tpu.memory_space<semaphore_mem>>)
      } else {
      }
      %mul3A_634 = arith.constant 8 : i32
      %mul3A_635 = arith.muli %add3A_483, %mul3A_634 : i32
      %add3A_636 = arith.constant 5 : i32
      %add3A_637 = arith.addi %mul3A_635, %add3A_636 : i32
      %dma_wait3A_638 = arith.constant 0 : i32
      %dma_wait3A_639 = tpu.memref_slice %arg9[%dma_wait3A_638] : memref<1024xi32, #tpu.memory_space<vmem>> -> memref<128xi32, #tpu.memory_space<vmem>>
      %dma_wait3A_640 = arith.constant 0 : i32
      %dma_wait3A_641 = arith.constant 0 : i32
      %dma_wait3A_642 = tpu.memref_slice %arg18[%dma_wait3A_640, %dma_wait3A_641] : memref<51200x16xf32, #tpu.memory_space<vmem_shared>> -> memref<51200x16xf32, #tpu.memory_space<vmem_shared>>
      tpu.wait_indirect_dma semaphore(%arg22 : memref<!tpu.dma_semaphore, #tpu.memory_space<semaphore_mem>>) src(%dma_wait3A_642 : memref<51200x16xf32, #tpu.memory_space<vmem_shared>>) dst(%arg14 : memref<128x16xf32, #tpu.memory_space<vmem>>)
      %dma_start3A_643 = arith.constant 5 : i32
      %dma_start3A_644 = arith.constant 0 : i32
      %dma_start3A_645 = tpu.memref_slice %arg12[%dma_start3A_643, %dma_start3A_644] : memref<8x128xi32, #tpu.memory_space<vmem>> -> memref<1x128xi32, #tpu.memory_space<vmem>>
      %dma_start3A_646 = tpu.memref_squeeze %dma_start3A_645 : memref<1x128xi32, #tpu.memory_space<vmem>> -> memref<128xi32, #tpu.memory_space<vmem>>
      %dma_start3A_647 = arith.constant 0 : i32
      %dma_start3A_648 = arith.constant 0 : i32
      %dma_start3A_649 = tpu.memref_slice %arg19[%dma_start3A_647, %dma_start3A_648] : memref<51200x16xf32, #tpu.memory_space<vmem_shared>> -> memref<51200x16xf32, #tpu.memory_space<vmem_shared>>
      tpu.enqueue_indirect_dma source(%arg14 : memref<128x16xf32, #tpu.memory_space<vmem>>) target(%dma_start3A_649 : memref<51200x16xf32, #tpu.memory_space<vmem_shared>>) offsets(%dma_start3A_646 : memref<128xi32, #tpu.memory_space<vmem>>) semaphore(%arg26 : memref<!tpu.dma_semaphore, #tpu.memory_space<semaphore_mem>>) {add = true}
      %ge3A_650 = arith.constant 2 : i32
      %ge3A_651 = arith.cmpi sge, %add3A_637, %ge3A_650 : i32
      %convert_element_type3A_652 = arith.extui %ge3A_651 : i1 to i32
      %cond3A_653 = arith.constant 0 : i32
      %cond3A_654 = arith.cmpi ne, %convert_element_type3A_652, %cond3A_653 : i32
      scf.if %cond3A_654 {
        %dma_wait3A_725 = arith.constant 0 : i32
        %dma_wait3A_726 = arith.constant 0 : i32
        %dma_wait3A_727 = tpu.memref_slice %arg11[%dma_wait3A_725, %dma_wait3A_726] : memref<8x128xi32, #tpu.memory_space<vmem>> -> memref<1x128xi32, #tpu.memory_space<vmem>>
        %dma_wait3A_728 = tpu.memref_squeeze %dma_wait3A_727 : memref<1x128xi32, #tpu.memory_space<vmem>> -> memref<128xi32, #tpu.memory_space<vmem>>
        %dma_wait3A_729 = arith.constant 0 : i32
        %dma_wait3A_730 = arith.constant 0 : i32
        %dma_wait3A_731 = tpu.memref_slice %arg19[%dma_wait3A_729, %dma_wait3A_730] : memref<51200x16xf32, #tpu.memory_space<vmem_shared>> -> memref<51200x16xf32, #tpu.memory_space<vmem_shared>>
        tpu.wait_indirect_dma semaphore(%arg28 : memref<!tpu.dma_semaphore, #tpu.memory_space<semaphore_mem>>) src(%arg16 : memref<128x16xf32, #tpu.memory_space<vmem>>) dst(%dma_wait3A_731 : memref<51200x16xf32, #tpu.memory_space<vmem_shared>>)
      } else {
      }
      %add3A_655 = arith.constant 2 : i32
      %add3A_656 = arith.addi %add3A_637, %add3A_655 : i32
      %lt3A_657 = arith.constant 400 : i32
      %lt3A_658 = arith.cmpi slt, %add3A_656, %lt3A_657 : i32
      %convert_element_type3A_659 = arith.extui %lt3A_658 : i1 to i32
      %cond3A_660 = arith.constant 0 : i32
      %cond3A_661 = arith.cmpi ne, %convert_element_type3A_659, %cond3A_660 : i32
      scf.if %cond3A_661 {
        %dma_start3A_725 = arith.constant 896 : i32
        %dma_start3A_726 = tpu.memref_slice %arg10[%dma_start3A_725] : memref<1024xi32, #tpu.memory_space<vmem>> -> memref<128xi32, #tpu.memory_space<vmem>>
        %dma_start3A_727 = arith.constant 0 : i32
        %dma_start3A_728 = arith.constant 0 : i32
        %dma_start3A_729 = tpu.memref_slice %arg18[%dma_start3A_727, %dma_start3A_728] : memref<51200x16xf32, #tpu.memory_space<vmem_shared>> -> memref<51200x16xf32, #tpu.memory_space<vmem_shared>>
        tpu.enqueue_indirect_dma source(%dma_start3A_729 : memref<51200x16xf32, #tpu.memory_space<vmem_shared>>) target(%arg16 : memref<128x16xf32, #tpu.memory_space<vmem>>) offsets(%dma_start3A_726 : memref<128xi32, #tpu.memory_space<vmem>>) semaphore(%arg24 : memref<!tpu.dma_semaphore, #tpu.memory_space<semaphore_mem>>)
      } else {
      }
      %add3A_662 = arith.constant 1 : i32
      %add3A_663 = arith.addi %add3A_483, %add3A_662 : i32
      %lt3A_664 = arith.constant 50 : i32
      %lt3A_665 = arith.cmpi slt, %add3A_663, %lt3A_664 : i32
      %convert_element_type3A_666 = arith.extui %lt3A_665 : i1 to i32
      %cond3A_667 = arith.constant 0 : i32
      %cond3A_668 = arith.cmpi ne, %convert_element_type3A_666, %cond3A_667 : i32
      scf.if %cond3A_668 {
        %dma_wait3A_725 = arith.constant 0 : i32
        %dma_wait3A_726 = tpu.memref_slice %arg3[%dma_wait3A_725] : memref<819200xi32, #tpu.memory_space<hbm>> -> memref<1024xi32, #tpu.memory_space<hbm>>
        %dma_wait3A_727 = arith.constant 0 : i32
        %dma_wait3A_728 = tpu.memref_slice %arg3[%dma_wait3A_727] : memref<819200xi32, #tpu.memory_space<hbm>> -> memref<1024xi32, #tpu.memory_space<hbm>>
        tpu.wait_dma2 semaphore(%arg33 : memref<!tpu.dma_semaphore, #tpu.memory_space<semaphore_mem>>) src(%dma_wait3A_728 : memref<1024xi32, #tpu.memory_space<hbm>>) dst(%arg9 : memref<1024xi32, #tpu.memory_space<vmem>>)
        %dma_wait3A_729 = arith.constant 0 : i32
        %dma_wait3A_730 = arith.constant 0 : i32
        %dma_wait3A_731 = tpu.memref_slice %arg4[%dma_wait3A_729, %dma_wait3A_730] : memref<6400x128xi32, #tpu.memory_space<hbm>> -> memref<8x128xi32, #tpu.memory_space<hbm>>
        %dma_wait3A_732 = arith.constant 0 : i32
        %dma_wait3A_733 = arith.constant 0 : i32
        %dma_wait3A_734 = tpu.memref_slice %arg4[%dma_wait3A_732, %dma_wait3A_733] : memref<6400x128xi32, #tpu.memory_space<hbm>> -> memref<8x128xi32, #tpu.memory_space<hbm>>
        tpu.wait_dma2 semaphore(%arg33 : memref<!tpu.dma_semaphore, #tpu.memory_space<semaphore_mem>>) src(%dma_wait3A_734 : memref<8x128xi32, #tpu.memory_space<hbm>>) dst(%arg11 : memref<8x128xi32, #tpu.memory_space<vmem>>)
      } else {
      }
      %mul3A_669 = arith.constant 8 : i32
      %mul3A_670 = arith.muli %add3A_483, %mul3A_669 : i32
      %add3A_671 = arith.constant 6 : i32
      %add3A_672 = arith.addi %mul3A_670, %add3A_671 : i32
      %dma_wait3A_673 = arith.constant 0 : i32
      %dma_wait3A_674 = tpu.memref_slice %arg9[%dma_wait3A_673] : memref<1024xi32, #tpu.memory_space<vmem>> -> memref<128xi32, #tpu.memory_space<vmem>>
      %dma_wait3A_675 = arith.constant 0 : i32
      %dma_wait3A_676 = arith.constant 0 : i32
      %dma_wait3A_677 = tpu.memref_slice %arg18[%dma_wait3A_675, %dma_wait3A_676] : memref<51200x16xf32, #tpu.memory_space<vmem_shared>> -> memref<51200x16xf32, #tpu.memory_space<vmem_shared>>
      tpu.wait_indirect_dma semaphore(%arg23 : memref<!tpu.dma_semaphore, #tpu.memory_space<semaphore_mem>>) src(%dma_wait3A_677 : memref<51200x16xf32, #tpu.memory_space<vmem_shared>>) dst(%arg15 : memref<128x16xf32, #tpu.memory_space<vmem>>)
      %dma_start3A_678 = arith.constant 6 : i32
      %dma_start3A_679 = arith.constant 0 : i32
      %dma_start3A_680 = tpu.memref_slice %arg12[%dma_start3A_678, %dma_start3A_679] : memref<8x128xi32, #tpu.memory_space<vmem>> -> memref<1x128xi32, #tpu.memory_space<vmem>>
      %dma_start3A_681 = tpu.memref_squeeze %dma_start3A_680 : memref<1x128xi32, #tpu.memory_space<vmem>> -> memref<128xi32, #tpu.memory_space<vmem>>
      %dma_start3A_682 = arith.constant 0 : i32
      %dma_start3A_683 = arith.constant 0 : i32
      %dma_start3A_684 = tpu.memref_slice %arg19[%dma_start3A_682, %dma_start3A_683] : memref<51200x16xf32, #tpu.memory_space<vmem_shared>> -> memref<51200x16xf32, #tpu.memory_space<vmem_shared>>
      tpu.enqueue_indirect_dma source(%arg15 : memref<128x16xf32, #tpu.memory_space<vmem>>) target(%dma_start3A_684 : memref<51200x16xf32, #tpu.memory_space<vmem_shared>>) offsets(%dma_start3A_681 : memref<128xi32, #tpu.memory_space<vmem>>) semaphore(%arg27 : memref<!tpu.dma_semaphore, #tpu.memory_space<semaphore_mem>>) {add = true}
      %ge3A_685 = arith.constant 2 : i32
      %ge3A_686 = arith.cmpi sge, %add3A_672, %ge3A_685 : i32
      %convert_element_type3A_687 = arith.extui %ge3A_686 : i1 to i32
      %cond3A_688 = arith.constant 0 : i32
      %cond3A_689 = arith.cmpi ne, %convert_element_type3A_687, %cond3A_688 : i32
      scf.if %cond3A_689 {
        %dma_wait3A_725 = arith.constant 0 : i32
        %dma_wait3A_726 = arith.constant 0 : i32
        %dma_wait3A_727 = tpu.memref_slice %arg11[%dma_wait3A_725, %dma_wait3A_726] : memref<8x128xi32, #tpu.memory_space<vmem>> -> memref<1x128xi32, #tpu.memory_space<vmem>>
        %dma_wait3A_728 = tpu.memref_squeeze %dma_wait3A_727 : memref<1x128xi32, #tpu.memory_space<vmem>> -> memref<128xi32, #tpu.memory_space<vmem>>
        %dma_wait3A_729 = arith.constant 0 : i32
        %dma_wait3A_730 = arith.constant 0 : i32
        %dma_wait3A_731 = tpu.memref_slice %arg19[%dma_wait3A_729, %dma_wait3A_730] : memref<51200x16xf32, #tpu.memory_space<vmem_shared>> -> memref<51200x16xf32, #tpu.memory_space<vmem_shared>>
        tpu.wait_indirect_dma semaphore(%arg25 : memref<!tpu.dma_semaphore, #tpu.memory_space<semaphore_mem>>) src(%arg13 : memref<128x16xf32, #tpu.memory_space<vmem>>) dst(%dma_wait3A_731 : memref<51200x16xf32, #tpu.memory_space<vmem_shared>>)
      } else {
      }
      %add3A_690 = arith.constant 2 : i32
      %add3A_691 = arith.addi %add3A_672, %add3A_690 : i32
      %lt3A_692 = arith.constant 400 : i32
      %lt3A_693 = arith.cmpi slt, %add3A_691, %lt3A_692 : i32
      %convert_element_type3A_694 = arith.extui %lt3A_693 : i1 to i32
      %cond3A_695 = arith.constant 0 : i32
      %cond3A_696 = arith.cmpi ne, %convert_element_type3A_694, %cond3A_695 : i32
      scf.if %cond3A_696 {
        %dma_start3A_725 = arith.constant 0 : i32
        %dma_start3A_726 = tpu.memref_slice %arg9[%dma_start3A_725] : memref<1024xi32, #tpu.memory_space<vmem>> -> memref<128xi32, #tpu.memory_space<vmem>>
        %dma_start3A_727 = arith.constant 0 : i32
        %dma_start3A_728 = arith.constant 0 : i32
        %dma_start3A_729 = tpu.memref_slice %arg18[%dma_start3A_727, %dma_start3A_728] : memref<51200x16xf32, #tpu.memory_space<vmem_shared>> -> memref<51200x16xf32, #tpu.memory_space<vmem_shared>>
        tpu.enqueue_indirect_dma source(%dma_start3A_729 : memref<51200x16xf32, #tpu.memory_space<vmem_shared>>) target(%arg13 : memref<128x16xf32, #tpu.memory_space<vmem>>) offsets(%dma_start3A_726 : memref<128xi32, #tpu.memory_space<vmem>>) semaphore(%arg21 : memref<!tpu.dma_semaphore, #tpu.memory_space<semaphore_mem>>)
      } else {
      }
      %mul3A_697 = arith.constant 8 : i32
      %mul3A_698 = arith.muli %add3A_483, %mul3A_697 : i32
      %add3A_699 = arith.constant 7 : i32
      %add3A_700 = arith.addi %mul3A_698, %add3A_699 : i32
      %dma_wait3A_701 = arith.constant 0 : i32
      %dma_wait3A_702 = tpu.memref_slice %arg9[%dma_wait3A_701] : memref<1024xi32, #tpu.memory_space<vmem>> -> memref<128xi32, #tpu.memory_space<vmem>>
      %dma_wait3A_703 = arith.constant 0 : i32
      %dma_wait3A_704 = arith.constant 0 : i32
      %dma_wait3A_705 = tpu.memref_slice %arg18[%dma_wait3A_703, %dma_wait3A_704] : memref<51200x16xf32, #tpu.memory_space<vmem_shared>> -> memref<51200x16xf32, #tpu.memory_space<vmem_shared>>
      tpu.wait_indirect_dma semaphore(%arg24 : memref<!tpu.dma_semaphore, #tpu.memory_space<semaphore_mem>>) src(%dma_wait3A_705 : memref<51200x16xf32, #tpu.memory_space<vmem_shared>>) dst(%arg16 : memref<128x16xf32, #tpu.memory_space<vmem>>)
      %dma_start3A_706 = arith.constant 7 : i32
      %dma_start3A_707 = arith.constant 0 : i32
      %dma_start3A_708 = tpu.memref_slice %arg12[%dma_start3A_706, %dma_start3A_707] : memref<8x128xi32, #tpu.memory_space<vmem>> -> memref<1x128xi32, #tpu.memory_space<vmem>>
      %dma_start3A_709 = tpu.memref_squeeze %dma_start3A_708 : memref<1x128xi32, #tpu.memory_space<vmem>> -> memref<128xi32, #tpu.memory_space<vmem>>
      %dma_start3A_710 = arith.constant 0 : i32
      %dma_start3A_711 = arith.constant 0 : i32
      %dma_start3A_712 = tpu.memref_slice %arg19[%dma_start3A_710, %dma_start3A_711] : memref<51200x16xf32, #tpu.memory_space<vmem_shared>> -> memref<51200x16xf32, #tpu.memory_space<vmem_shared>>
      tpu.enqueue_indirect_dma source(%arg16 : memref<128x16xf32, #tpu.memory_space<vmem>>) target(%dma_start3A_712 : memref<51200x16xf32, #tpu.memory_space<vmem_shared>>) offsets(%dma_start3A_709 : memref<128xi32, #tpu.memory_space<vmem>>) semaphore(%arg28 : memref<!tpu.dma_semaphore, #tpu.memory_space<semaphore_mem>>) {add = true}
      %ge3A_713 = arith.constant 2 : i32
      %ge3A_714 = arith.cmpi sge, %add3A_700, %ge3A_713 : i32
      %convert_element_type3A_715 = arith.extui %ge3A_714 : i1 to i32
      %cond3A_716 = arith.constant 0 : i32
      %cond3A_717 = arith.cmpi ne, %convert_element_type3A_715, %cond3A_716 : i32
      scf.if %cond3A_717 {
        %dma_wait3A_725 = arith.constant 0 : i32
        %dma_wait3A_726 = arith.constant 0 : i32
        %dma_wait3A_727 = tpu.memref_slice %arg11[%dma_wait3A_725, %dma_wait3A_726] : memref<8x128xi32, #tpu.memory_space<vmem>> -> memref<1x128xi32, #tpu.memory_space<vmem>>
        %dma_wait3A_728 = tpu.memref_squeeze %dma_wait3A_727 : memref<1x128xi32, #tpu.memory_space<vmem>> -> memref<128xi32, #tpu.memory_space<vmem>>
        %dma_wait3A_729 = arith.constant 0 : i32
        %dma_wait3A_730 = arith.constant 0 : i32
        %dma_wait3A_731 = tpu.memref_slice %arg19[%dma_wait3A_729, %dma_wait3A_730] : memref<51200x16xf32, #tpu.memory_space<vmem_shared>> -> memref<51200x16xf32, #tpu.memory_space<vmem_shared>>
        tpu.wait_indirect_dma semaphore(%arg26 : memref<!tpu.dma_semaphore, #tpu.memory_space<semaphore_mem>>) src(%arg14 : memref<128x16xf32, #tpu.memory_space<vmem>>) dst(%dma_wait3A_731 : memref<51200x16xf32, #tpu.memory_space<vmem_shared>>)
      } else {
      }
      %add3A_718 = arith.constant 2 : i32
      %add3A_719 = arith.addi %add3A_700, %add3A_718 : i32
      %lt3A_720 = arith.constant 400 : i32
      %lt3A_721 = arith.cmpi slt, %add3A_719, %lt3A_720 : i32
      %convert_element_type3A_722 = arith.extui %lt3A_721 : i1 to i32
      %cond3A_723 = arith.constant 0 : i32
      %cond3A_724 = arith.cmpi ne, %convert_element_type3A_722, %cond3A_723 : i32
      scf.if %cond3A_724 {
        %dma_start3A_725 = arith.constant 128 : i32
        %dma_start3A_726 = tpu.memref_slice %arg9[%dma_start3A_725] : memref<1024xi32, #tpu.memory_space<vmem>> -> memref<128xi32, #tpu.memory_space<vmem>>
        %dma_start3A_727 = arith.constant 0 : i32
        %dma_start3A_728 = arith.constant 0 : i32
        %dma_start3A_729 = tpu.memref_slice %arg18[%dma_start3A_727, %dma_start3A_728] : memref<51200x16xf32, #tpu.memory_space<vmem_shared>> -> memref<51200x16xf32, #tpu.memory_space<vmem_shared>>
        tpu.enqueue_indirect_dma source(%dma_start3A_729 : memref<51200x16xf32, #tpu.memory_space<vmem_shared>>) target(%arg14 : memref<128x16xf32, #tpu.memory_space<vmem>>) offsets(%dma_start3A_726 : memref<128xi32, #tpu.memory_space<vmem>>) semaphore(%arg22 : memref<!tpu.dma_semaphore, #tpu.memory_space<semaphore_mem>>)
      } else {
      }
    }
    %scan3A_212 = arith.constant 25 : i32
    %dma_wait3A_213 = arith.constant 0 : i32
    %dma_wait3A_214 = arith.constant 0 : i32
    %dma_wait3A_215 = tpu.memref_slice %arg11[%dma_wait3A_213, %dma_wait3A_214] : memref<8x128xi32, #tpu.memory_space<vmem>> -> memref<1x128xi32, #tpu.memory_space<vmem>>
    %dma_wait3A_216 = tpu.memref_squeeze %dma_wait3A_215 : memref<1x128xi32, #tpu.memory_space<vmem>> -> memref<128xi32, #tpu.memory_space<vmem>>
    %dma_wait3A_217 = arith.constant 0 : i32
    %dma_wait3A_218 = arith.constant 0 : i32
    %dma_wait3A_219 = tpu.memref_slice %arg19[%dma_wait3A_217, %dma_wait3A_218] : memref<51200x16xf32, #tpu.memory_space<vmem_shared>> -> memref<51200x16xf32, #tpu.memory_space<vmem_shared>>
    tpu.wait_indirect_dma semaphore(%arg27 : memref<!tpu.dma_semaphore, #tpu.memory_space<semaphore_mem>>) src(%arg15 : memref<128x16xf32, #tpu.memory_space<vmem>>) dst(%dma_wait3A_219 : memref<51200x16xf32, #tpu.memory_space<vmem_shared>>)
    %dma_wait3A_220 = arith.constant 0 : i32
    %dma_wait3A_221 = arith.constant 0 : i32
    %dma_wait3A_222 = tpu.memref_slice %arg11[%dma_wait3A_220, %dma_wait3A_221] : memref<8x128xi32, #tpu.memory_space<vmem>> -> memref<1x128xi32, #tpu.memory_space<vmem>>
    %dma_wait3A_223 = tpu.memref_squeeze %dma_wait3A_222 : memref<1x128xi32, #tpu.memory_space<vmem>> -> memref<128xi32, #tpu.memory_space<vmem>>
    %dma_wait3A_224 = arith.constant 0 : i32
    %dma_wait3A_225 = arith.constant 0 : i32
    %dma_wait3A_226 = tpu.memref_slice %arg19[%dma_wait3A_224, %dma_wait3A_225] : memref<51200x16xf32, #tpu.memory_space<vmem_shared>> -> memref<51200x16xf32, #tpu.memory_space<vmem_shared>>
    tpu.wait_indirect_dma semaphore(%arg28 : memref<!tpu.dma_semaphore, #tpu.memory_space<semaphore_mem>>) src(%arg16 : memref<128x16xf32, #tpu.memory_space<vmem>>) dst(%dma_wait3A_226 : memref<51200x16xf32, #tpu.memory_space<vmem_shared>>)
    %barrier3A_227 = arith.constant 0 : index
    tpu.barrier barrier_id(%barrier3A_227)
    %eq3A_228 = arith.constant 0 : i32
    %eq3A_229 = arith.cmpi eq, %arg0, %eq3A_228 : i32
    %convert_element_type3A_230 = arith.extui %eq3A_229 : i1 to i32
    %cond3A_231 = arith.constant 0 : i32
    %cond3A_232 = arith.cmpi ne, %convert_element_type3A_230, %cond3A_231 : i32
    scf.if %cond3A_232 {
      %mul3A_239 = arith.constant 3200 : i32
      %mul3A_240 = arith.muli %arg1, %mul3A_239 : i32
      %mul3A_241 = arith.constant 3200 : i32
      %mul3A_242 = arith.muli %arg1, %mul3A_241 : i32
      "tpu.region"() ({
        %run_scoped3A = tpu.sem_alloc : memref<!tpu.dma_semaphore, #tpu.memory_space<semaphore_mem>>
        %dma_start3A_243 = arith.constant 16 : i32
        %dma_start3A_244 = tpu.memref_slice %arg7[%mul3A_242, %dma_start3A_243] : memref<51200x128xf32, #tpu.memory_space<hbm>> -> memref<3200x16xf32, #tpu.memory_space<hbm>>
        %dma_start3A_245 = arith.constant 0 : i32
        %dma_start3A_246 = tpu.memref_slice %arg19[%mul3A_240, %dma_start3A_245] : memref<51200x16xf32, #tpu.memory_space<vmem_shared>> -> memref<3200x16xf32, #tpu.memory_space<vmem_shared>>
        tpu.enqueue_dma source(%dma_start3A_246 : memref<3200x16xf32, #tpu.memory_space<vmem_shared>>) target(%dma_start3A_244 : memref<3200x16xf32, #tpu.memory_space<hbm>>) target_semaphore(%run_scoped3A : memref<!tpu.dma_semaphore, #tpu.memory_space<semaphore_mem>>)
        %dma_wait3A_247 = arith.constant 16 : i32
        %dma_wait3A_248 = tpu.memref_slice %arg7[%mul3A_242, %dma_wait3A_247] : memref<51200x128xf32, #tpu.memory_space<hbm>> -> memref<3200x16xf32, #tpu.memory_space<hbm>>
        %dma_wait3A_249 = arith.constant 0 : i32
        %dma_wait3A_250 = tpu.memref_slice %arg19[%mul3A_240, %dma_wait3A_249] : memref<51200x16xf32, #tpu.memory_space<vmem_shared>> -> memref<3200x16xf32, #tpu.memory_space<vmem_shared>>
        tpu.wait_dma2 semaphore(%run_scoped3A : memref<!tpu.dma_semaphore, #tpu.memory_space<semaphore_mem>>) src(%dma_wait3A_250 : memref<3200x16xf32, #tpu.memory_space<vmem_shared>>) dst(%dma_wait3A_248 : memref<3200x16xf32, #tpu.memory_space<hbm>>)
        tpu.yield
      }) : () -> ()
    } else {
    }
    %eq3A_233 = arith.constant 1 : i32
    %eq3A_234 = arith.cmpi eq, %arg0, %eq3A_233 : i32
    %convert_element_type3A_235 = arith.extui %eq3A_234 : i1 to i32
    %cond3A_236 = arith.constant 0 : i32
    %cond3A_237 = arith.cmpi ne, %convert_element_type3A_235, %cond3A_236 : i32
    scf.if %cond3A_237 {
      %mul3A_239 = arith.constant 3200 : i32
      %mul3A_240 = arith.muli %arg1, %mul3A_239 : i32
      %mul3A_241 = arith.constant 3200 : i32
      %mul3A_242 = arith.muli %arg1, %mul3A_241 : i32
      "tpu.region"() ({
        %run_scoped3A = tpu.sem_alloc : memref<!tpu.dma_semaphore, #tpu.memory_space<semaphore_mem>>
        %dma_start3A_243 = arith.constant 48 : i32
        %dma_start3A_244 = tpu.memref_slice %arg7[%mul3A_242, %dma_start3A_243] : memref<51200x128xf32, #tpu.memory_space<hbm>> -> memref<3200x16xf32, #tpu.memory_space<hbm>>
        %dma_start3A_245 = arith.constant 0 : i32
        %dma_start3A_246 = tpu.memref_slice %arg19[%mul3A_240, %dma_start3A_245] : memref<51200x16xf32, #tpu.memory_space<vmem_shared>> -> memref<3200x16xf32, #tpu.memory_space<vmem_shared>>
        tpu.enqueue_dma source(%dma_start3A_246 : memref<3200x16xf32, #tpu.memory_space<vmem_shared>>) target(%dma_start3A_244 : memref<3200x16xf32, #tpu.memory_space<hbm>>) target_semaphore(%run_scoped3A : memref<!tpu.dma_semaphore, #tpu.memory_space<semaphore_mem>>)
        %dma_wait3A_247 = arith.constant 48 : i32
        %dma_wait3A_248 = tpu.memref_slice %arg7[%mul3A_242, %dma_wait3A_247] : memref<51200x128xf32, #tpu.memory_space<hbm>> -> memref<3200x16xf32, #tpu.memory_space<hbm>>
        %dma_wait3A_249 = arith.constant 0 : i32
        %dma_wait3A_250 = tpu.memref_slice %arg19[%mul3A_240, %dma_wait3A_249] : memref<51200x16xf32, #tpu.memory_space<vmem_shared>> -> memref<3200x16xf32, #tpu.memory_space<vmem_shared>>
        tpu.wait_dma2 semaphore(%run_scoped3A : memref<!tpu.dma_semaphore, #tpu.memory_space<semaphore_mem>>) src(%dma_wait3A_250 : memref<3200x16xf32, #tpu.memory_space<vmem_shared>>) dst(%dma_wait3A_248 : memref<3200x16xf32, #tpu.memory_space<hbm>>)
        tpu.yield
      }) : () -> ()
    } else {
    }
    %barrier3A_238 = arith.constant 0 : index
    tpu.barrier barrier_id(%barrier3A_238)
    return
  }
}

module attributes {stable_mosaic.version = 14 : i64} {
  func.func @_tc_xwr_body(%arg0: i32, %arg1: memref<1000x64xf32, #tpu.memory_space<vmem>>, %arg2: memref<64x64xf32, #tpu.memory_space<vmem>>, %arg3: memref<1x64xf32, #tpu.memory_space<vmem>>, %arg4: memref<1000x64xf32, #tpu.memory_space<vmem>>) attributes {dimension_semantics = [#tpu.dimension_semantics<arbitrary>], iteration_bounds = array<i64: 25>, scalar_prefetch = 0 : i64, scratch_operands = 0 : i64, tpu.core_type = #tpu.core_type<tc>, window_params = [{transform_indices = @transform_0, window_bounds = array<i64: 1000, 64>}, {pipeline_mode = #tpu.pipeline_mode<synchronous>, transform_indices = @transform_1, window_bounds = array<i64: 64, 64>}, {pipeline_mode = #tpu.pipeline_mode<synchronous>, transform_indices = @transform_2, window_bounds = array<i64: 1, 64>}, {transform_indices = @transform_3, window_bounds = array<i64: 1000, 64>}]} {
    %get3A = arith.constant 0 : index
    %get3A_0 = arith.constant 0 : index
    %get3A_1 = vector.load %arg1[%get3A, %get3A_0] : memref<1000x64xf32, #tpu.memory_space<vmem>>, vector<1000x64xf32>
    %get3A_2 = arith.constant 0 : index
    %get3A_3 = arith.constant 0 : index
    %get3A_4 = vector.load %arg2[%get3A_2, %get3A_3] : memref<64x64xf32, #tpu.memory_space<vmem>>, vector<64x64xf32>
    %dot_general3A = arith.constant dense<0.000000e+00> : vector<1000x64xf32>
    %dot_general3A_5 = tpu.matmul %get3A_1, %get3A_4, %dot_general3A {dimension_numbers = #tpu.dot_dimension_numbers<[1], [0], [0], [1], [0, 0, 1, 1], [], []>, transpose_lhs_hint = false} : vector<1000x64xf32>, vector<64x64xf32>, vector<1000x64xf32> -> vector<1000x64xf32>
    %get3A_6 = arith.constant 0 : index
    %get3A_7 = arith.constant 0 : index
    %get3A_8 = vector.load %arg3[%get3A_6, %get3A_7] : memref<1x64xf32, #tpu.memory_space<vmem>>, vector<1x64xf32>
    %add3A = vector.broadcast %get3A_8 : vector<1x64xf32> to vector<1000x64xf32>
    %add3A_9 = arith.addf %dot_general3A_5, %add3A : vector<1000x64xf32>
    %swap3A = arith.constant 0 : index
    %swap3A_10 = arith.constant 0 : index
    %swap3A_11 = vector.load %arg4[%swap3A, %swap3A_10] : memref<1000x64xf32, #tpu.memory_space<vmem>>, vector<1000x64xf32>
    tpu.vector_store %arg4[%swap3A, %swap3A_10], %add3A_9 {strides = array<i32>} : memref<1000x64xf32, #tpu.memory_space<vmem>>, vector<1000x64xf32>,
    return
  }
  func.func @transform_0(%arg0: i32) -> (i32, i32) {
    %c0_i32 = arith.constant 0 : i32
    %c0_i32_0 = arith.constant 0 : i32
    return %arg0, %c0_i32 : i32, i32
  }
  func.func @transform_1(%arg0: i32) -> (i32, i32) {
    %c0_i32 = arith.constant 0 : i32
    %c0_i32_0 = arith.constant 0 : i32
    %c0_i32_1 = arith.constant 0 : i32
    return %c0_i32, %c0_i32_0 : i32, i32
  }
  func.func @transform_2(%arg0: i32) -> (i32, i32) {
    %c0_i32 = arith.constant 0 : i32
    %c0_i32_0 = arith.constant 0 : i32
    %c0_i32_1 = arith.constant 0 : i32
    return %c0_i32, %c0_i32_0 : i32, i32
  }
  func.func @transform_3(%arg0: i32) -> (i32, i32) {
    %c0_i32 = arith.constant 0 : i32
    %c0_i32_0 = arith.constant 0 : i32
    return %arg0, %c0_i32 : i32, i32
  }
}

module attributes {stable_mosaic.version = 14 : i64} {
  func.func @_tc_epilogue_body(%arg0: i32, %arg1: memref<1000x64xf32, #tpu.memory_space<vmem>>, %arg2: memref<1000x128xf32, #tpu.memory_space<vmem>>, %arg3: memref<1000x1xf32, #tpu.memory_space<vmem>>, %arg4: memref<64x64xf32, #tpu.memory_space<vmem>>, %arg5: memref<1000x64xf32, #tpu.memory_space<vmem>>) attributes {dimension_semantics = [#tpu.dimension_semantics<arbitrary>], iteration_bounds = array<i64: 25>, scalar_prefetch = 0 : i64, scratch_operands = 0 : i64, tpu.core_type = #tpu.core_type<tc>, window_params = [{transform_indices = @transform_0, window_bounds = array<i64: 1000, 64>}, {transform_indices = @transform_1, window_bounds = array<i64: 1000, 128>}, {transform_indices = @transform_2, window_bounds = array<i64: 1000, 1>}, {pipeline_mode = #tpu.pipeline_mode<synchronous>, transform_indices = @transform_3, window_bounds = array<i64: 64, 64>}, {transform_indices = @transform_4, window_bounds = array<i64: 1000, 64>}]} {
    %get3A = arith.constant 0 : index
    %get3A_0 = arith.constant 0 : index
    %get3A_1 = vector.load %arg3[%get3A, %get3A_0] : memref<1000x1xf32, #tpu.memory_space<vmem>>, vector<1000x1xf32>
    %max3A = arith.constant 1.000000e+00 : f32
    %max3A_2 = vector.broadcast %max3A : f32 to vector<1000x1xf32>
    %max3A_3 = arith.maximumf %get3A_1, %max3A_2 : vector<1000x1xf32>
    %get3A_4 = arith.constant 0 : index
    %get3A_5 = arith.constant 0 : index
    %get3A_6 = vector.load %arg2[%get3A_4, %get3A_5] : memref<1000x128xf32, #tpu.memory_space<vmem>>, vector<1000x64xf32>
    %div3A = vector.broadcast %max3A_3 : vector<1000x1xf32> to vector<1000x64xf32>
    %div3A_7 = arith.divf %get3A_6, %div3A : vector<1000x64xf32>
    %get3A_8 = arith.constant 0 : index
    %get3A_9 = arith.constant 0 : index
    %get3A_10 = vector.load %arg4[%get3A_8, %get3A_9] : memref<64x64xf32, #tpu.memory_space<vmem>>, vector<64x64xf32>
    %dot_general3A = arith.constant dense<0.000000e+00> : vector<1000x64xf32>
    %dot_general3A_11 = tpu.matmul %div3A_7, %get3A_10, %dot_general3A {dimension_numbers = #tpu.dot_dimension_numbers<[1], [0], [0], [1], [0, 0, 1, 1], [], []>, transpose_lhs_hint = false} : vector<1000x64xf32>, vector<64x64xf32>, vector<1000x64xf32> -> vector<1000x64xf32>
    %get3A_12 = arith.constant 0 : index
    %get3A_13 = arith.constant 0 : index
    %get3A_14 = vector.load %arg1[%get3A_12, %get3A_13] : memref<1000x64xf32, #tpu.memory_space<vmem>>, vector<1000x64xf32>
    %add3A = arith.addf %dot_general3A_11, %get3A_14 : vector<1000x64xf32>
    %swap3A = arith.constant 0 : index
    %swap3A_15 = arith.constant 0 : index
    %swap3A_16 = vector.load %arg5[%swap3A, %swap3A_15] : memref<1000x64xf32, #tpu.memory_space<vmem>>, vector<1000x64xf32>
    tpu.vector_store %arg5[%swap3A, %swap3A_15], %add3A {strides = array<i32>} : memref<1000x64xf32, #tpu.memory_space<vmem>>, vector<1000x64xf32>,
    return
  }
  func.func @transform_0(%arg0: i32) -> (i32, i32) {
    %c0_i32 = arith.constant 0 : i32
    %c0_i32_0 = arith.constant 0 : i32
    return %arg0, %c0_i32 : i32, i32
  }
  func.func @transform_1(%arg0: i32) -> (i32, i32) {
    %add3A = arith.constant 25 : i32
    %add3A_0 = arith.addi %add3A, %arg0 : i32
    %c0_i32 = arith.constant 0 : i32
    %c0_i32_1 = arith.constant 0 : i32
    return %add3A_0, %c0_i32 : i32, i32
  }
  func.func @transform_2(%arg0: i32) -> (i32, i32) {
    %add3A = arith.constant 25 : i32
    %add3A_0 = arith.addi %add3A, %arg0 : i32
    %c0_i32 = arith.constant 0 : i32
    %c0_i32_1 = arith.constant 0 : i32
    return %add3A_0, %c0_i32 : i32, i32
  }
  func.func @transform_3(%arg0: i32) -> (i32, i32) {
    %c0_i32 = arith.constant 0 : i32
    %c0_i32_0 = arith.constant 0 : i32
    %c0_i32_1 = arith.constant 0 : i32
    return %c0_i32, %c0_i32_0 : i32, i32
  }
  func.func @transform_4(%arg0: i32) -> (i32, i32) {
    %c0_i32 = arith.constant 0 : i32
    %c0_i32_0 = arith.constant 0 : i32
    return %arg0, %c0_i32 : i32, i32
  }
}

module attributes {stable_mosaic.version = 14 : i64} {
  func.func @_tc_epilogue_body(%arg0: i32, %arg1: memref<1000x64xf32, #tpu.memory_space<vmem>>, %arg2: memref<1000x128xf32, #tpu.memory_space<vmem>>, %arg3: memref<1000x1xf32, #tpu.memory_space<vmem>>, %arg4: memref<64x64xf32, #tpu.memory_space<vmem>>, %arg5: memref<1000x64xf32, #tpu.memory_space<vmem>>) attributes {dimension_semantics = [#tpu.dimension_semantics<arbitrary>], iteration_bounds = array<i64: 25>, scalar_prefetch = 0 : i64, scratch_operands = 0 : i64, tpu.core_type = #tpu.core_type<tc>, window_params = [{transform_indices = @transform_0, window_bounds = array<i64: 1000, 64>}, {transform_indices = @transform_1, window_bounds = array<i64: 1000, 128>}, {transform_indices = @transform_2, window_bounds = array<i64: 1000, 1>}, {pipeline_mode = #tpu.pipeline_mode<synchronous>, transform_indices = @transform_3, window_bounds = array<i64: 64, 64>}, {transform_indices = @transform_4, window_bounds = array<i64: 1000, 64>}]} {
    %get3A = arith.constant 0 : index
    %get3A_0 = arith.constant 0 : index
    %get3A_1 = vector.load %arg3[%get3A, %get3A_0] : memref<1000x1xf32, #tpu.memory_space<vmem>>, vector<1000x1xf32>
    %max3A = arith.constant 1.000000e+00 : f32
    %max3A_2 = vector.broadcast %max3A : f32 to vector<1000x1xf32>
    %max3A_3 = arith.maximumf %get3A_1, %max3A_2 : vector<1000x1xf32>
    %get3A_4 = arith.constant 0 : index
    %get3A_5 = arith.constant 0 : index
    %get3A_6 = vector.load %arg2[%get3A_4, %get3A_5] : memref<1000x128xf32, #tpu.memory_space<vmem>>, vector<1000x64xf32>
    %div3A = vector.broadcast %max3A_3 : vector<1000x1xf32> to vector<1000x64xf32>
    %div3A_7 = arith.divf %get3A_6, %div3A : vector<1000x64xf32>
    %get3A_8 = arith.constant 0 : index
    %get3A_9 = arith.constant 0 : index
    %get3A_10 = vector.load %arg4[%get3A_8, %get3A_9] : memref<64x64xf32, #tpu.memory_space<vmem>>, vector<64x64xf32>
    %dot_general3A = arith.constant dense<0.000000e+00> : vector<1000x64xf32>
    %dot_general3A_11 = tpu.matmul %div3A_7, %get3A_10, %dot_general3A {dimension_numbers = #tpu.dot_dimension_numbers<[1], [0], [0], [1], [0, 0, 1, 1], [], []>, transpose_lhs_hint = false} : vector<1000x64xf32>, vector<64x64xf32>, vector<1000x64xf32> -> vector<1000x64xf32>
    %get3A_12 = arith.constant 0 : index
    %get3A_13 = arith.constant 0 : index
    %get3A_14 = vector.load %arg1[%get3A_12, %get3A_13] : memref<1000x64xf32, #tpu.memory_space<vmem>>, vector<1000x64xf32>
    %add3A = arith.addf %dot_general3A_11, %get3A_14 : vector<1000x64xf32>
    %swap3A = arith.constant 0 : index
    %swap3A_15 = arith.constant 0 : index
    %swap3A_16 = vector.load %arg5[%swap3A, %swap3A_15] : memref<1000x64xf32, #tpu.memory_space<vmem>>, vector<1000x64xf32>
    tpu.vector_store %arg5[%swap3A, %swap3A_15], %add3A {strides = array<i32>} : memref<1000x64xf32, #tpu.memory_space<vmem>>, vector<1000x64xf32>,
    return
  }
  func.func @transform_0(%arg0: i32) -> (i32, i32) {
    %c0_i32 = arith.constant 0 : i32
    %c0_i32_0 = arith.constant 0 : i32
    return %arg0, %c0_i32 : i32, i32
  }
  func.func @transform_1(%arg0: i32) -> (i32, i32) {
    %add3A = arith.constant 0 : i32
    %add3A_0 = arith.addi %add3A, %arg0 : i32
    %c0_i32 = arith.constant 0 : i32
    %c0_i32_1 = arith.constant 0 : i32
    return %add3A_0, %c0_i32 : i32, i32
  }
  func.func @transform_2(%arg0: i32) -> (i32, i32) {
    %add3A = arith.constant 0 : i32
    %add3A_0 = arith.addi %add3A, %arg0 : i32
    %c0_i32 = arith.constant 0 : i32
    %c0_i32_1 = arith.constant 0 : i32
    return %add3A_0, %c0_i32 : i32, i32
  }
  func.func @transform_3(%arg0: i32) -> (i32, i32) {
    %c0_i32 = arith.constant 0 : i32
    %c0_i32_0 = arith.constant 0 : i32
    %c0_i32_1 = arith.constant 0 : i32
    return %c0_i32, %c0_i32_0 : i32, i32
  }
  func.func @transform_4(%arg0: i32) -> (i32, i32) {
    %c0_i32 = arith.constant 0 : i32
    %c0_i32_0 = arith.constant 0 : i32
    return %arg0, %c0_i32 : i32, i32
  }
}

</mosaic_0001>

<sc_bundles>
// kernel: kernel.7.cloned.1.call-start
scs
__scs_entry_jumppad:
0x0: {  	(pc) =	sbr.rel $0x88, $3  }
0x1: {  	(tag) =	ssettag $0x0;
	lr =	simm.s32 $0x1  }
0x2: {  	[smem:$0x3F9B] =	sst lr;
	_ =	strace $0xD0000000  }
0x3: {  	_ = 	snop  }
0x4: {  	_ = 	snop  }
0x5: {  	_ = 	snop  }
0x6: {  	_ = 	snop  }
0x7: {  	_ = 	snop  }
__scs_overlays_trampoline_lowered:
0x8: {  	[smem:$0x3FAA] =	sst s0  }
0x9: {  	[smem:$0x3FAB] =	sst s1  }
0xa: {  	[smem:$0x3FAC] =	sst s2  }
0xb: {  	[smem:$0x3FAD] =	sst s3  }
0xc: {  	[smem:$0x3FAE] =	sst s4  }
0xd: {  	[smem:$0x3FAF] =	sst s5  }
0xe: {  	[smem:$0x3FB0] =	sst s6  }
0xf: {  	[smem:$0x3FB1] =	sst s7  }
0x10: {  	[smem:$0x3FB2] =	sst s8  }
0x11: {  	[smem:$0x3FB3] =	sst s9;
	s0 =	simm.s32 @!p0 $0x0  }
0x12: {  	s1 =	sld [smem:$0x3F99];
	s0 =	simm.s32 @p0 $0x1  }
0x13: {  	[smem:$0x3FB4] =	sst s0;
	s0 =	simm.s32 @!p1 $0x0  }
0x14: {  	s2 =	sld [smem:$0x3F98];
	s0 =	simm.s32 @p1 $0x1  }
0x15: {  	[smem:$0x3FB5] =	sst s0;
	s0 =	simm.s32 @!p2 $0x0  }
0x16: {  	s3 =	sld [smem:$0x3FDB];
	s0 =	simm.s32 @p2 $0x1  }
0x17: {  	s4 =	simm.s32 $0x1BF5;
	[smem:$0x3FB7] =	sst s0  }
0x18: {  	s0 =	sld [smem:$0x3F9A];
	_ =	swait.ge [sflag:s4], $0x0  }
0x19: {  	s7 =	sld [smem:$0x3F9B]  }
0x1a: {  	s8 =	sadd.s32 $0xFFFFE003, lr  }
0x1b: {  	s9 =	sadd.s32 $0xFFFFFEF7, lr;
	s5 =	simm.s32 $0xFFFFFFFF;
	p2 =	slt.u32 s8, $0xFFFFF086  }
0x1c: {  	p1 =	slt.u32 s9, $0xF7A;
	s5 =	simm.s32 @!p2 $0x0  }
0x1d: {  	s5 =	simm.s32 @p1 $0x1;
	p0 =	seq.s32 s7, s2  }
0x1e: {  	s7 =	smul.u32 @!p0 $0xF7A, s2;
	p2 =	seq.s32 @!p0 s5, $0x0  }
0x1f: {  	s9 =	smul.u32 $0xF7A, s1;
	s8 =	simm.s32 @!p0 $0x1BF5;
	p2 =	por !p2, p0  }
0x20: {  	[sflag:s8] =	ssyncset.s32 @!p0 $0xFFFFF086;
	s6 =	sadd.s32 @!p0 s3, s7;
	s7 =	simm.s32 @!p0 $0x108  }
0x21: {  	s3 =	sadd.s32 s3, s9;
	s6 =	sadd.s32 @!p0 $0x88, s6;
	s7 =	simm.s32 @p2 $0x1082  }
0x22: {  	[simem:s7], [sflag:s8] =	dma.local @!p0 [hbm:s6], $0xF7A  }
0x23: {  	s9 =	sor.u32 $0xD0000000, s2;
	s6 =	simm.s32 $0x108;
	_ =	swait.ge @!p0 [sflag:s8], $0x0  }
0x24: {  	s3 =	sadd.s32 $0x88, s3;
	s6 =	simm.s32 @!p1 $0x1082;
	[sflag:s4] =	ssyncset.s32 $0xFFFFF086  }
0x25: {  	[simem:s6], [sflag:s4] =	dma.local [hbm:s3], $0xF7A  }
0x26: {  	[smem:$0x3F9B] =	sst s1;
	(tag) =	ssettag s2;
	_ =	strace s9  }
0x27: {  	s1 =	sld [smem:$0x3FAB]  }
0x28: {  	s2 =	sld [smem:$0x3FAC]  }
0x29: {  	s4 =	sld [smem:$0x3FAE]  }
0x2a: {  	p0 =	seq.s32 s5, $0x0;
	s5 =	sld [smem:$0x3FAF]  }
0x2b: {  	s6 =	sld [smem:$0x3FB0]  }
0x2c: {  	s7 =	sld [smem:$0x3FB1]  }
0x2d: {  	s3 =	simm.s32 $0x108;
	s8 =	sld [smem:$0x3FB2]  }
0x2e: {  	s3 =	simm.s32 @!p0 $0x1082;
	s9 =	sld [smem:$0x3FB3]  }
0x2f: {  	lr =	sadd.s32 s0, s3;
	s0 =	sld [smem:$0x3FAA]  }
0x30: {  	s3 =	sld [smem:$0x3FAD]  }
0x31: {  	[smem:$0x3FB6] =	sst s10  }
0x32: {  	s10 =	sld [smem:$0x3FB4];
	_ =	sdelay $0x3  }
0x33: {  	p0 =	seq.s32 s10, $0x1;
	s10 =	sld [smem:$0x3FB6];
	_ =	sdelay $0x3  }
0x34: {  	[smem:$0x3FB6] =	sst s10  }
0x35: {  	s10 =	sld [smem:$0x3FB5];
	_ =	sdelay $0x3  }
0x36: {  	p1 =	seq.s32 s10, $0x1;
	s10 =	sld [smem:$0x3FB6];
	_ =	sdelay $0x3  }
0x37: {  	[smem:$0x3FB6] =	sst s10  }
0x38: {  	s10 =	sld [smem:$0x3FB7]  }
0x39: {  	_ = 	snop;
	(pc) =	sbr.ind lr, $3  }
0x3a: {  	_ = 	snop  }
0x3b: {  	_ = 	snop  }
0x3c: {  	p2 =	seq.s32 s10, $0x1;
	s10 =	sld [smem:$0x3FB6]  }
0x3d: {  	_ =	shalt  }
0x3e: {  	_ =	shalt  }
0x3f: {  	_ =	shalt  }
0x40: {  	_ =	shalt  }
0x41: {  	_ =	shalt  }
0x42: {  	_ =	shalt  }
0x43: {  	_ =	shalt  }
0x44: {  	_ =	shalt  }
0x45: {  	_ =	shalt  }
0x46: {  	_ =	shalt  }
0x47: {  	_ =	shalt  }
0x48: {  	_ =	shalt  }
0x49: {  	_ =	shalt  }
0x4a: {  	_ =	shalt  }
0x4b: {  	_ =	shalt  }
0x4c: {  	_ =	shalt  }
0x4d: {  	_ =	shalt  }
0x4e: {  	_ =	shalt  }
0x4f: {  	_ =	shalt  }
0x50: {  	_ =	shalt  }
0x51: {  	_ =	shalt  }
0x52: {  	_ =	shalt  }
0x53: {  	_ =	shalt  }
0x54: {  	_ =	shalt  }
0x55: {  	_ =	shalt  }
0x56: {  	_ =	shalt  }
0x57: {  	_ =	shalt  }
0x58: {  	_ =	shalt  }
0x59: {  	_ =	shalt  }
0x5a: {  	_ =	shalt  }
0x5b: {  	_ =	shalt  }
0x5c: {  	_ =	shalt  }
0x5d: {  	_ =	shalt  }
0x5e: {  	_ =	shalt  }
0x5f: {  	_ =	shalt  }
0x60: {  	_ =	shalt  }
0x61: {  	_ =	shalt  }
0x62: {  	_ =	shalt  }
0x63: {  	_ =	shalt  }
0x64: {  	_ =	shalt  }
0x65: {  	_ =	shalt  }
0x66: {  	_ =	shalt  }
0x67: {  	_ =	shalt  }
0x68: {  	_ =	shalt  }
0x69: {  	_ =	shalt  }
0x6a: {  	_ =	shalt  }
0x6b: {  	_ =	shalt  }
0x6c: {  	_ =	shalt  }
0x6d: {  	_ =	shalt  }
0x6e: {  	_ =	shalt  }
0x6f: {  	_ =	shalt  }
0x70: {  	_ =	shalt  }
0x71: {  	_ =	shalt  }
0x72: {  	_ =	shalt  }
0x73: {  	_ =	shalt  }
0x74: {  	_ =	shalt  }
0x75: {  	_ =	shalt  }
0x76: {  	_ =	shalt  }
0x77: {  	_ =	shalt  }
0x78: {  	_ =	shalt  }
0x79: {  	_ =	shalt  }
0x7a: {  	_ =	shalt  }
0x7b: {  	_ =	shalt  }
0x7c: {  	_ =	shalt  }
0x7d: {  	_ =	shalt  }
0x7e: {  	_ =	shalt  }
0x7f: {  	_ =	shalt  }
0x80: {  	_ =	shalt  }
0x81: {  	_ =	shalt  }
0x82: {  	_ =	shalt  }
0x83: {  	_ =	shalt  }
0x84: {  	_ =	shalt  }
0x85: {  	_ =	shalt  }
0x86: {  	_ =	shalt  }
0x87: {  	_ =	shalt  }
.Lfunc_end0:
.L_simem_size_0:
called_computation_lowered:
.L_overlay_start_0:
0x88: {  	s2 =	sld [smem:$0x3FD9]  }
0x89: {  	s3 =	sld [smem:$0x3FFE];
	_ =	sdelay $0x1  }
0x8a: {  	s1 =	srdreg.scid  }
0x8b: {  	s0 =	sand.u32 $0x1, s1  }
0x8c: {  	s14 =	sshll.u32 s0, $0xA;
	s2 =	sadd.s32 s3, s2  }
0x8d: {  	s2 =	sadd.s32 s2, s14  }
0x8e: {  	[smem:$0x3FC2] =	sst s2  }
0x8f: {  	_ = 	snop  }
0x90: {  	s2 =	sld [smem:$0x3FD0];
	_ =	sdelay $0x2  }
0x91: {  	s15 =	simm.s32 $0xA;
	s4 =	simm.s32 $0x10  }
0x92: {  	[smem:s4], [sflag:s15] =	dma.local [hbm:s2], $0x1  }
0x93: {  	_ =	swait.eq [sflag:s15], $0x1  }
0x94: {  	[sflag:s15] =	ssyncset.done $0x0  }
0x95: {  	s16 =	sld [smem:$0x10];
	[sflag:s15] =	ssyncadd.s32 $0xFFFFFFFF  }
0x96: {  	s17 =	sld [smem:$0x11];
	(tm) =	ssettm $0x1  }
0x97: {  	s18 =	sld [smem:$0x3FFB];
	_ =	sdelay $0x3  }
0x98: {  	_ =	strace s18  }
0x99: {  	s4 =	sld [smem:$0x3FFC];
	_ =	sdelay $0x3  }
0x9a: {  	_ =	strace s4  }
0x9b: {  	s4 =	sld [smem:$0x3FFD];
	_ =	sdelay $0x3  }
0x9c: {  	_ =	strace s4  }
0x9d: {  	_ =	strace $0x8FFFFFFF  }
0x9e: {  	s19 =	sld [smem:$0x3FDB];
	_ =	sdelay $0x1  }
0x9f: {  	s5 =	simm.s32 $_scs_section_size  }
0xa0: {  	s6 =	simm.s32 $_size__tile_overlayer_lowered;
	s7 =	simm.s32 $_tile_overlayer_lowered  }
0xa1: {  	s22 =	simm.s32 $0x1BFF;
	s21 =	sshll.u32 s7, $0x1;
	s4 =	sadd.s32 s5, s19  }
0xa2: {  	s8 =	simm.s32 $0x0;
	s20 =	sshll.u32 s6, $0x1;
	s6 =	sadd.s32 s21, s4  }
0xa3: {  	[timem:s8], [sflag:s22] =	dma.local [hbm:s6], s20  }
0xa4: {  	_ =	swait.ge [sflag:s22], s20  }
0xa5: {  	s5 =	ssub.s32 $0x0, s20;
	[sflag:s22] =	ssyncset.done $0x0  }
0xa6: {  	[sflag:s22] =	ssyncadd.s32 s5;
	_ =	sdelay $0x1  }
0xa7: {  	s23 =	simm.s32 $0x1B8B  }
0xa8: {  	_ =	swait.ge [sflag:s23], $0x1  }
0xa9: {  	[sflag:s23] =	ssyncset.done $0x0  }
0xaa: {  	s25 =	simm.s32 $0x1B8E;
	s24 =	sld [smem:$0x3FFE];
	[sflag:s23] =	ssyncadd.s32 $0xFFFFFFFF  }
0xab: {  	s26 =	simm.s32 $execute0_lowered;
	[smem:$0x3FD2] =	sst s25  }
0xac: {  	s6 =	sshll.u32 s26, $0x1;
	_ =	strace $0x80000046;
	[dreg:$0x1] =	wrdreg $0xFFFFFFFF  }
0xad: {  	s28 =	simm.s32 $_size_execute0_lowered;
	s4 =	sadd.s32 s4, s6;
	[dreg:$0x0] =	wrdreg $0x0  }
0xae: {  	s6 =	sshll.u32 s28, $0x1;
	[dreg:$0x2] =	wrdreg s4  }
0xaf: {  	[dreg:$0x3] =	wrdreg s6  }
0xb0: {  	[dreg:$0x4] =	wrdreg $0xC0  }
0xb1: {  	_ =	task [dreg:s8], $0x5FFFF  }
0xb2: {  	[dreg:$0x1] =	wrdreg $0xFFFFFFFF  }
0xb3: {  	[dreg:$0x0] =	wrdreg $0x60  }
0xb4: {  	[dreg:$0x2] =	wrdreg s24  }
0xb5: {  	[dreg:$0x3] =	wrdreg s17  }
0xb6: {  	[dreg:$0x4] =	wrdreg s16  }
0xb7: {  	[dreg:$0x5] =	wrdreg $0x30800  }
0xb8: {  	[dreg:$0x6] =	wrdreg $0xF8800  }
0xb9: {  	[dreg:$0x7] =	wrdreg $0x1C0800  }
0xba: {  	[dreg:$0x8] =	wrdreg $0x9  }
0xbb: {  	_ =	task.clear_ibuf [dreg:s8], $0x9FFFF;
	_ =	strace $0x90000046  }
0xbc: {  	s29 =	simm.s32 $0x9;
	_ =	strace $0x80000048  }
0xbd: {  	_ =	swait.ge [sflag:s29], $0x1  }
0xbe: {  	[sflag:s29] =	ssyncadd.s32 $0xFFFFFFFF  }
0xbf: {  	_ =	strace $0x90000048  }
0xc0: {  	_ =	sfence  }
0xc1: {  	s30 =	sld [smem:$0x0];
	_ =	sdelay $0x2  }
0xc2: {  	s31 =	sshll.u32 s1, $0xD;
	s1 =	sshrl.u32 s1, $0x2  }
0xc3: {  	s3 =	sand.u32 $0x4000, s31;
	s1 =	sadd.s32 s1, s30  }
0xc4: {  	s0 =	sor.u32 s3, s0;
	s1 =	sshll.u32 s1, $0x11  }
0xc5: {  	s0 =	sor.u32 s1, s0  }
0xc6: {  	s0 =	sadd.s32 $0x8F2B, s0  }
0xc7: {  	[sflag:s0] =	ssyncadd.remote.s32 $0x1  }
0xc8: {  	_ =	sfence.sel $0xFFFF  }
0xc9: {  	[dreg:$0x0] =	wrdreg $0xFFFFFFFF;
	(pc) =	sbr.abs _section_cstart, $3  }
0xca: {  	[dreg:$0x1] =	wrdreg $0xFFFFFFFF  }
0xcb: {  	_ =	task.clear_ibuf [dreg:s8], $0x2FFFF;
	_ =	strace $0x9FFFFFFF  }
0xcc: {  	(tm) =	ssettm $0x7FFFFFFF  }
0xcd: {  	_ =	shalt  }
tec
execute0_lowered:
.L_overlay_start_1:
0x0: {  	(tag) =	ssettag $0x1  }
0x1: {  	s0 =	rddreg [dreg:$0x0]  }
0x2: {  	s2 =	rddreg [dreg:$0x1]  }
0x3: {  	s5 =	rddreg [dreg:$0x2]  }
0x4: {  	s1 =	rddreg [dreg:$0x3]  }
0x5: {  	s3 =	rddreg [dreg:$0x4]  }
0x6: {  	s4 =	rddreg [dreg:$0x5];
	s6 =	simm.s32 $0x0;
	s18 =	stileid.u32  }
0x7: {  	[smem:$0x7FF] =	sst s6;
	s6 =	smul.u32 $0xC800, s18  }
0x8: {  	s9 =	srdreg.scid;
	s7 =	smul.u32 $0xC80, s18  }
0x9: {  	s31 =	simm.s32 $0xC00;
	s30 =	simm.s32 $0x8;
	s10 =	smul.u32 $0x640, s18  }
0xa: {  	s12 =	sadd.s32 $0xC4E00, s0;
	s9 =	sand.u32 $0x1, s9;
	s21 =	smul.u32 $0x30D40, s18  }
0xb: {  	s15 =	sadd.s32 $0x1A4800, s0;
	s23 =	smul.u32 $0xC350, s18;
	s20 =	sshll.u32 s18, $0x6  }
0xc: {  	_ =	strace $0x80000047;
	p0 =	seq.s32 s9, $0x0;
	s17 =	ssub.s32 $0x2, s9  }
0xd: {  	s28 =	sshll.u32 s9, $0x2;
	s8 =	sshrl.u32 s6, $0x3;
	s13 =	sshrl.u32 s7, $0x3  }
0xe: {  	s14 =	sadd.s32 $0x6400, s10;
	s22 =	sshrl.u32 s17, $0x1;
	s24 =	sadd.s32 s6, s3  }
0xf: {  	s7 =	sadd.s32 s7, s4;
	s9 =	sadd.s32 s28, s12;
	s11 =	sadd.s32 s8, s0  }
0x10: {  	s13 =	sadd.s32 s13, s0;
	s14 =	smov.u32 @p0 s10;
	s10 =	sshrl.u32 s21, $0x2  }
0x11: {  	[dreg:$0x9] =	wrdreg s24;
	s26 =	sadd.s32 s2, s8;
	s8 =	sadd.s32 s28, s15  }
0x12: {  	s28 =	sshrl.u32 s7, $0x3;
	s7 =	simm.s32 $0x1;
	s16 =	sshrl.u32 s14, $0x3  }
0x13: {  	s10 =	sadd.s32 s10, s1;
	s11 =	sadd.s32 $0x189E00, s11;
	[dreg:$0xc] =	wrdreg s26  }
0x14: {  	s25 =	sadd.s32 $0x188400, s13;
	s13 =	smul.u32 $0x1900, s18;
	[dreg:$0x16] =	wrdreg s28  }
0x15: {  	s24 =	sadd.s32 s8, s6;
	s18 =	simm.s32 $0x5;
	[dreg:$0x8] =	wrdreg s10  }
0x16: {  	s8 =	simm.s32 $0x2800;
	s0 =	sadd.s32 s16, s0;
	[dreg:$0xa] =	wrdreg s11  }
0x17: {  	s16 =	ssub.s32 s17, s22;
	[dreg:$0xb] =	wrdreg s25;
	s17 =	simm.s32 $0x2  }
0x18: {  	s11 =	sadd.s32 $0x80, s26;
	[dreg:$0x13] =	wrdreg s24;
	s25 =	sadd.s32 s14, s4  }
0x19: {  	s14 =	simm.s32 $0x10;
	s24 =	simm.s32 $0x4;
	s17 =	simm.s32 @!p0 $0x6  }
0x1a: {  	s29 =	sadd.s32 s5, s13;
	[dreg:$0xd] =	wrdreg s11;
	s5 =	sadd.s32 s9, s23  }
0x1b: {  	s11 =	sor.u32 $0x1C0F, s20;
	s0 =	sadd.s32 $0x1A2E00, s0;
	s20 =	simm.s32 $0x800  }
0x1c: {  	s9 =	simm.s32 $0x3000;
	s12 =	sadd.s32 s17, s12;
	[dreg:$0xe] =	wrdreg s5  }
0x1d: {  	s21 =	sadd.s32 s17, s15;
	s22 =	sadd.s32 $0x80, s29;
	[dreg:$0x14] =	wrdreg s0  }
0x1e: {  	s0 =	sshrl.u32 s25, $0x3;
	s15 =	simm.s32 $0xF;
	[dreg:$0x12] =	wrdreg s11  }
0x1f: {  	s5 =	simm.s32 $0x7;
	s17 =	simm.s32 $0x300;
	[dreg:$0x7] =	wrdreg s29  }
0x20: {  	s19 =	sadd.s32 s23, s12;
	[dreg:$0x10] =	wrdreg s22;
	s23 =	smax.u32 s16, $0x1  }
0x21: {  	s26 =	sadd.s32 s6, s21;
	s21 =	simm.s32 $0x2;
	[dreg:$0x17] =	wrdreg s0  }
0x22: {  	s22 =	sadd.s32 s13, s2;
	s0 =	simm.s32 $0x80;
	[dreg:$0xf] =	wrdreg s19  }
0x23: {  	s2 =	simm.s32 $0x1000;
	s13 =	simm.s32 $0x3;
	[dreg:$0x11] =	wrdreg s23  }
0x24: {  	s16 =	simm.s32 $0x2000;
	s12 =	simm.s32 $0x6;
	[dreg:$0x15] =	wrdreg s26  }
0x25: {  	v0 =	vimm.f32 $1.000000000e+00;
	s26 =	simm.s32 $0x400;
	s19 =	simm.s32 $0x1800;
	s23 =	simm.s32 $0x0  }
.LBB2_1:
0x26: {  	[tilespmem:$0x3000] =	vst v0  }
0x27: {  	[tilespmem:$0x3010] =	vst v0  }
0x28: {  	[tilespmem:$0x3020] =	vst v0  }
0x29: {  	[tilespmem:$0x3030] =	vst v0  }
0x2a: {  	[dreg:$0x18] =	wrdreg s23;
	[tilespmem:$0x3040] =	vst v0  }
0x2b: {  	[tilespmem:$0x3050] =	vst v0;
	s10 =	rddreg [dreg:$0x8]  }
0x2c: {  	[tilespmem:$0x3060] =	vst v0;
	s25 =	rddreg [dreg:$0xe];
	s6 =	sshrl.u32 s10, $0x3  }
0x2d: {  	[tilespmem:$0x3070] =	vst v0;
	[dreg:$0x1a] =	wrdreg s6  }
0x2e: {  	[spmem:s6@s21], [sflag:s11] =	dma.strided [hbm:s25@s14], $0x186A, s7, $0x2   }
0x2f: {  	_ =	swait.ge [sflag:s15], $0x186A  }
0x30: {  	s6 =	rddreg [dreg:$0x9]  }
0x31: {  	[sflag:s15] =	ssyncset.done $0x0;
	s14 =	rddreg [dreg:$0xa];
	s10 =	sshrl.u32 s6, $0x3  }
0x32: {  	[sflag:s15] =	ssyncadd.s32 $0xFFFFE796;
	[dreg:$0x19] =	wrdreg s10  }
0x33: {  	[spmem:s10], [sflag:s11] =	dma.local [hbm:s14], $0x1900  }
0x34: {  	_ =	swait.ge [sflag:s15], $0x1900  }
0x35: {  	[sflag:s15] =	ssyncset.done $0x0;
	s23 =	rddreg [dreg:$0xb]  }
0x36: {  	s25 =	rddreg [dreg:$0x16];
	[sflag:s15] =	ssyncadd.s32 $0xFFFFE700  }
0x37: {  	[spmem:s25], [sflag:s11] =	dma.local [hbm:s23], $0x190  }
0x38: {  	_ =	swait.ge [sflag:s15], $0x190  }
0x39: {  	[sflag:s15] =	ssyncset.done $0x0  }
0x3a: {  	[sflag:s15] =	ssyncadd.s32 $0xFFFFFE70  }
0x3b: {  	[bflag:$0x0] =	sbarrier.arrive $0xFFFF  }
0x3c: {  	s14 =	simm.s32 $0x0;
	s15 =	rddreg [dreg:$0xc]  }
0x3d: {  	[tilespmem:s14], [sflag:$0xD] =	stream.linear.gather [hbm4b:s15+s14], $0x400, $0x38;
	[tilespmem:$0x1CD00] =	vst v63  }
0x3e: {  	s23 =	simm.s32 $0xD  }
0x3f: {  	[tilespmem:s20], [sflag:$0xD] =	stream.linear.gather [hbm4b:s29+s14], $0x400, $0x38;
	[tilespmem:$0x1CD00] =	vst v63  }
0x40: {  	_ =	swait.ge [sflag:s23], $0x400  }
0x41: {  	[sflag:s23] =	ssyncset.done $0x0  }
0x42: {  	[sflag:s23] =	ssyncadd.s32 $0xFFFFFC00  }
0x43: {  	_ =	swait.ge [sflag:s23], $0x400  }
0x44: {  	[sflag:s23] =	ssyncset.done $0x0  }
0x45: {  	s25 =	rddreg [dreg:$0xd];
	[sflag:s23] =	ssyncadd.s32 $0xFFFFFC00  }
0x46: {  	[tilespmem:s26], [sflag:$0xE] =	stream.linear.gather [hbm4b:s25+s14], $0x400, $0x38;
	[tilespmem:$0x1CD00] =	vst v63  }
0x47: {  	s6 =	rddreg [dreg:$0x10]  }
0x48: {  	[tilespmem:s31], [sflag:$0xE] =	stream.linear.gather [hbm4b:s6+s14], $0x400, $0x38;
	[tilespmem:$0x1CD00] =	vst v63  }
0x49: {  	_ = 	snop  }
0x4a: {  	[tilespmem:s2], [sflag:$0x1] =	stream.indirect.gather [spmem:s1], $0x10, s14, s0, $0xb8;
	[tilespmem:$0x1CD00] =	vst v63  }
0x4b: {  	_ = 	snop  }
0x4c: {  	[tilespmem:s19], [sflag:$0x2] =	stream.indirect.gather [spmem:s1], $0x10, s0, s0, $0xb8;
	[tilespmem:$0x1CD00] =	vst v63  }
0x4d: {  	_ =	swait.ge [sflag:s7], $0x800  }
0x4e: {  	[sflag:s7] =	ssyncset.done $0x0  }
0x4f: {  	p1 =	por $0x1, $0x1;
	[sflag:s7] =	ssyncadd.s32 $0xFFFFF800  }
0x50: {  	[spmem:s3] =	stream.indirect.scatter.add.f32 [tilespmem:s2], [sflag:$0x5], $0x10, s20, s0, $0xb8;
	[tilespmem:$0x1CD00] =	vst v63  }
0x51: {  	s28 =	simm.s32 @p1 $0x2  }
0x52: {  	[spmem:s4] =	stream.indirect.scatter.add.f32 [tilespmem:s9], [sflag:$0x9], $0x1, s20, s0, $0xb8;
	[tilespmem:$0x1CD00] =	vst v63  }
0x53: {  	s10 =	simm.s32 @p1 $0x80;
	s25 =	simm.s32 @p1 $0x2000;
	s14 =	simm.s32 @p1 $0x100  }
0x54: {  	[tilespmem:s25], [sflag:$0x3] =	stream.indirect.gather @p1 [spmem:s1], $0x10, s14, s10, $0xb8;
	[tilespmem:$0x1CD00] =	vst v63  }
0x55: {  	_ =	swait.ge @p1 [sflag:s28], $0x800  }
0x56: {  	[sflag:s28] =	ssyncset.done @p1 $0x0  }
0x57: {  	s14 =	simm.s32 @p1 $0x880;
	s25 =	simm.s32 @p1 $0x1800;
	[sflag:s28] =	ssyncadd.s32 @p1 $0xFFFFF800  }
0x58: {  	[spmem:s3] =	stream.indirect.scatter.add.f32 @p1 [tilespmem:s25], [sflag:$0x6], $0x10, s14, s10, $0xb8;
	[tilespmem:$0x1CD00] =	vst v63  }
0x59: {  	s25 =	simm.s32 @p1 $0x3000  }
0x5a: {  	[spmem:s4] =	stream.indirect.scatter.add.f32 @p1 [tilespmem:s25], [sflag:$0xA], $0x1, s14, s10, $0xb8;
	[tilespmem:$0x1CD00] =	vst v63  }
0x5b: {  	s28 =	simm.s32 @!p1 $0x7;
	s14 =	simm.s32 @p1 $0x180;
	s25 =	simm.s32 @p1 $0x2800  }
0x5c: {  	[tilespmem:s25], [sflag:$0x4] =	stream.indirect.gather @p1 [spmem:s1], $0x10, s14, s10, $0xb8;
	[tilespmem:$0x1CD00] =	vst v63  }
0x5d: {  	_ =	swait.ge @!p1 [sflag:s28], $0x800  }
0x5e: {  	[sflag:s28] =	ssyncset.done @!p1 $0x0  }
0x5f: {  	s10 =	simm.s32 @!p1 $0xB;
	[sflag:s28] =	ssyncadd.s32 @!p1 $0xFFFFF800  }
0x60: {  	_ =	swait.ge @!p1 [sflag:s10], $0x80  }
0x61: {  	s14 =	simm.s32 @!p1 $0x2000;
	s25 =	simm.s32 @!p1 $0x80;
	[sflag:s10] =	ssyncset.done @!p1 $0x0  }
0x62: {  	s28 =	simm.s32 @!p1 $0x100;
	[sflag:s10] =	ssyncadd.s32 @!p1 $0xFFFFFF80;
	s10 =	simm.s32 @!p1 $0x2  }
0x63: {  	[tilespmem:s14], [sflag:$0x3] =	stream.indirect.gather @!p1 [spmem:s1], $0x10, s28, s25, $0xb8;
	[tilespmem:$0x1CD00] =	vst v63  }
0x64: {  	_ =	swait.ge @!p1 [sflag:s10], $0x800  }
0x65: {  	[sflag:s10] =	ssyncset.done @!p1 $0x0  }
0x66: {  	s14 =	simm.s32 @!p1 $0x880;
	s28 =	simm.s32 @!p1 $0x1800;
	[sflag:s10] =	ssyncadd.s32 @!p1 $0xFFFFF800  }
0x67: {  	[spmem:s3] =	stream.indirect.scatter.add.f32 @!p1 [tilespmem:s28], [sflag:$0x6], $0x10, s14, s25, $0xb8;
	[tilespmem:$0x1CD00] =	vst v63  }
0x68: {  	s10 =	simm.s32 @!p1 $0x3000;
	s28 =	simm.s32 @!p1 $0x8  }
0x69: {  	[spmem:s4] =	stream.indirect.scatter.add.f32 @!p1 [tilespmem:s10], [sflag:$0xA], $0x1, s14, s25, $0xb8;
	[tilespmem:$0x1CD00] =	vst v63  }
0x6a: {  	_ =	swait.ge @!p1 [sflag:s28], $0x800  }
0x6b: {  	[sflag:s28] =	ssyncset.done @!p1 $0x0  }
0x6c: {  	s10 =	simm.s32 @!p1 $0xC;
	[sflag:s28] =	ssyncadd.s32 @!p1 $0xFFFFF800  }
0x6d: {  	_ =	swait.ge @!p1 [sflag:s10], $0x80  }
0x6e: {  	[sflag:s10] =	ssyncset.done @!p1 $0x0  }
0x6f: {  	s14 =	simm.s32 @!p1 $0x180;
	s28 =	simm.s32 @!p1 $0x2800;
	[sflag:s10] =	ssyncadd.s32 @!p1 $0xFFFFFF80  }
0x70: {  	[tilespmem:s28], [sflag:$0x4] =	stream.indirect.gather @!p1 [spmem:s1], $0x10, s14, s25, $0xb8;
	[tilespmem:$0x1CD00] =	vst v63  }
0x71: {  	s10 =	sadd.s32 @!p1 $0x0, s22;
	s14 =	sadd.s32 @!p1 $0x0, s29  }
0x72: {  	s10 =	sadd.s32 @!p1 $0x80, s10;
	s25 =	simm.s32 @!p1 $0x0;
	s28 =	simm.s32 @!p1 $0x400  }
0x73: {  	[tilespmem:s28], [sflag:$0xE] =	stream.linear.gather @!p1 [hbm4b:s10+s25], $0x400, $0x38;
	[tilespmem:$0x1CD00] =	vst v63  }
0x74: {  	s10 =	sadd.s32 @!p1 $0x80, s14;
	s14 =	simm.s32 @!p1 $0xC00  }
0x75: {  	[tilespmem:s14], [sflag:$0xE] =	stream.linear.gather @!p1 [hbm4b:s10+s25], $0x400, $0x38;
	[tilespmem:$0x1CD00] =	vst v63  }
0x76: {  	_ =	swait.ge [sflag:s13], $0x800  }
0x77: {  	[sflag:s13] =	ssyncset.done $0x0  }
0x78: {  	s10 =	simm.s32 $0x900;
	[sflag:s13] =	ssyncadd.s32 $0xFFFFF800  }
0x79: {  	[spmem:s3] =	stream.indirect.scatter.add.f32 [tilespmem:s16], [sflag:$0x7], $0x10, s10, s0, $0xb8;
	[tilespmem:$0x1CD00] =	vst v63  }
0x7a: {  	_ = 	snop  }
0x7b: {  	[spmem:s4] =	stream.indirect.scatter.add.f32 [tilespmem:s9], [sflag:$0xB], $0x1, s10, s0, $0xb8;
	[tilespmem:$0x1CD00] =	vst v63  }
0x7c: {  	_ =	swait.ge [sflag:s18], $0x800  }
0x7d: {  	[sflag:s18] =	ssyncset.done $0x0  }
0x7e: {  	s23 =	simm.s32 $0x9;
	[sflag:s18] =	ssyncadd.s32 $0xFFFFF800  }
0x7f: {  	_ =	swait.ge [sflag:s23], $0x80  }
0x80: {  	[sflag:s23] =	ssyncset.done $0x0  }
0x81: {  	s11 =	simm.s32 $0x200;
	[sflag:s23] =	ssyncadd.s32 $0xFFFFFF80  }
0x82: {  	[tilespmem:s2], [sflag:$0x1] =	stream.indirect.gather [spmem:s1], $0x10, s11, s0, $0xb8;
	[tilespmem:$0x1CD00] =	vst v63  }
0x83: {  	_ =	swait.ge [sflag:s24], $0x800  }
0x84: {  	[sflag:s24] =	ssyncset.done $0x0  }
0x85: {  	s14 =	simm.s32 $0x980;
	[sflag:s24] =	ssyncadd.s32 $0xFFFFF800  }
0x86: {  	[spmem:s3] =	stream.indirect.scatter.add.f32 [tilespmem:s8], [sflag:$0x8], $0x10, s14, s0, $0xb8;
	[tilespmem:$0x1CD00] =	vst v63  }
0x87: {  	_ = 	snop  }
0x88: {  	[spmem:s4] =	stream.indirect.scatter.add.f32 [tilespmem:s9], [sflag:$0xC], $0x1, s14, s0, $0xb8;
	[tilespmem:$0x1CD00] =	vst v63  }
0x89: {  	_ =	swait.ge [sflag:s12], $0x800  }
0x8a: {  	[sflag:s12] =	ssyncset.done $0x0  }
0x8b: {  	s6 =	simm.s32 $0xA;
	[sflag:s12] =	ssyncadd.s32 $0xFFFFF800  }
0x8c: {  	_ =	swait.ge [sflag:s6], $0x80  }
0x8d: {  	[sflag:s6] =	ssyncset.done $0x0  }
0x8e: {  	s15 =	simm.s32 $0x280;
	s19 =	simm.s32 $0x1800;
	[sflag:s6] =	ssyncadd.s32 $0xFFFFFF80  }
0x8f: {  	[tilespmem:s19], [sflag:$0x2] =	stream.indirect.gather [spmem:s1], $0x10, s15, s0, $0xb8;
	[tilespmem:$0x1CD00] =	vst v63  }
0x90: {  	_ =	swait.ge [sflag:s7], $0x800  }
0x91: {  	[sflag:s7] =	ssyncset.done $0x0  }
0x92: {  	s20 =	simm.s32 $0xA00;
	[sflag:s7] =	ssyncadd.s32 $0xFFFFF800  }
0x93: {  	[spmem:s3] =	stream.indirect.scatter.add.f32 [tilespmem:s2], [sflag:$0x5], $0x10, s20, s0, $0xb8;
	[tilespmem:$0x1CD00] =	vst v63  }
0x94: {  	_ = 	snop  }
0x95: {  	[spmem:s4] =	stream.indirect.scatter.add.f32 [tilespmem:s9], [sflag:$0x9], $0x1, s20, s0, $0xb8;
	[tilespmem:$0x1CD00] =	vst v63  }
0x96: {  	_ =	swait.ge [sflag:s5], $0x800  }
0x97: {  	[sflag:s5] =	ssyncset.done $0x0  }
0x98: {  	s11 =	simm.s32 $0xB;
	[sflag:s5] =	ssyncadd.s32 $0xFFFFF800  }
0x99: {  	_ =	swait.ge [sflag:s11], $0x80  }
0x9a: {  	[sflag:s11] =	ssyncset.done $0x0  }
0x9b: {  	[sflag:s11] =	ssyncadd.s32 $0xFFFFFF80  }
0x9c: {  	[tilespmem:s16], [sflag:$0x3] =	stream.indirect.gather [spmem:s1], $0x10, s17, s0, $0xb8;
	[tilespmem:$0x1CD00] =	vst v63  }
0x9d: {  	_ =	swait.ge [sflag:s21], $0x800  }
0x9e: {  	[sflag:s21] =	ssyncset.done $0x0  }
0x9f: {  	s25 =	simm.s32 $0xA80;
	[sflag:s21] =	ssyncadd.s32 $0xFFFFF800  }
0xa0: {  	[spmem:s3] =	stream.indirect.scatter.add.f32 [tilespmem:s19], [sflag:$0x6], $0x10, s25, s0, $0xb8;
	[tilespmem:$0x1CD00] =	vst v63  }
0xa1: {  	_ = 	snop  }
0xa2: {  	[spmem:s4] =	stream.indirect.scatter.add.f32 [tilespmem:s9], [sflag:$0xA], $0x1, s25, s0, $0xb8;
	[tilespmem:$0x1CD00] =	vst v63  }
0xa3: {  	_ =	swait.ge [sflag:s30], $0x800  }
0xa4: {  	[sflag:s30] =	ssyncset.done $0x0  }
0xa5: {  	s15 =	simm.s32 $0xC;
	[sflag:s30] =	ssyncadd.s32 $0xFFFFF800  }
0xa6: {  	_ =	swait.ge [sflag:s15], $0x80  }
0xa7: {  	[sflag:s15] =	ssyncset.done $0x0  }
0xa8: {  	s14 =	simm.s32 $0x380;
	[sflag:s15] =	ssyncadd.s32 $0xFFFFFF80  }
0xa9: {  	[tilespmem:s8], [sflag:$0x4] =	stream.indirect.gather [spmem:s1], $0x10, s14, s0, $0xb8;
	[tilespmem:$0x1CD00] =	vst v63  }
0xaa: {  	s8 =	simm.s32 $0xE  }
0xab: {  	_ =	swait.ge [sflag:s8], $0x400  }
0xac: {  	[sflag:s8] =	ssyncset.done $0x0  }
0xad: {  	[sflag:s8] =	ssyncadd.s32 $0xFFFFFC00  }
0xae: {  	_ =	swait.ge [sflag:s8], $0x400  }
0xaf: {  	[sflag:s8] =	ssyncset.done $0x0  }
0xb0: {  	[sflag:s8] =	ssyncadd.s32 $0xFFFFFC00  }
0xb1: {  	_ =	swait.ge [sflag:s13], $0x800  }
0xb2: {  	[sflag:s13] =	ssyncset.done $0x0  }
0xb3: {  	s17 =	simm.s32 $0xB00;
	[sflag:s13] =	ssyncadd.s32 $0xFFFFF800  }
0xb4: {  	[spmem:s3] =	stream.indirect.scatter.add.f32 [tilespmem:s16], [sflag:$0x7], $0x10, s17, s0, $0xb8;
	[tilespmem:$0x1CD00] =	vst v63  }
0xb5: {  	_ = 	snop  }
0xb6: {  	[spmem:s4] =	stream.indirect.scatter.add.f32 [tilespmem:s9], [sflag:$0xB], $0x1, s17, s0, $0xb8;
	[tilespmem:$0x1CD00] =	vst v63  }
0xb7: {  	_ =	swait.ge [sflag:s18], $0x800  }
0xb8: {  	[sflag:s18] =	ssyncset.done $0x0  }
0xb9: {  	[sflag:s18] =	ssyncadd.s32 $0xFFFFF800  }
0xba: {  	_ =	swait.ge [sflag:s23], $0x80  }
0xbb: {  	[sflag:s23] =	ssyncset.done $0x0  }
0xbc: {  	[sflag:s23] =	ssyncadd.s32 $0xFFFFFF80  }
0xbd: {  	[tilespmem:s2], [sflag:$0x1] =	stream.indirect.gather [spmem:s1], $0x10, s26, s0, $0xb8;
	[tilespmem:$0x1CD00] =	vst v63  }
0xbe: {  	_ =	swait.ge [sflag:s24], $0x800  }
0xbf: {  	[sflag:s24] =	ssyncset.done $0x0  }
0xc0: {  	s20 =	simm.s32 $0x2800;
	s25 =	simm.s32 $0xB80;
	[sflag:s24] =	ssyncadd.s32 $0xFFFFF800  }
0xc1: {  	[spmem:s3] =	stream.indirect.scatter.add.f32 [tilespmem:s20], [sflag:$0x8], $0x10, s25, s0, $0xb8;
	[tilespmem:$0x1CD00] =	vst v63  }
0xc2: {  	_ = 	snop  }
0xc3: {  	[spmem:s4] =	stream.indirect.scatter.add.f32 [tilespmem:s9], [sflag:$0xC], $0x1, s25, s0, $0xb8;
	[tilespmem:$0x1CD00] =	vst v63  }
0xc4: {  	_ =	swait.ge [sflag:s12], $0x800  }
0xc5: {  	[sflag:s12] =	ssyncset.done $0x0  }
0xc6: {  	[sflag:s12] =	ssyncadd.s32 $0xFFFFF800  }
0xc7: {  	_ =	swait.ge [sflag:s6], $0x80  }
0xc8: {  	[sflag:s6] =	ssyncset.done $0x0  }
0xc9: {  	s26 =	simm.s32 $0x480;
	[sflag:s6] =	ssyncadd.s32 $0xFFFFFF80  }
0xca: {  	[tilespmem:s19], [sflag:$0x2] =	stream.indirect.gather [spmem:s1], $0x10, s26, s0, $0xb8;
	[tilespmem:$0x1CD00] =	vst v63  }
0xcb: {  	_ =	swait.ge [sflag:s7], $0x800  }
0xcc: {  	[sflag:s7] =	ssyncset.done $0x0  }
0xcd: {  	[sflag:s7] =	ssyncadd.s32 $0xFFFFF800  }
0xce: {  	[spmem:s3] =	stream.indirect.scatter.add.f32 [tilespmem:s2], [sflag:$0x5], $0x10, s31, s0, $0xb8;
	[tilespmem:$0x1CD00] =	vst v63  }
0xcf: {  	_ = 	snop  }
0xd0: {  	[spmem:s4] =	stream.indirect.scatter.add.f32 [tilespmem:s9], [sflag:$0x9], $0x1, s31, s0, $0xb8;
	[tilespmem:$0x1CD00] =	vst v63  }
0xd1: {  	_ =	swait.ge [sflag:s5], $0x800  }
0xd2: {  	[sflag:s5] =	ssyncset.done $0x0  }
0xd3: {  	[sflag:s5] =	ssyncadd.s32 $0xFFFFF800  }
0xd4: {  	_ =	swait.ge [sflag:s11], $0x80  }
0xd5: {  	[sflag:s11] =	ssyncset.done $0x0  }
0xd6: {  	s14 =	simm.s32 $0x500;
	[sflag:s11] =	ssyncadd.s32 $0xFFFFFF80  }
0xd7: {  	[tilespmem:s16], [sflag:$0x3] =	stream.indirect.gather [spmem:s1], $0x10, s14, s0, $0xb8;
	[tilespmem:$0x1CD00] =	vst v63  }
0xd8: {  	_ =	swait.ge [sflag:s21], $0x800  }
0xd9: {  	[sflag:s21] =	ssyncset.done $0x0  }
0xda: {  	s17 =	simm.s32 $0xC80;
	[sflag:s21] =	ssyncadd.s32 $0xFFFFF800  }
0xdb: {  	[spmem:s3] =	stream.indirect.scatter.add.f32 [tilespmem:s19], [sflag:$0x6], $0x10, s17, s0, $0xb8;
	[tilespmem:$0x1CD00] =	vst v63  }
0xdc: {  	_ = 	snop  }
0xdd: {  	[spmem:s4] =	stream.indirect.scatter.add.f32 [tilespmem:s9], [sflag:$0xA], $0x1, s17, s0, $0xb8;
	[tilespmem:$0x1CD00] =	vst v63  }
0xde: {  	_ =	swait.ge [sflag:s30], $0x800  }
0xdf: {  	[sflag:s30] =	ssyncset.done $0x0  }
0xe0: {  	[sflag:s30] =	ssyncadd.s32 $0xFFFFF800  }
0xe1: {  	_ =	swait.ge [sflag:s15], $0x80  }
0xe2: {  	p0 =	por $0x0, $0x0;
	[sflag:s15] =	ssyncset.done $0x0  }
0xe3: {  	s10 =	sadd.s32 @!p0 $0x0, s22;
	s25 =	simm.s32 $0x580;
	[sflag:s15] =	ssyncadd.s32 $0xFFFFFF80  }
0xe4: {  	[tilespmem:s20], [sflag:$0x4] =	stream.indirect.gather [spmem:s1], $0x10, s25, s0, $0xb8;
	[tilespmem:$0x1CD00] =	vst v63  }
0xe5: {  	s10 =	sadd.s32 @!p0 $0x100, s10;
	s14 =	simm.s32 @!p0 $0x0;
	s25 =	sadd.s32 @!p0 $0x0, s29  }
0xe6: {  	[tilespmem:s14], [sflag:$0xD] =	stream.linear.gather @!p0 [hbm4b:s10+s14], $0x400, $0x38;
	[tilespmem:$0x1CD00] =	vst v63  }
0xe7: {  	s25 =	sadd.s32 @!p0 $0x100, s25;
	s10 =	simm.s32 @!p0 $0x800  }
0xe8: {  	[tilespmem:s10], [sflag:$0xD] =	stream.linear.gather @!p0 [hbm4b:s25+s14], $0x400, $0x38;
	[tilespmem:$0x1CD00] =	vst v63  }
0xe9: {  	_ =	swait.ge [sflag:s13], $0x800  }
0xea: {  	[sflag:s13] =	ssyncset.done $0x0  }
0xeb: {  	s26 =	simm.s32 $0xD00;
	[sflag:s13] =	ssyncadd.s32 $0xFFFFF800  }
0xec: {  	[spmem:s3] =	stream.indirect.scatter.add.f32 [tilespmem:s16], [sflag:$0x7], $0x10, s26, s0, $0xb8;
	[tilespmem:$0x1CD00] =	vst v63  }
0xed: {  	_ = 	snop  }
0xee: {  	[spmem:s4] =	stream.indirect.scatter.add.f32 [tilespmem:s9], [sflag:$0xB], $0x1, s26, s0, $0xb8;
	[tilespmem:$0x1CD00] =	vst v63  }
0xef: {  	_ =	swait.ge [sflag:s18], $0x800  }
0xf0: {  	[sflag:s18] =	ssyncset.done $0x0  }
0xf1: {  	[sflag:s18] =	ssyncadd.s32 $0xFFFFF800  }
0xf2: {  	_ =	swait.ge [sflag:s23], $0x80  }
0xf3: {  	[sflag:s23] =	ssyncset.done $0x0  }
0xf4: {  	s14 =	simm.s32 $0x600;
	[sflag:s23] =	ssyncadd.s32 $0xFFFFFF80  }
0xf5: {  	[tilespmem:s2], [sflag:$0x1] =	stream.indirect.gather [spmem:s1], $0x10, s14, s0, $0xb8;
	[tilespmem:$0x1CD00] =	vst v63  }
0xf6: {  	_ =	swait.ge [sflag:s24], $0x800  }
0xf7: {  	[sflag:s24] =	ssyncset.done $0x0  }
0xf8: {  	s17 =	simm.s32 $0xD80;
	[sflag:s24] =	ssyncadd.s32 $0xFFFFF800  }
0xf9: {  	[spmem:s3] =	stream.indirect.scatter.add.f32 [tilespmem:s20], [sflag:$0x8], $0x10, s17, s0, $0xb8;
	[tilespmem:$0x1CD00] =	vst v63  }
0xfa: {  	_ = 	snop  }
0xfb: {  	[spmem:s4] =	stream.indirect.scatter.add.f32 [tilespmem:s9], [sflag:$0xC], $0x1, s17, s0, $0xb8;
	[tilespmem:$0x1CD00] =	vst v63  }
0xfc: {  	_ =	swait.ge [sflag:s12], $0x800  }
0xfd: {  	[sflag:s12] =	ssyncset.done $0x0  }
0xfe: {  	[sflag:s12] =	ssyncadd.s32 $0xFFFFF800  }
0xff: {  	_ =	swait.ge [sflag:s6], $0x80  }
0x100: {  	[sflag:s6] =	ssyncset.done $0x0  }
0x101: {  	s25 =	simm.s32 $0x680;
	[sflag:s6] =	ssyncadd.s32 $0xFFFFFF80  }
0x102: {  	[tilespmem:s19], [sflag:$0x2] =	stream.indirect.gather [spmem:s1], $0x10, s25, s0, $0xb8;
	[tilespmem:$0x1CD00] =	vst v63  }
0x103: {  	_ =	swait.ge [sflag:s7], $0x800  }
0x104: {  	[sflag:s7] =	ssyncset.done $0x0  }
0x105: {  	s26 =	simm.s32 $0xE00;
	[sflag:s7] =	ssyncadd.s32 $0xFFFFF800  }
0x106: {  	[spmem:s3] =	stream.indirect.scatter.add.f32 [tilespmem:s2], [sflag:$0x5], $0x10, s26, s0, $0xb8;
	[tilespmem:$0x1CD00] =	vst v63  }
0x107: {  	_ = 	snop  }
0x108: {  	[spmem:s4] =	stream.indirect.scatter.add.f32 [tilespmem:s9], [sflag:$0x9], $0x1, s26, s0, $0xb8;
	[tilespmem:$0x1CD00] =	vst v63  }
0x109: {  	_ =	swait.ge [sflag:s5], $0x800  }
0x10a: {  	[sflag:s5] =	ssyncset.done $0x0  }
0x10b: {  	[sflag:s5] =	ssyncadd.s32 $0xFFFFF800  }
0x10c: {  	_ =	swait.ge [sflag:s11], $0x80  }
0x10d: {  	[sflag:s11] =	ssyncset.done $0x0  }
0x10e: {  	s14 =	simm.s32 $0x700;
	[sflag:s11] =	ssyncadd.s32 $0xFFFFFF80  }
0x10f: {  	[tilespmem:s16], [sflag:$0x3] =	stream.indirect.gather [spmem:s1], $0x10, s14, s0, $0xb8;
	[tilespmem:$0x1CD00] =	vst v63  }
0x110: {  	_ =	swait.ge [sflag:s21], $0x800  }
0x111: {  	[sflag:s21] =	ssyncset.done $0x0  }
0x112: {  	s17 =	simm.s32 $0xE80;
	[sflag:s21] =	ssyncadd.s32 $0xFFFFF800  }
0x113: {  	[spmem:s3] =	stream.indirect.scatter.add.f32 [tilespmem:s19], [sflag:$0x6], $0x10, s17, s0, $0xb8;
	[tilespmem:$0x1CD00] =	vst v63  }
0x114: {  	_ = 	snop  }
0x115: {  	[spmem:s4] =	stream.indirect.scatter.add.f32 [tilespmem:s9], [sflag:$0xA], $0x1, s17, s0, $0xb8;
	[tilespmem:$0x1CD00] =	vst v63  }
0x116: {  	_ =	swait.ge [sflag:s30], $0x800  }
0x117: {  	[sflag:s30] =	ssyncset.done $0x0  }
0x118: {  	[sflag:s30] =	ssyncadd.s32 $0xFFFFF800  }
0x119: {  	_ =	swait.ge [sflag:s15], $0x80  }
0x11a: {  	[sflag:s15] =	ssyncset.done $0x0  }
0x11b: {  	s10 =	simm.s32 @!p0 $0xD;
	s19 =	simm.s32 $0x780;
	[sflag:s15] =	ssyncadd.s32 $0xFFFFFF80  }
0x11c: {  	[tilespmem:s20], [sflag:$0x4] =	stream.indirect.gather [spmem:s1], $0x10, s19, s0, $0xb8;
	[tilespmem:$0x1CD00] =	vst v63  }
0x11d: {  	_ =	swait.ge @!p0 [sflag:s10], $0x400  }
0x11e: {  	[sflag:s10] =	ssyncset.done @!p0 $0x0  }
0x11f: {  	[sflag:s10] =	ssyncadd.s32 @!p0 $0xFFFFFC00  }
0x120: {  	_ =	swait.ge @!p0 [sflag:s10], $0x400  }
0x121: {  	[sflag:s10] =	ssyncset.done @!p0 $0x0  }
0x122: {  	[sflag:s10] =	ssyncadd.s32 @!p0 $0xFFFFFC00  }
0x123: {  	_ =	swait.ge [sflag:s13], $0x800  }
0x124: {  	[sflag:s13] =	ssyncset.done $0x0  }
0x125: {  	s25 =	simm.s32 $0xF00;
	[sflag:s13] =	ssyncadd.s32 $0xFFFFF800  }
0x126: {  	[spmem:s3] =	stream.indirect.scatter.add.f32 [tilespmem:s16], [sflag:$0x7], $0x10, s25, s0, $0xb8;
	[tilespmem:$0x1CD00] =	vst v63  }
0x127: {  	_ = 	snop  }
0x128: {  	[spmem:s4] =	stream.indirect.scatter.add.f32 [tilespmem:s9], [sflag:$0xB], $0x1, s25, s0, $0xb8;
	[tilespmem:$0x1CD00] =	vst v63  }
0x129: {  	_ =	swait.ge [sflag:s18], $0x800  }
0x12a: {  	[sflag:s18] =	ssyncset.done $0x0  }
0x12b: {  	p2 =	por @!p1 $0x1, $0x1;
	p0 =	por @p1 $0x1, $0x1;
	[sflag:s18] =	ssyncadd.s32 $0xFFFFF800  }
0x12c: {  	p0 =	por @!p1 p2, p2;
	_ =	swait.ge [sflag:s23], $0x80  }
0x12d: {  	s14 =	simm.s32 @p0 $0x1000;
	[sflag:s23] =	ssyncset.done $0x0  }
0x12e: {  	s10 =	simm.s32 @p0 $0x80;
	s25 =	simm.s32 @p0 $0x0;
	[sflag:s23] =	ssyncadd.s32 $0xFFFFFF80  }
0x12f: {  	[tilespmem:s14], [sflag:$0x1] =	stream.indirect.gather @p0 [spmem:s1], $0x10, s25, s10, $0xb8;
	[tilespmem:$0x1CD00] =	vst v63  }
0x130: {  	_ =	swait.ge [sflag:s24], $0x800  }
0x131: {  	[sflag:s24] =	ssyncset.done $0x0  }
0x132: {  	s26 =	simm.s32 $0xF80;
	[sflag:s24] =	ssyncadd.s32 $0xFFFFF800  }
0x133: {  	[spmem:s3] =	stream.indirect.scatter.add.f32 [tilespmem:s20], [sflag:$0x8], $0x10, s26, s0, $0xb8;
	[tilespmem:$0x1CD00] =	vst v63  }
0x134: {  	_ = 	snop  }
0x135: {  	[spmem:s4] =	stream.indirect.scatter.add.f32 [tilespmem:s9], [sflag:$0xC], $0x1, s26, s0, $0xb8;
	[tilespmem:$0x1CD00] =	vst v63  }
0x136: {  	_ =	swait.ge [sflag:s12], $0x800  }
0x137: {  	[sflag:s12] =	ssyncset.done $0x0  }
0x138: {  	[sflag:s12] =	ssyncadd.s32 $0xFFFFF800  }
0x139: {  	s28 =	simm.s32 $0x100;
	_ =	swait.ge [sflag:s6], $0x80  }
0x13a: {  	s31 =	simm.s32 $0x1;
	s25 =	simm.s32 @p0 $0x1800;
	[sflag:s6] =	ssyncset.done $0x0  }
.LBB2_2:
0x13b: {  	[sflag:s6] =	ssyncadd.s32 $0xFFFFFF80  }
0x13c: {  	[tilespmem:s25], [sflag:$0x2] =	stream.indirect.gather @p0 [spmem:s1], $0x10, s10, s10, $0xb8;
	[tilespmem:$0x1CD00] =	vst v63  }
0x13d: {  	_ =	swait.ge [sflag:s7], $0x800  }
0x13e: {  	s14 =	smov.u32 s28;
	[sflag:s7] =	ssyncset.done $0x0  }
0x13f: {  	s11 =	simm.s32 $0x800;
	p2 =	seq.s32 s14, $0x0;
	[sflag:s7] =	ssyncadd.s32 $0xFFFFF800  }
0x140: {  	[spmem:s3] =	stream.indirect.scatter.add.f32 [tilespmem:s2], [sflag:$0x5], $0x10, s11, s0, $0xb8;
	[tilespmem:$0x1CD00] =	vst v63  }
0x141: {  	s6 =	smov.u32 s22;
	s26 =	simm.s32 @p2 $0x80  }
0x142: {  	[spmem:s4] =	stream.indirect.scatter.add.f32 [tilespmem:s9], [sflag:$0x9], $0x1, s11, s0, $0xb8;
	[tilespmem:$0x1CD00] =	vst v63  }
0x143: {  	s10 =	simm.s32 @p2 $0x100;
	s25 =	simm.s32 @p2 $0x2000;
	s15 =	simm.s32 @p2 $0x2  }
0x144: {  	[tilespmem:s25], [sflag:$0x3] =	stream.indirect.gather @p2 [spmem:s1], $0x10, s10, s26, $0xb8;
	[tilespmem:$0x1CD00] =	vst v63  }
0x145: {  	s11 =	sadd.s32 @!p2 s14, s22;
	s22 =	sadd.s32 @!p2 s14, s29;
	_ =	swait.ge @p2 [sflag:s15], $0x800  }
0x146: {  	s10 =	sadd.s32 @!p2 $0x80, s11;
	s25 =	sadd.s32 @!p2 $0x80, s22;
	[sflag:s15] =	ssyncset.done @p2 $0x0  }
0x147: {  	s11 =	simm.s32 @p2 $0x880;
	s22 =	simm.s32 @p2 $0x1800;
	[sflag:s15] =	ssyncadd.s32 @p2 $0xFFFFF800  }
0x148: {  	[spmem:s3] =	stream.indirect.scatter.add.f32 @p2 [tilespmem:s22], [sflag:$0x6], $0x10, s11, s26, $0xb8;
	[tilespmem:$0x1CD00] =	vst v63  }
0x149: {  	s15 =	simm.s32 @p2 $0x3000  }
0x14a: {  	[spmem:s4] =	stream.indirect.scatter.add.f32 @p2 [tilespmem:s15], [sflag:$0xA], $0x1, s11, s26, $0xb8;
	[tilespmem:$0x1CD00] =	vst v63  }
0x14b: {  	s29 =	simm.s32 @p2 $0x2800;
	s22 =	simm.s32 @p2 $0x180;
	s11 =	simm.s32 @!p2 $0x7  }
0x14c: {  	[tilespmem:s29], [sflag:$0x4] =	stream.indirect.gather @p2 [spmem:s1], $0x10, s22, s26, $0xb8;
	[tilespmem:$0x1CD00] =	vst v63  }
0x14d: {  	_ =	swait.ge @!p2 [sflag:s11], $0x800  }
0x14e: {  	[sflag:s11] =	ssyncset.done @!p2 $0x0  }
0x14f: {  	s15 =	simm.s32 @!p2 $0xB;
	[sflag:s11] =	ssyncadd.s32 @!p2 $0xFFFFF800  }
0x150: {  	_ =	swait.ge @!p2 [sflag:s15], $0x80  }
0x151: {  	s22 =	simm.s32 @!p2 $0x80;
	s26 =	simm.s32 @!p2 $0x100;
	[sflag:s15] =	ssyncset.done @!p2 $0x0  }
0x152: {  	s11 =	simm.s32 @!p2 $0x2000;
	[sflag:s15] =	ssyncadd.s32 @!p2 $0xFFFFFF80;
	s15 =	simm.s32 @!p2 $0x2  }
0x153: {  	[tilespmem:s11], [sflag:$0x3] =	stream.indirect.gather @!p2 [spmem:s1], $0x10, s26, s22, $0xb8;
	[tilespmem:$0x1CD00] =	vst v63  }
0x154: {  	_ =	swait.ge @!p2 [sflag:s15], $0x800  }
0x155: {  	[sflag:s15] =	ssyncset.done @!p2 $0x0  }
0x156: {  	s11 =	simm.s32 @!p2 $0x880;
	s26 =	simm.s32 @!p2 $0x1800;
	[sflag:s15] =	ssyncadd.s32 @!p2 $0xFFFFF800  }
0x157: {  	[spmem:s3] =	stream.indirect.scatter.add.f32 @!p2 [tilespmem:s26], [sflag:$0x6], $0x10, s11, s22, $0xb8;
	[tilespmem:$0x1CD00] =	vst v63  }
0x158: {  	s15 =	simm.s32 @!p2 $0x3000;
	s26 =	simm.s32 @!p2 $0x8  }
0x159: {  	[spmem:s4] =	stream.indirect.scatter.add.f32 @!p2 [tilespmem:s15], [sflag:$0xA], $0x1, s11, s22, $0xb8;
	[tilespmem:$0x1CD00] =	vst v63  }
0x15a: {  	_ =	swait.ge @!p2 [sflag:s26], $0x800  }
0x15b: {  	[sflag:s26] =	ssyncset.done @!p2 $0x0  }
0x15c: {  	s11 =	simm.s32 @!p2 $0xC;
	[sflag:s26] =	ssyncadd.s32 @!p2 $0xFFFFF800  }
0x15d: {  	_ =	swait.ge @!p2 [sflag:s11], $0x80  }
0x15e: {  	[sflag:s11] =	ssyncset.done @!p2 $0x0  }
0x15f: {  	s15 =	simm.s32 @!p2 $0x180;
	s26 =	simm.s32 @!p2 $0x2800;
	[sflag:s11] =	ssyncadd.s32 @!p2 $0xFFFFFF80  }
0x160: {  	[tilespmem:s26], [sflag:$0x4] =	stream.indirect.gather @!p2 [spmem:s1], $0x10, s15, s22, $0xb8;
	[tilespmem:$0x1CD00] =	vst v63  }
0x161: {  	s29 =	simm.s32 @!p2 $0x400;
	s11 =	simm.s32 @!p2 $0x0  }
0x162: {  	[tilespmem:s29], [sflag:$0xE] =	stream.linear.gather @!p2 [hbm4b:s10+s11], $0x400, $0x38;
	[tilespmem:$0x1CD00] =	vst v63  }
0x163: {  	s15 =	simm.s32 @!p2 $0xC00  }
0x164: {  	[tilespmem:s15], [sflag:$0xE] =	stream.linear.gather @!p2 [hbm4b:s25+s11], $0x400, $0x38;
	[tilespmem:$0x1CD00] =	vst v63  }
0x165: {  	s29 =	rddreg [dreg:$0x7];
	_ =	swait.ge [sflag:s13], $0x800  }
0x166: {  	[sflag:s13] =	ssyncset.done $0x0  }
0x167: {  	s15 =	simm.s32 $0x900;
	[sflag:s13] =	ssyncadd.s32 $0xFFFFF800  }
0x168: {  	[spmem:s3] =	stream.indirect.scatter.add.f32 [tilespmem:s16], [sflag:$0x7], $0x10, s15, s0, $0xb8;
	[tilespmem:$0x1CD00] =	vst v63  }
0x169: {  	_ = 	snop  }
0x16a: {  	[spmem:s4] =	stream.indirect.scatter.add.f32 [tilespmem:s9], [sflag:$0xB], $0x1, s15, s0, $0xb8;
	[tilespmem:$0x1CD00] =	vst v63  }
0x16b: {  	_ =	swait.ge [sflag:s18], $0x800  }
0x16c: {  	[sflag:s18] =	ssyncset.done $0x0  }
0x16d: {  	[sflag:s18] =	ssyncadd.s32 $0xFFFFF800  }
0x16e: {  	_ =	swait.ge [sflag:s23], $0x80  }
0x16f: {  	[sflag:s23] =	ssyncset.done $0x0  }
0x170: {  	s25 =	simm.s32 $0x200;
	[sflag:s23] =	ssyncadd.s32 $0xFFFFFF80  }
0x171: {  	[tilespmem:s2], [sflag:$0x1] =	stream.indirect.gather [spmem:s1], $0x10, s25, s0, $0xb8;
	[tilespmem:$0x1CD00] =	vst v63  }
0x172: {  	_ =	swait.ge [sflag:s24], $0x800  }
0x173: {  	[sflag:s24] =	ssyncset.done $0x0  }
0x174: {  	s11 =	simm.s32 $0x980;
	[sflag:s24] =	ssyncadd.s32 $0xFFFFF800  }
0x175: {  	[spmem:s3] =	stream.indirect.scatter.add.f32 [tilespmem:s20], [sflag:$0x8], $0x10, s11, s0, $0xb8;
	[tilespmem:$0x1CD00] =	vst v63  }
0x176: {  	_ = 	snop  }
0x177: {  	[spmem:s4] =	stream.indirect.scatter.add.f32 [tilespmem:s9], [sflag:$0xC], $0x1, s11, s0, $0xb8;
	[tilespmem:$0x1CD00] =	vst v63  }
0x178: {  	_ =	swait.ge [sflag:s12], $0x800  }
0x179: {  	[sflag:s12] =	ssyncset.done $0x0  }
0x17a: {  	s22 =	smov.u32 s6;
	s6 =	simm.s32 $0xA;
	[sflag:s12] =	ssyncadd.s32 $0xFFFFF800  }
0x17b: {  	_ =	swait.ge [sflag:s6], $0x80  }
0x17c: {  	[sflag:s6] =	ssyncset.done $0x0  }
0x17d: {  	s15 =	simm.s32 $0x280;
	s25 =	simm.s32 $0x1800;
	[sflag:s6] =	ssyncadd.s32 $0xFFFFFF80  }
0x17e: {  	[tilespmem:s25], [sflag:$0x2] =	stream.indirect.gather [spmem:s1], $0x10, s15, s0, $0xb8;
	[tilespmem:$0x1CD00] =	vst v63  }
0x17f: {  	_ =	swait.ge [sflag:s7], $0x800  }
0x180: {  	[sflag:s7] =	ssyncset.done $0x0  }
0x181: {  	s11 =	simm.s32 $0xA00;
	[sflag:s7] =	ssyncadd.s32 $0xFFFFF800  }
0x182: {  	[spmem:s3] =	stream.indirect.scatter.add.f32 [tilespmem:s2], [sflag:$0x5], $0x10, s11, s0, $0xb8;
	[tilespmem:$0x1CD00] =	vst v63  }
0x183: {  	_ = 	snop  }
0x184: {  	[spmem:s4] =	stream.indirect.scatter.add.f32 [tilespmem:s9], [sflag:$0x9], $0x1, s11, s0, $0xb8;
	[tilespmem:$0x1CD00] =	vst v63  }
0x185: {  	_ =	swait.ge [sflag:s5], $0x800  }
0x186: {  	[sflag:s5] =	ssyncset.done $0x0  }
0x187: {  	s17 =	simm.s32 $0xB;
	[sflag:s5] =	ssyncadd.s32 $0xFFFFF800  }
0x188: {  	_ =	swait.ge [sflag:s17], $0x80  }
0x189: {  	[sflag:s17] =	ssyncset.done $0x0  }
0x18a: {  	s15 =	simm.s32 $0x300;
	[sflag:s17] =	ssyncadd.s32 $0xFFFFFF80  }
0x18b: {  	[tilespmem:s16], [sflag:$0x3] =	stream.indirect.gather [spmem:s1], $0x10, s15, s0, $0xb8;
	[tilespmem:$0x1CD00] =	vst v63  }
0x18c: {  	_ =	swait.ge [sflag:s21], $0x800  }
0x18d: {  	[sflag:s21] =	ssyncset.done $0x0  }
0x18e: {  	s11 =	simm.s32 $0xA80;
	[sflag:s21] =	ssyncadd.s32 $0xFFFFF800  }
0x18f: {  	[spmem:s3] =	stream.indirect.scatter.add.f32 [tilespmem:s25], [sflag:$0x6], $0x10, s11, s0, $0xb8;
	[tilespmem:$0x1CD00] =	vst v63  }
0x190: {  	_ = 	snop  }
0x191: {  	[spmem:s4] =	stream.indirect.scatter.add.f32 [tilespmem:s9], [sflag:$0xA], $0x1, s11, s0, $0xb8;
	[tilespmem:$0x1CD00] =	vst v63  }
0x192: {  	_ =	swait.ge [sflag:s30], $0x800  }
0x193: {  	[sflag:s30] =	ssyncset.done $0x0  }
0x194: {  	s19 =	simm.s32 $0xC;
	[sflag:s30] =	ssyncadd.s32 $0xFFFFF800  }
0x195: {  	_ =	swait.ge [sflag:s19], $0x80  }
0x196: {  	[sflag:s19] =	ssyncset.done $0x0  }
0x197: {  	s15 =	simm.s32 $0x380;
	[sflag:s19] =	ssyncadd.s32 $0xFFFFFF80  }
0x198: {  	[tilespmem:s20], [sflag:$0x4] =	stream.indirect.gather [spmem:s1], $0x10, s15, s0, $0xb8;
	[tilespmem:$0x1CD00] =	vst v63  }
0x199: {  	_ =	swait.ge [sflag:s8], $0x400  }
0x19a: {  	[sflag:s8] =	ssyncset.done $0x0  }
0x19b: {  	[sflag:s8] =	ssyncadd.s32 $0xFFFFFC00  }
0x19c: {  	_ =	swait.ge [sflag:s8], $0x400  }
0x19d: {  	[sflag:s8] =	ssyncset.done $0x0  }
0x19e: {  	[sflag:s8] =	ssyncadd.s32 $0xFFFFFC00  }
0x19f: {  	_ =	swait.ge [sflag:s13], $0x800  }
0x1a0: {  	[sflag:s13] =	ssyncset.done $0x0  }
0x1a1: {  	s19 =	simm.s32 $0xB00;
	[sflag:s13] =	ssyncadd.s32 $0xFFFFF800  }
0x1a2: {  	[spmem:s3] =	stream.indirect.scatter.add.f32 [tilespmem:s16], [sflag:$0x7], $0x10, s19, s0, $0xb8;
	[tilespmem:$0x1CD00] =	vst v63  }
0x1a3: {  	_ = 	snop  }
0x1a4: {  	[spmem:s4] =	stream.indirect.scatter.add.f32 [tilespmem:s9], [sflag:$0xB], $0x1, s19, s0, $0xb8;
	[tilespmem:$0x1CD00] =	vst v63  }
0x1a5: {  	_ =	swait.ge [sflag:s18], $0x800  }
0x1a6: {  	[sflag:s18] =	ssyncset.done $0x0  }
0x1a7: {  	[sflag:s18] =	ssyncadd.s32 $0xFFFFF800  }
0x1a8: {  	_ =	swait.ge [sflag:s23], $0x80  }
0x1a9: {  	[sflag:s23] =	ssyncset.done $0x0  }
0x1aa: {  	s26 =	simm.s32 $0x400;
	[sflag:s23] =	ssyncadd.s32 $0xFFFFFF80  }
0x1ab: {  	[tilespmem:s2], [sflag:$0x1] =	stream.indirect.gather [spmem:s1], $0x10, s26, s0, $0xb8;
	[tilespmem:$0x1CD00] =	vst v63  }
0x1ac: {  	_ =	swait.ge [sflag:s24], $0x800  }
0x1ad: {  	[sflag:s24] =	ssyncset.done $0x0  }
0x1ae: {  	s11 =	simm.s32 $0xB80;
	[sflag:s24] =	ssyncadd.s32 $0xFFFFF800  }
0x1af: {  	[spmem:s3] =	stream.indirect.scatter.add.f32 [tilespmem:s20], [sflag:$0x8], $0x10, s11, s0, $0xb8;
	[tilespmem:$0x1CD00] =	vst v63  }
0x1b0: {  	_ = 	snop  }
0x1b1: {  	[spmem:s4] =	stream.indirect.scatter.add.f32 [tilespmem:s9], [sflag:$0xC], $0x1, s11, s0, $0xb8;
	[tilespmem:$0x1CD00] =	vst v63  }
0x1b2: {  	_ =	swait.ge [sflag:s12], $0x800  }
0x1b3: {  	[sflag:s12] =	ssyncset.done $0x0  }
0x1b4: {  	[sflag:s12] =	ssyncadd.s32 $0xFFFFF800  }
0x1b5: {  	_ =	swait.ge [sflag:s6], $0x80  }
0x1b6: {  	[sflag:s6] =	ssyncset.done $0x0  }
0x1b7: {  	s15 =	simm.s32 $0x480;
	[sflag:s6] =	ssyncadd.s32 $0xFFFFFF80  }
0x1b8: {  	[tilespmem:s25], [sflag:$0x2] =	stream.indirect.gather [spmem:s1], $0x10, s15, s0, $0xb8;
	[tilespmem:$0x1CD00] =	vst v63  }
0x1b9: {  	_ =	swait.ge [sflag:s7], $0x800  }
0x1ba: {  	[sflag:s7] =	ssyncset.done $0x0  }
0x1bb: {  	s19 =	simm.s32 $0xC00;
	[sflag:s7] =	ssyncadd.s32 $0xFFFFF800  }
0x1bc: {  	[spmem:s3] =	stream.indirect.scatter.add.f32 [tilespmem:s2], [sflag:$0x5], $0x10, s19, s0, $0xb8;
	[tilespmem:$0x1CD00] =	vst v63  }
0x1bd: {  	_ = 	snop  }
0x1be: {  	[spmem:s4] =	stream.indirect.scatter.add.f32 [tilespmem:s9], [sflag:$0x9], $0x1, s19, s0, $0xb8;
	[tilespmem:$0x1CD00] =	vst v63  }
0x1bf: {  	_ =	swait.ge [sflag:s5], $0x800  }
0x1c0: {  	[sflag:s5] =	ssyncset.done $0x0  }
0x1c1: {  	[sflag:s5] =	ssyncadd.s32 $0xFFFFF800  }
0x1c2: {  	_ =	swait.ge [sflag:s17], $0x80  }
0x1c3: {  	[sflag:s17] =	ssyncset.done $0x0  }
0x1c4: {  	s11 =	simm.s32 $0x500;
	[sflag:s17] =	ssyncadd.s32 $0xFFFFFF80  }
0x1c5: {  	[tilespmem:s16], [sflag:$0x3] =	stream.indirect.gather [spmem:s1], $0x10, s11, s0, $0xb8;
	[tilespmem:$0x1CD00] =	vst v63  }
0x1c6: {  	_ =	swait.ge [sflag:s21], $0x800  }
0x1c7: {  	[sflag:s21] =	ssyncset.done $0x0  }
0x1c8: {  	s15 =	simm.s32 $0xC80;
	[sflag:s21] =	ssyncadd.s32 $0xFFFFF800  }
0x1c9: {  	[spmem:s3] =	stream.indirect.scatter.add.f32 [tilespmem:s25], [sflag:$0x6], $0x10, s15, s0, $0xb8;
	[tilespmem:$0x1CD00] =	vst v63  }
0x1ca: {  	_ = 	snop  }
0x1cb: {  	[spmem:s4] =	stream.indirect.scatter.add.f32 [tilespmem:s9], [sflag:$0xA], $0x1, s15, s0, $0xb8;
	[tilespmem:$0x1CD00] =	vst v63  }
0x1cc: {  	_ =	swait.ge [sflag:s30], $0x800  }
0x1cd: {  	[sflag:s30] =	ssyncset.done $0x0  }
0x1ce: {  	s17 =	simm.s32 $0xC;
	[sflag:s30] =	ssyncadd.s32 $0xFFFFF800  }
0x1cf: {  	_ =	swait.ge [sflag:s17], $0x80  }
0x1d0: {  	p4 =	seq.s32 s14, $0x1800;
	[sflag:s17] =	ssyncset.done $0x0  }
0x1d1: {  	s10 =	sadd.s32 @!p4 s14, s22;
	s19 =	simm.s32 $0x580;
	[sflag:s17] =	ssyncadd.s32 $0xFFFFFF80  }
0x1d2: {  	[tilespmem:s20], [sflag:$0x4] =	stream.indirect.gather [spmem:s1], $0x10, s19, s0, $0xb8;
	[tilespmem:$0x1CD00] =	vst v63  }
0x1d3: {  	s10 =	sadd.s32 @!p4 $0x100, s10;
	s14 =	sadd.s32 @!p4 s14, s29;
	s11 =	simm.s32 @!p4 $0x0  }
0x1d4: {  	[tilespmem:s11], [sflag:$0xD] =	stream.linear.gather @!p4 [hbm4b:s10+s11], $0x400, $0x38;
	[tilespmem:$0x1CD00] =	vst v63  }
0x1d5: {  	s15 =	simm.s32 @!p4 $0x800;
	s10 =	sadd.s32 @!p4 $0x100, s14  }
0x1d6: {  	[tilespmem:s15], [sflag:$0xD] =	stream.linear.gather @!p4 [hbm4b:s10+s11], $0x400, $0x38;
	[tilespmem:$0x1CD00] =	vst v63  }
0x1d7: {  	_ =	swait.ge [sflag:s13], $0x800  }
0x1d8: {  	[sflag:s13] =	ssyncset.done $0x0  }
0x1d9: {  	s19 =	simm.s32 $0xD00;
	[sflag:s13] =	ssyncadd.s32 $0xFFFFF800  }
0x1da: {  	[spmem:s3] =	stream.indirect.scatter.add.f32 [tilespmem:s16], [sflag:$0x7], $0x10, s19, s0, $0xb8;
	[tilespmem:$0x1CD00] =	vst v63  }
0x1db: {  	_ = 	snop  }
0x1dc: {  	[spmem:s4] =	stream.indirect.scatter.add.f32 [tilespmem:s9], [sflag:$0xB], $0x1, s19, s0, $0xb8;
	[tilespmem:$0x1CD00] =	vst v63  }
0x1dd: {  	_ =	swait.ge [sflag:s18], $0x800  }
0x1de: {  	[sflag:s18] =	ssyncset.done $0x0  }
0x1df: {  	[sflag:s18] =	ssyncadd.s32 $0xFFFFF800  }
0x1e0: {  	_ =	swait.ge [sflag:s23], $0x80  }
0x1e1: {  	[sflag:s23] =	ssyncset.done $0x0  }
0x1e2: {  	s11 =	simm.s32 $0x600;
	[sflag:s23] =	ssyncadd.s32 $0xFFFFFF80  }
0x1e3: {  	[tilespmem:s2], [sflag:$0x1] =	stream.indirect.gather [spmem:s1], $0x10, s11, s0, $0xb8;
	[tilespmem:$0x1CD00] =	vst v63  }
0x1e4: {  	_ =	swait.ge [sflag:s24], $0x800  }
0x1e5: {  	[sflag:s24] =	ssyncset.done $0x0  }
0x1e6: {  	s14 =	simm.s32 $0xD80;
	[sflag:s24] =	ssyncadd.s32 $0xFFFFF800  }
0x1e7: {  	[spmem:s3] =	stream.indirect.scatter.add.f32 [tilespmem:s20], [sflag:$0x8], $0x10, s14, s0, $0xb8;
	[tilespmem:$0x1CD00] =	vst v63  }
0x1e8: {  	_ = 	snop  }
0x1e9: {  	[spmem:s4] =	stream.indirect.scatter.add.f32 [tilespmem:s9], [sflag:$0xC], $0x1, s14, s0, $0xb8;
	[tilespmem:$0x1CD00] =	vst v63  }
0x1ea: {  	_ =	swait.ge [sflag:s12], $0x800  }
0x1eb: {  	[sflag:s12] =	ssyncset.done $0x0  }
0x1ec: {  	[sflag:s12] =	ssyncadd.s32 $0xFFFFF800  }
0x1ed: {  	_ =	swait.ge [sflag:s6], $0x80  }
0x1ee: {  	[sflag:s6] =	ssyncset.done $0x0  }
0x1ef: {  	s19 =	simm.s32 $0x680;
	[sflag:s6] =	ssyncadd.s32 $0xFFFFFF80  }
0x1f0: {  	[tilespmem:s25], [sflag:$0x2] =	stream.indirect.gather [spmem:s1], $0x10, s19, s0, $0xb8;
	[tilespmem:$0x1CD00] =	vst v63  }
0x1f1: {  	_ =	swait.ge [sflag:s7], $0x800  }
0x1f2: {  	[sflag:s7] =	ssyncset.done $0x0  }
0x1f3: {  	s11 =	simm.s32 $0xE00;
	[sflag:s7] =	ssyncadd.s32 $0xFFFFF800  }
0x1f4: {  	[spmem:s3] =	stream.indirect.scatter.add.f32 [tilespmem:s2], [sflag:$0x5], $0x10, s11, s0, $0xb8;
	[tilespmem:$0x1CD00] =	vst v63  }
0x1f5: {  	_ = 	snop  }
0x1f6: {  	[spmem:s4] =	stream.indirect.scatter.add.f32 [tilespmem:s9], [sflag:$0x9], $0x1, s11, s0, $0xb8;
	[tilespmem:$0x1CD00] =	vst v63  }
0x1f7: {  	_ =	swait.ge [sflag:s5], $0x800  }
0x1f8: {  	[sflag:s5] =	ssyncset.done $0x0  }
0x1f9: {  	s15 =	simm.s32 $0xB;
	[sflag:s5] =	ssyncadd.s32 $0xFFFFF800  }
0x1fa: {  	_ =	swait.ge [sflag:s15], $0x80  }
0x1fb: {  	[sflag:s15] =	ssyncset.done $0x0  }
0x1fc: {  	s14 =	simm.s32 $0x700;
	[sflag:s15] =	ssyncadd.s32 $0xFFFFFF80  }
0x1fd: {  	[tilespmem:s16], [sflag:$0x3] =	stream.indirect.gather [spmem:s1], $0x10, s14, s0, $0xb8;
	[tilespmem:$0x1CD00] =	vst v63  }
0x1fe: {  	_ =	swait.ge [sflag:s21], $0x800  }
0x1ff: {  	[sflag:s21] =	ssyncset.done $0x0  }
0x200: {  	s19 =	simm.s32 $0xE80;
	[sflag:s21] =	ssyncadd.s32 $0xFFFFF800  }
0x201: {  	[spmem:s3] =	stream.indirect.scatter.add.f32 [tilespmem:s25], [sflag:$0x6], $0x10, s19, s0, $0xb8;
	[tilespmem:$0x1CD00] =	vst v63  }
0x202: {  	_ = 	snop  }
0x203: {  	[spmem:s4] =	stream.indirect.scatter.add.f32 [tilespmem:s9], [sflag:$0xA], $0x1, s19, s0, $0xb8;
	[tilespmem:$0x1CD00] =	vst v63  }
0x204: {  	_ =	swait.ge [sflag:s30], $0x800  }
0x205: {  	[sflag:s30] =	ssyncset.done $0x0  }
0x206: {  	[sflag:s30] =	ssyncadd.s32 $0xFFFFF800  }
0x207: {  	_ =	swait.ge [sflag:s17], $0x80  }
0x208: {  	[sflag:s17] =	ssyncset.done $0x0  }
0x209: {  	s10 =	simm.s32 @!p4 $0xD;
	s25 =	simm.s32 $0x780;
	[sflag:s17] =	ssyncadd.s32 $0xFFFFFF80  }
0x20a: {  	[tilespmem:s20], [sflag:$0x4] =	stream.indirect.gather [spmem:s1], $0x10, s25, s0, $0xb8;
	[tilespmem:$0x1CD00] =	vst v63  }
0x20b: {  	_ =	swait.ge @!p4 [sflag:s10], $0x400  }
0x20c: {  	[sflag:s10] =	ssyncset.done @!p4 $0x0  }
0x20d: {  	[sflag:s10] =	ssyncadd.s32 @!p4 $0xFFFFFC00  }
0x20e: {  	_ =	swait.ge @!p4 [sflag:s10], $0x400  }
0x20f: {  	[sflag:s10] =	ssyncset.done @!p4 $0x0  }
0x210: {  	[sflag:s10] =	ssyncadd.s32 @!p4 $0xFFFFFC00  }
0x211: {  	_ =	swait.ge [sflag:s13], $0x800  }
0x212: {  	[sflag:s13] =	ssyncset.done $0x0  }
0x213: {  	s14 =	simm.s32 $0xF00;
	[sflag:s13] =	ssyncadd.s32 $0xFFFFF800  }
0x214: {  	[spmem:s3] =	stream.indirect.scatter.add.f32 [tilespmem:s16], [sflag:$0x7], $0x10, s14, s0, $0xb8;
	[tilespmem:$0x1CD00] =	vst v63  }
0x215: {  	_ = 	snop  }
0x216: {  	[spmem:s4] =	stream.indirect.scatter.add.f32 [tilespmem:s9], [sflag:$0xB], $0x1, s14, s0, $0xb8;
	[tilespmem:$0x1CD00] =	vst v63  }
0x217: {  	_ =	swait.ge [sflag:s18], $0x800  }
0x218: {  	s31 =	sadd.s32 $0x2, s31;
	[sflag:s18] =	ssyncset.done $0x0  }
0x219: {  	p0 =	por @p2 $0x1, $0x1;
	p3 =	slt.u32 @!p2 s31, $0x31;
	[sflag:s18] =	ssyncadd.s32 $0xFFFFF800  }
0x21a: {  	p0 =	por @!p2 p3, p3;
	_ =	swait.ge [sflag:s23], $0x80  }
0x21b: {  	s11 =	simm.s32 @p0 $0x1000;
	[sflag:s23] =	ssyncset.done $0x0  }
0x21c: {  	s10 =	simm.s32 @p0 $0x80;
	s14 =	simm.s32 @p0 $0x0;
	[sflag:s23] =	ssyncadd.s32 $0xFFFFFF80  }
0x21d: {  	[tilespmem:s11], [sflag:$0x1] =	stream.indirect.gather @p0 [spmem:s1], $0x10, s14, s10, $0xb8;
	[tilespmem:$0x1CD00] =	vst v63  }
0x21e: {  	_ =	swait.ge [sflag:s24], $0x800  }
0x21f: {  	[sflag:s24] =	ssyncset.done $0x0  }
0x220: {  	s28 =	sadd.s32 $0x100, s28;
	s25 =	simm.s32 $0xF80;
	[sflag:s24] =	ssyncadd.s32 $0xFFFFF800  }
0x221: {  	[spmem:s3] =	stream.indirect.scatter.add.f32 [tilespmem:s20], [sflag:$0x8], $0x10, s25, s0, $0xb8;
	[tilespmem:$0x1CD00] =	vst v63  }
0x222: {  	p1 =	sne.s32 s28, $0x1900  }
0x223: {  	[spmem:s4] =	stream.indirect.scatter.add.f32 [tilespmem:s9], [sflag:$0xC], $0x1, s25, s0, $0xb8;
	[tilespmem:$0x1CD00] =	vst v63  }
.Ltmp0:
0x224: {  	_ =	swait.ge [sflag:s12], $0x800;
	(pc) =	sbr.rel @p1 .LBB2_2-.Ltmp0, $4  }
0x225: {  	[sflag:s12] =	ssyncset.done $0x0  }
0x226: {  	[sflag:s12] =	ssyncadd.s32 $0xFFFFF800  }
0x227: {  	_ =	swait.ge [sflag:s6], $0x80  }
0x228: {  	s19 =	simm.s32 $0xF00;
	s25 =	simm.s32 @p0 $0x1800;
	[sflag:s6] =	ssyncset.done $0x0  }
0x229: {  	[sflag:s6] =	ssyncadd.s32 $0xFFFFFF80  }
0x22a: {  	[tilespmem:s25], [sflag:$0x2] =	stream.indirect.gather @p0 [spmem:s1], $0x10, s10, s10, $0xb8;
	[tilespmem:$0x1CD00] =	vst v63  }
0x22b: {  	_ =	swait.ge [sflag:s5], $0x800  }
0x22c: {  	[sflag:s5] =	ssyncset.done $0x0  }
0x22d: {  	[sflag:s5] =	ssyncadd.s32 $0xFFFFF800  }
0x22e: {  	_ =	swait.ge [sflag:s15], $0x80  }
0x22f: {  	[sflag:s15] =	ssyncset.done $0x0  }
0x230: {  	[sflag:s15] =	ssyncadd.s32 $0xFFFFFF80  }
0x231: {  	_ =	swait.ge [sflag:s30], $0x800  }
0x232: {  	[sflag:s30] =	ssyncset.done $0x0  }
0x233: {  	[sflag:s30] =	ssyncadd.s32 $0xFFFFF800  }
0x234: {  	_ =	swait.ge [sflag:s17], $0x80  }
0x235: {  	[sflag:s17] =	ssyncset.done $0x0  }
0x236: {  	[sflag:s17] =	ssyncadd.s32 $0xFFFFFF80  }
0x237: {  	[bflag:$0x0] =	sbarrier.arrive $0xFFFF  }
0x238: {  	s11 =	rddreg [dreg:$0x12]  }
0x239: {  	s28 =	simm.s32 $0x1;
	s23 =	rddreg [dreg:$0x13]  }
0x23a: {  	s6 =	simm.s32 $0x10;
	s15 =	simm.s32 $0xF;
	s17 =	rddreg [dreg:$0x19]  }
0x23b: {  	[hbm:s23@s6], [sflag:s11] =	dma.strided [spmem:s17@s21], $0x1900, s28, $0x2   }
0x23c: {  	_ =	swait.ge [sflag:s15], $0x1900  }
0x23d: {  	[sflag:s15] =	ssyncset.done $0x0;
	s25 =	rddreg [dreg:$0x14]  }
0x23e: {  	s14 =	rddreg [dreg:$0x17];
	[sflag:s15] =	ssyncadd.s32 $0xFFFFE700  }
0x23f: {  	[hbm:s25], [sflag:s11] =	dma.local [spmem:s14], $0xC8  }
0x240: {  	_ =	swait.ge [sflag:s15], $0xC8  }
0x241: {  	[sflag:s15] =	ssyncset.done $0x0  }
0x242: {  	[sflag:s15] =	ssyncadd.s32 $0xFFFFFF38  }
0x243: {  	[bflag:$0x0] =	sbarrier.arrive $0xFFFF  }
0x244: {  	s23 =	rddreg [dreg:$0xf]  }
0x245: {  	s25 =	rddreg [dreg:$0x1a]  }
0x246: {  	[spmem:s25@s21], [sflag:s11] =	dma.strided [hbm:s23@s6], $0x186A, s28, $0x2   }
0x247: {  	_ =	swait.ge [sflag:s15], $0x186A  }
0x248: {  	[sflag:s15] =	ssyncset.done $0x0  }
0x249: {  	s6 =	rddreg [dreg:$0xa];
	[sflag:s15] =	ssyncadd.s32 $0xFFFFE796  }
0x24a: {  	[spmem:s17], [sflag:s11] =	dma.local [hbm:s6], $0x1900  }
0x24b: {  	_ =	swait.ge [sflag:s15], $0x1900  }
0x24c: {  	[sflag:s15] =	ssyncset.done $0x0  }
0x24d: {  	[sflag:s15] =	ssyncadd.s32 $0xFFFFE700  }
0x24e: {  	[bflag:$0x0] =	sbarrier.arrive $0xFFFF  }
0x24f: {  	s10 =	simm.s32 $0x0;
	s14 =	rddreg [dreg:$0xc]  }
0x250: {  	[tilespmem:s10], [sflag:$0xD] =	stream.linear.gather [hbm4b:s14+s10], $0x400, $0x38;
	[tilespmem:$0x1CD00] =	vst v63  }
0x251: {  	s23 =	simm.s32 $0xD;
	s15 =	simm.s32 $0x800  }
0x252: {  	[tilespmem:s15], [sflag:$0xD] =	stream.linear.gather [hbm4b:s29+s10], $0x400, $0x38;
	[tilespmem:$0x1CD00] =	vst v63  }
0x253: {  	_ =	swait.ge [sflag:s23], $0x400  }
0x254: {  	[sflag:s23] =	ssyncset.done $0x0  }
0x255: {  	[sflag:s23] =	ssyncadd.s32 $0xFFFFFC00  }
0x256: {  	_ =	swait.ge [sflag:s23], $0x400  }
0x257: {  	[sflag:s23] =	ssyncset.done $0x0  }
0x258: {  	s25 =	rddreg [dreg:$0xd];
	[sflag:s23] =	ssyncadd.s32 $0xFFFFFC00  }
0x259: {  	[tilespmem:s26], [sflag:$0xE] =	stream.linear.gather [hbm4b:s25+s10], $0x400, $0x38;
	[tilespmem:$0x1CD00] =	vst v63  }
0x25a: {  	s17 =	simm.s32 $0xC00;
	s6 =	rddreg [dreg:$0x10]  }
0x25b: {  	[tilespmem:s17], [sflag:$0xE] =	stream.linear.gather [hbm4b:s6+s10], $0x400, $0x38;
	[tilespmem:$0x1CD00] =	vst v63  }
0x25c: {  	_ = 	snop  }
0x25d: {  	[tilespmem:s2], [sflag:$0x1] =	stream.indirect.gather [spmem:s1], $0x10, s10, s0, $0xb8;
	[tilespmem:$0x1CD00] =	vst v63  }
0x25e: {  	s6 =	simm.s32 $0x1800  }
0x25f: {  	[tilespmem:s6], [sflag:$0x2] =	stream.indirect.gather [spmem:s1], $0x10, s0, s0, $0xb8;
	[tilespmem:$0x1CD00] =	vst v63  }
0x260: {  	_ =	swait.ge [sflag:s7], $0x800  }
0x261: {  	p1 =	por $0x1, $0x1;
	[sflag:s7] =	ssyncset.done $0x0  }
0x262: {  	s11 =	simm.s32 @p1 $0x2000;
	[sflag:s7] =	ssyncadd.s32 $0xFFFFF800  }
0x263: {  	[spmem:s3] =	stream.indirect.scatter.add.f32 [tilespmem:s2], [sflag:$0x5], $0x10, s15, s0, $0xb8;
	[tilespmem:$0x1CD00] =	vst v63  }
0x264: {  	s14 =	simm.s32 @p1 $0x80;
	s10 =	simm.s32 @p1 $0x100;
	s15 =	simm.s32 @p1 $0x2  }
0x265: {  	[tilespmem:s11], [sflag:$0x3] =	stream.indirect.gather @p1 [spmem:s1], $0x10, s10, s14, $0xb8;
	[tilespmem:$0x1CD00] =	vst v63  }
0x266: {  	_ =	swait.ge @p1 [sflag:s15], $0x800  }
0x267: {  	[sflag:s15] =	ssyncset.done @p1 $0x0  }
0x268: {  	s10 =	simm.s32 @p1 $0x880;
	s11 =	simm.s32 @p1 $0x1800;
	[sflag:s15] =	ssyncadd.s32 @p1 $0xFFFFF800  }
0x269: {  	[spmem:s3] =	stream.indirect.scatter.add.f32 @p1 [tilespmem:s11], [sflag:$0x6], $0x10, s10, s14, $0xb8;
	[tilespmem:$0x1CD00] =	vst v63  }
0x26a: {  	s15 =	simm.s32 @!p1 $0x7;
	s10 =	simm.s32 @p1 $0x180;
	s11 =	simm.s32 @p1 $0x2800  }
0x26b: {  	[tilespmem:s11], [sflag:$0x4] =	stream.indirect.gather @p1 [spmem:s1], $0x10, s10, s14, $0xb8;
	[tilespmem:$0x1CD00] =	vst v63  }
0x26c: {  	_ =	swait.ge @!p1 [sflag:s15], $0x800  }
0x26d: {  	s10 =	simm.s32 @!p1 $0x2000;
	s11 =	simm.s32 @!p1 $0x80;
	[sflag:s15] =	ssyncset.done @!p1 $0x0  }
0x26e: {  	s14 =	simm.s32 @!p1 $0x100;
	[sflag:s15] =	ssyncadd.s32 @!p1 $0xFFFFF800;
	s15 =	simm.s32 @!p1 $0x2  }
0x26f: {  	[tilespmem:s10], [sflag:$0x3] =	stream.indirect.gather @!p1 [spmem:s1], $0x10, s14, s11, $0xb8;
	[tilespmem:$0x1CD00] =	vst v63  }
0x270: {  	_ =	swait.ge @!p1 [sflag:s15], $0x800  }
0x271: {  	s10 =	simm.s32 @!p1 $0x880;
	[sflag:s15] =	ssyncset.done @!p1 $0x0  }
0x272: {  	s14 =	simm.s32 @!p1 $0x1800;
	[sflag:s15] =	ssyncadd.s32 @!p1 $0xFFFFF800;
	s15 =	simm.s32 @!p1 $0x8  }
0x273: {  	[spmem:s3] =	stream.indirect.scatter.add.f32 @!p1 [tilespmem:s14], [sflag:$0x6], $0x10, s10, s11, $0xb8;
	[tilespmem:$0x1CD00] =	vst v63  }
0x274: {  	_ =	swait.ge @!p1 [sflag:s15], $0x800  }
0x275: {  	s10 =	sadd.s32 @!p1 $0x0, s22;
	s14 =	simm.s32 @!p1 $0x180;
	[sflag:s15] =	ssyncset.done @!p1 $0x0  }
0x276: {  	s10 =	sadd.s32 @!p1 $0x80, s10;
	[sflag:s15] =	ssyncadd.s32 @!p1 $0xFFFFF800;
	s15 =	simm.s32 @!p1 $0x2800  }
0x277: {  	[tilespmem:s15], [sflag:$0x4] =	stream.indirect.gather @!p1 [spmem:s1], $0x10, s14, s11, $0xb8;
	[tilespmem:$0x1CD00] =	vst v63  }
0x278: {  	s11 =	sadd.s32 @!p1 $0x0, s29;
	s14 =	simm.s32 @!p1 $0x0;
	s15 =	simm.s32 @!p1 $0x400  }
0x279: {  	[tilespmem:s15], [sflag:$0xE] =	stream.linear.gather @!p1 [hbm4b:s10+s14], $0x400, $0x38;
	[tilespmem:$0x1CD00] =	vst v63  }
0x27a: {  	s10 =	sadd.s32 @!p1 $0x80, s11;
	s11 =	simm.s32 @!p1 $0xC00  }
0x27b: {  	[tilespmem:s11], [sflag:$0xE] =	stream.linear.gather @!p1 [hbm4b:s10+s14], $0x400, $0x38;
	[tilespmem:$0x1CD00] =	vst v63  }
0x27c: {  	_ =	swait.ge [sflag:s13], $0x800  }
0x27d: {  	[sflag:s13] =	ssyncset.done $0x0  }
0x27e: {  	s15 =	simm.s32 $0x900;
	[sflag:s13] =	ssyncadd.s32 $0xFFFFF800  }
0x27f: {  	[spmem:s3] =	stream.indirect.scatter.add.f32 [tilespmem:s16], [sflag:$0x7], $0x10, s15, s0, $0xb8;
	[tilespmem:$0x1CD00] =	vst v63  }
0x280: {  	_ =	swait.ge [sflag:s18], $0x800  }
0x281: {  	[sflag:s18] =	ssyncset.done $0x0  }
0x282: {  	s23 =	simm.s32 $0x200;
	[sflag:s18] =	ssyncadd.s32 $0xFFFFF800  }
0x283: {  	[tilespmem:s2], [sflag:$0x1] =	stream.indirect.gather [spmem:s1], $0x10, s23, s0, $0xb8;
	[tilespmem:$0x1CD00] =	vst v63  }
0x284: {  	_ =	swait.ge [sflag:s24], $0x800  }
0x285: {  	[sflag:s24] =	ssyncset.done $0x0  }
0x286: {  	s25 =	simm.s32 $0x980;
	[sflag:s24] =	ssyncadd.s32 $0xFFFFF800  }
0x287: {  	[spmem:s3] =	stream.indirect.scatter.add.f32 [tilespmem:s20], [sflag:$0x8], $0x10, s25, s0, $0xb8;
	[tilespmem:$0x1CD00] =	vst v63  }
0x288: {  	_ =	swait.ge [sflag:s12], $0x800  }
0x289: {  	[sflag:s12] =	ssyncset.done $0x0  }
0x28a: {  	s11 =	simm.s32 $0x280;
	[sflag:s12] =	ssyncadd.s32 $0xFFFFF800  }
0x28b: {  	[tilespmem:s6], [sflag:$0x2] =	stream.indirect.gather [spmem:s1], $0x10, s11, s0, $0xb8;
	[tilespmem:$0x1CD00] =	vst v63  }
0x28c: {  	_ =	swait.ge [sflag:s7], $0x800  }
0x28d: {  	[sflag:s7] =	ssyncset.done $0x0  }
0x28e: {  	s14 =	simm.s32 $0xA00;
	[sflag:s7] =	ssyncadd.s32 $0xFFFFF800  }
0x28f: {  	[spmem:s3] =	stream.indirect.scatter.add.f32 [tilespmem:s2], [sflag:$0x5], $0x10, s14, s0, $0xb8;
	[tilespmem:$0x1CD00] =	vst v63  }
0x290: {  	_ =	swait.ge [sflag:s5], $0x800  }
0x291: {  	[sflag:s5] =	ssyncset.done $0x0  }
0x292: {  	s15 =	simm.s32 $0x300;
	[sflag:s5] =	ssyncadd.s32 $0xFFFFF800  }
0x293: {  	[tilespmem:s16], [sflag:$0x3] =	stream.indirect.gather [spmem:s1], $0x10, s15, s0, $0xb8;
	[tilespmem:$0x1CD00] =	vst v63  }
0x294: {  	_ =	swait.ge [sflag:s21], $0x800  }
0x295: {  	[sflag:s21] =	ssyncset.done $0x0  }
0x296: {  	s23 =	simm.s32 $0xA80;
	[sflag:s21] =	ssyncadd.s32 $0xFFFFF800  }
0x297: {  	[spmem:s3] =	stream.indirect.scatter.add.f32 [tilespmem:s6], [sflag:$0x6], $0x10, s23, s0, $0xb8;
	[tilespmem:$0x1CD00] =	vst v63  }
0x298: {  	_ =	swait.ge [sflag:s30], $0x800  }
0x299: {  	[sflag:s30] =	ssyncset.done $0x0  }
0x29a: {  	s25 =	simm.s32 $0x380;
	[sflag:s30] =	ssyncadd.s32 $0xFFFFF800  }
0x29b: {  	[tilespmem:s20], [sflag:$0x4] =	stream.indirect.gather [spmem:s1], $0x10, s25, s0, $0xb8;
	[tilespmem:$0x1CD00] =	vst v63  }
0x29c: {  	_ =	swait.ge [sflag:s8], $0x400  }
0x29d: {  	[sflag:s8] =	ssyncset.done $0x0  }
0x29e: {  	[sflag:s8] =	ssyncadd.s32 $0xFFFFFC00  }
0x29f: {  	_ =	swait.ge [sflag:s8], $0x400  }
0x2a0: {  	[sflag:s8] =	ssyncset.done $0x0  }
0x2a1: {  	[sflag:s8] =	ssyncadd.s32 $0xFFFFFC00  }
0x2a2: {  	_ =	swait.ge [sflag:s13], $0x800  }
0x2a3: {  	[sflag:s13] =	ssyncset.done $0x0  }
0x2a4: {  	s11 =	simm.s32 $0xB00;
	[sflag:s13] =	ssyncadd.s32 $0xFFFFF800  }
0x2a5: {  	[spmem:s3] =	stream.indirect.scatter.add.f32 [tilespmem:s16], [sflag:$0x7], $0x10, s11, s0, $0xb8;
	[tilespmem:$0x1CD00] =	vst v63  }
0x2a6: {  	_ =	swait.ge [sflag:s18], $0x800  }
0x2a7: {  	[sflag:s18] =	ssyncset.done $0x0  }
0x2a8: {  	[sflag:s18] =	ssyncadd.s32 $0xFFFFF800  }
0x2a9: {  	[tilespmem:s2], [sflag:$0x1] =	stream.indirect.gather [spmem:s1], $0x10, s26, s0, $0xb8;
	[tilespmem:$0x1CD00] =	vst v63  }
0x2aa: {  	_ =	swait.ge [sflag:s24], $0x800  }
0x2ab: {  	[sflag:s24] =	ssyncset.done $0x0  }
0x2ac: {  	s14 =	simm.s32 $0xB80;
	[sflag:s24] =	ssyncadd.s32 $0xFFFFF800  }
0x2ad: {  	[spmem:s3] =	stream.indirect.scatter.add.f32 [tilespmem:s20], [sflag:$0x8], $0x10, s14, s0, $0xb8;
	[tilespmem:$0x1CD00] =	vst v63  }
0x2ae: {  	_ =	swait.ge [sflag:s12], $0x800  }
0x2af: {  	[sflag:s12] =	ssyncset.done $0x0  }
0x2b0: {  	s15 =	simm.s32 $0x480;
	[sflag:s12] =	ssyncadd.s32 $0xFFFFF800  }
0x2b1: {  	[tilespmem:s6], [sflag:$0x2] =	stream.indirect.gather [spmem:s1], $0x10, s15, s0, $0xb8;
	[tilespmem:$0x1CD00] =	vst v63  }
0x2b2: {  	_ =	swait.ge [sflag:s7], $0x800  }
0x2b3: {  	[sflag:s7] =	ssyncset.done $0x0  }
0x2b4: {  	[sflag:s7] =	ssyncadd.s32 $0xFFFFF800  }
0x2b5: {  	[spmem:s3] =	stream.indirect.scatter.add.f32 [tilespmem:s2], [sflag:$0x5], $0x10, s17, s0, $0xb8;
	[tilespmem:$0x1CD00] =	vst v63  }
0x2b6: {  	_ =	swait.ge [sflag:s5], $0x800  }
0x2b7: {  	[sflag:s5] =	ssyncset.done $0x0  }
0x2b8: {  	s17 =	simm.s32 $0x500;
	[sflag:s5] =	ssyncadd.s32 $0xFFFFF800  }
0x2b9: {  	[tilespmem:s16], [sflag:$0x3] =	stream.indirect.gather [spmem:s1], $0x10, s17, s0, $0xb8;
	[tilespmem:$0x1CD00] =	vst v63  }
0x2ba: {  	_ =	swait.ge [sflag:s21], $0x800  }
0x2bb: {  	[sflag:s21] =	ssyncset.done $0x0  }
0x2bc: {  	s23 =	simm.s32 $0xC80;
	[sflag:s21] =	ssyncadd.s32 $0xFFFFF800  }
0x2bd: {  	[spmem:s3] =	stream.indirect.scatter.add.f32 [tilespmem:s6], [sflag:$0x6], $0x10, s23, s0, $0xb8;
	[tilespmem:$0x1CD00] =	vst v63  }
0x2be: {  	_ =	swait.ge [sflag:s30], $0x800  }
0x2bf: {  	p0 =	por $0x0, $0x0;
	[sflag:s30] =	ssyncset.done $0x0  }
0x2c0: {  	s10 =	sadd.s32 @!p0 $0x0, s22;
	s25 =	simm.s32 $0x580;
	[sflag:s30] =	ssyncadd.s32 $0xFFFFF800  }
0x2c1: {  	[tilespmem:s20], [sflag:$0x4] =	stream.indirect.gather [spmem:s1], $0x10, s25, s0, $0xb8;
	[tilespmem:$0x1CD00] =	vst v63  }
0x2c2: {  	s10 =	sadd.s32 @!p0 $0x100, s10;
	s11 =	simm.s32 @!p0 $0x0;
	s14 =	sadd.s32 @!p0 $0x0, s29  }
0x2c3: {  	[tilespmem:s11], [sflag:$0xD] =	stream.linear.gather @!p0 [hbm4b:s10+s11], $0x400, $0x38;
	[tilespmem:$0x1CD00] =	vst v63  }
0x2c4: {  	s14 =	sadd.s32 @!p0 $0x100, s14;
	s10 =	simm.s32 @!p0 $0x800  }
0x2c5: {  	[tilespmem:s10], [sflag:$0xD] =	stream.linear.gather @!p0 [hbm4b:s14+s11], $0x400, $0x38;
	[tilespmem:$0x1CD00] =	vst v63  }
0x2c6: {  	_ =	swait.ge [sflag:s13], $0x800  }
0x2c7: {  	[sflag:s13] =	ssyncset.done $0x0  }
0x2c8: {  	s26 =	simm.s32 $0xD00;
	[sflag:s13] =	ssyncadd.s32 $0xFFFFF800  }
0x2c9: {  	[spmem:s3] =	stream.indirect.scatter.add.f32 [tilespmem:s16], [sflag:$0x7], $0x10, s26, s0, $0xb8;
	[tilespmem:$0x1CD00] =	vst v63  }
0x2ca: {  	_ =	swait.ge [sflag:s18], $0x800  }
0x2cb: {  	[sflag:s18] =	ssyncset.done $0x0  }
0x2cc: {  	s11 =	simm.s32 $0x600;
	[sflag:s18] =	ssyncadd.s32 $0xFFFFF800  }
0x2cd: {  	[tilespmem:s2], [sflag:$0x1] =	stream.indirect.gather [spmem:s1], $0x10, s11, s0, $0xb8;
	[tilespmem:$0x1CD00] =	vst v63  }
0x2ce: {  	_ =	swait.ge [sflag:s24], $0x800  }
0x2cf: {  	[sflag:s24] =	ssyncset.done $0x0  }
0x2d0: {  	s14 =	simm.s32 $0xD80;
	[sflag:s24] =	ssyncadd.s32 $0xFFFFF800  }
0x2d1: {  	[spmem:s3] =	stream.indirect.scatter.add.f32 [tilespmem:s20], [sflag:$0x8], $0x10, s14, s0, $0xb8;
	[tilespmem:$0x1CD00] =	vst v63  }
0x2d2: {  	_ =	swait.ge [sflag:s12], $0x800  }
0x2d3: {  	[sflag:s12] =	ssyncset.done $0x0  }
0x2d4: {  	s15 =	simm.s32 $0x680;
	[sflag:s12] =	ssyncadd.s32 $0xFFFFF800  }
0x2d5: {  	[tilespmem:s6], [sflag:$0x2] =	stream.indirect.gather [spmem:s1], $0x10, s15, s0, $0xb8;
	[tilespmem:$0x1CD00] =	vst v63  }
0x2d6: {  	_ =	swait.ge [sflag:s7], $0x800  }
0x2d7: {  	[sflag:s7] =	ssyncset.done $0x0  }
0x2d8: {  	s17 =	simm.s32 $0xE00;
	[sflag:s7] =	ssyncadd.s32 $0xFFFFF800  }
0x2d9: {  	[spmem:s3] =	stream.indirect.scatter.add.f32 [tilespmem:s2], [sflag:$0x5], $0x10, s17, s0, $0xb8;
	[tilespmem:$0x1CD00] =	vst v63  }
0x2da: {  	_ =	swait.ge [sflag:s5], $0x800  }
0x2db: {  	[sflag:s5] =	ssyncset.done $0x0  }
0x2dc: {  	s23 =	simm.s32 $0x700;
	[sflag:s5] =	ssyncadd.s32 $0xFFFFF800  }
0x2dd: {  	[tilespmem:s16], [sflag:$0x3] =	stream.indirect.gather [spmem:s1], $0x10, s23, s0, $0xb8;
	[tilespmem:$0x1CD00] =	vst v63  }
0x2de: {  	_ =	swait.ge [sflag:s21], $0x800  }
0x2df: {  	[sflag:s21] =	ssyncset.done $0x0  }
0x2e0: {  	s25 =	simm.s32 $0xE80;
	[sflag:s21] =	ssyncadd.s32 $0xFFFFF800  }
0x2e1: {  	[spmem:s3] =	stream.indirect.scatter.add.f32 [tilespmem:s6], [sflag:$0x6], $0x10, s25, s0, $0xb8;
	[tilespmem:$0x1CD00] =	vst v63  }
0x2e2: {  	_ =	swait.ge [sflag:s30], $0x800  }
0x2e3: {  	[sflag:s30] =	ssyncset.done $0x0  }
0x2e4: {  	s10 =	simm.s32 @!p0 $0xD;
	s26 =	simm.s32 $0x780;
	[sflag:s30] =	ssyncadd.s32 $0xFFFFF800  }
0x2e5: {  	[tilespmem:s20], [sflag:$0x4] =	stream.indirect.gather [spmem:s1], $0x10, s26, s0, $0xb8;
	[tilespmem:$0x1CD00] =	vst v63  }
0x2e6: {  	_ =	swait.ge @!p0 [sflag:s10], $0x400  }
0x2e7: {  	[sflag:s10] =	ssyncset.done @!p0 $0x0  }
0x2e8: {  	[sflag:s10] =	ssyncadd.s32 @!p0 $0xFFFFFC00  }
0x2e9: {  	_ =	swait.ge @!p0 [sflag:s10], $0x400  }
0x2ea: {  	[sflag:s10] =	ssyncset.done @!p0 $0x0  }
0x2eb: {  	[sflag:s10] =	ssyncadd.s32 @!p0 $0xFFFFFC00  }
0x2ec: {  	_ =	swait.ge [sflag:s13], $0x800  }
0x2ed: {  	[sflag:s13] =	ssyncset.done $0x0  }
0x2ee: {  	[sflag:s13] =	ssyncadd.s32 $0xFFFFF800  }
0x2ef: {  	[spmem:s3] =	stream.indirect.scatter.add.f32 [tilespmem:s16], [sflag:$0x7], $0x10, s19, s0, $0xb8;
	[tilespmem:$0x1CD00] =	vst v63  }
0x2f0: {  	p2 =	por @!p1 $0x1, $0x1;
	p0 =	por @p1 $0x1, $0x1;
	_ =	swait.ge [sflag:s18], $0x800  }
0x2f1: {  	p0 =	por @!p1 p2, p2;
	[sflag:s18] =	ssyncset.done $0x0  }
0x2f2: {  	s10 =	simm.s32 @!p0 $0x4;
	[sflag:s18] =	ssyncadd.s32 $0xFFFFF800  }
0x2f3: {  	s6 =	smov.u32 s22;
	_ =	swait.ge @!p0 [sflag:s10], $0x800  }
0x2f4: {  	s11 =	simm.s32 @!p0 $0x2800;
	s14 =	simm.s32 @!p0 $0x80;
	[sflag:s10] =	ssyncset.done @!p0 $0x0  }
0x2f5: {  	s15 =	simm.s32 @!p0 $0xF80;
	s22 =	simm.s32 @!p0 $0x6;
	[sflag:s10] =	ssyncadd.s32 @!p0 $0xFFFFF800  }
0x2f6: {  	[spmem:s3] =	stream.indirect.scatter.add.f32 @!p0 [tilespmem:s11], [sflag:$0x8], $0x10, s15, s14, $0xb8;
	[tilespmem:$0x1CD00] =	vst v63  }
0x2f7: {  	_ =	swait.ge @!p0 [sflag:s22], $0x800  }
0x2f8: {  	s10 =	simm.s32 @p0 $0x80;
	s11 =	simm.s32 @p0 $0x1000;
	[sflag:s22] =	ssyncset.done @!p0 $0x0  }
0x2f9: {  	s14 =	simm.s32 @p0 $0x0;
	s15 =	simm.s32 @p0 $0x4;
	[sflag:s22] =	ssyncadd.s32 @!p0 $0xFFFFF800  }
0x2fa: {  	[tilespmem:s11], [sflag:$0x1] =	stream.indirect.gather @p0 [spmem:s1], $0x10, s14, s10, $0xb8;
	[tilespmem:$0x1CD00] =	vst v63  }
0x2fb: {  	_ =	swait.ge @p0 [sflag:s15], $0x800  }
0x2fc: {  	s22 =	simm.s32 @p0 $0xF80;
	[sflag:s15] =	ssyncset.done @p0 $0x0  }
0x2fd: {  	s11 =	simm.s32 @p0 $0x2800;
	s14 =	simm.s32 @p0 $0x6;
	[sflag:s15] =	ssyncadd.s32 @p0 $0xFFFFF800  }
0x2fe: {  	[spmem:s3] =	stream.indirect.scatter.add.f32 @p0 [tilespmem:s11], [sflag:$0x8], $0x10, s22, s10, $0xb8;
	[tilespmem:$0x1CD00] =	vst v63  }
0x2ff: {  	s31 =	simm.s32 $0x100;
	s17 =	simm.s32 $0x300;
	_ =	swait.ge @p0 [sflag:s14], $0x800  }
0x300: {  	s23 =	simm.s32 $0x200;
	s25 =	simm.s32 @p0 $0x1800;
	[sflag:s14] =	ssyncset.done @p0 $0x0  }
.LBB2_4:
0x301: {  	[sflag:s14] =	ssyncadd.s32 @p0 $0xFFFFF800  }
0x302: {  	[tilespmem:s25], [sflag:$0x2] =	stream.indirect.gather @p0 [spmem:s1], $0x10, s10, s10, $0xb8;
	[tilespmem:$0x1CD00] =	vst v63  }
0x303: {  	s14 =	smov.u32 s31;
	_ =	swait.ge [sflag:s7], $0x800  }
0x304: {  	p2 =	seq.s32 s14, $0x0;
	[sflag:s7] =	ssyncset.done $0x0  }
0x305: {  	s15 =	simm.s32 $0x800;
	s10 =	simm.s32 @p2 $0x100;
	[sflag:s7] =	ssyncadd.s32 $0xFFFFF800  }
0x306: {  	[spmem:s3] =	stream.indirect.scatter.add.f32 [tilespmem:s2], [sflag:$0x5], $0x10, s15, s0, $0xb8;
	[tilespmem:$0x1CD00] =	vst v63  }
0x307: {  	s11 =	simm.s32 @p2 $0x2000;
	s22 =	simm.s32 @p2 $0x2;
	s15 =	simm.s32 @p2 $0x80  }
0x308: {  	[tilespmem:s11], [sflag:$0x3] =	stream.indirect.gather @p2 [spmem:s1], $0x10, s10, s15, $0xb8;
	[tilespmem:$0x1CD00] =	vst v63  }
0x309: {  	s25 =	sadd.s32 @!p2 s14, s6;
	_ =	swait.ge @p2 [sflag:s22], $0x800  }
0x30a: {  	s26 =	simm.s32 @p2 $0x1800;
	s10 =	sadd.s32 @!p2 $0x80, s25;
	[sflag:s22] =	ssyncset.done @p2 $0x0  }
0x30b: {  	s11 =	sadd.s32 @!p2 s14, s29;
	s25 =	simm.s32 @p2 $0x880;
	[sflag:s22] =	ssyncadd.s32 @p2 $0xFFFFF800  }
0x30c: {  	[spmem:s3] =	stream.indirect.scatter.add.f32 @p2 [tilespmem:s26], [sflag:$0x6], $0x10, s25, s15, $0xb8;
	[tilespmem:$0x1CD00] =	vst v63  }
0x30d: {  	s29 =	simm.s32 @p2 $0x2800;
	s22 =	simm.s32 @p2 $0x180;
	s25 =	simm.s32 @!p2 $0x7  }
0x30e: {  	[tilespmem:s29], [sflag:$0x4] =	stream.indirect.gather @p2 [spmem:s1], $0x10, s22, s15, $0xb8;
	[tilespmem:$0x1CD00] =	vst v63  }
0x30f: {  	_ =	swait.ge @!p2 [sflag:s25], $0x800  }
0x310: {  	s26 =	simm.s32 @!p2 $0x100;
	s15 =	simm.s32 @!p2 $0x2000;
	[sflag:s25] =	ssyncset.done @!p2 $0x0  }
0x311: {  	s22 =	simm.s32 @!p2 $0x80;
	[sflag:s25] =	ssyncadd.s32 @!p2 $0xFFFFF800;
	s25 =	simm.s32 @!p2 $0x2  }
0x312: {  	[tilespmem:s15], [sflag:$0x3] =	stream.indirect.gather @!p2 [spmem:s1], $0x10, s26, s22, $0xb8;
	[tilespmem:$0x1CD00] =	vst v63  }
0x313: {  	_ =	swait.ge @!p2 [sflag:s25], $0x800  }
0x314: {  	s15 =	simm.s32 @!p2 $0x880;
	[sflag:s25] =	ssyncset.done @!p2 $0x0  }
0x315: {  	s26 =	simm.s32 @!p2 $0x1800;
	[sflag:s25] =	ssyncadd.s32 @!p2 $0xFFFFF800;
	s25 =	simm.s32 @!p2 $0x8  }
0x316: {  	[spmem:s3] =	stream.indirect.scatter.add.f32 @!p2 [tilespmem:s26], [sflag:$0x6], $0x10, s15, s22, $0xb8;
	[tilespmem:$0x1CD00] =	vst v63  }
0x317: {  	_ =	swait.ge @!p2 [sflag:s25], $0x800  }
0x318: {  	[sflag:s25] =	ssyncset.done @!p2 $0x0  }
0x319: {  	s15 =	simm.s32 @!p2 $0x180;
	s26 =	simm.s32 @!p2 $0x2800;
	[sflag:s25] =	ssyncadd.s32 @!p2 $0xFFFFF800  }
0x31a: {  	[tilespmem:s26], [sflag:$0x4] =	stream.indirect.gather @!p2 [spmem:s1], $0x10, s15, s22, $0xb8;
	[tilespmem:$0x1CD00] =	vst v63  }
0x31b: {  	s29 =	simm.s32 @!p2 $0x400;
	s25 =	simm.s32 @!p2 $0x0  }
0x31c: {  	[tilespmem:s29], [sflag:$0xE] =	stream.linear.gather @!p2 [hbm4b:s10+s25], $0x400, $0x38;
	[tilespmem:$0x1CD00] =	vst v63  }
0x31d: {  	s11 =	sadd.s32 @!p2 $0x80, s11;
	s15 =	simm.s32 @!p2 $0xC00  }
0x31e: {  	[tilespmem:s15], [sflag:$0xE] =	stream.linear.gather @!p2 [hbm4b:s11+s25], $0x400, $0x38;
	[tilespmem:$0x1CD00] =	vst v63  }
0x31f: {  	s29 =	rddreg [dreg:$0x7];
	_ =	swait.ge [sflag:s13], $0x800  }
0x320: {  	[sflag:s13] =	ssyncset.done $0x0  }
0x321: {  	s25 =	simm.s32 $0x900;
	[sflag:s13] =	ssyncadd.s32 $0xFFFFF800  }
0x322: {  	[spmem:s3] =	stream.indirect.scatter.add.f32 [tilespmem:s16], [sflag:$0x7], $0x10, s25, s0, $0xb8;
	[tilespmem:$0x1CD00] =	vst v63  }
0x323: {  	_ =	swait.ge [sflag:s18], $0x800  }
0x324: {  	[sflag:s18] =	ssyncset.done $0x0  }
0x325: {  	[sflag:s18] =	ssyncadd.s32 $0xFFFFF800  }
0x326: {  	[tilespmem:s2], [sflag:$0x1] =	stream.indirect.gather [spmem:s1], $0x10, s23, s0, $0xb8;
	[tilespmem:$0x1CD00] =	vst v63  }
0x327: {  	_ =	swait.ge [sflag:s24], $0x800  }
0x328: {  	[sflag:s24] =	ssyncset.done $0x0  }
0x329: {  	s11 =	simm.s32 $0x980;
	[sflag:s24] =	ssyncadd.s32 $0xFFFFF800  }
0x32a: {  	[spmem:s3] =	stream.indirect.scatter.add.f32 [tilespmem:s20], [sflag:$0x8], $0x10, s11, s0, $0xb8;
	[tilespmem:$0x1CD00] =	vst v63  }
0x32b: {  	_ =	swait.ge [sflag:s12], $0x800  }
0x32c: {  	[sflag:s12] =	ssyncset.done $0x0  }
0x32d: {  	s22 =	simm.s32 $0x1800;
	s15 =	simm.s32 $0x280;
	[sflag:s12] =	ssyncadd.s32 $0xFFFFF800  }
0x32e: {  	[tilespmem:s22], [sflag:$0x2] =	stream.indirect.gather [spmem:s1], $0x10, s15, s0, $0xb8;
	[tilespmem:$0x1CD00] =	vst v63  }
0x32f: {  	_ =	swait.ge [sflag:s7], $0x800  }
0x330: {  	[sflag:s7] =	ssyncset.done $0x0  }
0x331: {  	s25 =	simm.s32 $0xA00;
	[sflag:s7] =	ssyncadd.s32 $0xFFFFF800  }
0x332: {  	[spmem:s3] =	stream.indirect.scatter.add.f32 [tilespmem:s2], [sflag:$0x5], $0x10, s25, s0, $0xb8;
	[tilespmem:$0x1CD00] =	vst v63  }
0x333: {  	_ =	swait.ge [sflag:s5], $0x800  }
0x334: {  	[sflag:s5] =	ssyncset.done $0x0  }
0x335: {  	[sflag:s5] =	ssyncadd.s32 $0xFFFFF800  }
0x336: {  	[tilespmem:s16], [sflag:$0x3] =	stream.indirect.gather [spmem:s1], $0x10, s17, s0, $0xb8;
	[tilespmem:$0x1CD00] =	vst v63  }
0x337: {  	_ =	swait.ge [sflag:s21], $0x800  }
0x338: {  	[sflag:s21] =	ssyncset.done $0x0  }
0x339: {  	s11 =	simm.s32 $0xA80;
	[sflag:s21] =	ssyncadd.s32 $0xFFFFF800  }
0x33a: {  	[spmem:s3] =	stream.indirect.scatter.add.f32 [tilespmem:s22], [sflag:$0x6], $0x10, s11, s0, $0xb8;
	[tilespmem:$0x1CD00] =	vst v63  }
0x33b: {  	_ =	swait.ge [sflag:s30], $0x800  }
0x33c: {  	[sflag:s30] =	ssyncset.done $0x0  }
0x33d: {  	s15 =	simm.s32 $0x380;
	[sflag:s30] =	ssyncadd.s32 $0xFFFFF800  }
0x33e: {  	[tilespmem:s20], [sflag:$0x4] =	stream.indirect.gather [spmem:s1], $0x10, s15, s0, $0xb8;
	[tilespmem:$0x1CD00] =	vst v63  }
0x33f: {  	_ =	swait.ge [sflag:s8], $0x400  }
0x340: {  	[sflag:s8] =	ssyncset.done $0x0  }
0x341: {  	[sflag:s8] =	ssyncadd.s32 $0xFFFFFC00  }
0x342: {  	_ =	swait.ge [sflag:s8], $0x400  }
0x343: {  	[sflag:s8] =	ssyncset.done $0x0  }
0x344: {  	[sflag:s8] =	ssyncadd.s32 $0xFFFFFC00  }
0x345: {  	_ =	swait.ge [sflag:s13], $0x800  }
0x346: {  	[sflag:s13] =	ssyncset.done $0x0  }
0x347: {  	s25 =	simm.s32 $0xB00;
	[sflag:s13] =	ssyncadd.s32 $0xFFFFF800  }
0x348: {  	[spmem:s3] =	stream.indirect.scatter.add.f32 [tilespmem:s16], [sflag:$0x7], $0x10, s25, s0, $0xb8;
	[tilespmem:$0x1CD00] =	vst v63  }
0x349: {  	_ =	swait.ge [sflag:s18], $0x800  }
0x34a: {  	[sflag:s18] =	ssyncset.done $0x0  }
0x34b: {  	s26 =	simm.s32 $0x400;
	[sflag:s18] =	ssyncadd.s32 $0xFFFFF800  }
0x34c: {  	[tilespmem:s2], [sflag:$0x1] =	stream.indirect.gather [spmem:s1], $0x10, s26, s0, $0xb8;
	[tilespmem:$0x1CD00] =	vst v63  }
0x34d: {  	_ =	swait.ge [sflag:s24], $0x800  }
0x34e: {  	[sflag:s24] =	ssyncset.done $0x0  }
0x34f: {  	s11 =	simm.s32 $0xB80;
	[sflag:s24] =	ssyncadd.s32 $0xFFFFF800  }
0x350: {  	[spmem:s3] =	stream.indirect.scatter.add.f32 [tilespmem:s20], [sflag:$0x8], $0x10, s11, s0, $0xb8;
	[tilespmem:$0x1CD00] =	vst v63  }
0x351: {  	_ =	swait.ge [sflag:s12], $0x800  }
0x352: {  	[sflag:s12] =	ssyncset.done $0x0  }
0x353: {  	s15 =	simm.s32 $0x480;
	[sflag:s12] =	ssyncadd.s32 $0xFFFFF800  }
0x354: {  	[tilespmem:s22], [sflag:$0x2] =	stream.indirect.gather [spmem:s1], $0x10, s15, s0, $0xb8;
	[tilespmem:$0x1CD00] =	vst v63  }
0x355: {  	_ =	swait.ge [sflag:s7], $0x800  }
0x356: {  	[sflag:s7] =	ssyncset.done $0x0  }
0x357: {  	s25 =	simm.s32 $0xC00;
	[sflag:s7] =	ssyncadd.s32 $0xFFFFF800  }
0x358: {  	[spmem:s3] =	stream.indirect.scatter.add.f32 [tilespmem:s2], [sflag:$0x5], $0x10, s25, s0, $0xb8;
	[tilespmem:$0x1CD00] =	vst v63  }
0x359: {  	_ =	swait.ge [sflag:s5], $0x800  }
0x35a: {  	[sflag:s5] =	ssyncset.done $0x0  }
0x35b: {  	s11 =	simm.s32 $0x500;
	[sflag:s5] =	ssyncadd.s32 $0xFFFFF800  }
0x35c: {  	[tilespmem:s16], [sflag:$0x3] =	stream.indirect.gather [spmem:s1], $0x10, s11, s0, $0xb8;
	[tilespmem:$0x1CD00] =	vst v63  }
0x35d: {  	_ =	swait.ge [sflag:s21], $0x800  }
0x35e: {  	[sflag:s21] =	ssyncset.done $0x0  }
0x35f: {  	s15 =	simm.s32 $0xC80;
	[sflag:s21] =	ssyncadd.s32 $0xFFFFF800  }
0x360: {  	[spmem:s3] =	stream.indirect.scatter.add.f32 [tilespmem:s22], [sflag:$0x6], $0x10, s15, s0, $0xb8;
	[tilespmem:$0x1CD00] =	vst v63  }
0x361: {  	_ =	swait.ge [sflag:s30], $0x800  }
0x362: {  	p4 =	seq.s32 s14, $0x1800;
	[sflag:s30] =	ssyncset.done $0x0  }
0x363: {  	s10 =	sadd.s32 @!p4 s14, s6;
	s25 =	simm.s32 $0x580;
	[sflag:s30] =	ssyncadd.s32 $0xFFFFF800  }
0x364: {  	[tilespmem:s20], [sflag:$0x4] =	stream.indirect.gather [spmem:s1], $0x10, s25, s0, $0xb8;
	[tilespmem:$0x1CD00] =	vst v63  }
0x365: {  	s10 =	sadd.s32 @!p4 $0x100, s10;
	s14 =	sadd.s32 @!p4 s14, s29;
	s11 =	simm.s32 @!p4 $0x0  }
0x366: {  	[tilespmem:s11], [sflag:$0xD] =	stream.linear.gather @!p4 [hbm4b:s10+s11], $0x400, $0x38;
	[tilespmem:$0x1CD00] =	vst v63  }
0x367: {  	s15 =	simm.s32 @!p4 $0x800;
	s10 =	sadd.s32 @!p4 $0x100, s14  }
0x368: {  	[tilespmem:s15], [sflag:$0xD] =	stream.linear.gather @!p4 [hbm4b:s10+s11], $0x400, $0x38;
	[tilespmem:$0x1CD00] =	vst v63  }
0x369: {  	_ =	swait.ge [sflag:s13], $0x800  }
0x36a: {  	[sflag:s13] =	ssyncset.done $0x0  }
0x36b: {  	s11 =	simm.s32 $0xD00;
	[sflag:s13] =	ssyncadd.s32 $0xFFFFF800  }
0x36c: {  	[spmem:s3] =	stream.indirect.scatter.add.f32 [tilespmem:s16], [sflag:$0x7], $0x10, s11, s0, $0xb8;
	[tilespmem:$0x1CD00] =	vst v63  }
0x36d: {  	_ =	swait.ge [sflag:s18], $0x800  }
0x36e: {  	[sflag:s18] =	ssyncset.done $0x0  }
0x36f: {  	s14 =	simm.s32 $0x600;
	[sflag:s18] =	ssyncadd.s32 $0xFFFFF800  }
0x370: {  	[tilespmem:s2], [sflag:$0x1] =	stream.indirect.gather [spmem:s1], $0x10, s14, s0, $0xb8;
	[tilespmem:$0x1CD00] =	vst v63  }
0x371: {  	_ =	swait.ge [sflag:s24], $0x800  }
0x372: {  	[sflag:s24] =	ssyncset.done $0x0  }
0x373: {  	s15 =	simm.s32 $0xD80;
	[sflag:s24] =	ssyncadd.s32 $0xFFFFF800  }
0x374: {  	[spmem:s3] =	stream.indirect.scatter.add.f32 [tilespmem:s20], [sflag:$0x8], $0x10, s15, s0, $0xb8;
	[tilespmem:$0x1CD00] =	vst v63  }
0x375: {  	_ =	swait.ge [sflag:s12], $0x800  }
0x376: {  	[sflag:s12] =	ssyncset.done $0x0  }
0x377: {  	s25 =	simm.s32 $0x680;
	[sflag:s12] =	ssyncadd.s32 $0xFFFFF800  }
0x378: {  	[tilespmem:s22], [sflag:$0x2] =	stream.indirect.gather [spmem:s1], $0x10, s25, s0, $0xb8;
	[tilespmem:$0x1CD00] =	vst v63  }
0x379: {  	_ =	swait.ge [sflag:s7], $0x800  }
0x37a: {  	[sflag:s7] =	ssyncset.done $0x0  }
0x37b: {  	s11 =	simm.s32 $0xE00;
	[sflag:s7] =	ssyncadd.s32 $0xFFFFF800  }
0x37c: {  	[spmem:s3] =	stream.indirect.scatter.add.f32 [tilespmem:s2], [sflag:$0x5], $0x10, s11, s0, $0xb8;
	[tilespmem:$0x1CD00] =	vst v63  }
0x37d: {  	_ =	swait.ge [sflag:s5], $0x800  }
0x37e: {  	[sflag:s5] =	ssyncset.done $0x0  }
0x37f: {  	s14 =	simm.s32 $0x700;
	[sflag:s5] =	ssyncadd.s32 $0xFFFFF800  }
0x380: {  	[tilespmem:s16], [sflag:$0x3] =	stream.indirect.gather [spmem:s1], $0x10, s14, s0, $0xb8;
	[tilespmem:$0x1CD00] =	vst v63  }
0x381: {  	_ =	swait.ge [sflag:s21], $0x800  }
0x382: {  	[sflag:s21] =	ssyncset.done $0x0  }
0x383: {  	s15 =	simm.s32 $0xE80;
	[sflag:s21] =	ssyncadd.s32 $0xFFFFF800  }
0x384: {  	[spmem:s3] =	stream.indirect.scatter.add.f32 [tilespmem:s22], [sflag:$0x6], $0x10, s15, s0, $0xb8;
	[tilespmem:$0x1CD00] =	vst v63  }
0x385: {  	_ =	swait.ge [sflag:s30], $0x800  }
0x386: {  	[sflag:s30] =	ssyncset.done $0x0  }
0x387: {  	s10 =	simm.s32 @!p4 $0xD;
	s25 =	simm.s32 $0x780;
	[sflag:s30] =	ssyncadd.s32 $0xFFFFF800  }
0x388: {  	[tilespmem:s20], [sflag:$0x4] =	stream.indirect.gather [spmem:s1], $0x10, s25, s0, $0xb8;
	[tilespmem:$0x1CD00] =	vst v63  }
0x389: {  	_ =	swait.ge @!p4 [sflag:s10], $0x400  }
0x38a: {  	[sflag:s10] =	ssyncset.done @!p4 $0x0  }
0x38b: {  	[sflag:s10] =	ssyncadd.s32 @!p4 $0xFFFFFC00  }
0x38c: {  	_ =	swait.ge @!p4 [sflag:s10], $0x400  }
0x38d: {  	[sflag:s10] =	ssyncset.done @!p4 $0x0  }
0x38e: {  	[sflag:s10] =	ssyncadd.s32 @!p4 $0xFFFFFC00  }
0x38f: {  	_ =	swait.ge [sflag:s13], $0x800  }
0x390: {  	[sflag:s13] =	ssyncset.done $0x0  }
0x391: {  	s28 =	sadd.s32 $0x2, s28;
	[sflag:s13] =	ssyncadd.s32 $0xFFFFF800  }
0x392: {  	[spmem:s3] =	stream.indirect.scatter.add.f32 [tilespmem:s16], [sflag:$0x7], $0x10, s19, s0, $0xb8;
	[tilespmem:$0x1CD00] =	vst v63  }
0x393: {  	p0 =	por @p2 $0x1, $0x1;
	p3 =	slt.u32 @!p2 s28, $0x31;
	_ =	swait.ge [sflag:s18], $0x800  }
0x394: {  	p0 =	por @!p2 p3, p3;
	[sflag:s18] =	ssyncset.done $0x0  }
0x395: {  	s10 =	simm.s32 @!p0 $0x4;
	[sflag:s18] =	ssyncadd.s32 $0xFFFFF800  }
0x396: {  	_ =	swait.ge @!p0 [sflag:s10], $0x800  }
0x397: {  	s11 =	simm.s32 @!p0 $0x2800;
	s14 =	simm.s32 @!p0 $0x80;
	[sflag:s10] =	ssyncset.done @!p0 $0x0  }
0x398: {  	s15 =	simm.s32 @!p0 $0xF80;
	s22 =	simm.s32 @!p0 $0x6;
	[sflag:s10] =	ssyncadd.s32 @!p0 $0xFFFFF800  }
0x399: {  	[spmem:s3] =	stream.indirect.scatter.add.f32 @!p0 [tilespmem:s11], [sflag:$0x8], $0x10, s15, s14, $0xb8;
	[tilespmem:$0x1CD00] =	vst v63  }
0x39a: {  	s31 =	sadd.s32 $0x100, s31;
	_ =	swait.ge @!p0 [sflag:s22], $0x800  }
0x39b: {  	s10 =	simm.s32 @p0 $0x80;
	s11 =	simm.s32 @p0 $0x1000;
	[sflag:s22] =	ssyncset.done @!p0 $0x0  }
0x39c: {  	s14 =	simm.s32 @p0 $0x0;
	s15 =	simm.s32 @p0 $0x4;
	[sflag:s22] =	ssyncadd.s32 @!p0 $0xFFFFF800  }
0x39d: {  	[tilespmem:s11], [sflag:$0x1] =	stream.indirect.gather @p0 [spmem:s1], $0x10, s14, s10, $0xb8;
	[tilespmem:$0x1CD00] =	vst v63  }
0x39e: {  	p1 =	sne.s32 s31, $0x1900;
	_ =	swait.ge @p0 [sflag:s15], $0x800  }
.Ltmp1:
0x39f: {  	s22 =	simm.s32 @p0 $0xF80;
	[sflag:s15] =	ssyncset.done @p0 $0x0;
	(pc) =	sbr.rel @p1 .LBB2_4-.Ltmp1, $4  }
0x3a0: {  	s11 =	simm.s32 @p0 $0x2800;
	s14 =	simm.s32 @p0 $0x6;
	[sflag:s15] =	ssyncadd.s32 @p0 $0xFFFFF800  }
0x3a1: {  	[spmem:s3] =	stream.indirect.scatter.add.f32 @p0 [tilespmem:s11], [sflag:$0x8], $0x10, s22, s10, $0xb8;
	[tilespmem:$0x1CD00] =	vst v63  }
0x3a2: {  	_ =	swait.ge @p0 [sflag:s14], $0x800  }
0x3a3: {  	s25 =	simm.s32 @p0 $0x1800;
	[sflag:s14] =	ssyncset.done @p0 $0x0  }
0x3a4: {  	[sflag:s14] =	ssyncadd.s32 @p0 $0xFFFFF800  }
0x3a5: {  	[tilespmem:s25], [sflag:$0x2] =	stream.indirect.gather @p0 [spmem:s1], $0x10, s10, s10, $0xb8;
	[tilespmem:$0x1CD00] =	vst v63  }
0x3a6: {  	_ =	swait.ge [sflag:s5], $0x800  }
0x3a7: {  	[sflag:s5] =	ssyncset.done $0x0  }
0x3a8: {  	[sflag:s5] =	ssyncadd.s32 $0xFFFFF800  }
0x3a9: {  	_ =	swait.ge [sflag:s30], $0x800  }
0x3aa: {  	[sflag:s30] =	ssyncset.done $0x0  }
0x3ab: {  	[sflag:s30] =	ssyncadd.s32 $0xFFFFF800  }
0x3ac: {  	[bflag:$0x0] =	sbarrier.arrive $0xFFFF  }
0x3ad: {  	s11 =	rddreg [dreg:$0x12]  }
0x3ae: {  	s25 =	rddreg [dreg:$0x15]  }
0x3af: {  	s14 =	simm.s32 $0x10;
	s15 =	simm.s32 $0xF;
	s8 =	rddreg [dreg:$0x19]  }
0x3b0: {  	[hbm:s25@s14], [sflag:s11] =	dma.strided [spmem:s8@s21], $0x1900, s7, $0x2   }
0x3b1: {  	_ =	swait.ge [sflag:s15], $0x1900  }
0x3b2: {  	s23 =	rddreg [dreg:$0x18]  }
0x3b3: {  	s28 =	rddreg [dreg:$0x11];
	s23 =	sadd.s32 $0x1, s23  }
0x3b4: {  	p0 =	sne.s32 s23, s28  }
.Ltmp2:
0x3b5: {  	_ = 	snop;
	(pc) =	sbr.rel @p0 .LBB2_1-.Ltmp2, $4  }
0x3b6: {  	[sflag:s15] =	ssyncset.done $0x0  }
0x3b7: {  	[sflag:s15] =	ssyncadd.s32 $0xFFFFE700  }
0x3b8: {  	s22 =	smov.u32 s6;
	s20 =	simm.s32 $0x800;
	[bflag:$0x0] =	sbarrier.arrive $0xFFFF  }
0x3b9: {  	s31 =	simm.s32 $0xC00;
	s19 =	simm.s32 $0x1800;
	s8 =	simm.s32 $0x2800  }
0x3ba: {  	_ =	sfence.sel $0x180000  }
0x3bb: {  	[bflag:$0x0] =	sbarrier.arrive $0xFFFF  }
0x3bc: {  	_ =	strace $0x90000047  }
0x3bd: {  	s0 =	stileid.u32;
	[bflag:$0x2] =	sbarrier.arrive $0xFFFF  }
0x3be: {  	p0 =	sne.s32 s0, $0x0;
	s0 =	rddreg [dreg:$0x6]  }
0x3bf: {  	s0 =	sadd.s32 @!p0 $0x100000, s0  }
0x3c0: {  	[sflag:s0] =	ssyncadd.tile.s32 @!p0 $0x1;
	_ =	shalt  }
.Lfunc_end2:
_tile_overlayer_lowered:
.L_overlay_start_2:
0x3c1: {  	(tag) =	ssettag $0x2  }
0x3c2: {  	s0 =	rddreg [dreg:$0x0];
	s2 =	stileid.u32  }
0x3c3: {  	s1 =	rddreg [dreg:$0x1];
	p0 =	sne.s32 s2, $0x0  }
0x3c4: {  	s3 =	rddreg [dreg:$0x2];
	[bflag:$0x3] =	sbarrier.arrive $0xFFFF;
	s2 =	simm.s32 @!p0 $0x1C0F  }
0x3c5: {  	[timem:s3], [sflag:s2] =	dma.local @!p0 [hbm:s0], s1  }
0x3c6: {  	s0 =	simm.s32 @!p0 $0xF  }
0x3c7: {  	_ =	swait.ge @!p0 [sflag:s0], s1  }
0x3c8: {  	s1 =	ssub.s32 @!p0 $0x0, s1;
	[sflag:s0] =	ssyncset.done @!p0 $0x0  }
0x3c9: {  	[sflag:s0] =	ssyncadd.s32 @!p0 s1  }
0x3ca: {  	[bflag:$0x3] =	sbarrier.arrive $0xFFFF  }
0x3cb: {  	_ =	shalt  }

</sc_bundles>
